<compile_context>
chip_gen: v7x
topology: tpu7x:2x2x1
jax: 0.10.2.dev20260603
libtpu: 0.0.44.dev20260713+nightly
codegen_flags: <defaults>
</compile_context>

<pallas_src>
import functools

import jax
import jax.numpy as jnp
from jax import lax
from jax.experimental import pallas as pl
from jax.experimental.pallas import tpu as pltpu
from jax.experimental.pallas import tpu_sc as plsc

N = 10000
E = 320000
F_IN = 128
F_HID = 128
F_OUT = 64
K = 3

NC = 2
NS = 16
B = 128
EP = 323584
N_ACC = 10240
DEG_W = 16

@functools.cache
def _mesh():
    return plsc.VectorSubcoreMesh(core_axis_name="c", subcore_axis_name="s",
                                  num_cores=NC, num_subcores=NS)



@functools.cache
def _make_deg():
    return pl.kernel(
        _deg_body,
        out_type=(jax.ShapeDtypeStruct((N_ACC, DEG_W), jnp.float32),
                  jax.ShapeDtypeStruct((N_ACC, DEG_W), jnp.float32)),
        mesh=_mesh(),
        scratch_types=[
            pltpu.VMEM_SHARED((N_ACC, DEG_W), jnp.float32),
            pltpu.VMEM((B,), jnp.int32),
            pltpu.VMEM((B, DEG_W), jnp.float32),
            pltpu.SemaphoreType.DMA,
        ],
        compiler_params=pltpu.CompilerParams(use_tc_tiling_on_sc=False),
    )


def _deg(col_p):
    return _make_deg()(col_p)


def _deg_body(col_hbm, deg0, deg1, acc, colbuf, vals, sem):
    c = lax.axis_index("c")
    s = lax.axis_index("s")
    npt = EP // (NC * NS)
    nb = npt // B
    rpt = N_ACC // NS

    wpr = DEG_W // 16

    def fill(v):
        def body(i, _):
            vals[i // wpr, pl.ds((i % wpr) * 16, 16)] = jnp.full((16,), v, jnp.float32)
            return 0
        lax.fori_loop(0, B * wpr, body, 0)

    fill(0.0)
    r0 = s * rpt
    for j in range(rpt // B):
        pltpu.sync_copy(vals, acc.at[pl.ds(r0 + j * B, B)])
    fill(1.0)
    plsc.subcore_barrier()

    for cc in range(NC):
        @pl.when(c == cc)
        def _():
            base = (cc * NS + s) * npt

            def step(j, _):
                off = base + j * B
                pltpu.sync_copy(col_hbm.at[pl.ds(off, B)], colbuf)
                pltpu.sync_copy(vals, acc.at[colbuf], add=True)
                return 0
            lax.fori_loop(0, nb, step, 0)
    plsc.subcore_barrier()

    for cc in range(NC):
        @pl.when(c == cc)
        def _():
            out = (deg0, deg1)[cc]
            pltpu.sync_copy(acc.at[pl.ds(r0, rpt)], out.at[pl.ds(r0, rpt)])



@functools.cache
def _make_spmm(Wc):
    npt = EP // NS
    nb = npt // B
    rpt = N_ACC // NS

    def spmm(src0, src1, row_hbm, col_hbm, out0, out1,
             acc, rowbuf, colbuf, rows, sem):
        c = lax.axis_index("c")
        s = lax.axis_index("s")
        wpr = Wc // 16

        def zstep(i, _):
            rows[i // wpr, pl.ds((i % wpr) * 16, 16)] = jnp.zeros((16,), jnp.float32)
            return 0
        lax.fori_loop(0, B * wpr, zstep, 0)
        r0 = s * rpt
        for j in range(rpt // B):
            pltpu.sync_copy(rows, acc.at[pl.ds(r0 + j * B, B)])
        plsc.subcore_barrier()

        base = s * npt
        for cc in range(NC):
            @pl.when(c == cc)
            def _():
                src = (src0, src1)[cc]

                def step(j, _):
                    off = base + j * B
                    pltpu.sync_copy(row_hbm.at[pl.ds(off, B)], rowbuf)
                    pltpu.sync_copy(col_hbm.at[pl.ds(off, B)], colbuf)
                    pltpu.async_copy(src.at[rowbuf], rows, sem).wait()
                    pltpu.sync_copy(rows, acc.at[colbuf], add=True)
                    return 0
                lax.fori_loop(0, nb, step, 0)
        plsc.subcore_barrier()

        for cc in range(NC):
            @pl.when(c == cc)
            def _():
                out = (out0, out1)[cc]
                pltpu.sync_copy(acc.at[pl.ds(r0, rpt)], out.at[pl.ds(r0, rpt)])

    return pl.kernel(
        spmm,
        out_type=(jax.ShapeDtypeStruct((N_ACC, Wc), jnp.float32),
                  jax.ShapeDtypeStruct((N_ACC, Wc), jnp.float32)),
        mesh=_mesh(),
        scratch_types=[
            pltpu.VMEM_SHARED((N_ACC, Wc), jnp.float32),
            pltpu.VMEM((B,), jnp.int32),
            pltpu.VMEM((B,), jnp.int32),
            pltpu.VMEM((B, Wc), jnp.float32),
            pltpu.SemaphoreType.DMA,
        ],
        compiler_params=pltpu.CompilerParams(use_tc_tiling_on_sc=False),
    )


WC = 96


def _spmm(*args):
    return _make_spmm(WC)(*args)



R = 400
GRID = (N // R,)
_HIGH = lax.Precision.HIGHEST


def _rows(w):
    return pl.BlockSpec((R, w), lambda i: (i, 0))


def _whole(shape):
    return pl.BlockSpec(shape, lambda i: (0,) * len(shape))


def _mm(a, b):
    return jnp.dot(a, b, preferred_element_type=jnp.float32, precision=_HIGH)


def _split(g, n, outs):
    for i, o in enumerate(outs):
        o[...] = g[:, i * n:(i + 1) * n]


def _tc1_body(x_ref, dg0, dg1, wcat, rcat, g0a, g0b, g0c, g0d, root, dinv_o):
    deg = dg0[:, :1] + dg1[:, :1]
    dinv = jnp.where(deg > 0, lax.rsqrt(jnp.maximum(deg, 1e-12)), 0.0)
    g = _mm(x_ref[...], wcat[...]) * dinv
    _split(g, WC, (g0a, g0b, g0c, g0d))
    root[...] = _mm(x_ref[...], rcat[...])
    dinv_o[...] = dinv


def _tc1(x, deg0, deg1, wcat, rcat):
    return pl.pallas_call(
        _tc1_body,
        grid=GRID,
        in_specs=[_rows(F_IN), _rows(DEG_W), _rows(DEG_W),
                  _whole((F_IN, 384)), _whole((F_IN, 384))],
        out_specs=(_rows(WC),) * 4 + (_rows(384), _rows(1)),
        out_shape=(jax.ShapeDtypeStruct((N, WC), jnp.float32),) * 4
                  + (jax.ShapeDtypeStruct((N, 384), jnp.float32),
                     jax.ShapeDtypeStruct((N, 1), jnp.float32)),
    )(x, deg0, deg1, wcat, rcat)


def _tc2_body(pa, pb, pc, pd, root, dinv, b_ref, wblk, ga, gb, gc, gd):
    p = jnp.concatenate([pa[...], pb[...], pc[...], pd[...]], axis=1)
    o = jnp.maximum(p * dinv[...] + root[...] + b_ref[...], 0.0)
    g = _mm(o, wblk[...]) * dinv[...]
    _split(g, WC, (ga, gb, gc, gd))


def _tc2(pa, pb, pc, pd, root, dinv, bcat, wblk):
    return pl.pallas_call(
        _tc2_body,
        grid=GRID,
        in_specs=[_rows(WC)] * 4 + [_rows(384), _rows(1),
                  _whole((1, 384)), _whole((384, 384))],
        out_specs=(_rows(WC),) * 4,
        out_shape=(jax.ShapeDtypeStruct((N, WC), jnp.float32),) * 4,
    )(pa, pb, pc, pd, root, dinv, bcat, wblk)


def _tc3_body(pa, pb, pc, pd, root, dinv, b_ref, w2cat, r2cat, g2a, g2b, root2):
    p = jnp.concatenate([pa[...], pb[...], pc[...], pd[...]], axis=1)
    o = jnp.maximum(p * dinv[...] + root[...] + b_ref[...], 0.0)
    h = (o[:, :128] + o[:, 128:256] + o[:, 256:384]) * (1.0 / 3.0)
    h = jnp.maximum(h, 0.0)
    g = _mm(h, w2cat[...]) * dinv[...]
    _split(g, WC, (g2a, g2b))
    root2[...] = _mm(h, r2cat[...])


def _tc3(pa, pb, pc, pd, root, dinv, bcat, w2cat, r2cat):
    return pl.pallas_call(
        _tc3_body,
        grid=GRID,
        in_specs=[_rows(WC)] * 4 + [_rows(384), _rows(1),
                  _whole((1, 384)), _whole((F_HID, 192)), _whole((F_HID, 192))],
        out_specs=(_rows(WC), _rows(WC), _rows(192)),
        out_shape=(jax.ShapeDtypeStruct((N, WC), jnp.float32),
                   jax.ShapeDtypeStruct((N, WC), jnp.float32),
                   jax.ShapeDtypeStruct((N, 192), jnp.float32)),
    )(pa, pb, pc, pd, root, dinv, bcat, w2cat, r2cat)


def _tc4_body(pa, pb, root2, dinv, b_ref, wblk, ga, gb):
    p = jnp.concatenate([pa[...], pb[...]], axis=1)
    o = p * dinv[...] + root2[...] + b_ref[...]
    g = _mm(o, wblk[...]) * dinv[...]
    ga[...] = g[:, :96]
    gb[...] = g[:, 96:]


def _tc4(pa, pb, root2, dinv, bcat, wblk):
    return pl.pallas_call(
        _tc4_body,
        grid=GRID,
        in_specs=[_rows(WC), _rows(WC), _rows(192), _rows(1),
                  _whole((1, 192)), _whole((192, 192))],
        out_specs=(_rows(WC), _rows(WC)),
        out_shape=(jax.ShapeDtypeStruct((N, 96), jnp.float32),
                   jax.ShapeDtypeStruct((N, 96), jnp.float32)),
    )(pa, pb, root2, dinv, bcat, wblk)


def _tc5_body(pa, pb, root2, dinv, b_ref, out):
    p = jnp.concatenate([pa[...], pb[...]], axis=1)
    o2 = p * dinv[...] + root2[...] + b_ref[...]
    o = (o2[:, :64] + o2[:, 64:128] + o2[:, 128:192]) * (1.0 / 3.0)
    m = jnp.max(o, axis=1, keepdims=True)
    ex = jnp.exp(o - m)
    lse = jnp.log(jnp.sum(ex, axis=1, keepdims=True)) + m
    out[...] = o - lse


def _tc5(pa, pb, root2, dinv, bcat):
    return pl.pallas_call(
        _tc5_body,
        grid=GRID,
        in_specs=[_rows(WC), _rows(WC), _rows(192), _rows(1), _whole((1, 192))],
        out_specs=_rows(F_OUT),
        out_shape=jax.ShapeDtypeStruct((N, F_OUT), jnp.float32),
    )(pa, pb, root2, dinv, bcat)



def _cat(w):
    return jnp.transpose(w, (1, 0, 2)).reshape(w.shape[1], K * w.shape[2])


def _blockdiag(w):
    fi, fo = w.shape[1], w.shape[2]
    z = jnp.zeros((K * fi, K * fo), w.dtype)
    for k in range(K):
        z = z.at[k * fi:(k + 1) * fi, k * fo:(k + 1) * fo].set(w[k])
    return z


def kernel(x, edge_index, init_w1, w1, root_w1, b1, init_w2, w2, root_w2, b2):
    w1cat = _cat(init_w1)
    r1cat = _cat(root_w1)
    w2cat = _cat(init_w2)
    r2cat = _cat(root_w2)
    w1blk = _blockdiag(w1)
    w2blk = _blockdiag(w2)
    b1cat = b1.reshape(1, K * F_HID)
    b2cat = b2.reshape(1, K * F_OUT)

    pad = EP - E
    row_p = jnp.concatenate([edge_index[0], jnp.zeros((pad,), jnp.int32)])
    col_p = jnp.concatenate([edge_index[1], jnp.full((pad,), N, jnp.int32)])

    deg0, deg1 = _deg(col_p)
    g0a, g0b, g0c, g0d, root1, dinv = _tc1(x, deg0, deg1, w1cat, r1cat)
    p0a, p0b = _spmm(g0a, g0b, row_p, col_p)
    p0c, p0d = _spmm(g0c, g0d, row_p, col_p)
    g1a, g1b, g1c, g1d = _tc2(p0a, p0b, p0c, p0d, root1, dinv, b1cat, w1blk)
    p1a, p1b = _spmm(g1a, g1b, row_p, col_p)
    p1c, p1d = _spmm(g1c, g1d, row_p, col_p)
    g2a, g2b, root2 = _tc3(p1a, p1b, p1c, p1d, root1, dinv, b1cat, w2cat, r2cat)
    p2a, p2b = _spmm(g2a, g2b, row_p, col_p)
    g3a, g3b = _tc4(p2a, p2b, root2, dinv, b2cat, w2blk)
    p3a, p3b = _spmm(g3a, g3b, row_p, col_p)
    return _tc5(p3a, p3b, root2, dinv, b2cat)

# --- scband reference (transcript-rebuilt; emitter-appended) ---
"""Pipeline reference for scband-net-29721173688338 (READ-ONLY COPY).

The authoritative reference and input builder live on the scoring server;
editing this copy changes nothing except your own understanding.
"""

import jax, jax.numpy as jnp
import numpy as np

N = 10000
E = 320000
F_IN = 128
F_HID = 128
F_OUT = 64
K = 3
T = 2


def gcn_norm(edge_index, num_nodes):
    # PyG gcn_norm with add_self_loops=False, edge_weight=1
    row, col = edge_index[0], edge_index[1]
    deg = jnp.zeros((num_nodes,), jnp.float32).at[col].add(1.0)
    dinv = jnp.where(deg > 0, jax.lax.rsqrt(jnp.maximum(deg, 1e-12)), 0.0)
    return dinv[row] * dinv[col]


def arma_conv(x, edge_index, norm, init_w, w, root_w, b, act):
    # Faithful ARMAConv (num_stacks=K, num_layers=T, shared_weights=True, eval mode so dropout is identity)
    row, col = edge_index[0], edge_index[1]
    n = x.shape[0]
    x0 = x
    out = jnp.einsum('nf,kfo->kno', x0, init_w)  # t=0: x @ init_weight
    for t in range(T):
        if t > 0:
            out = jnp.einsum('kno,kop->knp', out, w)  # shared weight
        # propagate: message = norm * x_j, sum-aggregate at dst (col)
        msg = out[:, row, :] * norm[None, :, None]  # [K, E, Fo]
        agg = jax.ops.segment_sum(jnp.swapaxes(msg, 0, 1), col, num_segments=n)  # [N, K, Fo]
        root = jnp.einsum('nf,kfo->kno', x0, root_w)  # dropout(x) @ root_weight; dropout=id in eval
        out = jnp.swapaxes(agg, 0, 1) + root + b[:, None, :]
        out = act(out)
    return out.mean(axis=0)  # mean over stacks


def setup_inputs(seed: int = 0) -> dict:
    key = jax.random.key(seed)
    ks = jax.random.split(key, 10)
    x = jax.random.normal(ks[0], (N, F_IN), dtype=jnp.float32)
    edge_index = jax.random.randint(ks[1], (2, E), 0, N, dtype=jnp.int32)

    def mk(k, shape, fan):
        return jax.random.normal(k, shape, dtype=jnp.float32) * (1.0 / np.sqrt(fan))

    init_w1 = mk(ks[2], (K, F_IN, F_HID), F_IN)
    w1 = mk(ks[3], (K, F_HID, F_HID), F_HID)
    root_w1 = mk(ks[4], (K, F_IN, F_HID), F_IN)
    b1 = jnp.zeros((K, F_HID), jnp.float32)
    init_w2 = mk(ks[5], (K, F_HID, F_OUT), F_HID)
    w2 = mk(ks[6], (K, F_OUT, F_OUT), F_OUT)
    root_w2 = mk(ks[7], (K, F_HID, F_OUT), F_HID)
    b2 = jnp.zeros((K, F_OUT), jnp.float32)
    return {"x": x, "edge_index": edge_index,
            "init_w1": init_w1, "w1": w1, "root_w1": root_w1, "b1": b1,
            "init_w2": init_w2, "w2": w2, "root_w2": root_w2, "b2": b2}


def reference(x, edge_index, init_w1, w1, root_w1, b1, init_w2, w2, root_w2, b2):
    # Net.forward in eval mode: dropout = identity
    norm = gcn_norm(edge_index, x.shape[0])
    h = arma_conv(x, edge_index, norm, init_w1, w1, root_w1, b1, jax.nn.relu)  # conv1, act=relu
    h = jax.nn.relu(h)
    h = arma_conv(h, edge_index, norm, init_w2, w2, root_w2, b2, lambda a: a)  # conv2, act=identity
    return jax.nn.log_softmax(h, axis=1)

if __name__ == "__main__":
    import jax
    _d = setup_inputs()
    print(jax.jit(kernel)(*tuple(_d.values())))

</pallas_src>

<mosaic_0001>
#map = affine_map<(d0, d1) -> (0)>
#map1 = affine_map<(d0, d1) -> (0, 0)>
module attributes {stable_mosaic.version = 14 : i64} {
  func.func @_deg_body(%arg0: i32, %arg1: i32, %arg2: memref<323584xi32, #tpu.memory_space<hbm>>, %arg3: memref<10240x16xf32, #tpu.memory_space<hbm>>, %arg4: memref<10240x16xf32, #tpu.memory_space<hbm>>, %arg5: memref<10240x16xf32, #tpu.memory_space<vmem_shared>>, %arg6: memref<128xi32, #tpu.memory_space<vmem>>, %arg7: memref<128x16xf32, #tpu.memory_space<vmem>>, %arg8: memref<!tpu.dma_semaphore, #tpu.memory_space<semaphore_mem>>) attributes {dimension_semantics = [#tpu.dimension_semantics<core_parallel>, #tpu.dimension_semantics<subcore_parallel>], iteration_bounds = array<i64: 2, 16>, scalar_prefetch = 0 : i64, scratch_operands = 4 : i64, tpu.core_type = #tpu.core_type<sc_vector_subcore>, window_params = [{transform_indices = #map}, {transform_indices = #map1}, {transform_indices = #map1}]} {
    %scan3A = arith.constant 0 : i32
    %scan3A_0 = arith.constant 0 : i32
    %scan3A_1 = arith.constant 128 : i32
    %scan3A_2 = arith.addi %scan3A_0, %scan3A_1 : i32
    %scan3A_3 = arith.constant 1 : i32
    %scan3A_4 = scf.for %scan3A_41 = %scan3A_0 to %scan3A_2 step %scan3A_3 iter_args(%scan3A_42 = %scan3A) -> (i32)  : i32 {
      %broadcast_in_dim3A = arith.constant 0.000000e+00 : f32
      %broadcast_in_dim3A_43 = vector.broadcast %broadcast_in_dim3A : f32 to vector<16xf32>
      %jit3A = arith.constant 1 : i32
      %div3A = arith.divsi %scan3A_41, %jit3A : i32
      %sign3A = arith.constant 0 : i32
      %sign3A_44 = arith.cmpi sgt, %scan3A_41, %sign3A : i32
      %sign3A_45 = arith.extui %sign3A_44 : i1 to i32
      %sign3A_46 = arith.constant 0 : i32
      %sign3A_47 = arith.cmpi slt, %scan3A_41, %sign3A_46 : i32
      %sign3A_48 = arith.extui %sign3A_47 : i1 to i32
      %sign3A_49 = arith.subi %sign3A_45, %sign3A_48 : i32
      %sign3A_50 = arith.constant 0 : i32
      %sign3A_51 = arith.cmpi sgt, %jit3A, %sign3A_50 : i32
      %sign3A_52 = arith.extui %sign3A_51 : i1 to i32
      %sign3A_53 = arith.constant 0 : i32
      %sign3A_54 = arith.cmpi slt, %jit3A, %sign3A_53 : i32
      %sign3A_55 = arith.extui %sign3A_54 : i1 to i32
      %sign3A_56 = arith.subi %sign3A_52, %sign3A_55 : i32
      %ne3A = arith.cmpi ne, %sign3A_49, %sign3A_56 : i32
      %rem3A = arith.remsi %scan3A_41, %jit3A : i32
      %ne3A_57 = arith.constant 0 : i32
      %ne3A_58 = arith.cmpi ne, %rem3A, %ne3A_57 : i32
      %and3A = arith.andi %ne3A, %ne3A_58 : i1
      %sub3A = arith.constant 1 : i32
      %sub3A_59 = arith.subi %div3A, %sub3A : i32
      %select_n3A = arith.select %and3A, %sub3A_59, %div3A : i32
      %jit3A_60 = arith.constant 1 : i32
      %eq3A_61 = arith.constant 0 : i32
      %eq3A_62 = arith.cmpi eq, %jit3A_60, %eq3A_61 : i32
      %jit3A_63 = arith.constant 1 : i32
      %select_n3A_64 = arith.select %eq3A_62, %jit3A_63, %jit3A_60 : i32
      %rem3A_65 = arith.remsi %scan3A_41, %select_n3A_64 : i32
      %ne3A_66 = arith.constant 0 : i32
      %ne3A_67 = arith.cmpi ne, %rem3A_65, %ne3A_66 : i32
      %lt3A = arith.constant 0 : i32
      %lt3A_68 = arith.cmpi slt, %rem3A_65, %lt3A : i32
      %lt3A_69 = arith.constant 0 : i32
      %lt3A_70 = arith.cmpi slt, %select_n3A_64, %lt3A_69 : i32
      %ne3A_71 = arith.xori %lt3A_68, %lt3A_70 : i1
      %and3A_72 = arith.andi %ne3A_71, %ne3A_67 : i1
      %add3A_73 = arith.addi %rem3A_65, %select_n3A_64 : i32
      %select_n3A_74 = arith.select %and3A_72, %add3A_73, %rem3A_65 : i32
      %mul3A_75 = arith.constant 16 : i32
      %mul3A_76 = arith.muli %select_n3A_74, %mul3A_75 : i32
      %swap3A = arith.index_cast %select_n3A : i32 to index
      %swap3A_77 = arith.index_cast %mul3A_76 : i32 to index
      %swap3A_78 = tpu.vector_load %arg7[%swap3A, %swap3A_77] {strides = array<i32>} : memref<128x16xf32, #tpu.memory_space<vmem>>, vector<1x16xf32>,
      %swap3A_79 = vector.shape_cast %swap3A_78 : vector<1x16xf32> to vector<16xf32>
      %swap3A_80 = vector.shape_cast %broadcast_in_dim3A_43 : vector<16xf32> to vector<1x16xf32>
      tpu.vector_store %arg7[%swap3A, %swap3A_77], %swap3A_80 {strides = array<i32>} : memref<128x16xf32, #tpu.memory_space<vmem>>, vector<1x16xf32>,
      %scan3A_81 = arith.constant 0 : i32
      scf.yield %scan3A_81 : i32
    }
    %scan3A_5 = arith.constant 128 : i32
    %mul3A = arith.constant 640 : i32
    %mul3A_6 = arith.muli %arg1, %mul3A : i32
    %add3A = arith.constant 0 : i32
    %add3A_7 = arith.addi %mul3A_6, %add3A : i32
    "tpu.region"() ({
      %run_scoped3A = tpu.sem_alloc : memref<!tpu.dma_semaphore, #tpu.memory_space<semaphore_mem>>
      %dma_start3A = arith.constant 0 : i32
      %dma_start3A_41 = tpu.memref_slice %arg5[%add3A_7, %dma_start3A] : memref<10240x16xf32, #tpu.memory_space<vmem_shared>> -> memref<128x16xf32, #tpu.memory_space<vmem_shared>>
      %dma_start3A_42 = arith.constant 0 : i32
      %dma_start3A_43 = tpu.memref_slice %arg5[%add3A_7, %dma_start3A_42] : memref<10240x16xf32, #tpu.memory_space<vmem_shared>> -> memref<128x16xf32, #tpu.memory_space<vmem_shared>>
      tpu.enqueue_dma source(%arg7 : memref<128x16xf32, #tpu.memory_space<vmem>>) target(%dma_start3A_43 : memref<128x16xf32, #tpu.memory_space<vmem_shared>>) target_semaphore(%run_scoped3A : memref<!tpu.dma_semaphore, #tpu.memory_space<semaphore_mem>>)
      %dma_wait3A = arith.constant 0 : i32
      %dma_wait3A_44 = tpu.memref_slice %arg5[%add3A_7, %dma_wait3A] : memref<10240x16xf32, #tpu.memory_space<vmem_shared>> -> memref<128x16xf32, #tpu.memory_space<vmem_shared>>
      %dma_wait3A_45 = arith.constant 0 : i32
      %dma_wait3A_46 = tpu.memref_slice %arg5[%add3A_7, %dma_wait3A_45] : memref<10240x16xf32, #tpu.memory_space<vmem_shared>> -> memref<128x16xf32, #tpu.memory_space<vmem_shared>>
      tpu.wait_dma2 semaphore(%run_scoped3A : memref<!tpu.dma_semaphore, #tpu.memory_space<semaphore_mem>>) src(%arg7 : memref<128x16xf32, #tpu.memory_space<vmem>>) dst(%dma_wait3A_46 : memref<128x16xf32, #tpu.memory_space<vmem_shared>>)
      tpu.yield
    }) : () -> ()
    %add3A_8 = arith.constant 128 : i32
    %add3A_9 = arith.addi %mul3A_6, %add3A_8 : i32
    "tpu.region"() ({
      %run_scoped3A = tpu.sem_alloc : memref<!tpu.dma_semaphore, #tpu.memory_space<semaphore_mem>>
      %dma_start3A = arith.constant 0 : i32
      %dma_start3A_41 = tpu.memref_slice %arg5[%add3A_9, %dma_start3A] : memref<10240x16xf32, #tpu.memory_space<vmem_shared>> -> memref<128x16xf32, #tpu.memory_space<vmem_shared>>
      %dma_start3A_42 = arith.constant 0 : i32
      %dma_start3A_43 = tpu.memref_slice %arg5[%add3A_9, %dma_start3A_42] : memref<10240x16xf32, #tpu.memory_space<vmem_shared>> -> memref<128x16xf32, #tpu.memory_space<vmem_shared>>
      tpu.enqueue_dma source(%arg7 : memref<128x16xf32, #tpu.memory_space<vmem>>) target(%dma_start3A_43 : memref<128x16xf32, #tpu.memory_space<vmem_shared>>) target_semaphore(%run_scoped3A : memref<!tpu.dma_semaphore, #tpu.memory_space<semaphore_mem>>)
      %dma_wait3A = arith.constant 0 : i32
      %dma_wait3A_44 = tpu.memref_slice %arg5[%add3A_9, %dma_wait3A] : memref<10240x16xf32, #tpu.memory_space<vmem_shared>> -> memref<128x16xf32, #tpu.memory_space<vmem_shared>>
      %dma_wait3A_45 = arith.constant 0 : i32
      %dma_wait3A_46 = tpu.memref_slice %arg5[%add3A_9, %dma_wait3A_45] : memref<10240x16xf32, #tpu.memory_space<vmem_shared>> -> memref<128x16xf32, #tpu.memory_space<vmem_shared>>
      tpu.wait_dma2 semaphore(%run_scoped3A : memref<!tpu.dma_semaphore, #tpu.memory_space<semaphore_mem>>) src(%arg7 : memref<128x16xf32, #tpu.memory_space<vmem>>) dst(%dma_wait3A_46 : memref<128x16xf32, #tpu.memory_space<vmem_shared>>)
      tpu.yield
    }) : () -> ()
    %add3A_10 = arith.constant 256 : i32
    %add3A_11 = arith.addi %mul3A_6, %add3A_10 : i32
    "tpu.region"() ({
      %run_scoped3A = tpu.sem_alloc : memref<!tpu.dma_semaphore, #tpu.memory_space<semaphore_mem>>
      %dma_start3A = arith.constant 0 : i32
      %dma_start3A_41 = tpu.memref_slice %arg5[%add3A_11, %dma_start3A] : memref<10240x16xf32, #tpu.memory_space<vmem_shared>> -> memref<128x16xf32, #tpu.memory_space<vmem_shared>>
      %dma_start3A_42 = arith.constant 0 : i32
      %dma_start3A_43 = tpu.memref_slice %arg5[%add3A_11, %dma_start3A_42] : memref<10240x16xf32, #tpu.memory_space<vmem_shared>> -> memref<128x16xf32, #tpu.memory_space<vmem_shared>>
      tpu.enqueue_dma source(%arg7 : memref<128x16xf32, #tpu.memory_space<vmem>>) target(%dma_start3A_43 : memref<128x16xf32, #tpu.memory_space<vmem_shared>>) target_semaphore(%run_scoped3A : memref<!tpu.dma_semaphore, #tpu.memory_space<semaphore_mem>>)
      %dma_wait3A = arith.constant 0 : i32
      %dma_wait3A_44 = tpu.memref_slice %arg5[%add3A_11, %dma_wait3A] : memref<10240x16xf32, #tpu.memory_space<vmem_shared>> -> memref<128x16xf32, #tpu.memory_space<vmem_shared>>
      %dma_wait3A_45 = arith.constant 0 : i32
      %dma_wait3A_46 = tpu.memref_slice %arg5[%add3A_11, %dma_wait3A_45] : memref<10240x16xf32, #tpu.memory_space<vmem_shared>> -> memref<128x16xf32, #tpu.memory_space<vmem_shared>>
      tpu.wait_dma2 semaphore(%run_scoped3A : memref<!tpu.dma_semaphore, #tpu.memory_space<semaphore_mem>>) src(%arg7 : memref<128x16xf32, #tpu.memory_space<vmem>>) dst(%dma_wait3A_46 : memref<128x16xf32, #tpu.memory_space<vmem_shared>>)
      tpu.yield
    }) : () -> ()
    %add3A_12 = arith.constant 384 : i32
    %add3A_13 = arith.addi %mul3A_6, %add3A_12 : i32
    "tpu.region"() ({
      %run_scoped3A = tpu.sem_alloc : memref<!tpu.dma_semaphore, #tpu.memory_space<semaphore_mem>>
      %dma_start3A = arith.constant 0 : i32
      %dma_start3A_41 = tpu.memref_slice %arg5[%add3A_13, %dma_start3A] : memref<10240x16xf32, #tpu.memory_space<vmem_shared>> -> memref<128x16xf32, #tpu.memory_space<vmem_shared>>
      %dma_start3A_42 = arith.constant 0 : i32
      %dma_start3A_43 = tpu.memref_slice %arg5[%add3A_13, %dma_start3A_42] : memref<10240x16xf32, #tpu.memory_space<vmem_shared>> -> memref<128x16xf32, #tpu.memory_space<vmem_shared>>
      tpu.enqueue_dma source(%arg7 : memref<128x16xf32, #tpu.memory_space<vmem>>) target(%dma_start3A_43 : memref<128x16xf32, #tpu.memory_space<vmem_shared>>) target_semaphore(%run_scoped3A : memref<!tpu.dma_semaphore, #tpu.memory_space<semaphore_mem>>)
      %dma_wait3A = arith.constant 0 : i32
      %dma_wait3A_44 = tpu.memref_slice %arg5[%add3A_13, %dma_wait3A] : memref<10240x16xf32, #tpu.memory_space<vmem_shared>> -> memref<128x16xf32, #tpu.memory_space<vmem_shared>>
      %dma_wait3A_45 = arith.constant 0 : i32
      %dma_wait3A_46 = tpu.memref_slice %arg5[%add3A_13, %dma_wait3A_45] : memref<10240x16xf32, #tpu.memory_space<vmem_shared>> -> memref<128x16xf32, #tpu.memory_space<vmem_shared>>
      tpu.wait_dma2 semaphore(%run_scoped3A : memref<!tpu.dma_semaphore, #tpu.memory_space<semaphore_mem>>) src(%arg7 : memref<128x16xf32, #tpu.memory_space<vmem>>) dst(%dma_wait3A_46 : memref<128x16xf32, #tpu.memory_space<vmem_shared>>)
      tpu.yield
    }) : () -> ()
    %add3A_14 = arith.constant 512 : i32
    %add3A_15 = arith.addi %mul3A_6, %add3A_14 : i32
    "tpu.region"() ({
      %run_scoped3A = tpu.sem_alloc : memref<!tpu.dma_semaphore, #tpu.memory_space<semaphore_mem>>
      %dma_start3A = arith.constant 0 : i32
      %dma_start3A_41 = tpu.memref_slice %arg5[%add3A_15, %dma_start3A] : memref<10240x16xf32, #tpu.memory_space<vmem_shared>> -> memref<128x16xf32, #tpu.memory_space<vmem_shared>>
      %dma_start3A_42 = arith.constant 0 : i32
      %dma_start3A_43 = tpu.memref_slice %arg5[%add3A_15, %dma_start3A_42] : memref<10240x16xf32, #tpu.memory_space<vmem_shared>> -> memref<128x16xf32, #tpu.memory_space<vmem_shared>>
      tpu.enqueue_dma source(%arg7 : memref<128x16xf32, #tpu.memory_space<vmem>>) target(%dma_start3A_43 : memref<128x16xf32, #tpu.memory_space<vmem_shared>>) target_semaphore(%run_scoped3A : memref<!tpu.dma_semaphore, #tpu.memory_space<semaphore_mem>>)
      %dma_wait3A = arith.constant 0 : i32
      %dma_wait3A_44 = tpu.memref_slice %arg5[%add3A_15, %dma_wait3A] : memref<10240x16xf32, #tpu.memory_space<vmem_shared>> -> memref<128x16xf32, #tpu.memory_space<vmem_shared>>
      %dma_wait3A_45 = arith.constant 0 : i32
      %dma_wait3A_46 = tpu.memref_slice %arg5[%add3A_15, %dma_wait3A_45] : memref<10240x16xf32, #tpu.memory_space<vmem_shared>> -> memref<128x16xf32, #tpu.memory_space<vmem_shared>>
      tpu.wait_dma2 semaphore(%run_scoped3A : memref<!tpu.dma_semaphore, #tpu.memory_space<semaphore_mem>>) src(%arg7 : memref<128x16xf32, #tpu.memory_space<vmem>>) dst(%dma_wait3A_46 : memref<128x16xf32, #tpu.memory_space<vmem_shared>>)
      tpu.yield
    }) : () -> ()
    %scan3A_16 = arith.constant 0 : i32
    %scan3A_17 = arith.constant 0 : i32
    %scan3A_18 = arith.constant 128 : i32
    %scan3A_19 = arith.addi %scan3A_17, %scan3A_18 : i32
    %scan3A_20 = arith.constant 1 : i32
    %scan3A_21 = scf.for %scan3A_41 = %scan3A_17 to %scan3A_19 step %scan3A_20 iter_args(%scan3A_42 = %scan3A_16) -> (i32)  : i32 {
      %broadcast_in_dim3A = arith.constant 1.000000e+00 : f32
      %broadcast_in_dim3A_43 = vector.broadcast %broadcast_in_dim3A : f32 to vector<16xf32>
      %jit3A = arith.constant 1 : i32
      %div3A = arith.divsi %scan3A_41, %jit3A : i32
      %sign3A = arith.constant 0 : i32
      %sign3A_44 = arith.cmpi sgt, %scan3A_41, %sign3A : i32
      %sign3A_45 = arith.extui %sign3A_44 : i1 to i32
      %sign3A_46 = arith.constant 0 : i32
      %sign3A_47 = arith.cmpi slt, %scan3A_41, %sign3A_46 : i32
      %sign3A_48 = arith.extui %sign3A_47 : i1 to i32
      %sign3A_49 = arith.subi %sign3A_45, %sign3A_48 : i32
      %sign3A_50 = arith.constant 0 : i32
      %sign3A_51 = arith.cmpi sgt, %jit3A, %sign3A_50 : i32
      %sign3A_52 = arith.extui %sign3A_51 : i1 to i32
      %sign3A_53 = arith.constant 0 : i32
      %sign3A_54 = arith.cmpi slt, %jit3A, %sign3A_53 : i32
      %sign3A_55 = arith.extui %sign3A_54 : i1 to i32
      %sign3A_56 = arith.subi %sign3A_52, %sign3A_55 : i32
      %ne3A = arith.cmpi ne, %sign3A_49, %sign3A_56 : i32
      %rem3A = arith.remsi %scan3A_41, %jit3A : i32
      %ne3A_57 = arith.constant 0 : i32
      %ne3A_58 = arith.cmpi ne, %rem3A, %ne3A_57 : i32
      %and3A = arith.andi %ne3A, %ne3A_58 : i1
      %sub3A = arith.constant 1 : i32
      %sub3A_59 = arith.subi %div3A, %sub3A : i32
      %select_n3A = arith.select %and3A, %sub3A_59, %div3A : i32
      %jit3A_60 = arith.constant 1 : i32
      %eq3A_61 = arith.constant 0 : i32
      %eq3A_62 = arith.cmpi eq, %jit3A_60, %eq3A_61 : i32
      %jit3A_63 = arith.constant 1 : i32
      %select_n3A_64 = arith.select %eq3A_62, %jit3A_63, %jit3A_60 : i32
      %rem3A_65 = arith.remsi %scan3A_41, %select_n3A_64 : i32
      %ne3A_66 = arith.constant 0 : i32
      %ne3A_67 = arith.cmpi ne, %rem3A_65, %ne3A_66 : i32
      %lt3A = arith.constant 0 : i32
      %lt3A_68 = arith.cmpi slt, %rem3A_65, %lt3A : i32
      %lt3A_69 = arith.constant 0 : i32
      %lt3A_70 = arith.cmpi slt, %select_n3A_64, %lt3A_69 : i32
      %ne3A_71 = arith.xori %lt3A_68, %lt3A_70 : i1
      %and3A_72 = arith.andi %ne3A_71, %ne3A_67 : i1
      %add3A_73 = arith.addi %rem3A_65, %select_n3A_64 : i32
      %select_n3A_74 = arith.select %and3A_72, %add3A_73, %rem3A_65 : i32
      %mul3A_75 = arith.constant 16 : i32
      %mul3A_76 = arith.muli %select_n3A_74, %mul3A_75 : i32
      %swap3A = arith.index_cast %select_n3A : i32 to index
      %swap3A_77 = arith.index_cast %mul3A_76 : i32 to index
      %swap3A_78 = tpu.vector_load %arg7[%swap3A, %swap3A_77] {strides = array<i32>} : memref<128x16xf32, #tpu.memory_space<vmem>>, vector<1x16xf32>,
      %swap3A_79 = vector.shape_cast %swap3A_78 : vector<1x16xf32> to vector<16xf32>
      %swap3A_80 = vector.shape_cast %broadcast_in_dim3A_43 : vector<16xf32> to vector<1x16xf32>
      tpu.vector_store %arg7[%swap3A, %swap3A_77], %swap3A_80 {strides = array<i32>} : memref<128x16xf32, #tpu.memory_space<vmem>>, vector<1x16xf32>,
      %scan3A_81 = arith.constant 0 : i32
      scf.yield %scan3A_81 : i32
    }
    %scan3A_22 = arith.constant 128 : i32
    %barrier3A = arith.constant 0 : index
    tpu.barrier barrier_id(%barrier3A)
    %eq3A = arith.constant 0 : i32
    %eq3A_23 = arith.cmpi eq, %arg0, %eq3A : i32
    %convert_element_type3A = arith.extui %eq3A_23 : i1 to i32
    %cond3A = arith.constant 0 : i32
    %cond3A_24 = arith.cmpi ne, %convert_element_type3A, %cond3A : i32
    scf.if %cond3A_24 {
      %add3A_41 = arith.constant 0 : i32
      %add3A_42 = arith.addi %add3A_41, %arg1 : i32
      %mul3A_43 = arith.constant 10112 : i32
      %mul3A_44 = arith.muli %add3A_42, %mul3A_43 : i32
      %scan3A_45 = arith.constant 0 : i32
      %scan3A_46 = arith.constant 0 : i32
      %scan3A_47 = arith.constant 79 : i32
      %scan3A_48 = arith.addi %scan3A_46, %scan3A_47 : i32
      %scan3A_49 = arith.constant 1 : i32
      %scan3A_50 = scf.for %scan3A_52 = %scan3A_46 to %scan3A_48 step %scan3A_49 iter_args(%scan3A_53 = %scan3A_45) -> (i32)  : i32 {
        %mul3A_54 = arith.constant 128 : i32
        %mul3A_55 = arith.muli %scan3A_52, %mul3A_54 : i32
        %add3A_56 = arith.addi %mul3A_44, %mul3A_55 : i32
        "tpu.region"() ({
          %run_scoped3A = tpu.sem_alloc : memref<!tpu.dma_semaphore, #tpu.memory_space<semaphore_mem>>
          %dma_start3A = tpu.memref_slice %arg2[%add3A_56] : memref<323584xi32, #tpu.memory_space<hbm>> -> memref<128xi32, #tpu.memory_space<hbm>>
          %dma_start3A_58 = tpu.memref_slice %arg2[%add3A_56] : memref<323584xi32, #tpu.memory_space<hbm>> -> memref<128xi32, #tpu.memory_space<hbm>>
          tpu.enqueue_dma source(%dma_start3A_58 : memref<128xi32, #tpu.memory_space<hbm>>) target(%arg6 : memref<128xi32, #tpu.memory_space<vmem>>) target_semaphore(%run_scoped3A : memref<!tpu.dma_semaphore, #tpu.memory_space<semaphore_mem>>)
          %dma_wait3A = tpu.memref_slice %arg2[%add3A_56] : memref<323584xi32, #tpu.memory_space<hbm>> -> memref<128xi32, #tpu.memory_space<hbm>>
          %dma_wait3A_59 = tpu.memref_slice %arg2[%add3A_56] : memref<323584xi32, #tpu.memory_space<hbm>> -> memref<128xi32, #tpu.memory_space<hbm>>
          tpu.wait_dma2 semaphore(%run_scoped3A : memref<!tpu.dma_semaphore, #tpu.memory_space<semaphore_mem>>) src(%dma_wait3A_59 : memref<128xi32, #tpu.memory_space<hbm>>) dst(%arg6 : memref<128xi32, #tpu.memory_space<vmem>>)
          tpu.yield
        }) : () -> ()
        "tpu.region"() ({
          %run_scoped3A = tpu.sem_alloc : memref<!tpu.dma_semaphore, #tpu.memory_space<semaphore_mem>>
          %dma_start3A = arith.constant 0 : i32
          %dma_start3A_58 = arith.constant 0 : i32
          %dma_start3A_59 = tpu.memref_slice %arg5[%dma_start3A, %dma_start3A_58] : memref<10240x16xf32, #tpu.memory_space<vmem_shared>> -> memref<10240x16xf32, #tpu.memory_space<vmem_shared>>
          tpu.enqueue_indirect_dma source(%arg7 : memref<128x16xf32, #tpu.memory_space<vmem>>) target(%dma_start3A_59 : memref<10240x16xf32, #tpu.memory_space<vmem_shared>>) offsets(%arg6 : memref<128xi32, #tpu.memory_space<vmem>>) semaphore(%run_scoped3A : memref<!tpu.dma_semaphore, #tpu.memory_space<semaphore_mem>>) {add = true}
          %dma_wait3A = arith.constant 0 : i32
          %dma_wait3A_60 = arith.constant 0 : i32
          %dma_wait3A_61 = tpu.memref_slice %arg5[%dma_wait3A, %dma_wait3A_60] : memref<10240x16xf32, #tpu.memory_space<vmem_shared>> -> memref<10240x16xf32, #tpu.memory_space<vmem_shared>>
          tpu.wait_indirect_dma semaphore(%run_scoped3A : memref<!tpu.dma_semaphore, #tpu.memory_space<semaphore_mem>>) src(%arg7 : memref<128x16xf32, #tpu.memory_space<vmem>>) dst(%dma_wait3A_61 : memref<10240x16xf32, #tpu.memory_space<vmem_shared>>)
          tpu.yield
        }) : () -> ()
        %scan3A_57 = arith.constant 0 : i32
        scf.yield %scan3A_57 : i32
      }
      %scan3A_51 = arith.constant 79 : i32
    } else {
    }
    %eq3A_25 = arith.constant 1 : i32
    %eq3A_26 = arith.cmpi eq, %arg0, %eq3A_25 : i32
    %convert_element_type3A_27 = arith.extui %eq3A_26 : i1 to i32
    %cond3A_28 = arith.constant 0 : i32
    %cond3A_29 = arith.cmpi ne, %convert_element_type3A_27, %cond3A_28 : i32
    scf.if %cond3A_29 {
      %add3A_41 = arith.constant 16 : i32
      %add3A_42 = arith.addi %add3A_41, %arg1 : i32
      %mul3A_43 = arith.constant 10112 : i32
      %mul3A_44 = arith.muli %add3A_42, %mul3A_43 : i32
      %scan3A_45 = arith.constant 0 : i32
      %scan3A_46 = arith.constant 0 : i32
      %scan3A_47 = arith.constant 79 : i32
      %scan3A_48 = arith.addi %scan3A_46, %scan3A_47 : i32
      %scan3A_49 = arith.constant 1 : i32
      %scan3A_50 = scf.for %scan3A_52 = %scan3A_46 to %scan3A_48 step %scan3A_49 iter_args(%scan3A_53 = %scan3A_45) -> (i32)  : i32 {
        %mul3A_54 = arith.constant 128 : i32
        %mul3A_55 = arith.muli %scan3A_52, %mul3A_54 : i32
        %add3A_56 = arith.addi %mul3A_44, %mul3A_55 : i32
        "tpu.region"() ({
          %run_scoped3A = tpu.sem_alloc : memref<!tpu.dma_semaphore, #tpu.memory_space<semaphore_mem>>
          %dma_start3A = tpu.memref_slice %arg2[%add3A_56] : memref<323584xi32, #tpu.memory_space<hbm>> -> memref<128xi32, #tpu.memory_space<hbm>>
          %dma_start3A_58 = tpu.memref_slice %arg2[%add3A_56] : memref<323584xi32, #tpu.memory_space<hbm>> -> memref<128xi32, #tpu.memory_space<hbm>>
          tpu.enqueue_dma source(%dma_start3A_58 : memref<128xi32, #tpu.memory_space<hbm>>) target(%arg6 : memref<128xi32, #tpu.memory_space<vmem>>) target_semaphore(%run_scoped3A : memref<!tpu.dma_semaphore, #tpu.memory_space<semaphore_mem>>)
          %dma_wait3A = tpu.memref_slice %arg2[%add3A_56] : memref<323584xi32, #tpu.memory_space<hbm>> -> memref<128xi32, #tpu.memory_space<hbm>>
          %dma_wait3A_59 = tpu.memref_slice %arg2[%add3A_56] : memref<323584xi32, #tpu.memory_space<hbm>> -> memref<128xi32, #tpu.memory_space<hbm>>
          tpu.wait_dma2 semaphore(%run_scoped3A : memref<!tpu.dma_semaphore, #tpu.memory_space<semaphore_mem>>) src(%dma_wait3A_59 : memref<128xi32, #tpu.memory_space<hbm>>) dst(%arg6 : memref<128xi32, #tpu.memory_space<vmem>>)
          tpu.yield
        }) : () -> ()
        "tpu.region"() ({
          %run_scoped3A = tpu.sem_alloc : memref<!tpu.dma_semaphore, #tpu.memory_space<semaphore_mem>>
          %dma_start3A = arith.constant 0 : i32
          %dma_start3A_58 = arith.constant 0 : i32
          %dma_start3A_59 = tpu.memref_slice %arg5[%dma_start3A, %dma_start3A_58] : memref<10240x16xf32, #tpu.memory_space<vmem_shared>> -> memref<10240x16xf32, #tpu.memory_space<vmem_shared>>
          tpu.enqueue_indirect_dma source(%arg7 : memref<128x16xf32, #tpu.memory_space<vmem>>) target(%dma_start3A_59 : memref<10240x16xf32, #tpu.memory_space<vmem_shared>>) offsets(%arg6 : memref<128xi32, #tpu.memory_space<vmem>>) semaphore(%run_scoped3A : memref<!tpu.dma_semaphore, #tpu.memory_space<semaphore_mem>>) {add = true}
          %dma_wait3A = arith.constant 0 : i32
          %dma_wait3A_60 = arith.constant 0 : i32
          %dma_wait3A_61 = tpu.memref_slice %arg5[%dma_wait3A, %dma_wait3A_60] : memref<10240x16xf32, #tpu.memory_space<vmem_shared>> -> memref<10240x16xf32, #tpu.memory_space<vmem_shared>>
          tpu.wait_indirect_dma semaphore(%run_scoped3A : memref<!tpu.dma_semaphore, #tpu.memory_space<semaphore_mem>>) src(%arg7 : memref<128x16xf32, #tpu.memory_space<vmem>>) dst(%dma_wait3A_61 : memref<10240x16xf32, #tpu.memory_space<vmem_shared>>)
          tpu.yield
        }) : () -> ()
        %scan3A_57 = arith.constant 0 : i32
        scf.yield %scan3A_57 : i32
      }
      %scan3A_51 = arith.constant 79 : i32
    } else {
    }
    %barrier3A_30 = arith.constant 0 : index
    tpu.barrier barrier_id(%barrier3A_30)
    %eq3A_31 = arith.constant 0 : i32
    %eq3A_32 = arith.cmpi eq, %arg0, %eq3A_31 : i32
    %convert_element_type3A_33 = arith.extui %eq3A_32 : i1 to i32
    %cond3A_34 = arith.constant 0 : i32
    %cond3A_35 = arith.cmpi ne, %convert_element_type3A_33, %cond3A_34 : i32
    scf.if %cond3A_35 {
      "tpu.region"() ({
        %run_scoped3A = tpu.sem_alloc : memref<!tpu.dma_semaphore, #tpu.memory_space<semaphore_mem>>
        %dma_start3A = arith.constant 0 : i32
        %dma_start3A_41 = tpu.memref_slice %arg3[%mul3A_6, %dma_start3A] : memref<10240x16xf32, #tpu.memory_space<hbm>> -> memref<640x16xf32, #tpu.memory_space<hbm>>
        %dma_start3A_42 = arith.constant 0 : i32
        %dma_start3A_43 = tpu.memref_slice %arg5[%mul3A_6, %dma_start3A_42] : memref<10240x16xf32, #tpu.memory_space<vmem_shared>> -> memref<640x16xf32, #tpu.memory_space<vmem_shared>>
        tpu.enqueue_dma source(%dma_start3A_43 : memref<640x16xf32, #tpu.memory_space<vmem_shared>>) target(%dma_start3A_41 : memref<640x16xf32, #tpu.memory_space<hbm>>) target_semaphore(%run_scoped3A : memref<!tpu.dma_semaphore, #tpu.memory_space<semaphore_mem>>)
        %dma_wait3A = arith.constant 0 : i32
        %dma_wait3A_44 = tpu.memref_slice %arg3[%mul3A_6, %dma_wait3A] : memref<10240x16xf32, #tpu.memory_space<hbm>> -> memref<640x16xf32, #tpu.memory_space<hbm>>
        %dma_wait3A_45 = arith.constant 0 : i32
        %dma_wait3A_46 = tpu.memref_slice %arg5[%mul3A_6, %dma_wait3A_45] : memref<10240x16xf32, #tpu.memory_space<vmem_shared>> -> memref<640x16xf32, #tpu.memory_space<vmem_shared>>
        tpu.wait_dma2 semaphore(%run_scoped3A : memref<!tpu.dma_semaphore, #tpu.memory_space<semaphore_mem>>) src(%dma_wait3A_46 : memref<640x16xf32, #tpu.memory_space<vmem_shared>>) dst(%dma_wait3A_44 : memref<640x16xf32, #tpu.memory_space<hbm>>)
        tpu.yield
      }) : () -> ()
    } else {
    }
    %eq3A_36 = arith.constant 1 : i32
    %eq3A_37 = arith.cmpi eq, %arg0, %eq3A_36 : i32
    %convert_element_type3A_38 = arith.extui %eq3A_37 : i1 to i32
    %cond3A_39 = arith.constant 0 : i32
    %cond3A_40 = arith.cmpi ne, %convert_element_type3A_38, %cond3A_39 : i32
    scf.if %cond3A_40 {
      "tpu.region"() ({
        %run_scoped3A = tpu.sem_alloc : memref<!tpu.dma_semaphore, #tpu.memory_space<semaphore_mem>>
        %dma_start3A = arith.constant 0 : i32
        %dma_start3A_41 = tpu.memref_slice %arg4[%mul3A_6, %dma_start3A] : memref<10240x16xf32, #tpu.memory_space<hbm>> -> memref<640x16xf32, #tpu.memory_space<hbm>>
        %dma_start3A_42 = arith.constant 0 : i32
        %dma_start3A_43 = tpu.memref_slice %arg5[%mul3A_6, %dma_start3A_42] : memref<10240x16xf32, #tpu.memory_space<vmem_shared>> -> memref<640x16xf32, #tpu.memory_space<vmem_shared>>
        tpu.enqueue_dma source(%dma_start3A_43 : memref<640x16xf32, #tpu.memory_space<vmem_shared>>) target(%dma_start3A_41 : memref<640x16xf32, #tpu.memory_space<hbm>>) target_semaphore(%run_scoped3A : memref<!tpu.dma_semaphore, #tpu.memory_space<semaphore_mem>>)
        %dma_wait3A = arith.constant 0 : i32
        %dma_wait3A_44 = tpu.memref_slice %arg4[%mul3A_6, %dma_wait3A] : memref<10240x16xf32, #tpu.memory_space<hbm>> -> memref<640x16xf32, #tpu.memory_space<hbm>>
        %dma_wait3A_45 = arith.constant 0 : i32
        %dma_wait3A_46 = tpu.memref_slice %arg5[%mul3A_6, %dma_wait3A_45] : memref<10240x16xf32, #tpu.memory_space<vmem_shared>> -> memref<640x16xf32, #tpu.memory_space<vmem_shared>>
        tpu.wait_dma2 semaphore(%run_scoped3A : memref<!tpu.dma_semaphore, #tpu.memory_space<semaphore_mem>>) src(%dma_wait3A_46 : memref<640x16xf32, #tpu.memory_space<vmem_shared>>) dst(%dma_wait3A_44 : memref<640x16xf32, #tpu.memory_space<hbm>>)
        tpu.yield
      }) : () -> ()
    } else {
    }
    return
  }
}

#map = affine_map<(d0, d1) -> (0, 0)>
#map1 = affine_map<(d0, d1) -> (0)>
module attributes {stable_mosaic.version = 14 : i64} {
  func.func @spmm(%arg0: i32, %arg1: i32, %arg2: memref<10000x96xf32, #tpu.memory_space<hbm>>, %arg3: memref<10000x96xf32, #tpu.memory_space<hbm>>, %arg4: memref<323584xi32, #tpu.memory_space<hbm>>, %arg5: memref<323584xi32, #tpu.memory_space<hbm>>, %arg6: memref<10240x96xf32, #tpu.memory_space<hbm>>, %arg7: memref<10240x96xf32, #tpu.memory_space<hbm>>, %arg8: memref<10240x96xf32, #tpu.memory_space<vmem_shared>>, %arg9: memref<128xi32, #tpu.memory_space<vmem>>, %arg10: memref<128xi32, #tpu.memory_space<vmem>>, %arg11: memref<128x96xf32, #tpu.memory_space<vmem>>, %arg12: memref<!tpu.dma_semaphore, #tpu.memory_space<semaphore_mem>>) attributes {dimension_semantics = [#tpu.dimension_semantics<core_parallel>, #tpu.dimension_semantics<subcore_parallel>], iteration_bounds = array<i64: 2, 16>, scalar_prefetch = 0 : i64, scratch_operands = 5 : i64, tpu.core_type = #tpu.core_type<sc_vector_subcore>, window_params = [{transform_indices = #map}, {transform_indices = #map}, {transform_indices = #map1}, {transform_indices = #map1}, {transform_indices = #map}, {transform_indices = #map}]} {
    %scan3A = arith.constant 0 : i32
    %scan3A_0 = arith.constant 0 : i32
    %scan3A_1 = arith.constant 768 : i32
    %scan3A_2 = arith.addi %scan3A_0, %scan3A_1 : i32
    %scan3A_3 = arith.constant 1 : i32
    %scan3A_4 = scf.for %scan3A_36 = %scan3A_0 to %scan3A_2 step %scan3A_3 iter_args(%scan3A_37 = %scan3A) -> (i32)  : i32 {
      %broadcast_in_dim3A = arith.constant 0.000000e+00 : f32
      %broadcast_in_dim3A_38 = vector.broadcast %broadcast_in_dim3A : f32 to vector<16xf32>
      %jit3A = arith.constant 6 : i32
      %div3A = arith.divsi %scan3A_36, %jit3A : i32
      %sign3A = arith.constant 0 : i32
      %sign3A_39 = arith.cmpi sgt, %scan3A_36, %sign3A : i32
      %sign3A_40 = arith.extui %sign3A_39 : i1 to i32
      %sign3A_41 = arith.constant 0 : i32
      %sign3A_42 = arith.cmpi slt, %scan3A_36, %sign3A_41 : i32
      %sign3A_43 = arith.extui %sign3A_42 : i1 to i32
      %sign3A_44 = arith.subi %sign3A_40, %sign3A_43 : i32
      %sign3A_45 = arith.constant 0 : i32
      %sign3A_46 = arith.cmpi sgt, %jit3A, %sign3A_45 : i32
      %sign3A_47 = arith.extui %sign3A_46 : i1 to i32
      %sign3A_48 = arith.constant 0 : i32
      %sign3A_49 = arith.cmpi slt, %jit3A, %sign3A_48 : i32
      %sign3A_50 = arith.extui %sign3A_49 : i1 to i32
      %sign3A_51 = arith.subi %sign3A_47, %sign3A_50 : i32
      %ne3A = arith.cmpi ne, %sign3A_44, %sign3A_51 : i32
      %rem3A = arith.remsi %scan3A_36, %jit3A : i32
      %ne3A_52 = arith.constant 0 : i32
      %ne3A_53 = arith.cmpi ne, %rem3A, %ne3A_52 : i32
      %and3A = arith.andi %ne3A, %ne3A_53 : i1
      %sub3A = arith.constant 1 : i32
      %sub3A_54 = arith.subi %div3A, %sub3A : i32
      %select_n3A = arith.select %and3A, %sub3A_54, %div3A : i32
      %jit3A_55 = arith.constant 6 : i32
      %eq3A_56 = arith.constant 0 : i32
      %eq3A_57 = arith.cmpi eq, %jit3A_55, %eq3A_56 : i32
      %jit3A_58 = arith.constant 1 : i32
      %select_n3A_59 = arith.select %eq3A_57, %jit3A_58, %jit3A_55 : i32
      %rem3A_60 = arith.remsi %scan3A_36, %select_n3A_59 : i32
      %ne3A_61 = arith.constant 0 : i32
      %ne3A_62 = arith.cmpi ne, %rem3A_60, %ne3A_61 : i32
      %lt3A = arith.constant 0 : i32
      %lt3A_63 = arith.cmpi slt, %rem3A_60, %lt3A : i32
      %lt3A_64 = arith.constant 0 : i32
      %lt3A_65 = arith.cmpi slt, %select_n3A_59, %lt3A_64 : i32
      %ne3A_66 = arith.xori %lt3A_63, %lt3A_65 : i1
      %and3A_67 = arith.andi %ne3A_66, %ne3A_62 : i1
      %add3A_68 = arith.addi %rem3A_60, %select_n3A_59 : i32
      %select_n3A_69 = arith.select %and3A_67, %add3A_68, %rem3A_60 : i32
      %mul3A_70 = arith.constant 16 : i32
      %mul3A_71 = arith.muli %select_n3A_69, %mul3A_70 : i32
      %swap3A = arith.index_cast %select_n3A : i32 to index
      %swap3A_72 = arith.index_cast %mul3A_71 : i32 to index
      %swap3A_73 = tpu.vector_load %arg11[%swap3A, %swap3A_72] {strides = array<i32>} : memref<128x96xf32, #tpu.memory_space<vmem>>, vector<1x16xf32>,
      %swap3A_74 = vector.shape_cast %swap3A_73 : vector<1x16xf32> to vector<16xf32>
      %swap3A_75 = vector.shape_cast %broadcast_in_dim3A_38 : vector<16xf32> to vector<1x16xf32>
      tpu.vector_store %arg11[%swap3A, %swap3A_72], %swap3A_75 {strides = array<i32>} : memref<128x96xf32, #tpu.memory_space<vmem>>, vector<1x16xf32>,
      %scan3A_76 = arith.constant 0 : i32
      scf.yield %scan3A_76 : i32
    }
    %scan3A_5 = arith.constant 768 : i32
    %mul3A = arith.constant 640 : i32
    %mul3A_6 = arith.muli %arg1, %mul3A : i32
    %add3A = arith.constant 0 : i32
    %add3A_7 = arith.addi %mul3A_6, %add3A : i32
    "tpu.region"() ({
      %run_scoped3A = tpu.sem_alloc : memref<!tpu.dma_semaphore, #tpu.memory_space<semaphore_mem>>
      %dma_start3A = arith.constant 0 : i32
      %dma_start3A_36 = tpu.memref_slice %arg8[%add3A_7, %dma_start3A] : memref<10240x96xf32, #tpu.memory_space<vmem_shared>> -> memref<128x96xf32, #tpu.memory_space<vmem_shared>>
      %dma_start3A_37 = arith.constant 0 : i32
      %dma_start3A_38 = tpu.memref_slice %arg8[%add3A_7, %dma_start3A_37] : memref<10240x96xf32, #tpu.memory_space<vmem_shared>> -> memref<128x96xf32, #tpu.memory_space<vmem_shared>>
      tpu.enqueue_dma source(%arg11 : memref<128x96xf32, #tpu.memory_space<vmem>>) target(%dma_start3A_38 : memref<128x96xf32, #tpu.memory_space<vmem_shared>>) target_semaphore(%run_scoped3A : memref<!tpu.dma_semaphore, #tpu.memory_space<semaphore_mem>>)
      %dma_wait3A = arith.constant 0 : i32
      %dma_wait3A_39 = tpu.memref_slice %arg8[%add3A_7, %dma_wait3A] : memref<10240x96xf32, #tpu.memory_space<vmem_shared>> -> memref<128x96xf32, #tpu.memory_space<vmem_shared>>
      %dma_wait3A_40 = arith.constant 0 : i32
      %dma_wait3A_41 = tpu.memref_slice %arg8[%add3A_7, %dma_wait3A_40] : memref<10240x96xf32, #tpu.memory_space<vmem_shared>> -> memref<128x96xf32, #tpu.memory_space<vmem_shared>>
      tpu.wait_dma2 semaphore(%run_scoped3A : memref<!tpu.dma_semaphore, #tpu.memory_space<semaphore_mem>>) src(%arg11 : memref<128x96xf32, #tpu.memory_space<vmem>>) dst(%dma_wait3A_41 : memref<128x96xf32, #tpu.memory_space<vmem_shared>>)
      tpu.yield
    }) : () -> ()
    %add3A_8 = arith.constant 128 : i32
    %add3A_9 = arith.addi %mul3A_6, %add3A_8 : i32
    "tpu.region"() ({
      %run_scoped3A = tpu.sem_alloc : memref<!tpu.dma_semaphore, #tpu.memory_space<semaphore_mem>>
      %dma_start3A = arith.constant 0 : i32
      %dma_start3A_36 = tpu.memref_slice %arg8[%add3A_9, %dma_start3A] : memref<10240x96xf32, #tpu.memory_space<vmem_shared>> -> memref<128x96xf32, #tpu.memory_space<vmem_shared>>
      %dma_start3A_37 = arith.constant 0 : i32
      %dma_start3A_38 = tpu.memref_slice %arg8[%add3A_9, %dma_start3A_37] : memref<10240x96xf32, #tpu.memory_space<vmem_shared>> -> memref<128x96xf32, #tpu.memory_space<vmem_shared>>
      tpu.enqueue_dma source(%arg11 : memref<128x96xf32, #tpu.memory_space<vmem>>) target(%dma_start3A_38 : memref<128x96xf32, #tpu.memory_space<vmem_shared>>) target_semaphore(%run_scoped3A : memref<!tpu.dma_semaphore, #tpu.memory_space<semaphore_mem>>)
      %dma_wait3A = arith.constant 0 : i32
      %dma_wait3A_39 = tpu.memref_slice %arg8[%add3A_9, %dma_wait3A] : memref<10240x96xf32, #tpu.memory_space<vmem_shared>> -> memref<128x96xf32, #tpu.memory_space<vmem_shared>>
      %dma_wait3A_40 = arith.constant 0 : i32
      %dma_wait3A_41 = tpu.memref_slice %arg8[%add3A_9, %dma_wait3A_40] : memref<10240x96xf32, #tpu.memory_space<vmem_shared>> -> memref<128x96xf32, #tpu.memory_space<vmem_shared>>
      tpu.wait_dma2 semaphore(%run_scoped3A : memref<!tpu.dma_semaphore, #tpu.memory_space<semaphore_mem>>) src(%arg11 : memref<128x96xf32, #tpu.memory_space<vmem>>) dst(%dma_wait3A_41 : memref<128x96xf32, #tpu.memory_space<vmem_shared>>)
      tpu.yield
    }) : () -> ()
    %add3A_10 = arith.constant 256 : i32
    %add3A_11 = arith.addi %mul3A_6, %add3A_10 : i32
    "tpu.region"() ({
      %run_scoped3A = tpu.sem_alloc : memref<!tpu.dma_semaphore, #tpu.memory_space<semaphore_mem>>
      %dma_start3A = arith.constant 0 : i32
      %dma_start3A_36 = tpu.memref_slice %arg8[%add3A_11, %dma_start3A] : memref<10240x96xf32, #tpu.memory_space<vmem_shared>> -> memref<128x96xf32, #tpu.memory_space<vmem_shared>>
      %dma_start3A_37 = arith.constant 0 : i32
      %dma_start3A_38 = tpu.memref_slice %arg8[%add3A_11, %dma_start3A_37] : memref<10240x96xf32, #tpu.memory_space<vmem_shared>> -> memref<128x96xf32, #tpu.memory_space<vmem_shared>>
      tpu.enqueue_dma source(%arg11 : memref<128x96xf32, #tpu.memory_space<vmem>>) target(%dma_start3A_38 : memref<128x96xf32, #tpu.memory_space<vmem_shared>>) target_semaphore(%run_scoped3A : memref<!tpu.dma_semaphore, #tpu.memory_space<semaphore_mem>>)
      %dma_wait3A = arith.constant 0 : i32
      %dma_wait3A_39 = tpu.memref_slice %arg8[%add3A_11, %dma_wait3A] : memref<10240x96xf32, #tpu.memory_space<vmem_shared>> -> memref<128x96xf32, #tpu.memory_space<vmem_shared>>
      %dma_wait3A_40 = arith.constant 0 : i32
      %dma_wait3A_41 = tpu.memref_slice %arg8[%add3A_11, %dma_wait3A_40] : memref<10240x96xf32, #tpu.memory_space<vmem_shared>> -> memref<128x96xf32, #tpu.memory_space<vmem_shared>>
      tpu.wait_dma2 semaphore(%run_scoped3A : memref<!tpu.dma_semaphore, #tpu.memory_space<semaphore_mem>>) src(%arg11 : memref<128x96xf32, #tpu.memory_space<vmem>>) dst(%dma_wait3A_41 : memref<128x96xf32, #tpu.memory_space<vmem_shared>>)
      tpu.yield
    }) : () -> ()
    %add3A_12 = arith.constant 384 : i32
    %add3A_13 = arith.addi %mul3A_6, %add3A_12 : i32
    "tpu.region"() ({
      %run_scoped3A = tpu.sem_alloc : memref<!tpu.dma_semaphore, #tpu.memory_space<semaphore_mem>>
      %dma_start3A = arith.constant 0 : i32
      %dma_start3A_36 = tpu.memref_slice %arg8[%add3A_13, %dma_start3A] : memref<10240x96xf32, #tpu.memory_space<vmem_shared>> -> memref<128x96xf32, #tpu.memory_space<vmem_shared>>
      %dma_start3A_37 = arith.constant 0 : i32
      %dma_start3A_38 = tpu.memref_slice %arg8[%add3A_13, %dma_start3A_37] : memref<10240x96xf32, #tpu.memory_space<vmem_shared>> -> memref<128x96xf32, #tpu.memory_space<vmem_shared>>
      tpu.enqueue_dma source(%arg11 : memref<128x96xf32, #tpu.memory_space<vmem>>) target(%dma_start3A_38 : memref<128x96xf32, #tpu.memory_space<vmem_shared>>) target_semaphore(%run_scoped3A : memref<!tpu.dma_semaphore, #tpu.memory_space<semaphore_mem>>)
      %dma_wait3A = arith.constant 0 : i32
      %dma_wait3A_39 = tpu.memref_slice %arg8[%add3A_13, %dma_wait3A] : memref<10240x96xf32, #tpu.memory_space<vmem_shared>> -> memref<128x96xf32, #tpu.memory_space<vmem_shared>>
      %dma_wait3A_40 = arith.constant 0 : i32
      %dma_wait3A_41 = tpu.memref_slice %arg8[%add3A_13, %dma_wait3A_40] : memref<10240x96xf32, #tpu.memory_space<vmem_shared>> -> memref<128x96xf32, #tpu.memory_space<vmem_shared>>
      tpu.wait_dma2 semaphore(%run_scoped3A : memref<!tpu.dma_semaphore, #tpu.memory_space<semaphore_mem>>) src(%arg11 : memref<128x96xf32, #tpu.memory_space<vmem>>) dst(%dma_wait3A_41 : memref<128x96xf32, #tpu.memory_space<vmem_shared>>)
      tpu.yield
    }) : () -> ()
    %add3A_14 = arith.constant 512 : i32
    %add3A_15 = arith.addi %mul3A_6, %add3A_14 : i32
    "tpu.region"() ({
      %run_scoped3A = tpu.sem_alloc : memref<!tpu.dma_semaphore, #tpu.memory_space<semaphore_mem>>
      %dma_start3A = arith.constant 0 : i32
      %dma_start3A_36 = tpu.memref_slice %arg8[%add3A_15, %dma_start3A] : memref<10240x96xf32, #tpu.memory_space<vmem_shared>> -> memref<128x96xf32, #tpu.memory_space<vmem_shared>>
      %dma_start3A_37 = arith.constant 0 : i32
      %dma_start3A_38 = tpu.memref_slice %arg8[%add3A_15, %dma_start3A_37] : memref<10240x96xf32, #tpu.memory_space<vmem_shared>> -> memref<128x96xf32, #tpu.memory_space<vmem_shared>>
      tpu.enqueue_dma source(%arg11 : memref<128x96xf32, #tpu.memory_space<vmem>>) target(%dma_start3A_38 : memref<128x96xf32, #tpu.memory_space<vmem_shared>>) target_semaphore(%run_scoped3A : memref<!tpu.dma_semaphore, #tpu.memory_space<semaphore_mem>>)
      %dma_wait3A = arith.constant 0 : i32
      %dma_wait3A_39 = tpu.memref_slice %arg8[%add3A_15, %dma_wait3A] : memref<10240x96xf32, #tpu.memory_space<vmem_shared>> -> memref<128x96xf32, #tpu.memory_space<vmem_shared>>
      %dma_wait3A_40 = arith.constant 0 : i32
      %dma_wait3A_41 = tpu.memref_slice %arg8[%add3A_15, %dma_wait3A_40] : memref<10240x96xf32, #tpu.memory_space<vmem_shared>> -> memref<128x96xf32, #tpu.memory_space<vmem_shared>>
      tpu.wait_dma2 semaphore(%run_scoped3A : memref<!tpu.dma_semaphore, #tpu.memory_space<semaphore_mem>>) src(%arg11 : memref<128x96xf32, #tpu.memory_space<vmem>>) dst(%dma_wait3A_41 : memref<128x96xf32, #tpu.memory_space<vmem_shared>>)
      tpu.yield
    }) : () -> ()
    %barrier3A = arith.constant 0 : index
    tpu.barrier barrier_id(%barrier3A)
    %mul3A_16 = arith.constant 20224 : i32
    %mul3A_17 = arith.muli %arg1, %mul3A_16 : i32
    %eq3A = arith.constant 0 : i32
    %eq3A_18 = arith.cmpi eq, %arg0, %eq3A : i32
    %convert_element_type3A = arith.extui %eq3A_18 : i1 to i32
    %cond3A = arith.constant 0 : i32
    %cond3A_19 = arith.cmpi ne, %convert_element_type3A, %cond3A : i32
    scf.if %cond3A_19 {
      %scan3A_36 = arith.constant 0 : i32
      %scan3A_37 = arith.constant 0 : i32
      %scan3A_38 = arith.constant 158 : i32
      %scan3A_39 = arith.addi %scan3A_37, %scan3A_38 : i32
      %scan3A_40 = arith.constant 1 : i32
      %scan3A_41 = scf.for %scan3A_43 = %scan3A_37 to %scan3A_39 step %scan3A_40 iter_args(%scan3A_44 = %scan3A_36) -> (i32)  : i32 {
        %mul3A_45 = arith.constant 128 : i32
        %mul3A_46 = arith.muli %scan3A_43, %mul3A_45 : i32
        %add3A_47 = arith.addi %mul3A_17, %mul3A_46 : i32
        "tpu.region"() ({
          %run_scoped3A = tpu.sem_alloc : memref<!tpu.dma_semaphore, #tpu.memory_space<semaphore_mem>>
          %dma_start3A_53 = tpu.memref_slice %arg4[%add3A_47] : memref<323584xi32, #tpu.memory_space<hbm>> -> memref<128xi32, #tpu.memory_space<hbm>>
          %dma_start3A_54 = tpu.memref_slice %arg4[%add3A_47] : memref<323584xi32, #tpu.memory_space<hbm>> -> memref<128xi32, #tpu.memory_space<hbm>>
          tpu.enqueue_dma source(%dma_start3A_54 : memref<128xi32, #tpu.memory_space<hbm>>) target(%arg9 : memref<128xi32, #tpu.memory_space<vmem>>) target_semaphore(%run_scoped3A : memref<!tpu.dma_semaphore, #tpu.memory_space<semaphore_mem>>)
          %dma_wait3A_55 = tpu.memref_slice %arg4[%add3A_47] : memref<323584xi32, #tpu.memory_space<hbm>> -> memref<128xi32, #tpu.memory_space<hbm>>
          %dma_wait3A_56 = tpu.memref_slice %arg4[%add3A_47] : memref<323584xi32, #tpu.memory_space<hbm>> -> memref<128xi32, #tpu.memory_space<hbm>>
          tpu.wait_dma2 semaphore(%run_scoped3A : memref<!tpu.dma_semaphore, #tpu.memory_space<semaphore_mem>>) src(%dma_wait3A_56 : memref<128xi32, #tpu.memory_space<hbm>>) dst(%arg9 : memref<128xi32, #tpu.memory_space<vmem>>)
          tpu.yield
        }) : () -> ()
        "tpu.region"() ({
          %run_scoped3A = tpu.sem_alloc : memref<!tpu.dma_semaphore, #tpu.memory_space<semaphore_mem>>
          %dma_start3A_53 = tpu.memref_slice %arg5[%add3A_47] : memref<323584xi32, #tpu.memory_space<hbm>> -> memref<128xi32, #tpu.memory_space<hbm>>
          %dma_start3A_54 = tpu.memref_slice %arg5[%add3A_47] : memref<323584xi32, #tpu.memory_space<hbm>> -> memref<128xi32, #tpu.memory_space<hbm>>
          tpu.enqueue_dma source(%dma_start3A_54 : memref<128xi32, #tpu.memory_space<hbm>>) target(%arg10 : memref<128xi32, #tpu.memory_space<vmem>>) target_semaphore(%run_scoped3A : memref<!tpu.dma_semaphore, #tpu.memory_space<semaphore_mem>>)
          %dma_wait3A_55 = tpu.memref_slice %arg5[%add3A_47] : memref<323584xi32, #tpu.memory_space<hbm>> -> memref<128xi32, #tpu.memory_space<hbm>>
          %dma_wait3A_56 = tpu.memref_slice %arg5[%add3A_47] : memref<323584xi32, #tpu.memory_space<hbm>> -> memref<128xi32, #tpu.memory_space<hbm>>
          tpu.wait_dma2 semaphore(%run_scoped3A : memref<!tpu.dma_semaphore, #tpu.memory_space<semaphore_mem>>) src(%dma_wait3A_56 : memref<128xi32, #tpu.memory_space<hbm>>) dst(%arg10 : memref<128xi32, #tpu.memory_space<vmem>>)
          tpu.yield
        }) : () -> ()
        %dma_start3A = arith.constant 0 : i32
        %dma_start3A_48 = arith.constant 0 : i32
        %dma_start3A_49 = tpu.memref_slice %arg2[%dma_start3A, %dma_start3A_48] : memref<10000x96xf32, #tpu.memory_space<hbm>> -> memref<10000x96xf32, #tpu.memory_space<hbm>>
        tpu.enqueue_indirect_dma source(%dma_start3A_49 : memref<10000x96xf32, #tpu.memory_space<hbm>>) target(%arg11 : memref<128x96xf32, #tpu.memory_space<vmem>>) offsets(%arg9 : memref<128xi32, #tpu.memory_space<vmem>>) semaphore(%arg12 : memref<!tpu.dma_semaphore, #tpu.memory_space<semaphore_mem>>)
        %dma_wait3A = arith.constant 0 : i32
        %dma_wait3A_50 = arith.constant 0 : i32
        %dma_wait3A_51 = tpu.memref_slice %arg2[%dma_wait3A, %dma_wait3A_50] : memref<10000x96xf32, #tpu.memory_space<hbm>> -> memref<10000x96xf32, #tpu.memory_space<hbm>>
        tpu.wait_indirect_dma semaphore(%arg12 : memref<!tpu.dma_semaphore, #tpu.memory_space<semaphore_mem>>) src(%dma_wait3A_51 : memref<10000x96xf32, #tpu.memory_space<hbm>>) dst(%arg11 : memref<128x96xf32, #tpu.memory_space<vmem>>)
        "tpu.region"() ({
          %run_scoped3A = tpu.sem_alloc : memref<!tpu.dma_semaphore, #tpu.memory_space<semaphore_mem>>
          %dma_start3A_53 = arith.constant 0 : i32
          %dma_start3A_54 = arith.constant 0 : i32
          %dma_start3A_55 = tpu.memref_slice %arg8[%dma_start3A_53, %dma_start3A_54] : memref<10240x96xf32, #tpu.memory_space<vmem_shared>> -> memref<10240x96xf32, #tpu.memory_space<vmem_shared>>
          tpu.enqueue_indirect_dma source(%arg11 : memref<128x96xf32, #tpu.memory_space<vmem>>) target(%dma_start3A_55 : memref<10240x96xf32, #tpu.memory_space<vmem_shared>>) offsets(%arg10 : memref<128xi32, #tpu.memory_space<vmem>>) semaphore(%run_scoped3A : memref<!tpu.dma_semaphore, #tpu.memory_space<semaphore_mem>>) {add = true}
          %dma_wait3A_56 = arith.constant 0 : i32
          %dma_wait3A_57 = arith.constant 0 : i32
          %dma_wait3A_58 = tpu.memref_slice %arg8[%dma_wait3A_56, %dma_wait3A_57] : memref<10240x96xf32, #tpu.memory_space<vmem_shared>> -> memref<10240x96xf32, #tpu.memory_space<vmem_shared>>
          tpu.wait_indirect_dma semaphore(%run_scoped3A : memref<!tpu.dma_semaphore, #tpu.memory_space<semaphore_mem>>) src(%arg11 : memref<128x96xf32, #tpu.memory_space<vmem>>) dst(%dma_wait3A_58 : memref<10240x96xf32, #tpu.memory_space<vmem_shared>>)
          tpu.yield
        }) : () -> ()
        %scan3A_52 = arith.constant 0 : i32
        scf.yield %scan3A_52 : i32
      }
      %scan3A_42 = arith.constant 158 : i32
    } else {
    }
    %eq3A_20 = arith.constant 1 : i32
    %eq3A_21 = arith.cmpi eq, %arg0, %eq3A_20 : i32
    %convert_element_type3A_22 = arith.extui %eq3A_21 : i1 to i32
    %cond3A_23 = arith.constant 0 : i32
    %cond3A_24 = arith.cmpi ne, %convert_element_type3A_22, %cond3A_23 : i32
    scf.if %cond3A_24 {
      %scan3A_36 = arith.constant 0 : i32
      %scan3A_37 = arith.constant 0 : i32
      %scan3A_38 = arith.constant 158 : i32
      %scan3A_39 = arith.addi %scan3A_37, %scan3A_38 : i32
      %scan3A_40 = arith.constant 1 : i32
      %scan3A_41 = scf.for %scan3A_43 = %scan3A_37 to %scan3A_39 step %scan3A_40 iter_args(%scan3A_44 = %scan3A_36) -> (i32)  : i32 {
        %mul3A_45 = arith.constant 128 : i32
        %mul3A_46 = arith.muli %scan3A_43, %mul3A_45 : i32
        %add3A_47 = arith.addi %mul3A_17, %mul3A_46 : i32
        "tpu.region"() ({
          %run_scoped3A = tpu.sem_alloc : memref<!tpu.dma_semaphore, #tpu.memory_space<semaphore_mem>>
          %dma_start3A_53 = tpu.memref_slice %arg4[%add3A_47] : memref<323584xi32, #tpu.memory_space<hbm>> -> memref<128xi32, #tpu.memory_space<hbm>>
          %dma_start3A_54 = tpu.memref_slice %arg4[%add3A_47] : memref<323584xi32, #tpu.memory_space<hbm>> -> memref<128xi32, #tpu.memory_space<hbm>>
          tpu.enqueue_dma source(%dma_start3A_54 : memref<128xi32, #tpu.memory_space<hbm>>) target(%arg9 : memref<128xi32, #tpu.memory_space<vmem>>) target_semaphore(%run_scoped3A : memref<!tpu.dma_semaphore, #tpu.memory_space<semaphore_mem>>)
          %dma_wait3A_55 = tpu.memref_slice %arg4[%add3A_47] : memref<323584xi32, #tpu.memory_space<hbm>> -> memref<128xi32, #tpu.memory_space<hbm>>
          %dma_wait3A_56 = tpu.memref_slice %arg4[%add3A_47] : memref<323584xi32, #tpu.memory_space<hbm>> -> memref<128xi32, #tpu.memory_space<hbm>>
          tpu.wait_dma2 semaphore(%run_scoped3A : memref<!tpu.dma_semaphore, #tpu.memory_space<semaphore_mem>>) src(%dma_wait3A_56 : memref<128xi32, #tpu.memory_space<hbm>>) dst(%arg9 : memref<128xi32, #tpu.memory_space<vmem>>)
          tpu.yield
        }) : () -> ()
        "tpu.region"() ({
          %run_scoped3A = tpu.sem_alloc : memref<!tpu.dma_semaphore, #tpu.memory_space<semaphore_mem>>
          %dma_start3A_53 = tpu.memref_slice %arg5[%add3A_47] : memref<323584xi32, #tpu.memory_space<hbm>> -> memref<128xi32, #tpu.memory_space<hbm>>
          %dma_start3A_54 = tpu.memref_slice %arg5[%add3A_47] : memref<323584xi32, #tpu.memory_space<hbm>> -> memref<128xi32, #tpu.memory_space<hbm>>
          tpu.enqueue_dma source(%dma_start3A_54 : memref<128xi32, #tpu.memory_space<hbm>>) target(%arg10 : memref<128xi32, #tpu.memory_space<vmem>>) target_semaphore(%run_scoped3A : memref<!tpu.dma_semaphore, #tpu.memory_space<semaphore_mem>>)
          %dma_wait3A_55 = tpu.memref_slice %arg5[%add3A_47] : memref<323584xi32, #tpu.memory_space<hbm>> -> memref<128xi32, #tpu.memory_space<hbm>>
          %dma_wait3A_56 = tpu.memref_slice %arg5[%add3A_47] : memref<323584xi32, #tpu.memory_space<hbm>> -> memref<128xi32, #tpu.memory_space<hbm>>
          tpu.wait_dma2 semaphore(%run_scoped3A : memref<!tpu.dma_semaphore, #tpu.memory_space<semaphore_mem>>) src(%dma_wait3A_56 : memref<128xi32, #tpu.memory_space<hbm>>) dst(%arg10 : memref<128xi32, #tpu.memory_space<vmem>>)
          tpu.yield
        }) : () -> ()
        %dma_start3A = arith.constant 0 : i32
        %dma_start3A_48 = arith.constant 0 : i32
        %dma_start3A_49 = tpu.memref_slice %arg3[%dma_start3A, %dma_start3A_48] : memref<10000x96xf32, #tpu.memory_space<hbm>> -> memref<10000x96xf32, #tpu.memory_space<hbm>>
        tpu.enqueue_indirect_dma source(%dma_start3A_49 : memref<10000x96xf32, #tpu.memory_space<hbm>>) target(%arg11 : memref<128x96xf32, #tpu.memory_space<vmem>>) offsets(%arg9 : memref<128xi32, #tpu.memory_space<vmem>>) semaphore(%arg12 : memref<!tpu.dma_semaphore, #tpu.memory_space<semaphore_mem>>)
        %dma_wait3A = arith.constant 0 : i32
        %dma_wait3A_50 = arith.constant 0 : i32
        %dma_wait3A_51 = tpu.memref_slice %arg3[%dma_wait3A, %dma_wait3A_50] : memref<10000x96xf32, #tpu.memory_space<hbm>> -> memref<10000x96xf32, #tpu.memory_space<hbm>>
        tpu.wait_indirect_dma semaphore(%arg12 : memref<!tpu.dma_semaphore, #tpu.memory_space<semaphore_mem>>) src(%dma_wait3A_51 : memref<10000x96xf32, #tpu.memory_space<hbm>>) dst(%arg11 : memref<128x96xf32, #tpu.memory_space<vmem>>)
        "tpu.region"() ({
          %run_scoped3A = tpu.sem_alloc : memref<!tpu.dma_semaphore, #tpu.memory_space<semaphore_mem>>
          %dma_start3A_53 = arith.constant 0 : i32
          %dma_start3A_54 = arith.constant 0 : i32
          %dma_start3A_55 = tpu.memref_slice %arg8[%dma_start3A_53, %dma_start3A_54] : memref<10240x96xf32, #tpu.memory_space<vmem_shared>> -> memref<10240x96xf32, #tpu.memory_space<vmem_shared>>
          tpu.enqueue_indirect_dma source(%arg11 : memref<128x96xf32, #tpu.memory_space<vmem>>) target(%dma_start3A_55 : memref<10240x96xf32, #tpu.memory_space<vmem_shared>>) offsets(%arg10 : memref<128xi32, #tpu.memory_space<vmem>>) semaphore(%run_scoped3A : memref<!tpu.dma_semaphore, #tpu.memory_space<semaphore_mem>>) {add = true}
          %dma_wait3A_56 = arith.constant 0 : i32
          %dma_wait3A_57 = arith.constant 0 : i32
          %dma_wait3A_58 = tpu.memref_slice %arg8[%dma_wait3A_56, %dma_wait3A_57] : memref<10240x96xf32, #tpu.memory_space<vmem_shared>> -> memref<10240x96xf32, #tpu.memory_space<vmem_shared>>
          tpu.wait_indirect_dma semaphore(%run_scoped3A : memref<!tpu.dma_semaphore, #tpu.memory_space<semaphore_mem>>) src(%arg11 : memref<128x96xf32, #tpu.memory_space<vmem>>) dst(%dma_wait3A_58 : memref<10240x96xf32, #tpu.memory_space<vmem_shared>>)
          tpu.yield
        }) : () -> ()
        %scan3A_52 = arith.constant 0 : i32
        scf.yield %scan3A_52 : i32
      }
      %scan3A_42 = arith.constant 158 : i32
    } else {
    }
    %barrier3A_25 = arith.constant 0 : index
    tpu.barrier barrier_id(%barrier3A_25)
    %eq3A_26 = arith.constant 0 : i32
    %eq3A_27 = arith.cmpi eq, %arg0, %eq3A_26 : i32
    %convert_element_type3A_28 = arith.extui %eq3A_27 : i1 to i32
    %cond3A_29 = arith.constant 0 : i32
    %cond3A_30 = arith.cmpi ne, %convert_element_type3A_28, %cond3A_29 : i32
    scf.if %cond3A_30 {
      "tpu.region"() ({
        %run_scoped3A = tpu.sem_alloc : memref<!tpu.dma_semaphore, #tpu.memory_space<semaphore_mem>>
        %dma_start3A = arith.constant 0 : i32
        %dma_start3A_36 = tpu.memref_slice %arg6[%mul3A_6, %dma_start3A] : memref<10240x96xf32, #tpu.memory_space<hbm>> -> memref<640x96xf32, #tpu.memory_space<hbm>>
        %dma_start3A_37 = arith.constant 0 : i32
        %dma_start3A_38 = tpu.memref_slice %arg8[%mul3A_6, %dma_start3A_37] : memref<10240x96xf32, #tpu.memory_space<vmem_shared>> -> memref<640x96xf32, #tpu.memory_space<vmem_shared>>
        tpu.enqueue_dma source(%dma_start3A_38 : memref<640x96xf32, #tpu.memory_space<vmem_shared>>) target(%dma_start3A_36 : memref<640x96xf32, #tpu.memory_space<hbm>>) target_semaphore(%run_scoped3A : memref<!tpu.dma_semaphore, #tpu.memory_space<semaphore_mem>>)
        %dma_wait3A = arith.constant 0 : i32
        %dma_wait3A_39 = tpu.memref_slice %arg6[%mul3A_6, %dma_wait3A] : memref<10240x96xf32, #tpu.memory_space<hbm>> -> memref<640x96xf32, #tpu.memory_space<hbm>>
        %dma_wait3A_40 = arith.constant 0 : i32
        %dma_wait3A_41 = tpu.memref_slice %arg8[%mul3A_6, %dma_wait3A_40] : memref<10240x96xf32, #tpu.memory_space<vmem_shared>> -> memref<640x96xf32, #tpu.memory_space<vmem_shared>>
        tpu.wait_dma2 semaphore(%run_scoped3A : memref<!tpu.dma_semaphore, #tpu.memory_space<semaphore_mem>>) src(%dma_wait3A_41 : memref<640x96xf32, #tpu.memory_space<vmem_shared>>) dst(%dma_wait3A_39 : memref<640x96xf32, #tpu.memory_space<hbm>>)
        tpu.yield
      }) : () -> ()
    } else {
    }
    %eq3A_31 = arith.constant 1 : i32
    %eq3A_32 = arith.cmpi eq, %arg0, %eq3A_31 : i32
    %convert_element_type3A_33 = arith.extui %eq3A_32 : i1 to i32
    %cond3A_34 = arith.constant 0 : i32
    %cond3A_35 = arith.cmpi ne, %convert_element_type3A_33, %cond3A_34 : i32
    scf.if %cond3A_35 {
      "tpu.region"() ({
        %run_scoped3A = tpu.sem_alloc : memref<!tpu.dma_semaphore, #tpu.memory_space<semaphore_mem>>
        %dma_start3A = arith.constant 0 : i32
        %dma_start3A_36 = tpu.memref_slice %arg7[%mul3A_6, %dma_start3A] : memref<10240x96xf32, #tpu.memory_space<hbm>> -> memref<640x96xf32, #tpu.memory_space<hbm>>
        %dma_start3A_37 = arith.constant 0 : i32
        %dma_start3A_38 = tpu.memref_slice %arg8[%mul3A_6, %dma_start3A_37] : memref<10240x96xf32, #tpu.memory_space<vmem_shared>> -> memref<640x96xf32, #tpu.memory_space<vmem_shared>>
        tpu.enqueue_dma source(%dma_start3A_38 : memref<640x96xf32, #tpu.memory_space<vmem_shared>>) target(%dma_start3A_36 : memref<640x96xf32, #tpu.memory_space<hbm>>) target_semaphore(%run_scoped3A : memref<!tpu.dma_semaphore, #tpu.memory_space<semaphore_mem>>)
        %dma_wait3A = arith.constant 0 : i32
        %dma_wait3A_39 = tpu.memref_slice %arg7[%mul3A_6, %dma_wait3A] : memref<10240x96xf32, #tpu.memory_space<hbm>> -> memref<640x96xf32, #tpu.memory_space<hbm>>
        %dma_wait3A_40 = arith.constant 0 : i32
        %dma_wait3A_41 = tpu.memref_slice %arg8[%mul3A_6, %dma_wait3A_40] : memref<10240x96xf32, #tpu.memory_space<vmem_shared>> -> memref<640x96xf32, #tpu.memory_space<vmem_shared>>
        tpu.wait_dma2 semaphore(%run_scoped3A : memref<!tpu.dma_semaphore, #tpu.memory_space<semaphore_mem>>) src(%dma_wait3A_41 : memref<640x96xf32, #tpu.memory_space<vmem_shared>>) dst(%dma_wait3A_39 : memref<640x96xf32, #tpu.memory_space<hbm>>)
        tpu.yield
      }) : () -> ()
    } else {
    }
    return
  }
}

#map = affine_map<(d0, d1) -> (0, 0)>
#map1 = affine_map<(d0, d1) -> (0)>
module attributes {stable_mosaic.version = 14 : i64} {
  func.func @spmm(%arg0: i32, %arg1: i32, %arg2: memref<10000x96xf32, #tpu.memory_space<hbm>>, %arg3: memref<10000x96xf32, #tpu.memory_space<hbm>>, %arg4: memref<323584xi32, #tpu.memory_space<hbm>>, %arg5: memref<323584xi32, #tpu.memory_space<hbm>>, %arg6: memref<10240x96xf32, #tpu.memory_space<hbm>>, %arg7: memref<10240x96xf32, #tpu.memory_space<hbm>>, %arg8: memref<10240x96xf32, #tpu.memory_space<vmem_shared>>, %arg9: memref<128xi32, #tpu.memory_space<vmem>>, %arg10: memref<128xi32, #tpu.memory_space<vmem>>, %arg11: memref<128x96xf32, #tpu.memory_space<vmem>>, %arg12: memref<!tpu.dma_semaphore, #tpu.memory_space<semaphore_mem>>) attributes {dimension_semantics = [#tpu.dimension_semantics<core_parallel>, #tpu.dimension_semantics<subcore_parallel>], iteration_bounds = array<i64: 2, 16>, scalar_prefetch = 0 : i64, scratch_operands = 5 : i64, tpu.core_type = #tpu.core_type<sc_vector_subcore>, window_params = [{transform_indices = #map}, {transform_indices = #map}, {transform_indices = #map1}, {transform_indices = #map1}, {transform_indices = #map}, {transform_indices = #map}]} {
    %scan3A = arith.constant 0 : i32
    %scan3A_0 = arith.constant 0 : i32
    %scan3A_1 = arith.constant 768 : i32
    %scan3A_2 = arith.addi %scan3A_0, %scan3A_1 : i32
    %scan3A_3 = arith.constant 1 : i32
    %scan3A_4 = scf.for %scan3A_36 = %scan3A_0 to %scan3A_2 step %scan3A_3 iter_args(%scan3A_37 = %scan3A) -> (i32)  : i32 {
      %broadcast_in_dim3A = arith.constant 0.000000e+00 : f32
      %broadcast_in_dim3A_38 = vector.broadcast %broadcast_in_dim3A : f32 to vector<16xf32>
      %jit3A = arith.constant 6 : i32
      %div3A = arith.divsi %scan3A_36, %jit3A : i32
      %sign3A = arith.constant 0 : i32
      %sign3A_39 = arith.cmpi sgt, %scan3A_36, %sign3A : i32
      %sign3A_40 = arith.extui %sign3A_39 : i1 to i32
      %sign3A_41 = arith.constant 0 : i32
      %sign3A_42 = arith.cmpi slt, %scan3A_36, %sign3A_41 : i32
      %sign3A_43 = arith.extui %sign3A_42 : i1 to i32
      %sign3A_44 = arith.subi %sign3A_40, %sign3A_43 : i32
      %sign3A_45 = arith.constant 0 : i32
      %sign3A_46 = arith.cmpi sgt, %jit3A, %sign3A_45 : i32
      %sign3A_47 = arith.extui %sign3A_46 : i1 to i32
      %sign3A_48 = arith.constant 0 : i32
      %sign3A_49 = arith.cmpi slt, %jit3A, %sign3A_48 : i32
      %sign3A_50 = arith.extui %sign3A_49 : i1 to i32
      %sign3A_51 = arith.subi %sign3A_47, %sign3A_50 : i32
      %ne3A = arith.cmpi ne, %sign3A_44, %sign3A_51 : i32
      %rem3A = arith.remsi %scan3A_36, %jit3A : i32
      %ne3A_52 = arith.constant 0 : i32
      %ne3A_53 = arith.cmpi ne, %rem3A, %ne3A_52 : i32
      %and3A = arith.andi %ne3A, %ne3A_53 : i1
      %sub3A = arith.constant 1 : i32
      %sub3A_54 = arith.subi %div3A, %sub3A : i32
      %select_n3A = arith.select %and3A, %sub3A_54, %div3A : i32
      %jit3A_55 = arith.constant 6 : i32
      %eq3A_56 = arith.constant 0 : i32
      %eq3A_57 = arith.cmpi eq, %jit3A_55, %eq3A_56 : i32
      %jit3A_58 = arith.constant 1 : i32
      %select_n3A_59 = arith.select %eq3A_57, %jit3A_58, %jit3A_55 : i32
      %rem3A_60 = arith.remsi %scan3A_36, %select_n3A_59 : i32
      %ne3A_61 = arith.constant 0 : i32
      %ne3A_62 = arith.cmpi ne, %rem3A_60, %ne3A_61 : i32
      %lt3A = arith.constant 0 : i32
      %lt3A_63 = arith.cmpi slt, %rem3A_60, %lt3A : i32
      %lt3A_64 = arith.constant 0 : i32
      %lt3A_65 = arith.cmpi slt, %select_n3A_59, %lt3A_64 : i32
      %ne3A_66 = arith.xori %lt3A_63, %lt3A_65 : i1
      %and3A_67 = arith.andi %ne3A_66, %ne3A_62 : i1
      %add3A_68 = arith.addi %rem3A_60, %select_n3A_59 : i32
      %select_n3A_69 = arith.select %and3A_67, %add3A_68, %rem3A_60 : i32
      %mul3A_70 = arith.constant 16 : i32
      %mul3A_71 = arith.muli %select_n3A_69, %mul3A_70 : i32
      %swap3A = arith.index_cast %select_n3A : i32 to index
      %swap3A_72 = arith.index_cast %mul3A_71 : i32 to index
      %swap3A_73 = tpu.vector_load %arg11[%swap3A, %swap3A_72] {strides = array<i32>} : memref<128x96xf32, #tpu.memory_space<vmem>>, vector<1x16xf32>,
      %swap3A_74 = vector.shape_cast %swap3A_73 : vector<1x16xf32> to vector<16xf32>
      %swap3A_75 = vector.shape_cast %broadcast_in_dim3A_38 : vector<16xf32> to vector<1x16xf32>
      tpu.vector_store %arg11[%swap3A, %swap3A_72], %swap3A_75 {strides = array<i32>} : memref<128x96xf32, #tpu.memory_space<vmem>>, vector<1x16xf32>,
      %scan3A_76 = arith.constant 0 : i32
      scf.yield %scan3A_76 : i32
    }
    %scan3A_5 = arith.constant 768 : i32
    %mul3A = arith.constant 640 : i32
    %mul3A_6 = arith.muli %arg1, %mul3A : i32
    %add3A = arith.constant 0 : i32
    %add3A_7 = arith.addi %mul3A_6, %add3A : i32
    "tpu.region"() ({
      %run_scoped3A = tpu.sem_alloc : memref<!tpu.dma_semaphore, #tpu.memory_space<semaphore_mem>>
      %dma_start3A = arith.constant 0 : i32
      %dma_start3A_36 = tpu.memref_slice %arg8[%add3A_7, %dma_start3A] : memref<10240x96xf32, #tpu.memory_space<vmem_shared>> -> memref<128x96xf32, #tpu.memory_space<vmem_shared>>
      %dma_start3A_37 = arith.constant 0 : i32
      %dma_start3A_38 = tpu.memref_slice %arg8[%add3A_7, %dma_start3A_37] : memref<10240x96xf32, #tpu.memory_space<vmem_shared>> -> memref<128x96xf32, #tpu.memory_space<vmem_shared>>
      tpu.enqueue_dma source(%arg11 : memref<128x96xf32, #tpu.memory_space<vmem>>) target(%dma_start3A_38 : memref<128x96xf32, #tpu.memory_space<vmem_shared>>) target_semaphore(%run_scoped3A : memref<!tpu.dma_semaphore, #tpu.memory_space<semaphore_mem>>)
      %dma_wait3A = arith.constant 0 : i32
      %dma_wait3A_39 = tpu.memref_slice %arg8[%add3A_7, %dma_wait3A] : memref<10240x96xf32, #tpu.memory_space<vmem_shared>> -> memref<128x96xf32, #tpu.memory_space<vmem_shared>>
      %dma_wait3A_40 = arith.constant 0 : i32
      %dma_wait3A_41 = tpu.memref_slice %arg8[%add3A_7, %dma_wait3A_40] : memref<10240x96xf32, #tpu.memory_space<vmem_shared>> -> memref<128x96xf32, #tpu.memory_space<vmem_shared>>
      tpu.wait_dma2 semaphore(%run_scoped3A : memref<!tpu.dma_semaphore, #tpu.memory_space<semaphore_mem>>) src(%arg11 : memref<128x96xf32, #tpu.memory_space<vmem>>) dst(%dma_wait3A_41 : memref<128x96xf32, #tpu.memory_space<vmem_shared>>)
      tpu.yield
    }) : () -> ()
    %add3A_8 = arith.constant 128 : i32
    %add3A_9 = arith.addi %mul3A_6, %add3A_8 : i32
    "tpu.region"() ({
      %run_scoped3A = tpu.sem_alloc : memref<!tpu.dma_semaphore, #tpu.memory_space<semaphore_mem>>
      %dma_start3A = arith.constant 0 : i32
      %dma_start3A_36 = tpu.memref_slice %arg8[%add3A_9, %dma_start3A] : memref<10240x96xf32, #tpu.memory_space<vmem_shared>> -> memref<128x96xf32, #tpu.memory_space<vmem_shared>>
      %dma_start3A_37 = arith.constant 0 : i32
      %dma_start3A_38 = tpu.memref_slice %arg8[%add3A_9, %dma_start3A_37] : memref<10240x96xf32, #tpu.memory_space<vmem_shared>> -> memref<128x96xf32, #tpu.memory_space<vmem_shared>>
      tpu.enqueue_dma source(%arg11 : memref<128x96xf32, #tpu.memory_space<vmem>>) target(%dma_start3A_38 : memref<128x96xf32, #tpu.memory_space<vmem_shared>>) target_semaphore(%run_scoped3A : memref<!tpu.dma_semaphore, #tpu.memory_space<semaphore_mem>>)
      %dma_wait3A = arith.constant 0 : i32
      %dma_wait3A_39 = tpu.memref_slice %arg8[%add3A_9, %dma_wait3A] : memref<10240x96xf32, #tpu.memory_space<vmem_shared>> -> memref<128x96xf32, #tpu.memory_space<vmem_shared>>
      %dma_wait3A_40 = arith.constant 0 : i32
      %dma_wait3A_41 = tpu.memref_slice %arg8[%add3A_9, %dma_wait3A_40] : memref<10240x96xf32, #tpu.memory_space<vmem_shared>> -> memref<128x96xf32, #tpu.memory_space<vmem_shared>>
      tpu.wait_dma2 semaphore(%run_scoped3A : memref<!tpu.dma_semaphore, #tpu.memory_space<semaphore_mem>>) src(%arg11 : memref<128x96xf32, #tpu.memory_space<vmem>>) dst(%dma_wait3A_41 : memref<128x96xf32, #tpu.memory_space<vmem_shared>>)
      tpu.yield
    }) : () -> ()
    %add3A_10 = arith.constant 256 : i32
    %add3A_11 = arith.addi %mul3A_6, %add3A_10 : i32
    "tpu.region"() ({
      %run_scoped3A = tpu.sem_alloc : memref<!tpu.dma_semaphore, #tpu.memory_space<semaphore_mem>>
      %dma_start3A = arith.constant 0 : i32
      %dma_start3A_36 = tpu.memref_slice %arg8[%add3A_11, %dma_start3A] : memref<10240x96xf32, #tpu.memory_space<vmem_shared>> -> memref<128x96xf32, #tpu.memory_space<vmem_shared>>
      %dma_start3A_37 = arith.constant 0 : i32
      %dma_start3A_38 = tpu.memref_slice %arg8[%add3A_11, %dma_start3A_37] : memref<10240x96xf32, #tpu.memory_space<vmem_shared>> -> memref<128x96xf32, #tpu.memory_space<vmem_shared>>
      tpu.enqueue_dma source(%arg11 : memref<128x96xf32, #tpu.memory_space<vmem>>) target(%dma_start3A_38 : memref<128x96xf32, #tpu.memory_space<vmem_shared>>) target_semaphore(%run_scoped3A : memref<!tpu.dma_semaphore, #tpu.memory_space<semaphore_mem>>)
      %dma_wait3A = arith.constant 0 : i32
      %dma_wait3A_39 = tpu.memref_slice %arg8[%add3A_11, %dma_wait3A] : memref<10240x96xf32, #tpu.memory_space<vmem_shared>> -> memref<128x96xf32, #tpu.memory_space<vmem_shared>>
      %dma_wait3A_40 = arith.constant 0 : i32
      %dma_wait3A_41 = tpu.memref_slice %arg8[%add3A_11, %dma_wait3A_40] : memref<10240x96xf32, #tpu.memory_space<vmem_shared>> -> memref<128x96xf32, #tpu.memory_space<vmem_shared>>
      tpu.wait_dma2 semaphore(%run_scoped3A : memref<!tpu.dma_semaphore, #tpu.memory_space<semaphore_mem>>) src(%arg11 : memref<128x96xf32, #tpu.memory_space<vmem>>) dst(%dma_wait3A_41 : memref<128x96xf32, #tpu.memory_space<vmem_shared>>)
      tpu.yield
    }) : () -> ()
    %add3A_12 = arith.constant 384 : i32
    %add3A_13 = arith.addi %mul3A_6, %add3A_12 : i32
    "tpu.region"() ({
      %run_scoped3A = tpu.sem_alloc : memref<!tpu.dma_semaphore, #tpu.memory_space<semaphore_mem>>
      %dma_start3A = arith.constant 0 : i32
      %dma_start3A_36 = tpu.memref_slice %arg8[%add3A_13, %dma_start3A] : memref<10240x96xf32, #tpu.memory_space<vmem_shared>> -> memref<128x96xf32, #tpu.memory_space<vmem_shared>>
      %dma_start3A_37 = arith.constant 0 : i32
      %dma_start3A_38 = tpu.memref_slice %arg8[%add3A_13, %dma_start3A_37] : memref<10240x96xf32, #tpu.memory_space<vmem_shared>> -> memref<128x96xf32, #tpu.memory_space<vmem_shared>>
      tpu.enqueue_dma source(%arg11 : memref<128x96xf32, #tpu.memory_space<vmem>>) target(%dma_start3A_38 : memref<128x96xf32, #tpu.memory_space<vmem_shared>>) target_semaphore(%run_scoped3A : memref<!tpu.dma_semaphore, #tpu.memory_space<semaphore_mem>>)
      %dma_wait3A = arith.constant 0 : i32
      %dma_wait3A_39 = tpu.memref_slice %arg8[%add3A_13, %dma_wait3A] : memref<10240x96xf32, #tpu.memory_space<vmem_shared>> -> memref<128x96xf32, #tpu.memory_space<vmem_shared>>
      %dma_wait3A_40 = arith.constant 0 : i32
      %dma_wait3A_41 = tpu.memref_slice %arg8[%add3A_13, %dma_wait3A_40] : memref<10240x96xf32, #tpu.memory_space<vmem_shared>> -> memref<128x96xf32, #tpu.memory_space<vmem_shared>>
      tpu.wait_dma2 semaphore(%run_scoped3A : memref<!tpu.dma_semaphore, #tpu.memory_space<semaphore_mem>>) src(%arg11 : memref<128x96xf32, #tpu.memory_space<vmem>>) dst(%dma_wait3A_41 : memref<128x96xf32, #tpu.memory_space<vmem_shared>>)
      tpu.yield
    }) : () -> ()
    %add3A_14 = arith.constant 512 : i32
    %add3A_15 = arith.addi %mul3A_6, %add3A_14 : i32
    "tpu.region"() ({
      %run_scoped3A = tpu.sem_alloc : memref<!tpu.dma_semaphore, #tpu.memory_space<semaphore_mem>>
      %dma_start3A = arith.constant 0 : i32
      %dma_start3A_36 = tpu.memref_slice %arg8[%add3A_15, %dma_start3A] : memref<10240x96xf32, #tpu.memory_space<vmem_shared>> -> memref<128x96xf32, #tpu.memory_space<vmem_shared>>
      %dma_start3A_37 = arith.constant 0 : i32
      %dma_start3A_38 = tpu.memref_slice %arg8[%add3A_15, %dma_start3A_37] : memref<10240x96xf32, #tpu.memory_space<vmem_shared>> -> memref<128x96xf32, #tpu.memory_space<vmem_shared>>
      tpu.enqueue_dma source(%arg11 : memref<128x96xf32, #tpu.memory_space<vmem>>) target(%dma_start3A_38 : memref<128x96xf32, #tpu.memory_space<vmem_shared>>) target_semaphore(%run_scoped3A : memref<!tpu.dma_semaphore, #tpu.memory_space<semaphore_mem>>)
      %dma_wait3A = arith.constant 0 : i32
      %dma_wait3A_39 = tpu.memref_slice %arg8[%add3A_15, %dma_wait3A] : memref<10240x96xf32, #tpu.memory_space<vmem_shared>> -> memref<128x96xf32, #tpu.memory_space<vmem_shared>>
      %dma_wait3A_40 = arith.constant 0 : i32
      %dma_wait3A_41 = tpu.memref_slice %arg8[%add3A_15, %dma_wait3A_40] : memref<10240x96xf32, #tpu.memory_space<vmem_shared>> -> memref<128x96xf32, #tpu.memory_space<vmem_shared>>
      tpu.wait_dma2 semaphore(%run_scoped3A : memref<!tpu.dma_semaphore, #tpu.memory_space<semaphore_mem>>) src(%arg11 : memref<128x96xf32, #tpu.memory_space<vmem>>) dst(%dma_wait3A_41 : memref<128x96xf32, #tpu.memory_space<vmem_shared>>)
      tpu.yield
    }) : () -> ()
    %barrier3A = arith.constant 0 : index
    tpu.barrier barrier_id(%barrier3A)
    %mul3A_16 = arith.constant 20224 : i32
    %mul3A_17 = arith.muli %arg1, %mul3A_16 : i32
    %eq3A = arith.constant 0 : i32
    %eq3A_18 = arith.cmpi eq, %arg0, %eq3A : i32
    %convert_element_type3A = arith.extui %eq3A_18 : i1 to i32
    %cond3A = arith.constant 0 : i32
    %cond3A_19 = arith.cmpi ne, %convert_element_type3A, %cond3A : i32
    scf.if %cond3A_19 {
      %scan3A_36 = arith.constant 0 : i32
      %scan3A_37 = arith.constant 0 : i32
      %scan3A_38 = arith.constant 158 : i32
      %scan3A_39 = arith.addi %scan3A_37, %scan3A_38 : i32
      %scan3A_40 = arith.constant 1 : i32
      %scan3A_41 = scf.for %scan3A_43 = %scan3A_37 to %scan3A_39 step %scan3A_40 iter_args(%scan3A_44 = %scan3A_36) -> (i32)  : i32 {
        %mul3A_45 = arith.constant 128 : i32
        %mul3A_46 = arith.muli %scan3A_43, %mul3A_45 : i32
        %add3A_47 = arith.addi %mul3A_17, %mul3A_46 : i32
        "tpu.region"() ({
          %run_scoped3A = tpu.sem_alloc : memref<!tpu.dma_semaphore, #tpu.memory_space<semaphore_mem>>
          %dma_start3A_53 = tpu.memref_slice %arg4[%add3A_47] : memref<323584xi32, #tpu.memory_space<hbm>> -> memref<128xi32, #tpu.memory_space<hbm>>
          %dma_start3A_54 = tpu.memref_slice %arg4[%add3A_47] : memref<323584xi32, #tpu.memory_space<hbm>> -> memref<128xi32, #tpu.memory_space<hbm>>
          tpu.enqueue_dma source(%dma_start3A_54 : memref<128xi32, #tpu.memory_space<hbm>>) target(%arg9 : memref<128xi32, #tpu.memory_space<vmem>>) target_semaphore(%run_scoped3A : memref<!tpu.dma_semaphore, #tpu.memory_space<semaphore_mem>>)
          %dma_wait3A_55 = tpu.memref_slice %arg4[%add3A_47] : memref<323584xi32, #tpu.memory_space<hbm>> -> memref<128xi32, #tpu.memory_space<hbm>>
          %dma_wait3A_56 = tpu.memref_slice %arg4[%add3A_47] : memref<323584xi32, #tpu.memory_space<hbm>> -> memref<128xi32, #tpu.memory_space<hbm>>
          tpu.wait_dma2 semaphore(%run_scoped3A : memref<!tpu.dma_semaphore, #tpu.memory_space<semaphore_mem>>) src(%dma_wait3A_56 : memref<128xi32, #tpu.memory_space<hbm>>) dst(%arg9 : memref<128xi32, #tpu.memory_space<vmem>>)
          tpu.yield
        }) : () -> ()
        "tpu.region"() ({
          %run_scoped3A = tpu.sem_alloc : memref<!tpu.dma_semaphore, #tpu.memory_space<semaphore_mem>>
          %dma_start3A_53 = tpu.memref_slice %arg5[%add3A_47] : memref<323584xi32, #tpu.memory_space<hbm>> -> memref<128xi32, #tpu.memory_space<hbm>>
          %dma_start3A_54 = tpu.memref_slice %arg5[%add3A_47] : memref<323584xi32, #tpu.memory_space<hbm>> -> memref<128xi32, #tpu.memory_space<hbm>>
          tpu.enqueue_dma source(%dma_start3A_54 : memref<128xi32, #tpu.memory_space<hbm>>) target(%arg10 : memref<128xi32, #tpu.memory_space<vmem>>) target_semaphore(%run_scoped3A : memref<!tpu.dma_semaphore, #tpu.memory_space<semaphore_mem>>)
          %dma_wait3A_55 = tpu.memref_slice %arg5[%add3A_47] : memref<323584xi32, #tpu.memory_space<hbm>> -> memref<128xi32, #tpu.memory_space<hbm>>
          %dma_wait3A_56 = tpu.memref_slice %arg5[%add3A_47] : memref<323584xi32, #tpu.memory_space<hbm>> -> memref<128xi32, #tpu.memory_space<hbm>>
          tpu.wait_dma2 semaphore(%run_scoped3A : memref<!tpu.dma_semaphore, #tpu.memory_space<semaphore_mem>>) src(%dma_wait3A_56 : memref<128xi32, #tpu.memory_space<hbm>>) dst(%arg10 : memref<128xi32, #tpu.memory_space<vmem>>)
          tpu.yield
        }) : () -> ()
        %dma_start3A = arith.constant 0 : i32
        %dma_start3A_48 = arith.constant 0 : i32
        %dma_start3A_49 = tpu.memref_slice %arg2[%dma_start3A, %dma_start3A_48] : memref<10000x96xf32, #tpu.memory_space<hbm>> -> memref<10000x96xf32, #tpu.memory_space<hbm>>
        tpu.enqueue_indirect_dma source(%dma_start3A_49 : memref<10000x96xf32, #tpu.memory_space<hbm>>) target(%arg11 : memref<128x96xf32, #tpu.memory_space<vmem>>) offsets(%arg9 : memref<128xi32, #tpu.memory_space<vmem>>) semaphore(%arg12 : memref<!tpu.dma_semaphore, #tpu.memory_space<semaphore_mem>>)
        %dma_wait3A = arith.constant 0 : i32
        %dma_wait3A_50 = arith.constant 0 : i32
        %dma_wait3A_51 = tpu.memref_slice %arg2[%dma_wait3A, %dma_wait3A_50] : memref<10000x96xf32, #tpu.memory_space<hbm>> -> memref<10000x96xf32, #tpu.memory_space<hbm>>
        tpu.wait_indirect_dma semaphore(%arg12 : memref<!tpu.dma_semaphore, #tpu.memory_space<semaphore_mem>>) src(%dma_wait3A_51 : memref<10000x96xf32, #tpu.memory_space<hbm>>) dst(%arg11 : memref<128x96xf32, #tpu.memory_space<vmem>>)
        "tpu.region"() ({
          %run_scoped3A = tpu.sem_alloc : memref<!tpu.dma_semaphore, #tpu.memory_space<semaphore_mem>>
          %dma_start3A_53 = arith.constant 0 : i32
          %dma_start3A_54 = arith.constant 0 : i32
          %dma_start3A_55 = tpu.memref_slice %arg8[%dma_start3A_53, %dma_start3A_54] : memref<10240x96xf32, #tpu.memory_space<vmem_shared>> -> memref<10240x96xf32, #tpu.memory_space<vmem_shared>>
          tpu.enqueue_indirect_dma source(%arg11 : memref<128x96xf32, #tpu.memory_space<vmem>>) target(%dma_start3A_55 : memref<10240x96xf32, #tpu.memory_space<vmem_shared>>) offsets(%arg10 : memref<128xi32, #tpu.memory_space<vmem>>) semaphore(%run_scoped3A : memref<!tpu.dma_semaphore, #tpu.memory_space<semaphore_mem>>) {add = true}
          %dma_wait3A_56 = arith.constant 0 : i32
          %dma_wait3A_57 = arith.constant 0 : i32
          %dma_wait3A_58 = tpu.memref_slice %arg8[%dma_wait3A_56, %dma_wait3A_57] : memref<10240x96xf32, #tpu.memory_space<vmem_shared>> -> memref<10240x96xf32, #tpu.memory_space<vmem_shared>>
          tpu.wait_indirect_dma semaphore(%run_scoped3A : memref<!tpu.dma_semaphore, #tpu.memory_space<semaphore_mem>>) src(%arg11 : memref<128x96xf32, #tpu.memory_space<vmem>>) dst(%dma_wait3A_58 : memref<10240x96xf32, #tpu.memory_space<vmem_shared>>)
          tpu.yield
        }) : () -> ()
        %scan3A_52 = arith.constant 0 : i32
        scf.yield %scan3A_52 : i32
      }
      %scan3A_42 = arith.constant 158 : i32
    } else {
    }
    %eq3A_20 = arith.constant 1 : i32
    %eq3A_21 = arith.cmpi eq, %arg0, %eq3A_20 : i32
    %convert_element_type3A_22 = arith.extui %eq3A_21 : i1 to i32
    %cond3A_23 = arith.constant 0 : i32
    %cond3A_24 = arith.cmpi ne, %convert_element_type3A_22, %cond3A_23 : i32
    scf.if %cond3A_24 {
      %scan3A_36 = arith.constant 0 : i32
      %scan3A_37 = arith.constant 0 : i32
      %scan3A_38 = arith.constant 158 : i32
      %scan3A_39 = arith.addi %scan3A_37, %scan3A_38 : i32
      %scan3A_40 = arith.constant 1 : i32
      %scan3A_41 = scf.for %scan3A_43 = %scan3A_37 to %scan3A_39 step %scan3A_40 iter_args(%scan3A_44 = %scan3A_36) -> (i32)  : i32 {
        %mul3A_45 = arith.constant 128 : i32
        %mul3A_46 = arith.muli %scan3A_43, %mul3A_45 : i32
        %add3A_47 = arith.addi %mul3A_17, %mul3A_46 : i32
        "tpu.region"() ({
          %run_scoped3A = tpu.sem_alloc : memref<!tpu.dma_semaphore, #tpu.memory_space<semaphore_mem>>
          %dma_start3A_53 = tpu.memref_slice %arg4[%add3A_47] : memref<323584xi32, #tpu.memory_space<hbm>> -> memref<128xi32, #tpu.memory_space<hbm>>
          %dma_start3A_54 = tpu.memref_slice %arg4[%add3A_47] : memref<323584xi32, #tpu.memory_space<hbm>> -> memref<128xi32, #tpu.memory_space<hbm>>
          tpu.enqueue_dma source(%dma_start3A_54 : memref<128xi32, #tpu.memory_space<hbm>>) target(%arg9 : memref<128xi32, #tpu.memory_space<vmem>>) target_semaphore(%run_scoped3A : memref<!tpu.dma_semaphore, #tpu.memory_space<semaphore_mem>>)
          %dma_wait3A_55 = tpu.memref_slice %arg4[%add3A_47] : memref<323584xi32, #tpu.memory_space<hbm>> -> memref<128xi32, #tpu.memory_space<hbm>>
          %dma_wait3A_56 = tpu.memref_slice %arg4[%add3A_47] : memref<323584xi32, #tpu.memory_space<hbm>> -> memref<128xi32, #tpu.memory_space<hbm>>
          tpu.wait_dma2 semaphore(%run_scoped3A : memref<!tpu.dma_semaphore, #tpu.memory_space<semaphore_mem>>) src(%dma_wait3A_56 : memref<128xi32, #tpu.memory_space<hbm>>) dst(%arg9 : memref<128xi32, #tpu.memory_space<vmem>>)
          tpu.yield
        }) : () -> ()
        "tpu.region"() ({
          %run_scoped3A = tpu.sem_alloc : memref<!tpu.dma_semaphore, #tpu.memory_space<semaphore_mem>>
          %dma_start3A_53 = tpu.memref_slice %arg5[%add3A_47] : memref<323584xi32, #tpu.memory_space<hbm>> -> memref<128xi32, #tpu.memory_space<hbm>>
          %dma_start3A_54 = tpu.memref_slice %arg5[%add3A_47] : memref<323584xi32, #tpu.memory_space<hbm>> -> memref<128xi32, #tpu.memory_space<hbm>>
          tpu.enqueue_dma source(%dma_start3A_54 : memref<128xi32, #tpu.memory_space<hbm>>) target(%arg10 : memref<128xi32, #tpu.memory_space<vmem>>) target_semaphore(%run_scoped3A : memref<!tpu.dma_semaphore, #tpu.memory_space<semaphore_mem>>)
          %dma_wait3A_55 = tpu.memref_slice %arg5[%add3A_47] : memref<323584xi32, #tpu.memory_space<hbm>> -> memref<128xi32, #tpu.memory_space<hbm>>
          %dma_wait3A_56 = tpu.memref_slice %arg5[%add3A_47] : memref<323584xi32, #tpu.memory_space<hbm>> -> memref<128xi32, #tpu.memory_space<hbm>>
          tpu.wait_dma2 semaphore(%run_scoped3A : memref<!tpu.dma_semaphore, #tpu.memory_space<semaphore_mem>>) src(%dma_wait3A_56 : memref<128xi32, #tpu.memory_space<hbm>>) dst(%arg10 : memref<128xi32, #tpu.memory_space<vmem>>)
          tpu.yield
        }) : () -> ()
        %dma_start3A = arith.constant 0 : i32
        %dma_start3A_48 = arith.constant 0 : i32
        %dma_start3A_49 = tpu.memref_slice %arg3[%dma_start3A, %dma_start3A_48] : memref<10000x96xf32, #tpu.memory_space<hbm>> -> memref<10000x96xf32, #tpu.memory_space<hbm>>
        tpu.enqueue_indirect_dma source(%dma_start3A_49 : memref<10000x96xf32, #tpu.memory_space<hbm>>) target(%arg11 : memref<128x96xf32, #tpu.memory_space<vmem>>) offsets(%arg9 : memref<128xi32, #tpu.memory_space<vmem>>) semaphore(%arg12 : memref<!tpu.dma_semaphore, #tpu.memory_space<semaphore_mem>>)
        %dma_wait3A = arith.constant 0 : i32
        %dma_wait3A_50 = arith.constant 0 : i32
        %dma_wait3A_51 = tpu.memref_slice %arg3[%dma_wait3A, %dma_wait3A_50] : memref<10000x96xf32, #tpu.memory_space<hbm>> -> memref<10000x96xf32, #tpu.memory_space<hbm>>
        tpu.wait_indirect_dma semaphore(%arg12 : memref<!tpu.dma_semaphore, #tpu.memory_space<semaphore_mem>>) src(%dma_wait3A_51 : memref<10000x96xf32, #tpu.memory_space<hbm>>) dst(%arg11 : memref<128x96xf32, #tpu.memory_space<vmem>>)
        "tpu.region"() ({
          %run_scoped3A = tpu.sem_alloc : memref<!tpu.dma_semaphore, #tpu.memory_space<semaphore_mem>>
          %dma_start3A_53 = arith.constant 0 : i32
          %dma_start3A_54 = arith.constant 0 : i32
          %dma_start3A_55 = tpu.memref_slice %arg8[%dma_start3A_53, %dma_start3A_54] : memref<10240x96xf32, #tpu.memory_space<vmem_shared>> -> memref<10240x96xf32, #tpu.memory_space<vmem_shared>>
          tpu.enqueue_indirect_dma source(%arg11 : memref<128x96xf32, #tpu.memory_space<vmem>>) target(%dma_start3A_55 : memref<10240x96xf32, #tpu.memory_space<vmem_shared>>) offsets(%arg10 : memref<128xi32, #tpu.memory_space<vmem>>) semaphore(%run_scoped3A : memref<!tpu.dma_semaphore, #tpu.memory_space<semaphore_mem>>) {add = true}
          %dma_wait3A_56 = arith.constant 0 : i32
          %dma_wait3A_57 = arith.constant 0 : i32
          %dma_wait3A_58 = tpu.memref_slice %arg8[%dma_wait3A_56, %dma_wait3A_57] : memref<10240x96xf32, #tpu.memory_space<vmem_shared>> -> memref<10240x96xf32, #tpu.memory_space<vmem_shared>>
          tpu.wait_indirect_dma semaphore(%run_scoped3A : memref<!tpu.dma_semaphore, #tpu.memory_space<semaphore_mem>>) src(%arg11 : memref<128x96xf32, #tpu.memory_space<vmem>>) dst(%dma_wait3A_58 : memref<10240x96xf32, #tpu.memory_space<vmem_shared>>)
          tpu.yield
        }) : () -> ()
        %scan3A_52 = arith.constant 0 : i32
        scf.yield %scan3A_52 : i32
      }
      %scan3A_42 = arith.constant 158 : i32
    } else {
    }
    %barrier3A_25 = arith.constant 0 : index
    tpu.barrier barrier_id(%barrier3A_25)
    %eq3A_26 = arith.constant 0 : i32
    %eq3A_27 = arith.cmpi eq, %arg0, %eq3A_26 : i32
    %convert_element_type3A_28 = arith.extui %eq3A_27 : i1 to i32
    %cond3A_29 = arith.constant 0 : i32
    %cond3A_30 = arith.cmpi ne, %convert_element_type3A_28, %cond3A_29 : i32
    scf.if %cond3A_30 {
      "tpu.region"() ({
        %run_scoped3A = tpu.sem_alloc : memref<!tpu.dma_semaphore, #tpu.memory_space<semaphore_mem>>
        %dma_start3A = arith.constant 0 : i32
        %dma_start3A_36 = tpu.memref_slice %arg6[%mul3A_6, %dma_start3A] : memref<10240x96xf32, #tpu.memory_space<hbm>> -> memref<640x96xf32, #tpu.memory_space<hbm>>
        %dma_start3A_37 = arith.constant 0 : i32
        %dma_start3A_38 = tpu.memref_slice %arg8[%mul3A_6, %dma_start3A_37] : memref<10240x96xf32, #tpu.memory_space<vmem_shared>> -> memref<640x96xf32, #tpu.memory_space<vmem_shared>>
        tpu.enqueue_dma source(%dma_start3A_38 : memref<640x96xf32, #tpu.memory_space<vmem_shared>>) target(%dma_start3A_36 : memref<640x96xf32, #tpu.memory_space<hbm>>) target_semaphore(%run_scoped3A : memref<!tpu.dma_semaphore, #tpu.memory_space<semaphore_mem>>)
        %dma_wait3A = arith.constant 0 : i32
        %dma_wait3A_39 = tpu.memref_slice %arg6[%mul3A_6, %dma_wait3A] : memref<10240x96xf32, #tpu.memory_space<hbm>> -> memref<640x96xf32, #tpu.memory_space<hbm>>
        %dma_wait3A_40 = arith.constant 0 : i32
        %dma_wait3A_41 = tpu.memref_slice %arg8[%mul3A_6, %dma_wait3A_40] : memref<10240x96xf32, #tpu.memory_space<vmem_shared>> -> memref<640x96xf32, #tpu.memory_space<vmem_shared>>
        tpu.wait_dma2 semaphore(%run_scoped3A : memref<!tpu.dma_semaphore, #tpu.memory_space<semaphore_mem>>) src(%dma_wait3A_41 : memref<640x96xf32, #tpu.memory_space<vmem_shared>>) dst(%dma_wait3A_39 : memref<640x96xf32, #tpu.memory_space<hbm>>)
        tpu.yield
      }) : () -> ()
    } else {
    }
    %eq3A_31 = arith.constant 1 : i32
    %eq3A_32 = arith.cmpi eq, %arg0, %eq3A_31 : i32
    %convert_element_type3A_33 = arith.extui %eq3A_32 : i1 to i32
    %cond3A_34 = arith.constant 0 : i32
    %cond3A_35 = arith.cmpi ne, %convert_element_type3A_33, %cond3A_34 : i32
    scf.if %cond3A_35 {
      "tpu.region"() ({
        %run_scoped3A = tpu.sem_alloc : memref<!tpu.dma_semaphore, #tpu.memory_space<semaphore_mem>>
        %dma_start3A = arith.constant 0 : i32
        %dma_start3A_36 = tpu.memref_slice %arg7[%mul3A_6, %dma_start3A] : memref<10240x96xf32, #tpu.memory_space<hbm>> -> memref<640x96xf32, #tpu.memory_space<hbm>>
        %dma_start3A_37 = arith.constant 0 : i32
        %dma_start3A_38 = tpu.memref_slice %arg8[%mul3A_6, %dma_start3A_37] : memref<10240x96xf32, #tpu.memory_space<vmem_shared>> -> memref<640x96xf32, #tpu.memory_space<vmem_shared>>
        tpu.enqueue_dma source(%dma_start3A_38 : memref<640x96xf32, #tpu.memory_space<vmem_shared>>) target(%dma_start3A_36 : memref<640x96xf32, #tpu.memory_space<hbm>>) target_semaphore(%run_scoped3A : memref<!tpu.dma_semaphore, #tpu.memory_space<semaphore_mem>>)
        %dma_wait3A = arith.constant 0 : i32
        %dma_wait3A_39 = tpu.memref_slice %arg7[%mul3A_6, %dma_wait3A] : memref<10240x96xf32, #tpu.memory_space<hbm>> -> memref<640x96xf32, #tpu.memory_space<hbm>>
        %dma_wait3A_40 = arith.constant 0 : i32
        %dma_wait3A_41 = tpu.memref_slice %arg8[%mul3A_6, %dma_wait3A_40] : memref<10240x96xf32, #tpu.memory_space<vmem_shared>> -> memref<640x96xf32, #tpu.memory_space<vmem_shared>>
        tpu.wait_dma2 semaphore(%run_scoped3A : memref<!tpu.dma_semaphore, #tpu.memory_space<semaphore_mem>>) src(%dma_wait3A_41 : memref<640x96xf32, #tpu.memory_space<vmem_shared>>) dst(%dma_wait3A_39 : memref<640x96xf32, #tpu.memory_space<hbm>>)
        tpu.yield
      }) : () -> ()
    } else {
    }
    return
  }
}

#map = affine_map<(d0, d1) -> (0, 0)>
#map1 = affine_map<(d0, d1) -> (0)>
module attributes {stable_mosaic.version = 14 : i64} {
  func.func @spmm(%arg0: i32, %arg1: i32, %arg2: memref<10000x96xf32, #tpu.memory_space<hbm>>, %arg3: memref<10000x96xf32, #tpu.memory_space<hbm>>, %arg4: memref<323584xi32, #tpu.memory_space<hbm>>, %arg5: memref<323584xi32, #tpu.memory_space<hbm>>, %arg6: memref<10240x96xf32, #tpu.memory_space<hbm>>, %arg7: memref<10240x96xf32, #tpu.memory_space<hbm>>, %arg8: memref<10240x96xf32, #tpu.memory_space<vmem_shared>>, %arg9: memref<128xi32, #tpu.memory_space<vmem>>, %arg10: memref<128xi32, #tpu.memory_space<vmem>>, %arg11: memref<128x96xf32, #tpu.memory_space<vmem>>, %arg12: memref<!tpu.dma_semaphore, #tpu.memory_space<semaphore_mem>>) attributes {dimension_semantics = [#tpu.dimension_semantics<core_parallel>, #tpu.dimension_semantics<subcore_parallel>], iteration_bounds = array<i64: 2, 16>, scalar_prefetch = 0 : i64, scratch_operands = 5 : i64, tpu.core_type = #tpu.core_type<sc_vector_subcore>, window_params = [{transform_indices = #map}, {transform_indices = #map}, {transform_indices = #map1}, {transform_indices = #map1}, {transform_indices = #map}, {transform_indices = #map}]} {
    %scan3A = arith.constant 0 : i32
    %scan3A_0 = arith.constant 0 : i32
    %scan3A_1 = arith.constant 768 : i32
    %scan3A_2 = arith.addi %scan3A_0, %scan3A_1 : i32
    %scan3A_3 = arith.constant 1 : i32
    %scan3A_4 = scf.for %scan3A_36 = %scan3A_0 to %scan3A_2 step %scan3A_3 iter_args(%scan3A_37 = %scan3A) -> (i32)  : i32 {
      %broadcast_in_dim3A = arith.constant 0.000000e+00 : f32
      %broadcast_in_dim3A_38 = vector.broadcast %broadcast_in_dim3A : f32 to vector<16xf32>
      %jit3A = arith.constant 6 : i32
      %div3A = arith.divsi %scan3A_36, %jit3A : i32
      %sign3A = arith.constant 0 : i32
      %sign3A_39 = arith.cmpi sgt, %scan3A_36, %sign3A : i32
      %sign3A_40 = arith.extui %sign3A_39 : i1 to i32
      %sign3A_41 = arith.constant 0 : i32
      %sign3A_42 = arith.cmpi slt, %scan3A_36, %sign3A_41 : i32
      %sign3A_43 = arith.extui %sign3A_42 : i1 to i32
      %sign3A_44 = arith.subi %sign3A_40, %sign3A_43 : i32
      %sign3A_45 = arith.constant 0 : i32
      %sign3A_46 = arith.cmpi sgt, %jit3A, %sign3A_45 : i32
      %sign3A_47 = arith.extui %sign3A_46 : i1 to i32
      %sign3A_48 = arith.constant 0 : i32
      %sign3A_49 = arith.cmpi slt, %jit3A, %sign3A_48 : i32
      %sign3A_50 = arith.extui %sign3A_49 : i1 to i32
      %sign3A_51 = arith.subi %sign3A_47, %sign3A_50 : i32
      %ne3A = arith.cmpi ne, %sign3A_44, %sign3A_51 : i32
      %rem3A = arith.remsi %scan3A_36, %jit3A : i32
      %ne3A_52 = arith.constant 0 : i32
      %ne3A_53 = arith.cmpi ne, %rem3A, %ne3A_52 : i32
      %and3A = arith.andi %ne3A, %ne3A_53 : i1
      %sub3A = arith.constant 1 : i32
      %sub3A_54 = arith.subi %div3A, %sub3A : i32
      %select_n3A = arith.select %and3A, %sub3A_54, %div3A : i32
      %jit3A_55 = arith.constant 6 : i32
      %eq3A_56 = arith.constant 0 : i32
      %eq3A_57 = arith.cmpi eq, %jit3A_55, %eq3A_56 : i32
      %jit3A_58 = arith.constant 1 : i32
      %select_n3A_59 = arith.select %eq3A_57, %jit3A_58, %jit3A_55 : i32
      %rem3A_60 = arith.remsi %scan3A_36, %select_n3A_59 : i32
      %ne3A_61 = arith.constant 0 : i32
      %ne3A_62 = arith.cmpi ne, %rem3A_60, %ne3A_61 : i32
      %lt3A = arith.constant 0 : i32
      %lt3A_63 = arith.cmpi slt, %rem3A_60, %lt3A : i32
      %lt3A_64 = arith.constant 0 : i32
      %lt3A_65 = arith.cmpi slt, %select_n3A_59, %lt3A_64 : i32
      %ne3A_66 = arith.xori %lt3A_63, %lt3A_65 : i1
      %and3A_67 = arith.andi %ne3A_66, %ne3A_62 : i1
      %add3A_68 = arith.addi %rem3A_60, %select_n3A_59 : i32
      %select_n3A_69 = arith.select %and3A_67, %add3A_68, %rem3A_60 : i32
      %mul3A_70 = arith.constant 16 : i32
      %mul3A_71 = arith.muli %select_n3A_69, %mul3A_70 : i32
      %swap3A = arith.index_cast %select_n3A : i32 to index
      %swap3A_72 = arith.index_cast %mul3A_71 : i32 to index
      %swap3A_73 = tpu.vector_load %arg11[%swap3A, %swap3A_72] {strides = array<i32>} : memref<128x96xf32, #tpu.memory_space<vmem>>, vector<1x16xf32>,
      %swap3A_74 = vector.shape_cast %swap3A_73 : vector<1x16xf32> to vector<16xf32>
      %swap3A_75 = vector.shape_cast %broadcast_in_dim3A_38 : vector<16xf32> to vector<1x16xf32>
      tpu.vector_store %arg11[%swap3A, %swap3A_72], %swap3A_75 {strides = array<i32>} : memref<128x96xf32, #tpu.memory_space<vmem>>, vector<1x16xf32>,
      %scan3A_76 = arith.constant 0 : i32
      scf.yield %scan3A_76 : i32
    }
    %scan3A_5 = arith.constant 768 : i32
    %mul3A = arith.constant 640 : i32
    %mul3A_6 = arith.muli %arg1, %mul3A : i32
    %add3A = arith.constant 0 : i32
    %add3A_7 = arith.addi %mul3A_6, %add3A : i32
    "tpu.region"() ({
      %run_scoped3A = tpu.sem_alloc : memref<!tpu.dma_semaphore, #tpu.memory_space<semaphore_mem>>
      %dma_start3A = arith.constant 0 : i32
      %dma_start3A_36 = tpu.memref_slice %arg8[%add3A_7, %dma_start3A] : memref<10240x96xf32, #tpu.memory_space<vmem_shared>> -> memref<128x96xf32, #tpu.memory_space<vmem_shared>>
      %dma_start3A_37 = arith.constant 0 : i32
      %dma_start3A_38 = tpu.memref_slice %arg8[%add3A_7, %dma_start3A_37] : memref<10240x96xf32, #tpu.memory_space<vmem_shared>> -> memref<128x96xf32, #tpu.memory_space<vmem_shared>>
      tpu.enqueue_dma source(%arg11 : memref<128x96xf32, #tpu.memory_space<vmem>>) target(%dma_start3A_38 : memref<128x96xf32, #tpu.memory_space<vmem_shared>>) target_semaphore(%run_scoped3A : memref<!tpu.dma_semaphore, #tpu.memory_space<semaphore_mem>>)
      %dma_wait3A = arith.constant 0 : i32
      %dma_wait3A_39 = tpu.memref_slice %arg8[%add3A_7, %dma_wait3A] : memref<10240x96xf32, #tpu.memory_space<vmem_shared>> -> memref<128x96xf32, #tpu.memory_space<vmem_shared>>
      %dma_wait3A_40 = arith.constant 0 : i32
      %dma_wait3A_41 = tpu.memref_slice %arg8[%add3A_7, %dma_wait3A_40] : memref<10240x96xf32, #tpu.memory_space<vmem_shared>> -> memref<128x96xf32, #tpu.memory_space<vmem_shared>>
      tpu.wait_dma2 semaphore(%run_scoped3A : memref<!tpu.dma_semaphore, #tpu.memory_space<semaphore_mem>>) src(%arg11 : memref<128x96xf32, #tpu.memory_space<vmem>>) dst(%dma_wait3A_41 : memref<128x96xf32, #tpu.memory_space<vmem_shared>>)
      tpu.yield
    }) : () -> ()
    %add3A_8 = arith.constant 128 : i32
    %add3A_9 = arith.addi %mul3A_6, %add3A_8 : i32
    "tpu.region"() ({
      %run_scoped3A = tpu.sem_alloc : memref<!tpu.dma_semaphore, #tpu.memory_space<semaphore_mem>>
      %dma_start3A = arith.constant 0 : i32
      %dma_start3A_36 = tpu.memref_slice %arg8[%add3A_9, %dma_start3A] : memref<10240x96xf32, #tpu.memory_space<vmem_shared>> -> memref<128x96xf32, #tpu.memory_space<vmem_shared>>
      %dma_start3A_37 = arith.constant 0 : i32
      %dma_start3A_38 = tpu.memref_slice %arg8[%add3A_9, %dma_start3A_37] : memref<10240x96xf32, #tpu.memory_space<vmem_shared>> -> memref<128x96xf32, #tpu.memory_space<vmem_shared>>
      tpu.enqueue_dma source(%arg11 : memref<128x96xf32, #tpu.memory_space<vmem>>) target(%dma_start3A_38 : memref<128x96xf32, #tpu.memory_space<vmem_shared>>) target_semaphore(%run_scoped3A : memref<!tpu.dma_semaphore, #tpu.memory_space<semaphore_mem>>)
      %dma_wait3A = arith.constant 0 : i32
      %dma_wait3A_39 = tpu.memref_slice %arg8[%add3A_9, %dma_wait3A] : memref<10240x96xf32, #tpu.memory_space<vmem_shared>> -> memref<128x96xf32, #tpu.memory_space<vmem_shared>>
      %dma_wait3A_40 = arith.constant 0 : i32
      %dma_wait3A_41 = tpu.memref_slice %arg8[%add3A_9, %dma_wait3A_40] : memref<10240x96xf32, #tpu.memory_space<vmem_shared>> -> memref<128x96xf32, #tpu.memory_space<vmem_shared>>
      tpu.wait_dma2 semaphore(%run_scoped3A : memref<!tpu.dma_semaphore, #tpu.memory_space<semaphore_mem>>) src(%arg11 : memref<128x96xf32, #tpu.memory_space<vmem>>) dst(%dma_wait3A_41 : memref<128x96xf32, #tpu.memory_space<vmem_shared>>)
      tpu.yield
    }) : () -> ()
    %add3A_10 = arith.constant 256 : i32
    %add3A_11 = arith.addi %mul3A_6, %add3A_10 : i32
    "tpu.region"() ({
      %run_scoped3A = tpu.sem_alloc : memref<!tpu.dma_semaphore, #tpu.memory_space<semaphore_mem>>
      %dma_start3A = arith.constant 0 : i32
      %dma_start3A_36 = tpu.memref_slice %arg8[%add3A_11, %dma_start3A] : memref<10240x96xf32, #tpu.memory_space<vmem_shared>> -> memref<128x96xf32, #tpu.memory_space<vmem_shared>>
      %dma_start3A_37 = arith.constant 0 : i32
      %dma_start3A_38 = tpu.memref_slice %arg8[%add3A_11, %dma_start3A_37] : memref<10240x96xf32, #tpu.memory_space<vmem_shared>> -> memref<128x96xf32, #tpu.memory_space<vmem_shared>>
      tpu.enqueue_dma source(%arg11 : memref<128x96xf32, #tpu.memory_space<vmem>>) target(%dma_start3A_38 : memref<128x96xf32, #tpu.memory_space<vmem_shared>>) target_semaphore(%run_scoped3A : memref<!tpu.dma_semaphore, #tpu.memory_space<semaphore_mem>>)
      %dma_wait3A = arith.constant 0 : i32
      %dma_wait3A_39 = tpu.memref_slice %arg8[%add3A_11, %dma_wait3A] : memref<10240x96xf32, #tpu.memory_space<vmem_shared>> -> memref<128x96xf32, #tpu.memory_space<vmem_shared>>
      %dma_wait3A_40 = arith.constant 0 : i32
      %dma_wait3A_41 = tpu.memref_slice %arg8[%add3A_11, %dma_wait3A_40] : memref<10240x96xf32, #tpu.memory_space<vmem_shared>> -> memref<128x96xf32, #tpu.memory_space<vmem_shared>>
      tpu.wait_dma2 semaphore(%run_scoped3A : memref<!tpu.dma_semaphore, #tpu.memory_space<semaphore_mem>>) src(%arg11 : memref<128x96xf32, #tpu.memory_space<vmem>>) dst(%dma_wait3A_41 : memref<128x96xf32, #tpu.memory_space<vmem_shared>>)
      tpu.yield
    }) : () -> ()
    %add3A_12 = arith.constant 384 : i32
    %add3A_13 = arith.addi %mul3A_6, %add3A_12 : i32
    "tpu.region"() ({
      %run_scoped3A = tpu.sem_alloc : memref<!tpu.dma_semaphore, #tpu.memory_space<semaphore_mem>>
      %dma_start3A = arith.constant 0 : i32
      %dma_start3A_36 = tpu.memref_slice %arg8[%add3A_13, %dma_start3A] : memref<10240x96xf32, #tpu.memory_space<vmem_shared>> -> memref<128x96xf32, #tpu.memory_space<vmem_shared>>
      %dma_start3A_37 = arith.constant 0 : i32
      %dma_start3A_38 = tpu.memref_slice %arg8[%add3A_13, %dma_start3A_37] : memref<10240x96xf32, #tpu.memory_space<vmem_shared>> -> memref<128x96xf32, #tpu.memory_space<vmem_shared>>
      tpu.enqueue_dma source(%arg11 : memref<128x96xf32, #tpu.memory_space<vmem>>) target(%dma_start3A_38 : memref<128x96xf32, #tpu.memory_space<vmem_shared>>) target_semaphore(%run_scoped3A : memref<!tpu.dma_semaphore, #tpu.memory_space<semaphore_mem>>)
      %dma_wait3A = arith.constant 0 : i32
      %dma_wait3A_39 = tpu.memref_slice %arg8[%add3A_13, %dma_wait3A] : memref<10240x96xf32, #tpu.memory_space<vmem_shared>> -> memref<128x96xf32, #tpu.memory_space<vmem_shared>>
      %dma_wait3A_40 = arith.constant 0 : i32
      %dma_wait3A_41 = tpu.memref_slice %arg8[%add3A_13, %dma_wait3A_40] : memref<10240x96xf32, #tpu.memory_space<vmem_shared>> -> memref<128x96xf32, #tpu.memory_space<vmem_shared>>
      tpu.wait_dma2 semaphore(%run_scoped3A : memref<!tpu.dma_semaphore, #tpu.memory_space<semaphore_mem>>) src(%arg11 : memref<128x96xf32, #tpu.memory_space<vmem>>) dst(%dma_wait3A_41 : memref<128x96xf32, #tpu.memory_space<vmem_shared>>)
      tpu.yield
    }) : () -> ()
    %add3A_14 = arith.constant 512 : i32
    %add3A_15 = arith.addi %mul3A_6, %add3A_14 : i32
    "tpu.region"() ({
      %run_scoped3A = tpu.sem_alloc : memref<!tpu.dma_semaphore, #tpu.memory_space<semaphore_mem>>
      %dma_start3A = arith.constant 0 : i32
      %dma_start3A_36 = tpu.memref_slice %arg8[%add3A_15, %dma_start3A] : memref<10240x96xf32, #tpu.memory_space<vmem_shared>> -> memref<128x96xf32, #tpu.memory_space<vmem_shared>>
      %dma_start3A_37 = arith.constant 0 : i32
      %dma_start3A_38 = tpu.memref_slice %arg8[%add3A_15, %dma_start3A_37] : memref<10240x96xf32, #tpu.memory_space<vmem_shared>> -> memref<128x96xf32, #tpu.memory_space<vmem_shared>>
      tpu.enqueue_dma source(%arg11 : memref<128x96xf32, #tpu.memory_space<vmem>>) target(%dma_start3A_38 : memref<128x96xf32, #tpu.memory_space<vmem_shared>>) target_semaphore(%run_scoped3A : memref<!tpu.dma_semaphore, #tpu.memory_space<semaphore_mem>>)
      %dma_wait3A = arith.constant 0 : i32
      %dma_wait3A_39 = tpu.memref_slice %arg8[%add3A_15, %dma_wait3A] : memref<10240x96xf32, #tpu.memory_space<vmem_shared>> -> memref<128x96xf32, #tpu.memory_space<vmem_shared>>
      %dma_wait3A_40 = arith.constant 0 : i32
      %dma_wait3A_41 = tpu.memref_slice %arg8[%add3A_15, %dma_wait3A_40] : memref<10240x96xf32, #tpu.memory_space<vmem_shared>> -> memref<128x96xf32, #tpu.memory_space<vmem_shared>>
      tpu.wait_dma2 semaphore(%run_scoped3A : memref<!tpu.dma_semaphore, #tpu.memory_space<semaphore_mem>>) src(%arg11 : memref<128x96xf32, #tpu.memory_space<vmem>>) dst(%dma_wait3A_41 : memref<128x96xf32, #tpu.memory_space<vmem_shared>>)
      tpu.yield
    }) : () -> ()
    %barrier3A = arith.constant 0 : index
    tpu.barrier barrier_id(%barrier3A)
    %mul3A_16 = arith.constant 20224 : i32
    %mul3A_17 = arith.muli %arg1, %mul3A_16 : i32
    %eq3A = arith.constant 0 : i32
    %eq3A_18 = arith.cmpi eq, %arg0, %eq3A : i32
    %convert_element_type3A = arith.extui %eq3A_18 : i1 to i32
    %cond3A = arith.constant 0 : i32
    %cond3A_19 = arith.cmpi ne, %convert_element_type3A, %cond3A : i32
    scf.if %cond3A_19 {
      %scan3A_36 = arith.constant 0 : i32
      %scan3A_37 = arith.constant 0 : i32
      %scan3A_38 = arith.constant 158 : i32
      %scan3A_39 = arith.addi %scan3A_37, %scan3A_38 : i32
      %scan3A_40 = arith.constant 1 : i32
      %scan3A_41 = scf.for %scan3A_43 = %scan3A_37 to %scan3A_39 step %scan3A_40 iter_args(%scan3A_44 = %scan3A_36) -> (i32)  : i32 {
        %mul3A_45 = arith.constant 128 : i32
        %mul3A_46 = arith.muli %scan3A_43, %mul3A_45 : i32
        %add3A_47 = arith.addi %mul3A_17, %mul3A_46 : i32
        "tpu.region"() ({
          %run_scoped3A = tpu.sem_alloc : memref<!tpu.dma_semaphore, #tpu.memory_space<semaphore_mem>>
          %dma_start3A_53 = tpu.memref_slice %arg4[%add3A_47] : memref<323584xi32, #tpu.memory_space<hbm>> -> memref<128xi32, #tpu.memory_space<hbm>>
          %dma_start3A_54 = tpu.memref_slice %arg4[%add3A_47] : memref<323584xi32, #tpu.memory_space<hbm>> -> memref<128xi32, #tpu.memory_space<hbm>>
          tpu.enqueue_dma source(%dma_start3A_54 : memref<128xi32, #tpu.memory_space<hbm>>) target(%arg9 : memref<128xi32, #tpu.memory_space<vmem>>) target_semaphore(%run_scoped3A : memref<!tpu.dma_semaphore, #tpu.memory_space<semaphore_mem>>)
          %dma_wait3A_55 = tpu.memref_slice %arg4[%add3A_47] : memref<323584xi32, #tpu.memory_space<hbm>> -> memref<128xi32, #tpu.memory_space<hbm>>
          %dma_wait3A_56 = tpu.memref_slice %arg4[%add3A_47] : memref<323584xi32, #tpu.memory_space<hbm>> -> memref<128xi32, #tpu.memory_space<hbm>>
          tpu.wait_dma2 semaphore(%run_scoped3A : memref<!tpu.dma_semaphore, #tpu.memory_space<semaphore_mem>>) src(%dma_wait3A_56 : memref<128xi32, #tpu.memory_space<hbm>>) dst(%arg9 : memref<128xi32, #tpu.memory_space<vmem>>)
          tpu.yield
        }) : () -> ()
        "tpu.region"() ({
          %run_scoped3A = tpu.sem_alloc : memref<!tpu.dma_semaphore, #tpu.memory_space<semaphore_mem>>
          %dma_start3A_53 = tpu.memref_slice %arg5[%add3A_47] : memref<323584xi32, #tpu.memory_space<hbm>> -> memref<128xi32, #tpu.memory_space<hbm>>
          %dma_start3A_54 = tpu.memref_slice %arg5[%add3A_47] : memref<323584xi32, #tpu.memory_space<hbm>> -> memref<128xi32, #tpu.memory_space<hbm>>
          tpu.enqueue_dma source(%dma_start3A_54 : memref<128xi32, #tpu.memory_space<hbm>>) target(%arg10 : memref<128xi32, #tpu.memory_space<vmem>>) target_semaphore(%run_scoped3A : memref<!tpu.dma_semaphore, #tpu.memory_space<semaphore_mem>>)
          %dma_wait3A_55 = tpu.memref_slice %arg5[%add3A_47] : memref<323584xi32, #tpu.memory_space<hbm>> -> memref<128xi32, #tpu.memory_space<hbm>>
          %dma_wait3A_56 = tpu.memref_slice %arg5[%add3A_47] : memref<323584xi32, #tpu.memory_space<hbm>> -> memref<128xi32, #tpu.memory_space<hbm>>
          tpu.wait_dma2 semaphore(%run_scoped3A : memref<!tpu.dma_semaphore, #tpu.memory_space<semaphore_mem>>) src(%dma_wait3A_56 : memref<128xi32, #tpu.memory_space<hbm>>) dst(%arg10 : memref<128xi32, #tpu.memory_space<vmem>>)
          tpu.yield
        }) : () -> ()
        %dma_start3A = arith.constant 0 : i32
        %dma_start3A_48 = arith.constant 0 : i32
        %dma_start3A_49 = tpu.memref_slice %arg2[%dma_start3A, %dma_start3A_48] : memref<10000x96xf32, #tpu.memory_space<hbm>> -> memref<10000x96xf32, #tpu.memory_space<hbm>>
        tpu.enqueue_indirect_dma source(%dma_start3A_49 : memref<10000x96xf32, #tpu.memory_space<hbm>>) target(%arg11 : memref<128x96xf32, #tpu.memory_space<vmem>>) offsets(%arg9 : memref<128xi32, #tpu.memory_space<vmem>>) semaphore(%arg12 : memref<!tpu.dma_semaphore, #tpu.memory_space<semaphore_mem>>)
        %dma_wait3A = arith.constant 0 : i32
        %dma_wait3A_50 = arith.constant 0 : i32
        %dma_wait3A_51 = tpu.memref_slice %arg2[%dma_wait3A, %dma_wait3A_50] : memref<10000x96xf32, #tpu.memory_space<hbm>> -> memref<10000x96xf32, #tpu.memory_space<hbm>>
        tpu.wait_indirect_dma semaphore(%arg12 : memref<!tpu.dma_semaphore, #tpu.memory_space<semaphore_mem>>) src(%dma_wait3A_51 : memref<10000x96xf32, #tpu.memory_space<hbm>>) dst(%arg11 : memref<128x96xf32, #tpu.memory_space<vmem>>)
        "tpu.region"() ({
          %run_scoped3A = tpu.sem_alloc : memref<!tpu.dma_semaphore, #tpu.memory_space<semaphore_mem>>
          %dma_start3A_53 = arith.constant 0 : i32
          %dma_start3A_54 = arith.constant 0 : i32
          %dma_start3A_55 = tpu.memref_slice %arg8[%dma_start3A_53, %dma_start3A_54] : memref<10240x96xf32, #tpu.memory_space<vmem_shared>> -> memref<10240x96xf32, #tpu.memory_space<vmem_shared>>
          tpu.enqueue_indirect_dma source(%arg11 : memref<128x96xf32, #tpu.memory_space<vmem>>) target(%dma_start3A_55 : memref<10240x96xf32, #tpu.memory_space<vmem_shared>>) offsets(%arg10 : memref<128xi32, #tpu.memory_space<vmem>>) semaphore(%run_scoped3A : memref<!tpu.dma_semaphore, #tpu.memory_space<semaphore_mem>>) {add = true}
          %dma_wait3A_56 = arith.constant 0 : i32
          %dma_wait3A_57 = arith.constant 0 : i32
          %dma_wait3A_58 = tpu.memref_slice %arg8[%dma_wait3A_56, %dma_wait3A_57] : memref<10240x96xf32, #tpu.memory_space<vmem_shared>> -> memref<10240x96xf32, #tpu.memory_space<vmem_shared>>
          tpu.wait_indirect_dma semaphore(%run_scoped3A : memref<!tpu.dma_semaphore, #tpu.memory_space<semaphore_mem>>) src(%arg11 : memref<128x96xf32, #tpu.memory_space<vmem>>) dst(%dma_wait3A_58 : memref<10240x96xf32, #tpu.memory_space<vmem_shared>>)
          tpu.yield
        }) : () -> ()
        %scan3A_52 = arith.constant 0 : i32
        scf.yield %scan3A_52 : i32
      }
      %scan3A_42 = arith.constant 158 : i32
    } else {
    }
    %eq3A_20 = arith.constant 1 : i32
    %eq3A_21 = arith.cmpi eq, %arg0, %eq3A_20 : i32
    %convert_element_type3A_22 = arith.extui %eq3A_21 : i1 to i32
    %cond3A_23 = arith.constant 0 : i32
    %cond3A_24 = arith.cmpi ne, %convert_element_type3A_22, %cond3A_23 : i32
    scf.if %cond3A_24 {
      %scan3A_36 = arith.constant 0 : i32
      %scan3A_37 = arith.constant 0 : i32
      %scan3A_38 = arith.constant 158 : i32
      %scan3A_39 = arith.addi %scan3A_37, %scan3A_38 : i32
      %scan3A_40 = arith.constant 1 : i32
      %scan3A_41 = scf.for %scan3A_43 = %scan3A_37 to %scan3A_39 step %scan3A_40 iter_args(%scan3A_44 = %scan3A_36) -> (i32)  : i32 {
        %mul3A_45 = arith.constant 128 : i32
        %mul3A_46 = arith.muli %scan3A_43, %mul3A_45 : i32
        %add3A_47 = arith.addi %mul3A_17, %mul3A_46 : i32
        "tpu.region"() ({
          %run_scoped3A = tpu.sem_alloc : memref<!tpu.dma_semaphore, #tpu.memory_space<semaphore_mem>>
          %dma_start3A_53 = tpu.memref_slice %arg4[%add3A_47] : memref<323584xi32, #tpu.memory_space<hbm>> -> memref<128xi32, #tpu.memory_space<hbm>>
          %dma_start3A_54 = tpu.memref_slice %arg4[%add3A_47] : memref<323584xi32, #tpu.memory_space<hbm>> -> memref<128xi32, #tpu.memory_space<hbm>>
          tpu.enqueue_dma source(%dma_start3A_54 : memref<128xi32, #tpu.memory_space<hbm>>) target(%arg9 : memref<128xi32, #tpu.memory_space<vmem>>) target_semaphore(%run_scoped3A : memref<!tpu.dma_semaphore, #tpu.memory_space<semaphore_mem>>)
          %dma_wait3A_55 = tpu.memref_slice %arg4[%add3A_47] : memref<323584xi32, #tpu.memory_space<hbm>> -> memref<128xi32, #tpu.memory_space<hbm>>
          %dma_wait3A_56 = tpu.memref_slice %arg4[%add3A_47] : memref<323584xi32, #tpu.memory_space<hbm>> -> memref<128xi32, #tpu.memory_space<hbm>>
          tpu.wait_dma2 semaphore(%run_scoped3A : memref<!tpu.dma_semaphore, #tpu.memory_space<semaphore_mem>>) src(%dma_wait3A_56 : memref<128xi32, #tpu.memory_space<hbm>>) dst(%arg9 : memref<128xi32, #tpu.memory_space<vmem>>)
          tpu.yield
        }) : () -> ()
        "tpu.region"() ({
          %run_scoped3A = tpu.sem_alloc : memref<!tpu.dma_semaphore, #tpu.memory_space<semaphore_mem>>
          %dma_start3A_53 = tpu.memref_slice %arg5[%add3A_47] : memref<323584xi32, #tpu.memory_space<hbm>> -> memref<128xi32, #tpu.memory_space<hbm>>
          %dma_start3A_54 = tpu.memref_slice %arg5[%add3A_47] : memref<323584xi32, #tpu.memory_space<hbm>> -> memref<128xi32, #tpu.memory_space<hbm>>
          tpu.enqueue_dma source(%dma_start3A_54 : memref<128xi32, #tpu.memory_space<hbm>>) target(%arg10 : memref<128xi32, #tpu.memory_space<vmem>>) target_semaphore(%run_scoped3A : memref<!tpu.dma_semaphore, #tpu.memory_space<semaphore_mem>>)
          %dma_wait3A_55 = tpu.memref_slice %arg5[%add3A_47] : memref<323584xi32, #tpu.memory_space<hbm>> -> memref<128xi32, #tpu.memory_space<hbm>>
          %dma_wait3A_56 = tpu.memref_slice %arg5[%add3A_47] : memref<323584xi32, #tpu.memory_space<hbm>> -> memref<128xi32, #tpu.memory_space<hbm>>
          tpu.wait_dma2 semaphore(%run_scoped3A : memref<!tpu.dma_semaphore, #tpu.memory_space<semaphore_mem>>) src(%dma_wait3A_56 : memref<128xi32, #tpu.memory_space<hbm>>) dst(%arg10 : memref<128xi32, #tpu.memory_space<vmem>>)
          tpu.yield
        }) : () -> ()
        %dma_start3A = arith.constant 0 : i32
        %dma_start3A_48 = arith.constant 0 : i32
        %dma_start3A_49 = tpu.memref_slice %arg3[%dma_start3A, %dma_start3A_48] : memref<10000x96xf32, #tpu.memory_space<hbm>> -> memref<10000x96xf32, #tpu.memory_space<hbm>>
        tpu.enqueue_indirect_dma source(%dma_start3A_49 : memref<10000x96xf32, #tpu.memory_space<hbm>>) target(%arg11 : memref<128x96xf32, #tpu.memory_space<vmem>>) offsets(%arg9 : memref<128xi32, #tpu.memory_space<vmem>>) semaphore(%arg12 : memref<!tpu.dma_semaphore, #tpu.memory_space<semaphore_mem>>)
        %dma_wait3A = arith.constant 0 : i32
        %dma_wait3A_50 = arith.constant 0 : i32
        %dma_wait3A_51 = tpu.memref_slice %arg3[%dma_wait3A, %dma_wait3A_50] : memref<10000x96xf32, #tpu.memory_space<hbm>> -> memref<10000x96xf32, #tpu.memory_space<hbm>>
        tpu.wait_indirect_dma semaphore(%arg12 : memref<!tpu.dma_semaphore, #tpu.memory_space<semaphore_mem>>) src(%dma_wait3A_51 : memref<10000x96xf32, #tpu.memory_space<hbm>>) dst(%arg11 : memref<128x96xf32, #tpu.memory_space<vmem>>)
        "tpu.region"() ({
          %run_scoped3A = tpu.sem_alloc : memref<!tpu.dma_semaphore, #tpu.memory_space<semaphore_mem>>
          %dma_start3A_53 = arith.constant 0 : i32
          %dma_start3A_54 = arith.constant 0 : i32
          %dma_start3A_55 = tpu.memref_slice %arg8[%dma_start3A_53, %dma_start3A_54] : memref<10240x96xf32, #tpu.memory_space<vmem_shared>> -> memref<10240x96xf32, #tpu.memory_space<vmem_shared>>
          tpu.enqueue_indirect_dma source(%arg11 : memref<128x96xf32, #tpu.memory_space<vmem>>) target(%dma_start3A_55 : memref<10240x96xf32, #tpu.memory_space<vmem_shared>>) offsets(%arg10 : memref<128xi32, #tpu.memory_space<vmem>>) semaphore(%run_scoped3A : memref<!tpu.dma_semaphore, #tpu.memory_space<semaphore_mem>>) {add = true}
          %dma_wait3A_56 = arith.constant 0 : i32
          %dma_wait3A_57 = arith.constant 0 : i32
          %dma_wait3A_58 = tpu.memref_slice %arg8[%dma_wait3A_56, %dma_wait3A_57] : memref<10240x96xf32, #tpu.memory_space<vmem_shared>> -> memref<10240x96xf32, #tpu.memory_space<vmem_shared>>
          tpu.wait_indirect_dma semaphore(%run_scoped3A : memref<!tpu.dma_semaphore, #tpu.memory_space<semaphore_mem>>) src(%arg11 : memref<128x96xf32, #tpu.memory_space<vmem>>) dst(%dma_wait3A_58 : memref<10240x96xf32, #tpu.memory_space<vmem_shared>>)
          tpu.yield
        }) : () -> ()
        %scan3A_52 = arith.constant 0 : i32
        scf.yield %scan3A_52 : i32
      }
      %scan3A_42 = arith.constant 158 : i32
    } else {
    }
    %barrier3A_25 = arith.constant 0 : index
    tpu.barrier barrier_id(%barrier3A_25)
    %eq3A_26 = arith.constant 0 : i32
    %eq3A_27 = arith.cmpi eq, %arg0, %eq3A_26 : i32
    %convert_element_type3A_28 = arith.extui %eq3A_27 : i1 to i32
    %cond3A_29 = arith.constant 0 : i32
    %cond3A_30 = arith.cmpi ne, %convert_element_type3A_28, %cond3A_29 : i32
    scf.if %cond3A_30 {
      "tpu.region"() ({
        %run_scoped3A = tpu.sem_alloc : memref<!tpu.dma_semaphore, #tpu.memory_space<semaphore_mem>>
        %dma_start3A = arith.constant 0 : i32
        %dma_start3A_36 = tpu.memref_slice %arg6[%mul3A_6, %dma_start3A] : memref<10240x96xf32, #tpu.memory_space<hbm>> -> memref<640x96xf32, #tpu.memory_space<hbm>>
        %dma_start3A_37 = arith.constant 0 : i32
        %dma_start3A_38 = tpu.memref_slice %arg8[%mul3A_6, %dma_start3A_37] : memref<10240x96xf32, #tpu.memory_space<vmem_shared>> -> memref<640x96xf32, #tpu.memory_space<vmem_shared>>
        tpu.enqueue_dma source(%dma_start3A_38 : memref<640x96xf32, #tpu.memory_space<vmem_shared>>) target(%dma_start3A_36 : memref<640x96xf32, #tpu.memory_space<hbm>>) target_semaphore(%run_scoped3A : memref<!tpu.dma_semaphore, #tpu.memory_space<semaphore_mem>>)
        %dma_wait3A = arith.constant 0 : i32
        %dma_wait3A_39 = tpu.memref_slice %arg6[%mul3A_6, %dma_wait3A] : memref<10240x96xf32, #tpu.memory_space<hbm>> -> memref<640x96xf32, #tpu.memory_space<hbm>>
        %dma_wait3A_40 = arith.constant 0 : i32
        %dma_wait3A_41 = tpu.memref_slice %arg8[%mul3A_6, %dma_wait3A_40] : memref<10240x96xf32, #tpu.memory_space<vmem_shared>> -> memref<640x96xf32, #tpu.memory_space<vmem_shared>>
        tpu.wait_dma2 semaphore(%run_scoped3A : memref<!tpu.dma_semaphore, #tpu.memory_space<semaphore_mem>>) src(%dma_wait3A_41 : memref<640x96xf32, #tpu.memory_space<vmem_shared>>) dst(%dma_wait3A_39 : memref<640x96xf32, #tpu.memory_space<hbm>>)
        tpu.yield
      }) : () -> ()
    } else {
    }
    %eq3A_31 = arith.constant 1 : i32
    %eq3A_32 = arith.cmpi eq, %arg0, %eq3A_31 : i32
    %convert_element_type3A_33 = arith.extui %eq3A_32 : i1 to i32
    %cond3A_34 = arith.constant 0 : i32
    %cond3A_35 = arith.cmpi ne, %convert_element_type3A_33, %cond3A_34 : i32
    scf.if %cond3A_35 {
      "tpu.region"() ({
        %run_scoped3A = tpu.sem_alloc : memref<!tpu.dma_semaphore, #tpu.memory_space<semaphore_mem>>
        %dma_start3A = arith.constant 0 : i32
        %dma_start3A_36 = tpu.memref_slice %arg7[%mul3A_6, %dma_start3A] : memref<10240x96xf32, #tpu.memory_space<hbm>> -> memref<640x96xf32, #tpu.memory_space<hbm>>
        %dma_start3A_37 = arith.constant 0 : i32
        %dma_start3A_38 = tpu.memref_slice %arg8[%mul3A_6, %dma_start3A_37] : memref<10240x96xf32, #tpu.memory_space<vmem_shared>> -> memref<640x96xf32, #tpu.memory_space<vmem_shared>>
        tpu.enqueue_dma source(%dma_start3A_38 : memref<640x96xf32, #tpu.memory_space<vmem_shared>>) target(%dma_start3A_36 : memref<640x96xf32, #tpu.memory_space<hbm>>) target_semaphore(%run_scoped3A : memref<!tpu.dma_semaphore, #tpu.memory_space<semaphore_mem>>)
        %dma_wait3A = arith.constant 0 : i32
        %dma_wait3A_39 = tpu.memref_slice %arg7[%mul3A_6, %dma_wait3A] : memref<10240x96xf32, #tpu.memory_space<hbm>> -> memref<640x96xf32, #tpu.memory_space<hbm>>
        %dma_wait3A_40 = arith.constant 0 : i32
        %dma_wait3A_41 = tpu.memref_slice %arg8[%mul3A_6, %dma_wait3A_40] : memref<10240x96xf32, #tpu.memory_space<vmem_shared>> -> memref<640x96xf32, #tpu.memory_space<vmem_shared>>
        tpu.wait_dma2 semaphore(%run_scoped3A : memref<!tpu.dma_semaphore, #tpu.memory_space<semaphore_mem>>) src(%dma_wait3A_41 : memref<640x96xf32, #tpu.memory_space<vmem_shared>>) dst(%dma_wait3A_39 : memref<640x96xf32, #tpu.memory_space<hbm>>)
        tpu.yield
      }) : () -> ()
    } else {
    }
    return
  }
}

#map = affine_map<(d0, d1) -> (0, 0)>
#map1 = affine_map<(d0, d1) -> (0)>
module attributes {stable_mosaic.version = 14 : i64} {
  func.func @spmm(%arg0: i32, %arg1: i32, %arg2: memref<10000x96xf32, #tpu.memory_space<hbm>>, %arg3: memref<10000x96xf32, #tpu.memory_space<hbm>>, %arg4: memref<323584xi32, #tpu.memory_space<hbm>>, %arg5: memref<323584xi32, #tpu.memory_space<hbm>>, %arg6: memref<10240x96xf32, #tpu.memory_space<hbm>>, %arg7: memref<10240x96xf32, #tpu.memory_space<hbm>>, %arg8: memref<10240x96xf32, #tpu.memory_space<vmem_shared>>, %arg9: memref<128xi32, #tpu.memory_space<vmem>>, %arg10: memref<128xi32, #tpu.memory_space<vmem>>, %arg11: memref<128x96xf32, #tpu.memory_space<vmem>>, %arg12: memref<!tpu.dma_semaphore, #tpu.memory_space<semaphore_mem>>) attributes {dimension_semantics = [#tpu.dimension_semantics<core_parallel>, #tpu.dimension_semantics<subcore_parallel>], iteration_bounds = array<i64: 2, 16>, scalar_prefetch = 0 : i64, scratch_operands = 5 : i64, tpu.core_type = #tpu.core_type<sc_vector_subcore>, window_params = [{transform_indices = #map}, {transform_indices = #map}, {transform_indices = #map1}, {transform_indices = #map1}, {transform_indices = #map}, {transform_indices = #map}]} {
    %scan3A = arith.constant 0 : i32
    %scan3A_0 = arith.constant 0 : i32
    %scan3A_1 = arith.constant 768 : i32
    %scan3A_2 = arith.addi %scan3A_0, %scan3A_1 : i32
    %scan3A_3 = arith.constant 1 : i32
    %scan3A_4 = scf.for %scan3A_36 = %scan3A_0 to %scan3A_2 step %scan3A_3 iter_args(%scan3A_37 = %scan3A) -> (i32)  : i32 {
      %broadcast_in_dim3A = arith.constant 0.000000e+00 : f32
      %broadcast_in_dim3A_38 = vector.broadcast %broadcast_in_dim3A : f32 to vector<16xf32>
      %jit3A = arith.constant 6 : i32
      %div3A = arith.divsi %scan3A_36, %jit3A : i32
      %sign3A = arith.constant 0 : i32
      %sign3A_39 = arith.cmpi sgt, %scan3A_36, %sign3A : i32
      %sign3A_40 = arith.extui %sign3A_39 : i1 to i32
      %sign3A_41 = arith.constant 0 : i32
      %sign3A_42 = arith.cmpi slt, %scan3A_36, %sign3A_41 : i32
      %sign3A_43 = arith.extui %sign3A_42 : i1 to i32
      %sign3A_44 = arith.subi %sign3A_40, %sign3A_43 : i32
      %sign3A_45 = arith.constant 0 : i32
      %sign3A_46 = arith.cmpi sgt, %jit3A, %sign3A_45 : i32
      %sign3A_47 = arith.extui %sign3A_46 : i1 to i32
      %sign3A_48 = arith.constant 0 : i32
      %sign3A_49 = arith.cmpi slt, %jit3A, %sign3A_48 : i32
      %sign3A_50 = arith.extui %sign3A_49 : i1 to i32
      %sign3A_51 = arith.subi %sign3A_47, %sign3A_50 : i32
      %ne3A = arith.cmpi ne, %sign3A_44, %sign3A_51 : i32
      %rem3A = arith.remsi %scan3A_36, %jit3A : i32
      %ne3A_52 = arith.constant 0 : i32
      %ne3A_53 = arith.cmpi ne, %rem3A, %ne3A_52 : i32
      %and3A = arith.andi %ne3A, %ne3A_53 : i1
      %sub3A = arith.constant 1 : i32
      %sub3A_54 = arith.subi %div3A, %sub3A : i32
      %select_n3A = arith.select %and3A, %sub3A_54, %div3A : i32
      %jit3A_55 = arith.constant 6 : i32
      %eq3A_56 = arith.constant 0 : i32
      %eq3A_57 = arith.cmpi eq, %jit3A_55, %eq3A_56 : i32
      %jit3A_58 = arith.constant 1 : i32
      %select_n3A_59 = arith.select %eq3A_57, %jit3A_58, %jit3A_55 : i32
      %rem3A_60 = arith.remsi %scan3A_36, %select_n3A_59 : i32
      %ne3A_61 = arith.constant 0 : i32
      %ne3A_62 = arith.cmpi ne, %rem3A_60, %ne3A_61 : i32
      %lt3A = arith.constant 0 : i32
      %lt3A_63 = arith.cmpi slt, %rem3A_60, %lt3A : i32
      %lt3A_64 = arith.constant 0 : i32
      %lt3A_65 = arith.cmpi slt, %select_n3A_59, %lt3A_64 : i32
      %ne3A_66 = arith.xori %lt3A_63, %lt3A_65 : i1
      %and3A_67 = arith.andi %ne3A_66, %ne3A_62 : i1
      %add3A_68 = arith.addi %rem3A_60, %select_n3A_59 : i32
      %select_n3A_69 = arith.select %and3A_67, %add3A_68, %rem3A_60 : i32
      %mul3A_70 = arith.constant 16 : i32
      %mul3A_71 = arith.muli %select_n3A_69, %mul3A_70 : i32
      %swap3A = arith.index_cast %select_n3A : i32 to index
      %swap3A_72 = arith.index_cast %mul3A_71 : i32 to index
      %swap3A_73 = tpu.vector_load %arg11[%swap3A, %swap3A_72] {strides = array<i32>} : memref<128x96xf32, #tpu.memory_space<vmem>>, vector<1x16xf32>,
      %swap3A_74 = vector.shape_cast %swap3A_73 : vector<1x16xf32> to vector<16xf32>
      %swap3A_75 = vector.shape_cast %broadcast_in_dim3A_38 : vector<16xf32> to vector<1x16xf32>
      tpu.vector_store %arg11[%swap3A, %swap3A_72], %swap3A_75 {strides = array<i32>} : memref<128x96xf32, #tpu.memory_space<vmem>>, vector<1x16xf32>,
      %scan3A_76 = arith.constant 0 : i32
      scf.yield %scan3A_76 : i32
    }
    %scan3A_5 = arith.constant 768 : i32
    %mul3A = arith.constant 640 : i32
    %mul3A_6 = arith.muli %arg1, %mul3A : i32
    %add3A = arith.constant 0 : i32
    %add3A_7 = arith.addi %mul3A_6, %add3A : i32
    "tpu.region"() ({
      %run_scoped3A = tpu.sem_alloc : memref<!tpu.dma_semaphore, #tpu.memory_space<semaphore_mem>>
      %dma_start3A = arith.constant 0 : i32
      %dma_start3A_36 = tpu.memref_slice %arg8[%add3A_7, %dma_start3A] : memref<10240x96xf32, #tpu.memory_space<vmem_shared>> -> memref<128x96xf32, #tpu.memory_space<vmem_shared>>
      %dma_start3A_37 = arith.constant 0 : i32
      %dma_start3A_38 = tpu.memref_slice %arg8[%add3A_7, %dma_start3A_37] : memref<10240x96xf32, #tpu.memory_space<vmem_shared>> -> memref<128x96xf32, #tpu.memory_space<vmem_shared>>
      tpu.enqueue_dma source(%arg11 : memref<128x96xf32, #tpu.memory_space<vmem>>) target(%dma_start3A_38 : memref<128x96xf32, #tpu.memory_space<vmem_shared>>) target_semaphore(%run_scoped3A : memref<!tpu.dma_semaphore, #tpu.memory_space<semaphore_mem>>)
      %dma_wait3A = arith.constant 0 : i32
      %dma_wait3A_39 = tpu.memref_slice %arg8[%add3A_7, %dma_wait3A] : memref<10240x96xf32, #tpu.memory_space<vmem_shared>> -> memref<128x96xf32, #tpu.memory_space<vmem_shared>>
      %dma_wait3A_40 = arith.constant 0 : i32
      %dma_wait3A_41 = tpu.memref_slice %arg8[%add3A_7, %dma_wait3A_40] : memref<10240x96xf32, #tpu.memory_space<vmem_shared>> -> memref<128x96xf32, #tpu.memory_space<vmem_shared>>
      tpu.wait_dma2 semaphore(%run_scoped3A : memref<!tpu.dma_semaphore, #tpu.memory_space<semaphore_mem>>) src(%arg11 : memref<128x96xf32, #tpu.memory_space<vmem>>) dst(%dma_wait3A_41 : memref<128x96xf32, #tpu.memory_space<vmem_shared>>)
      tpu.yield
    }) : () -> ()
    %add3A_8 = arith.constant 128 : i32
    %add3A_9 = arith.addi %mul3A_6, %add3A_8 : i32
    "tpu.region"() ({
      %run_scoped3A = tpu.sem_alloc : memref<!tpu.dma_semaphore, #tpu.memory_space<semaphore_mem>>
      %dma_start3A = arith.constant 0 : i32
      %dma_start3A_36 = tpu.memref_slice %arg8[%add3A_9, %dma_start3A] : memref<10240x96xf32, #tpu.memory_space<vmem_shared>> -> memref<128x96xf32, #tpu.memory_space<vmem_shared>>
      %dma_start3A_37 = arith.constant 0 : i32
      %dma_start3A_38 = tpu.memref_slice %arg8[%add3A_9, %dma_start3A_37] : memref<10240x96xf32, #tpu.memory_space<vmem_shared>> -> memref<128x96xf32, #tpu.memory_space<vmem_shared>>
      tpu.enqueue_dma source(%arg11 : memref<128x96xf32, #tpu.memory_space<vmem>>) target(%dma_start3A_38 : memref<128x96xf32, #tpu.memory_space<vmem_shared>>) target_semaphore(%run_scoped3A : memref<!tpu.dma_semaphore, #tpu.memory_space<semaphore_mem>>)
      %dma_wait3A = arith.constant 0 : i32
      %dma_wait3A_39 = tpu.memref_slice %arg8[%add3A_9, %dma_wait3A] : memref<10240x96xf32, #tpu.memory_space<vmem_shared>> -> memref<128x96xf32, #tpu.memory_space<vmem_shared>>
      %dma_wait3A_40 = arith.constant 0 : i32
      %dma_wait3A_41 = tpu.memref_slice %arg8[%add3A_9, %dma_wait3A_40] : memref<10240x96xf32, #tpu.memory_space<vmem_shared>> -> memref<128x96xf32, #tpu.memory_space<vmem_shared>>
      tpu.wait_dma2 semaphore(%run_scoped3A : memref<!tpu.dma_semaphore, #tpu.memory_space<semaphore_mem>>) src(%arg11 : memref<128x96xf32, #tpu.memory_space<vmem>>) dst(%dma_wait3A_41 : memref<128x96xf32, #tpu.memory_space<vmem_shared>>)
      tpu.yield
    }) : () -> ()
    %add3A_10 = arith.constant 256 : i32
    %add3A_11 = arith.addi %mul3A_6, %add3A_10 : i32
    "tpu.region"() ({
      %run_scoped3A = tpu.sem_alloc : memref<!tpu.dma_semaphore, #tpu.memory_space<semaphore_mem>>
      %dma_start3A = arith.constant 0 : i32
      %dma_start3A_36 = tpu.memref_slice %arg8[%add3A_11, %dma_start3A] : memref<10240x96xf32, #tpu.memory_space<vmem_shared>> -> memref<128x96xf32, #tpu.memory_space<vmem_shared>>
      %dma_start3A_37 = arith.constant 0 : i32
      %dma_start3A_38 = tpu.memref_slice %arg8[%add3A_11, %dma_start3A_37] : memref<10240x96xf32, #tpu.memory_space<vmem_shared>> -> memref<128x96xf32, #tpu.memory_space<vmem_shared>>
      tpu.enqueue_dma source(%arg11 : memref<128x96xf32, #tpu.memory_space<vmem>>) target(%dma_start3A_38 : memref<128x96xf32, #tpu.memory_space<vmem_shared>>) target_semaphore(%run_scoped3A : memref<!tpu.dma_semaphore, #tpu.memory_space<semaphore_mem>>)
      %dma_wait3A = arith.constant 0 : i32
      %dma_wait3A_39 = tpu.memref_slice %arg8[%add3A_11, %dma_wait3A] : memref<10240x96xf32, #tpu.memory_space<vmem_shared>> -> memref<128x96xf32, #tpu.memory_space<vmem_shared>>
      %dma_wait3A_40 = arith.constant 0 : i32
      %dma_wait3A_41 = tpu.memref_slice %arg8[%add3A_11, %dma_wait3A_40] : memref<10240x96xf32, #tpu.memory_space<vmem_shared>> -> memref<128x96xf32, #tpu.memory_space<vmem_shared>>
      tpu.wait_dma2 semaphore(%run_scoped3A : memref<!tpu.dma_semaphore, #tpu.memory_space<semaphore_mem>>) src(%arg11 : memref<128x96xf32, #tpu.memory_space<vmem>>) dst(%dma_wait3A_41 : memref<128x96xf32, #tpu.memory_space<vmem_shared>>)
      tpu.yield
    }) : () -> ()
    %add3A_12 = arith.constant 384 : i32
    %add3A_13 = arith.addi %mul3A_6, %add3A_12 : i32
    "tpu.region"() ({
      %run_scoped3A = tpu.sem_alloc : memref<!tpu.dma_semaphore, #tpu.memory_space<semaphore_mem>>
      %dma_start3A = arith.constant 0 : i32
      %dma_start3A_36 = tpu.memref_slice %arg8[%add3A_13, %dma_start3A] : memref<10240x96xf32, #tpu.memory_space<vmem_shared>> -> memref<128x96xf32, #tpu.memory_space<vmem_shared>>
      %dma_start3A_37 = arith.constant 0 : i32
      %dma_start3A_38 = tpu.memref_slice %arg8[%add3A_13, %dma_start3A_37] : memref<10240x96xf32, #tpu.memory_space<vmem_shared>> -> memref<128x96xf32, #tpu.memory_space<vmem_shared>>
      tpu.enqueue_dma source(%arg11 : memref<128x96xf32, #tpu.memory_space<vmem>>) target(%dma_start3A_38 : memref<128x96xf32, #tpu.memory_space<vmem_shared>>) target_semaphore(%run_scoped3A : memref<!tpu.dma_semaphore, #tpu.memory_space<semaphore_mem>>)
      %dma_wait3A = arith.constant 0 : i32
      %dma_wait3A_39 = tpu.memref_slice %arg8[%add3A_13, %dma_wait3A] : memref<10240x96xf32, #tpu.memory_space<vmem_shared>> -> memref<128x96xf32, #tpu.memory_space<vmem_shared>>
      %dma_wait3A_40 = arith.constant 0 : i32
      %dma_wait3A_41 = tpu.memref_slice %arg8[%add3A_13, %dma_wait3A_40] : memref<10240x96xf32, #tpu.memory_space<vmem_shared>> -> memref<128x96xf32, #tpu.memory_space<vmem_shared>>
      tpu.wait_dma2 semaphore(%run_scoped3A : memref<!tpu.dma_semaphore, #tpu.memory_space<semaphore_mem>>) src(%arg11 : memref<128x96xf32, #tpu.memory_space<vmem>>) dst(%dma_wait3A_41 : memref<128x96xf32, #tpu.memory_space<vmem_shared>>)
      tpu.yield
    }) : () -> ()
    %add3A_14 = arith.constant 512 : i32
    %add3A_15 = arith.addi %mul3A_6, %add3A_14 : i32
    "tpu.region"() ({
      %run_scoped3A = tpu.sem_alloc : memref<!tpu.dma_semaphore, #tpu.memory_space<semaphore_mem>>
      %dma_start3A = arith.constant 0 : i32
      %dma_start3A_36 = tpu.memref_slice %arg8[%add3A_15, %dma_start3A] : memref<10240x96xf32, #tpu.memory_space<vmem_shared>> -> memref<128x96xf32, #tpu.memory_space<vmem_shared>>
      %dma_start3A_37 = arith.constant 0 : i32
      %dma_start3A_38 = tpu.memref_slice %arg8[%add3A_15, %dma_start3A_37] : memref<10240x96xf32, #tpu.memory_space<vmem_shared>> -> memref<128x96xf32, #tpu.memory_space<vmem_shared>>
      tpu.enqueue_dma source(%arg11 : memref<128x96xf32, #tpu.memory_space<vmem>>) target(%dma_start3A_38 : memref<128x96xf32, #tpu.memory_space<vmem_shared>>) target_semaphore(%run_scoped3A : memref<!tpu.dma_semaphore, #tpu.memory_space<semaphore_mem>>)
      %dma_wait3A = arith.constant 0 : i32
      %dma_wait3A_39 = tpu.memref_slice %arg8[%add3A_15, %dma_wait3A] : memref<10240x96xf32, #tpu.memory_space<vmem_shared>> -> memref<128x96xf32, #tpu.memory_space<vmem_shared>>
      %dma_wait3A_40 = arith.constant 0 : i32
      %dma_wait3A_41 = tpu.memref_slice %arg8[%add3A_15, %dma_wait3A_40] : memref<10240x96xf32, #tpu.memory_space<vmem_shared>> -> memref<128x96xf32, #tpu.memory_space<vmem_shared>>
      tpu.wait_dma2 semaphore(%run_scoped3A : memref<!tpu.dma_semaphore, #tpu.memory_space<semaphore_mem>>) src(%arg11 : memref<128x96xf32, #tpu.memory_space<vmem>>) dst(%dma_wait3A_41 : memref<128x96xf32, #tpu.memory_space<vmem_shared>>)
      tpu.yield
    }) : () -> ()
    %barrier3A = arith.constant 0 : index
    tpu.barrier barrier_id(%barrier3A)
    %mul3A_16 = arith.constant 20224 : i32
    %mul3A_17 = arith.muli %arg1, %mul3A_16 : i32
    %eq3A = arith.constant 0 : i32
    %eq3A_18 = arith.cmpi eq, %arg0, %eq3A : i32
    %convert_element_type3A = arith.extui %eq3A_18 : i1 to i32
    %cond3A = arith.constant 0 : i32
    %cond3A_19 = arith.cmpi ne, %convert_element_type3A, %cond3A : i32
    scf.if %cond3A_19 {
      %scan3A_36 = arith.constant 0 : i32
      %scan3A_37 = arith.constant 0 : i32
      %scan3A_38 = arith.constant 158 : i32
      %scan3A_39 = arith.addi %scan3A_37, %scan3A_38 : i32
      %scan3A_40 = arith.constant 1 : i32
      %scan3A_41 = scf.for %scan3A_43 = %scan3A_37 to %scan3A_39 step %scan3A_40 iter_args(%scan3A_44 = %scan3A_36) -> (i32)  : i32 {
        %mul3A_45 = arith.constant 128 : i32
        %mul3A_46 = arith.muli %scan3A_43, %mul3A_45 : i32
        %add3A_47 = arith.addi %mul3A_17, %mul3A_46 : i32
        "tpu.region"() ({
          %run_scoped3A = tpu.sem_alloc : memref<!tpu.dma_semaphore, #tpu.memory_space<semaphore_mem>>
          %dma_start3A_53 = tpu.memref_slice %arg4[%add3A_47] : memref<323584xi32, #tpu.memory_space<hbm>> -> memref<128xi32, #tpu.memory_space<hbm>>
          %dma_start3A_54 = tpu.memref_slice %arg4[%add3A_47] : memref<323584xi32, #tpu.memory_space<hbm>> -> memref<128xi32, #tpu.memory_space<hbm>>
          tpu.enqueue_dma source(%dma_start3A_54 : memref<128xi32, #tpu.memory_space<hbm>>) target(%arg9 : memref<128xi32, #tpu.memory_space<vmem>>) target_semaphore(%run_scoped3A : memref<!tpu.dma_semaphore, #tpu.memory_space<semaphore_mem>>)
          %dma_wait3A_55 = tpu.memref_slice %arg4[%add3A_47] : memref<323584xi32, #tpu.memory_space<hbm>> -> memref<128xi32, #tpu.memory_space<hbm>>
          %dma_wait3A_56 = tpu.memref_slice %arg4[%add3A_47] : memref<323584xi32, #tpu.memory_space<hbm>> -> memref<128xi32, #tpu.memory_space<hbm>>
          tpu.wait_dma2 semaphore(%run_scoped3A : memref<!tpu.dma_semaphore, #tpu.memory_space<semaphore_mem>>) src(%dma_wait3A_56 : memref<128xi32, #tpu.memory_space<hbm>>) dst(%arg9 : memref<128xi32, #tpu.memory_space<vmem>>)
          tpu.yield
        }) : () -> ()
        "tpu.region"() ({
          %run_scoped3A = tpu.sem_alloc : memref<!tpu.dma_semaphore, #tpu.memory_space<semaphore_mem>>
          %dma_start3A_53 = tpu.memref_slice %arg5[%add3A_47] : memref<323584xi32, #tpu.memory_space<hbm>> -> memref<128xi32, #tpu.memory_space<hbm>>
          %dma_start3A_54 = tpu.memref_slice %arg5[%add3A_47] : memref<323584xi32, #tpu.memory_space<hbm>> -> memref<128xi32, #tpu.memory_space<hbm>>
          tpu.enqueue_dma source(%dma_start3A_54 : memref<128xi32, #tpu.memory_space<hbm>>) target(%arg10 : memref<128xi32, #tpu.memory_space<vmem>>) target_semaphore(%run_scoped3A : memref<!tpu.dma_semaphore, #tpu.memory_space<semaphore_mem>>)
          %dma_wait3A_55 = tpu.memref_slice %arg5[%add3A_47] : memref<323584xi32, #tpu.memory_space<hbm>> -> memref<128xi32, #tpu.memory_space<hbm>>
          %dma_wait3A_56 = tpu.memref_slice %arg5[%add3A_47] : memref<323584xi32, #tpu.memory_space<hbm>> -> memref<128xi32, #tpu.memory_space<hbm>>
          tpu.wait_dma2 semaphore(%run_scoped3A : memref<!tpu.dma_semaphore, #tpu.memory_space<semaphore_mem>>) src(%dma_wait3A_56 : memref<128xi32, #tpu.memory_space<hbm>>) dst(%arg10 : memref<128xi32, #tpu.memory_space<vmem>>)
          tpu.yield
        }) : () -> ()
        %dma_start3A = arith.constant 0 : i32
        %dma_start3A_48 = arith.constant 0 : i32
        %dma_start3A_49 = tpu.memref_slice %arg2[%dma_start3A, %dma_start3A_48] : memref<10000x96xf32, #tpu.memory_space<hbm>> -> memref<10000x96xf32, #tpu.memory_space<hbm>>
        tpu.enqueue_indirect_dma source(%dma_start3A_49 : memref<10000x96xf32, #tpu.memory_space<hbm>>) target(%arg11 : memref<128x96xf32, #tpu.memory_space<vmem>>) offsets(%arg9 : memref<128xi32, #tpu.memory_space<vmem>>) semaphore(%arg12 : memref<!tpu.dma_semaphore, #tpu.memory_space<semaphore_mem>>)
        %dma_wait3A = arith.constant 0 : i32
        %dma_wait3A_50 = arith.constant 0 : i32
        %dma_wait3A_51 = tpu.memref_slice %arg2[%dma_wait3A, %dma_wait3A_50] : memref<10000x96xf32, #tpu.memory_space<hbm>> -> memref<10000x96xf32, #tpu.memory_space<hbm>>
        tpu.wait_indirect_dma semaphore(%arg12 : memref<!tpu.dma_semaphore, #tpu.memory_space<semaphore_mem>>) src(%dma_wait3A_51 : memref<10000x96xf32, #tpu.memory_space<hbm>>) dst(%arg11 : memref<128x96xf32, #tpu.memory_space<vmem>>)
        "tpu.region"() ({
          %run_scoped3A = tpu.sem_alloc : memref<!tpu.dma_semaphore, #tpu.memory_space<semaphore_mem>>
          %dma_start3A_53 = arith.constant 0 : i32
          %dma_start3A_54 = arith.constant 0 : i32
          %dma_start3A_55 = tpu.memref_slice %arg8[%dma_start3A_53, %dma_start3A_54] : memref<10240x96xf32, #tpu.memory_space<vmem_shared>> -> memref<10240x96xf32, #tpu.memory_space<vmem_shared>>
          tpu.enqueue_indirect_dma source(%arg11 : memref<128x96xf32, #tpu.memory_space<vmem>>) target(%dma_start3A_55 : memref<10240x96xf32, #tpu.memory_space<vmem_shared>>) offsets(%arg10 : memref<128xi32, #tpu.memory_space<vmem>>) semaphore(%run_scoped3A : memref<!tpu.dma_semaphore, #tpu.memory_space<semaphore_mem>>) {add = true}
          %dma_wait3A_56 = arith.constant 0 : i32
          %dma_wait3A_57 = arith.constant 0 : i32
          %dma_wait3A_58 = tpu.memref_slice %arg8[%dma_wait3A_56, %dma_wait3A_57] : memref<10240x96xf32, #tpu.memory_space<vmem_shared>> -> memref<10240x96xf32, #tpu.memory_space<vmem_shared>>
          tpu.wait_indirect_dma semaphore(%run_scoped3A : memref<!tpu.dma_semaphore, #tpu.memory_space<semaphore_mem>>) src(%arg11 : memref<128x96xf32, #tpu.memory_space<vmem>>) dst(%dma_wait3A_58 : memref<10240x96xf32, #tpu.memory_space<vmem_shared>>)
          tpu.yield
        }) : () -> ()
        %scan3A_52 = arith.constant 0 : i32
        scf.yield %scan3A_52 : i32
      }
      %scan3A_42 = arith.constant 158 : i32
    } else {
    }
    %eq3A_20 = arith.constant 1 : i32
    %eq3A_21 = arith.cmpi eq, %arg0, %eq3A_20 : i32
    %convert_element_type3A_22 = arith.extui %eq3A_21 : i1 to i32
    %cond3A_23 = arith.constant 0 : i32
    %cond3A_24 = arith.cmpi ne, %convert_element_type3A_22, %cond3A_23 : i32
    scf.if %cond3A_24 {
      %scan3A_36 = arith.constant 0 : i32
      %scan3A_37 = arith.constant 0 : i32
      %scan3A_38 = arith.constant 158 : i32
      %scan3A_39 = arith.addi %scan3A_37, %scan3A_38 : i32
      %scan3A_40 = arith.constant 1 : i32
      %scan3A_41 = scf.for %scan3A_43 = %scan3A_37 to %scan3A_39 step %scan3A_40 iter_args(%scan3A_44 = %scan3A_36) -> (i32)  : i32 {
        %mul3A_45 = arith.constant 128 : i32
        %mul3A_46 = arith.muli %scan3A_43, %mul3A_45 : i32
        %add3A_47 = arith.addi %mul3A_17, %mul3A_46 : i32
        "tpu.region"() ({
          %run_scoped3A = tpu.sem_alloc : memref<!tpu.dma_semaphore, #tpu.memory_space<semaphore_mem>>
          %dma_start3A_53 = tpu.memref_slice %arg4[%add3A_47] : memref<323584xi32, #tpu.memory_space<hbm>> -> memref<128xi32, #tpu.memory_space<hbm>>
          %dma_start3A_54 = tpu.memref_slice %arg4[%add3A_47] : memref<323584xi32, #tpu.memory_space<hbm>> -> memref<128xi32, #tpu.memory_space<hbm>>
          tpu.enqueue_dma source(%dma_start3A_54 : memref<128xi32, #tpu.memory_space<hbm>>) target(%arg9 : memref<128xi32, #tpu.memory_space<vmem>>) target_semaphore(%run_scoped3A : memref<!tpu.dma_semaphore, #tpu.memory_space<semaphore_mem>>)
          %dma_wait3A_55 = tpu.memref_slice %arg4[%add3A_47] : memref<323584xi32, #tpu.memory_space<hbm>> -> memref<128xi32, #tpu.memory_space<hbm>>
          %dma_wait3A_56 = tpu.memref_slice %arg4[%add3A_47] : memref<323584xi32, #tpu.memory_space<hbm>> -> memref<128xi32, #tpu.memory_space<hbm>>
          tpu.wait_dma2 semaphore(%run_scoped3A : memref<!tpu.dma_semaphore, #tpu.memory_space<semaphore_mem>>) src(%dma_wait3A_56 : memref<128xi32, #tpu.memory_space<hbm>>) dst(%arg9 : memref<128xi32, #tpu.memory_space<vmem>>)
          tpu.yield
        }) : () -> ()
        "tpu.region"() ({
          %run_scoped3A = tpu.sem_alloc : memref<!tpu.dma_semaphore, #tpu.memory_space<semaphore_mem>>
          %dma_start3A_53 = tpu.memref_slice %arg5[%add3A_47] : memref<323584xi32, #tpu.memory_space<hbm>> -> memref<128xi32, #tpu.memory_space<hbm>>
          %dma_start3A_54 = tpu.memref_slice %arg5[%add3A_47] : memref<323584xi32, #tpu.memory_space<hbm>> -> memref<128xi32, #tpu.memory_space<hbm>>
          tpu.enqueue_dma source(%dma_start3A_54 : memref<128xi32, #tpu.memory_space<hbm>>) target(%arg10 : memref<128xi32, #tpu.memory_space<vmem>>) target_semaphore(%run_scoped3A : memref<!tpu.dma_semaphore, #tpu.memory_space<semaphore_mem>>)
          %dma_wait3A_55 = tpu.memref_slice %arg5[%add3A_47] : memref<323584xi32, #tpu.memory_space<hbm>> -> memref<128xi32, #tpu.memory_space<hbm>>
          %dma_wait3A_56 = tpu.memref_slice %arg5[%add3A_47] : memref<323584xi32, #tpu.memory_space<hbm>> -> memref<128xi32, #tpu.memory_space<hbm>>
          tpu.wait_dma2 semaphore(%run_scoped3A : memref<!tpu.dma_semaphore, #tpu.memory_space<semaphore_mem>>) src(%dma_wait3A_56 : memref<128xi32, #tpu.memory_space<hbm>>) dst(%arg10 : memref<128xi32, #tpu.memory_space<vmem>>)
          tpu.yield
        }) : () -> ()
        %dma_start3A = arith.constant 0 : i32
        %dma_start3A_48 = arith.constant 0 : i32
        %dma_start3A_49 = tpu.memref_slice %arg3[%dma_start3A, %dma_start3A_48] : memref<10000x96xf32, #tpu.memory_space<hbm>> -> memref<10000x96xf32, #tpu.memory_space<hbm>>
        tpu.enqueue_indirect_dma source(%dma_start3A_49 : memref<10000x96xf32, #tpu.memory_space<hbm>>) target(%arg11 : memref<128x96xf32, #tpu.memory_space<vmem>>) offsets(%arg9 : memref<128xi32, #tpu.memory_space<vmem>>) semaphore(%arg12 : memref<!tpu.dma_semaphore, #tpu.memory_space<semaphore_mem>>)
        %dma_wait3A = arith.constant 0 : i32
        %dma_wait3A_50 = arith.constant 0 : i32
        %dma_wait3A_51 = tpu.memref_slice %arg3[%dma_wait3A, %dma_wait3A_50] : memref<10000x96xf32, #tpu.memory_space<hbm>> -> memref<10000x96xf32, #tpu.memory_space<hbm>>
        tpu.wait_indirect_dma semaphore(%arg12 : memref<!tpu.dma_semaphore, #tpu.memory_space<semaphore_mem>>) src(%dma_wait3A_51 : memref<10000x96xf32, #tpu.memory_space<hbm>>) dst(%arg11 : memref<128x96xf32, #tpu.memory_space<vmem>>)
        "tpu.region"() ({
          %run_scoped3A = tpu.sem_alloc : memref<!tpu.dma_semaphore, #tpu.memory_space<semaphore_mem>>
          %dma_start3A_53 = arith.constant 0 : i32
          %dma_start3A_54 = arith.constant 0 : i32
          %dma_start3A_55 = tpu.memref_slice %arg8[%dma_start3A_53, %dma_start3A_54] : memref<10240x96xf32, #tpu.memory_space<vmem_shared>> -> memref<10240x96xf32, #tpu.memory_space<vmem_shared>>
          tpu.enqueue_indirect_dma source(%arg11 : memref<128x96xf32, #tpu.memory_space<vmem>>) target(%dma_start3A_55 : memref<10240x96xf32, #tpu.memory_space<vmem_shared>>) offsets(%arg10 : memref<128xi32, #tpu.memory_space<vmem>>) semaphore(%run_scoped3A : memref<!tpu.dma_semaphore, #tpu.memory_space<semaphore_mem>>) {add = true}
          %dma_wait3A_56 = arith.constant 0 : i32
          %dma_wait3A_57 = arith.constant 0 : i32
          %dma_wait3A_58 = tpu.memref_slice %arg8[%dma_wait3A_56, %dma_wait3A_57] : memref<10240x96xf32, #tpu.memory_space<vmem_shared>> -> memref<10240x96xf32, #tpu.memory_space<vmem_shared>>
          tpu.wait_indirect_dma semaphore(%run_scoped3A : memref<!tpu.dma_semaphore, #tpu.memory_space<semaphore_mem>>) src(%arg11 : memref<128x96xf32, #tpu.memory_space<vmem>>) dst(%dma_wait3A_58 : memref<10240x96xf32, #tpu.memory_space<vmem_shared>>)
          tpu.yield
        }) : () -> ()
        %scan3A_52 = arith.constant 0 : i32
        scf.yield %scan3A_52 : i32
      }
      %scan3A_42 = arith.constant 158 : i32
    } else {
    }
    %barrier3A_25 = arith.constant 0 : index
    tpu.barrier barrier_id(%barrier3A_25)
    %eq3A_26 = arith.constant 0 : i32
    %eq3A_27 = arith.cmpi eq, %arg0, %eq3A_26 : i32
    %convert_element_type3A_28 = arith.extui %eq3A_27 : i1 to i32
    %cond3A_29 = arith.constant 0 : i32
    %cond3A_30 = arith.cmpi ne, %convert_element_type3A_28, %cond3A_29 : i32
    scf.if %cond3A_30 {
      "tpu.region"() ({
        %run_scoped3A = tpu.sem_alloc : memref<!tpu.dma_semaphore, #tpu.memory_space<semaphore_mem>>
        %dma_start3A = arith.constant 0 : i32
        %dma_start3A_36 = tpu.memref_slice %arg6[%mul3A_6, %dma_start3A] : memref<10240x96xf32, #tpu.memory_space<hbm>> -> memref<640x96xf32, #tpu.memory_space<hbm>>
        %dma_start3A_37 = arith.constant 0 : i32
        %dma_start3A_38 = tpu.memref_slice %arg8[%mul3A_6, %dma_start3A_37] : memref<10240x96xf32, #tpu.memory_space<vmem_shared>> -> memref<640x96xf32, #tpu.memory_space<vmem_shared>>
        tpu.enqueue_dma source(%dma_start3A_38 : memref<640x96xf32, #tpu.memory_space<vmem_shared>>) target(%dma_start3A_36 : memref<640x96xf32, #tpu.memory_space<hbm>>) target_semaphore(%run_scoped3A : memref<!tpu.dma_semaphore, #tpu.memory_space<semaphore_mem>>)
        %dma_wait3A = arith.constant 0 : i32
        %dma_wait3A_39 = tpu.memref_slice %arg6[%mul3A_6, %dma_wait3A] : memref<10240x96xf32, #tpu.memory_space<hbm>> -> memref<640x96xf32, #tpu.memory_space<hbm>>
        %dma_wait3A_40 = arith.constant 0 : i32
        %dma_wait3A_41 = tpu.memref_slice %arg8[%mul3A_6, %dma_wait3A_40] : memref<10240x96xf32, #tpu.memory_space<vmem_shared>> -> memref<640x96xf32, #tpu.memory_space<vmem_shared>>
        tpu.wait_dma2 semaphore(%run_scoped3A : memref<!tpu.dma_semaphore, #tpu.memory_space<semaphore_mem>>) src(%dma_wait3A_41 : memref<640x96xf32, #tpu.memory_space<vmem_shared>>) dst(%dma_wait3A_39 : memref<640x96xf32, #tpu.memory_space<hbm>>)
        tpu.yield
      }) : () -> ()
    } else {
    }
    %eq3A_31 = arith.constant 1 : i32
    %eq3A_32 = arith.cmpi eq, %arg0, %eq3A_31 : i32
    %convert_element_type3A_33 = arith.extui %eq3A_32 : i1 to i32
    %cond3A_34 = arith.constant 0 : i32
    %cond3A_35 = arith.cmpi ne, %convert_element_type3A_33, %cond3A_34 : i32
    scf.if %cond3A_35 {
      "tpu.region"() ({
        %run_scoped3A = tpu.sem_alloc : memref<!tpu.dma_semaphore, #tpu.memory_space<semaphore_mem>>
        %dma_start3A = arith.constant 0 : i32
        %dma_start3A_36 = tpu.memref_slice %arg7[%mul3A_6, %dma_start3A] : memref<10240x96xf32, #tpu.memory_space<hbm>> -> memref<640x96xf32, #tpu.memory_space<hbm>>
        %dma_start3A_37 = arith.constant 0 : i32
        %dma_start3A_38 = tpu.memref_slice %arg8[%mul3A_6, %dma_start3A_37] : memref<10240x96xf32, #tpu.memory_space<vmem_shared>> -> memref<640x96xf32, #tpu.memory_space<vmem_shared>>
        tpu.enqueue_dma source(%dma_start3A_38 : memref<640x96xf32, #tpu.memory_space<vmem_shared>>) target(%dma_start3A_36 : memref<640x96xf32, #tpu.memory_space<hbm>>) target_semaphore(%run_scoped3A : memref<!tpu.dma_semaphore, #tpu.memory_space<semaphore_mem>>)
        %dma_wait3A = arith.constant 0 : i32
        %dma_wait3A_39 = tpu.memref_slice %arg7[%mul3A_6, %dma_wait3A] : memref<10240x96xf32, #tpu.memory_space<hbm>> -> memref<640x96xf32, #tpu.memory_space<hbm>>
        %dma_wait3A_40 = arith.constant 0 : i32
        %dma_wait3A_41 = tpu.memref_slice %arg8[%mul3A_6, %dma_wait3A_40] : memref<10240x96xf32, #tpu.memory_space<vmem_shared>> -> memref<640x96xf32, #tpu.memory_space<vmem_shared>>
        tpu.wait_dma2 semaphore(%run_scoped3A : memref<!tpu.dma_semaphore, #tpu.memory_space<semaphore_mem>>) src(%dma_wait3A_41 : memref<640x96xf32, #tpu.memory_space<vmem_shared>>) dst(%dma_wait3A_39 : memref<640x96xf32, #tpu.memory_space<hbm>>)
        tpu.yield
      }) : () -> ()
    } else {
    }
    return
  }
}

#map = affine_map<(d0, d1) -> (0, 0)>
#map1 = affine_map<(d0, d1) -> (0)>
module attributes {stable_mosaic.version = 14 : i64} {
  func.func @spmm(%arg0: i32, %arg1: i32, %arg2: memref<10000x96xf32, #tpu.memory_space<hbm>>, %arg3: memref<10000x96xf32, #tpu.memory_space<hbm>>, %arg4: memref<323584xi32, #tpu.memory_space<hbm>>, %arg5: memref<323584xi32, #tpu.memory_space<hbm>>, %arg6: memref<10240x96xf32, #tpu.memory_space<hbm>>, %arg7: memref<10240x96xf32, #tpu.memory_space<hbm>>, %arg8: memref<10240x96xf32, #tpu.memory_space<vmem_shared>>, %arg9: memref<128xi32, #tpu.memory_space<vmem>>, %arg10: memref<128xi32, #tpu.memory_space<vmem>>, %arg11: memref<128x96xf32, #tpu.memory_space<vmem>>, %arg12: memref<!tpu.dma_semaphore, #tpu.memory_space<semaphore_mem>>) attributes {dimension_semantics = [#tpu.dimension_semantics<core_parallel>, #tpu.dimension_semantics<subcore_parallel>], iteration_bounds = array<i64: 2, 16>, scalar_prefetch = 0 : i64, scratch_operands = 5 : i64, tpu.core_type = #tpu.core_type<sc_vector_subcore>, window_params = [{transform_indices = #map}, {transform_indices = #map}, {transform_indices = #map1}, {transform_indices = #map1}, {transform_indices = #map}, {transform_indices = #map}]} {
    %scan3A = arith.constant 0 : i32
    %scan3A_0 = arith.constant 0 : i32
    %scan3A_1 = arith.constant 768 : i32
    %scan3A_2 = arith.addi %scan3A_0, %scan3A_1 : i32
    %scan3A_3 = arith.constant 1 : i32
    %scan3A_4 = scf.for %scan3A_36 = %scan3A_0 to %scan3A_2 step %scan3A_3 iter_args(%scan3A_37 = %scan3A) -> (i32)  : i32 {
      %broadcast_in_dim3A = arith.constant 0.000000e+00 : f32
      %broadcast_in_dim3A_38 = vector.broadcast %broadcast_in_dim3A : f32 to vector<16xf32>
      %jit3A = arith.constant 6 : i32
      %div3A = arith.divsi %scan3A_36, %jit3A : i32
      %sign3A = arith.constant 0 : i32
      %sign3A_39 = arith.cmpi sgt, %scan3A_36, %sign3A : i32
      %sign3A_40 = arith.extui %sign3A_39 : i1 to i32
      %sign3A_41 = arith.constant 0 : i32
      %sign3A_42 = arith.cmpi slt, %scan3A_36, %sign3A_41 : i32
      %sign3A_43 = arith.extui %sign3A_42 : i1 to i32
      %sign3A_44 = arith.subi %sign3A_40, %sign3A_43 : i32
      %sign3A_45 = arith.constant 0 : i32
      %sign3A_46 = arith.cmpi sgt, %jit3A, %sign3A_45 : i32
      %sign3A_47 = arith.extui %sign3A_46 : i1 to i32
      %sign3A_48 = arith.constant 0 : i32
      %sign3A_49 = arith.cmpi slt, %jit3A, %sign3A_48 : i32
      %sign3A_50 = arith.extui %sign3A_49 : i1 to i32
      %sign3A_51 = arith.subi %sign3A_47, %sign3A_50 : i32
      %ne3A = arith.cmpi ne, %sign3A_44, %sign3A_51 : i32
      %rem3A = arith.remsi %scan3A_36, %jit3A : i32
      %ne3A_52 = arith.constant 0 : i32
      %ne3A_53 = arith.cmpi ne, %rem3A, %ne3A_52 : i32
      %and3A = arith.andi %ne3A, %ne3A_53 : i1
      %sub3A = arith.constant 1 : i32
      %sub3A_54 = arith.subi %div3A, %sub3A : i32
      %select_n3A = arith.select %and3A, %sub3A_54, %div3A : i32
      %jit3A_55 = arith.constant 6 : i32
      %eq3A_56 = arith.constant 0 : i32
      %eq3A_57 = arith.cmpi eq, %jit3A_55, %eq3A_56 : i32
      %jit3A_58 = arith.constant 1 : i32
      %select_n3A_59 = arith.select %eq3A_57, %jit3A_58, %jit3A_55 : i32
      %rem3A_60 = arith.remsi %scan3A_36, %select_n3A_59 : i32
      %ne3A_61 = arith.constant 0 : i32
      %ne3A_62 = arith.cmpi ne, %rem3A_60, %ne3A_61 : i32
      %lt3A = arith.constant 0 : i32
      %lt3A_63 = arith.cmpi slt, %rem3A_60, %lt3A : i32
      %lt3A_64 = arith.constant 0 : i32
      %lt3A_65 = arith.cmpi slt, %select_n3A_59, %lt3A_64 : i32
      %ne3A_66 = arith.xori %lt3A_63, %lt3A_65 : i1
      %and3A_67 = arith.andi %ne3A_66, %ne3A_62 : i1
      %add3A_68 = arith.addi %rem3A_60, %select_n3A_59 : i32
      %select_n3A_69 = arith.select %and3A_67, %add3A_68, %rem3A_60 : i32
      %mul3A_70 = arith.constant 16 : i32
      %mul3A_71 = arith.muli %select_n3A_69, %mul3A_70 : i32
      %swap3A = arith.index_cast %select_n3A : i32 to index
      %swap3A_72 = arith.index_cast %mul3A_71 : i32 to index
      %swap3A_73 = tpu.vector_load %arg11[%swap3A, %swap3A_72] {strides = array<i32>} : memref<128x96xf32, #tpu.memory_space<vmem>>, vector<1x16xf32>,
      %swap3A_74 = vector.shape_cast %swap3A_73 : vector<1x16xf32> to vector<16xf32>
      %swap3A_75 = vector.shape_cast %broadcast_in_dim3A_38 : vector<16xf32> to vector<1x16xf32>
      tpu.vector_store %arg11[%swap3A, %swap3A_72], %swap3A_75 {strides = array<i32>} : memref<128x96xf32, #tpu.memory_space<vmem>>, vector<1x16xf32>,
      %scan3A_76 = arith.constant 0 : i32
      scf.yield %scan3A_76 : i32
    }
    %scan3A_5 = arith.constant 768 : i32
    %mul3A = arith.constant 640 : i32
    %mul3A_6 = arith.muli %arg1, %mul3A : i32
    %add3A = arith.constant 0 : i32
    %add3A_7 = arith.addi %mul3A_6, %add3A : i32
    "tpu.region"() ({
      %run_scoped3A = tpu.sem_alloc : memref<!tpu.dma_semaphore, #tpu.memory_space<semaphore_mem>>
      %dma_start3A = arith.constant 0 : i32
      %dma_start3A_36 = tpu.memref_slice %arg8[%add3A_7, %dma_start3A] : memref<10240x96xf32, #tpu.memory_space<vmem_shared>> -> memref<128x96xf32, #tpu.memory_space<vmem_shared>>
      %dma_start3A_37 = arith.constant 0 : i32
      %dma_start3A_38 = tpu.memref_slice %arg8[%add3A_7, %dma_start3A_37] : memref<10240x96xf32, #tpu.memory_space<vmem_shared>> -> memref<128x96xf32, #tpu.memory_space<vmem_shared>>
      tpu.enqueue_dma source(%arg11 : memref<128x96xf32, #tpu.memory_space<vmem>>) target(%dma_start3A_38 : memref<128x96xf32, #tpu.memory_space<vmem_shared>>) target_semaphore(%run_scoped3A : memref<!tpu.dma_semaphore, #tpu.memory_space<semaphore_mem>>)
      %dma_wait3A = arith.constant 0 : i32
      %dma_wait3A_39 = tpu.memref_slice %arg8[%add3A_7, %dma_wait3A] : memref<10240x96xf32, #tpu.memory_space<vmem_shared>> -> memref<128x96xf32, #tpu.memory_space<vmem_shared>>
      %dma_wait3A_40 = arith.constant 0 : i32
      %dma_wait3A_41 = tpu.memref_slice %arg8[%add3A_7, %dma_wait3A_40] : memref<10240x96xf32, #tpu.memory_space<vmem_shared>> -> memref<128x96xf32, #tpu.memory_space<vmem_shared>>
      tpu.wait_dma2 semaphore(%run_scoped3A : memref<!tpu.dma_semaphore, #tpu.memory_space<semaphore_mem>>) src(%arg11 : memref<128x96xf32, #tpu.memory_space<vmem>>) dst(%dma_wait3A_41 : memref<128x96xf32, #tpu.memory_space<vmem_shared>>)
      tpu.yield
    }) : () -> ()
    %add3A_8 = arith.constant 128 : i32
    %add3A_9 = arith.addi %mul3A_6, %add3A_8 : i32
    "tpu.region"() ({
      %run_scoped3A = tpu.sem_alloc : memref<!tpu.dma_semaphore, #tpu.memory_space<semaphore_mem>>
      %dma_start3A = arith.constant 0 : i32
      %dma_start3A_36 = tpu.memref_slice %arg8[%add3A_9, %dma_start3A] : memref<10240x96xf32, #tpu.memory_space<vmem_shared>> -> memref<128x96xf32, #tpu.memory_space<vmem_shared>>
      %dma_start3A_37 = arith.constant 0 : i32
      %dma_start3A_38 = tpu.memref_slice %arg8[%add3A_9, %dma_start3A_37] : memref<10240x96xf32, #tpu.memory_space<vmem_shared>> -> memref<128x96xf32, #tpu.memory_space<vmem_shared>>
      tpu.enqueue_dma source(%arg11 : memref<128x96xf32, #tpu.memory_space<vmem>>) target(%dma_start3A_38 : memref<128x96xf32, #tpu.memory_space<vmem_shared>>) target_semaphore(%run_scoped3A : memref<!tpu.dma_semaphore, #tpu.memory_space<semaphore_mem>>)
      %dma_wait3A = arith.constant 0 : i32
      %dma_wait3A_39 = tpu.memref_slice %arg8[%add3A_9, %dma_wait3A] : memref<10240x96xf32, #tpu.memory_space<vmem_shared>> -> memref<128x96xf32, #tpu.memory_space<vmem_shared>>
      %dma_wait3A_40 = arith.constant 0 : i32
      %dma_wait3A_41 = tpu.memref_slice %arg8[%add3A_9, %dma_wait3A_40] : memref<10240x96xf32, #tpu.memory_space<vmem_shared>> -> memref<128x96xf32, #tpu.memory_space<vmem_shared>>
      tpu.wait_dma2 semaphore(%run_scoped3A : memref<!tpu.dma_semaphore, #tpu.memory_space<semaphore_mem>>) src(%arg11 : memref<128x96xf32, #tpu.memory_space<vmem>>) dst(%dma_wait3A_41 : memref<128x96xf32, #tpu.memory_space<vmem_shared>>)
      tpu.yield
    }) : () -> ()
    %add3A_10 = arith.constant 256 : i32
    %add3A_11 = arith.addi %mul3A_6, %add3A_10 : i32
    "tpu.region"() ({
      %run_scoped3A = tpu.sem_alloc : memref<!tpu.dma_semaphore, #tpu.memory_space<semaphore_mem>>
      %dma_start3A = arith.constant 0 : i32
      %dma_start3A_36 = tpu.memref_slice %arg8[%add3A_11, %dma_start3A] : memref<10240x96xf32, #tpu.memory_space<vmem_shared>> -> memref<128x96xf32, #tpu.memory_space<vmem_shared>>
      %dma_start3A_37 = arith.constant 0 : i32
      %dma_start3A_38 = tpu.memref_slice %arg8[%add3A_11, %dma_start3A_37] : memref<10240x96xf32, #tpu.memory_space<vmem_shared>> -> memref<128x96xf32, #tpu.memory_space<vmem_shared>>
      tpu.enqueue_dma source(%arg11 : memref<128x96xf32, #tpu.memory_space<vmem>>) target(%dma_start3A_38 : memref<128x96xf32, #tpu.memory_space<vmem_shared>>) target_semaphore(%run_scoped3A : memref<!tpu.dma_semaphore, #tpu.memory_space<semaphore_mem>>)
      %dma_wait3A = arith.constant 0 : i32
      %dma_wait3A_39 = tpu.memref_slice %arg8[%add3A_11, %dma_wait3A] : memref<10240x96xf32, #tpu.memory_space<vmem_shared>> -> memref<128x96xf32, #tpu.memory_space<vmem_shared>>
      %dma_wait3A_40 = arith.constant 0 : i32
      %dma_wait3A_41 = tpu.memref_slice %arg8[%add3A_11, %dma_wait3A_40] : memref<10240x96xf32, #tpu.memory_space<vmem_shared>> -> memref<128x96xf32, #tpu.memory_space<vmem_shared>>
      tpu.wait_dma2 semaphore(%run_scoped3A : memref<!tpu.dma_semaphore, #tpu.memory_space<semaphore_mem>>) src(%arg11 : memref<128x96xf32, #tpu.memory_space<vmem>>) dst(%dma_wait3A_41 : memref<128x96xf32, #tpu.memory_space<vmem_shared>>)
      tpu.yield
    }) : () -> ()
    %add3A_12 = arith.constant 384 : i32
    %add3A_13 = arith.addi %mul3A_6, %add3A_12 : i32
    "tpu.region"() ({
      %run_scoped3A = tpu.sem_alloc : memref<!tpu.dma_semaphore, #tpu.memory_space<semaphore_mem>>
      %dma_start3A = arith.constant 0 : i32
      %dma_start3A_36 = tpu.memref_slice %arg8[%add3A_13, %dma_start3A] : memref<10240x96xf32, #tpu.memory_space<vmem_shared>> -> memref<128x96xf32, #tpu.memory_space<vmem_shared>>
      %dma_start3A_37 = arith.constant 0 : i32
      %dma_start3A_38 = tpu.memref_slice %arg8[%add3A_13, %dma_start3A_37] : memref<10240x96xf32, #tpu.memory_space<vmem_shared>> -> memref<128x96xf32, #tpu.memory_space<vmem_shared>>
      tpu.enqueue_dma source(%arg11 : memref<128x96xf32, #tpu.memory_space<vmem>>) target(%dma_start3A_38 : memref<128x96xf32, #tpu.memory_space<vmem_shared>>) target_semaphore(%run_scoped3A : memref<!tpu.dma_semaphore, #tpu.memory_space<semaphore_mem>>)
      %dma_wait3A = arith.constant 0 : i32
      %dma_wait3A_39 = tpu.memref_slice %arg8[%add3A_13, %dma_wait3A] : memref<10240x96xf32, #tpu.memory_space<vmem_shared>> -> memref<128x96xf32, #tpu.memory_space<vmem_shared>>
      %dma_wait3A_40 = arith.constant 0 : i32
      %dma_wait3A_41 = tpu.memref_slice %arg8[%add3A_13, %dma_wait3A_40] : memref<10240x96xf32, #tpu.memory_space<vmem_shared>> -> memref<128x96xf32, #tpu.memory_space<vmem_shared>>
      tpu.wait_dma2 semaphore(%run_scoped3A : memref<!tpu.dma_semaphore, #tpu.memory_space<semaphore_mem>>) src(%arg11 : memref<128x96xf32, #tpu.memory_space<vmem>>) dst(%dma_wait3A_41 : memref<128x96xf32, #tpu.memory_space<vmem_shared>>)
      tpu.yield
    }) : () -> ()
    %add3A_14 = arith.constant 512 : i32
    %add3A_15 = arith.addi %mul3A_6, %add3A_14 : i32
    "tpu.region"() ({
      %run_scoped3A = tpu.sem_alloc : memref<!tpu.dma_semaphore, #tpu.memory_space<semaphore_mem>>
      %dma_start3A = arith.constant 0 : i32
      %dma_start3A_36 = tpu.memref_slice %arg8[%add3A_15, %dma_start3A] : memref<10240x96xf32, #tpu.memory_space<vmem_shared>> -> memref<128x96xf32, #tpu.memory_space<vmem_shared>>
      %dma_start3A_37 = arith.constant 0 : i32
      %dma_start3A_38 = tpu.memref_slice %arg8[%add3A_15, %dma_start3A_37] : memref<10240x96xf32, #tpu.memory_space<vmem_shared>> -> memref<128x96xf32, #tpu.memory_space<vmem_shared>>
      tpu.enqueue_dma source(%arg11 : memref<128x96xf32, #tpu.memory_space<vmem>>) target(%dma_start3A_38 : memref<128x96xf32, #tpu.memory_space<vmem_shared>>) target_semaphore(%run_scoped3A : memref<!tpu.dma_semaphore, #tpu.memory_space<semaphore_mem>>)
      %dma_wait3A = arith.constant 0 : i32
      %dma_wait3A_39 = tpu.memref_slice %arg8[%add3A_15, %dma_wait3A] : memref<10240x96xf32, #tpu.memory_space<vmem_shared>> -> memref<128x96xf32, #tpu.memory_space<vmem_shared>>
      %dma_wait3A_40 = arith.constant 0 : i32
      %dma_wait3A_41 = tpu.memref_slice %arg8[%add3A_15, %dma_wait3A_40] : memref<10240x96xf32, #tpu.memory_space<vmem_shared>> -> memref<128x96xf32, #tpu.memory_space<vmem_shared>>
      tpu.wait_dma2 semaphore(%run_scoped3A : memref<!tpu.dma_semaphore, #tpu.memory_space<semaphore_mem>>) src(%arg11 : memref<128x96xf32, #tpu.memory_space<vmem>>) dst(%dma_wait3A_41 : memref<128x96xf32, #tpu.memory_space<vmem_shared>>)
      tpu.yield
    }) : () -> ()
    %barrier3A = arith.constant 0 : index
    tpu.barrier barrier_id(%barrier3A)
    %mul3A_16 = arith.constant 20224 : i32
    %mul3A_17 = arith.muli %arg1, %mul3A_16 : i32
    %eq3A = arith.constant 0 : i32
    %eq3A_18 = arith.cmpi eq, %arg0, %eq3A : i32
    %convert_element_type3A = arith.extui %eq3A_18 : i1 to i32
    %cond3A = arith.constant 0 : i32
    %cond3A_19 = arith.cmpi ne, %convert_element_type3A, %cond3A : i32
    scf.if %cond3A_19 {
      %scan3A_36 = arith.constant 0 : i32
      %scan3A_37 = arith.constant 0 : i32
      %scan3A_38 = arith.constant 158 : i32
      %scan3A_39 = arith.addi %scan3A_37, %scan3A_38 : i32
      %scan3A_40 = arith.constant 1 : i32
      %scan3A_41 = scf.for %scan3A_43 = %scan3A_37 to %scan3A_39 step %scan3A_40 iter_args(%scan3A_44 = %scan3A_36) -> (i32)  : i32 {
        %mul3A_45 = arith.constant 128 : i32
        %mul3A_46 = arith.muli %scan3A_43, %mul3A_45 : i32
        %add3A_47 = arith.addi %mul3A_17, %mul3A_46 : i32
        "tpu.region"() ({
          %run_scoped3A = tpu.sem_alloc : memref<!tpu.dma_semaphore, #tpu.memory_space<semaphore_mem>>
          %dma_start3A_53 = tpu.memref_slice %arg4[%add3A_47] : memref<323584xi32, #tpu.memory_space<hbm>> -> memref<128xi32, #tpu.memory_space<hbm>>
          %dma_start3A_54 = tpu.memref_slice %arg4[%add3A_47] : memref<323584xi32, #tpu.memory_space<hbm>> -> memref<128xi32, #tpu.memory_space<hbm>>
          tpu.enqueue_dma source(%dma_start3A_54 : memref<128xi32, #tpu.memory_space<hbm>>) target(%arg9 : memref<128xi32, #tpu.memory_space<vmem>>) target_semaphore(%run_scoped3A : memref<!tpu.dma_semaphore, #tpu.memory_space<semaphore_mem>>)
          %dma_wait3A_55 = tpu.memref_slice %arg4[%add3A_47] : memref<323584xi32, #tpu.memory_space<hbm>> -> memref<128xi32, #tpu.memory_space<hbm>>
          %dma_wait3A_56 = tpu.memref_slice %arg4[%add3A_47] : memref<323584xi32, #tpu.memory_space<hbm>> -> memref<128xi32, #tpu.memory_space<hbm>>
          tpu.wait_dma2 semaphore(%run_scoped3A : memref<!tpu.dma_semaphore, #tpu.memory_space<semaphore_mem>>) src(%dma_wait3A_56 : memref<128xi32, #tpu.memory_space<hbm>>) dst(%arg9 : memref<128xi32, #tpu.memory_space<vmem>>)
          tpu.yield
        }) : () -> ()
        "tpu.region"() ({
          %run_scoped3A = tpu.sem_alloc : memref<!tpu.dma_semaphore, #tpu.memory_space<semaphore_mem>>
          %dma_start3A_53 = tpu.memref_slice %arg5[%add3A_47] : memref<323584xi32, #tpu.memory_space<hbm>> -> memref<128xi32, #tpu.memory_space<hbm>>
          %dma_start3A_54 = tpu.memref_slice %arg5[%add3A_47] : memref<323584xi32, #tpu.memory_space<hbm>> -> memref<128xi32, #tpu.memory_space<hbm>>
          tpu.enqueue_dma source(%dma_start3A_54 : memref<128xi32, #tpu.memory_space<hbm>>) target(%arg10 : memref<128xi32, #tpu.memory_space<vmem>>) target_semaphore(%run_scoped3A : memref<!tpu.dma_semaphore, #tpu.memory_space<semaphore_mem>>)
          %dma_wait3A_55 = tpu.memref_slice %arg5[%add3A_47] : memref<323584xi32, #tpu.memory_space<hbm>> -> memref<128xi32, #tpu.memory_space<hbm>>
          %dma_wait3A_56 = tpu.memref_slice %arg5[%add3A_47] : memref<323584xi32, #tpu.memory_space<hbm>> -> memref<128xi32, #tpu.memory_space<hbm>>
          tpu.wait_dma2 semaphore(%run_scoped3A : memref<!tpu.dma_semaphore, #tpu.memory_space<semaphore_mem>>) src(%dma_wait3A_56 : memref<128xi32, #tpu.memory_space<hbm>>) dst(%arg10 : memref<128xi32, #tpu.memory_space<vmem>>)
          tpu.yield
        }) : () -> ()
        %dma_start3A = arith.constant 0 : i32
        %dma_start3A_48 = arith.constant 0 : i32
        %dma_start3A_49 = tpu.memref_slice %arg2[%dma_start3A, %dma_start3A_48] : memref<10000x96xf32, #tpu.memory_space<hbm>> -> memref<10000x96xf32, #tpu.memory_space<hbm>>
        tpu.enqueue_indirect_dma source(%dma_start3A_49 : memref<10000x96xf32, #tpu.memory_space<hbm>>) target(%arg11 : memref<128x96xf32, #tpu.memory_space<vmem>>) offsets(%arg9 : memref<128xi32, #tpu.memory_space<vmem>>) semaphore(%arg12 : memref<!tpu.dma_semaphore, #tpu.memory_space<semaphore_mem>>)
        %dma_wait3A = arith.constant 0 : i32
        %dma_wait3A_50 = arith.constant 0 : i32
        %dma_wait3A_51 = tpu.memref_slice %arg2[%dma_wait3A, %dma_wait3A_50] : memref<10000x96xf32, #tpu.memory_space<hbm>> -> memref<10000x96xf32, #tpu.memory_space<hbm>>
        tpu.wait_indirect_dma semaphore(%arg12 : memref<!tpu.dma_semaphore, #tpu.memory_space<semaphore_mem>>) src(%dma_wait3A_51 : memref<10000x96xf32, #tpu.memory_space<hbm>>) dst(%arg11 : memref<128x96xf32, #tpu.memory_space<vmem>>)
        "tpu.region"() ({
          %run_scoped3A = tpu.sem_alloc : memref<!tpu.dma_semaphore, #tpu.memory_space<semaphore_mem>>
          %dma_start3A_53 = arith.constant 0 : i32
          %dma_start3A_54 = arith.constant 0 : i32
          %dma_start3A_55 = tpu.memref_slice %arg8[%dma_start3A_53, %dma_start3A_54] : memref<10240x96xf32, #tpu.memory_space<vmem_shared>> -> memref<10240x96xf32, #tpu.memory_space<vmem_shared>>
          tpu.enqueue_indirect_dma source(%arg11 : memref<128x96xf32, #tpu.memory_space<vmem>>) target(%dma_start3A_55 : memref<10240x96xf32, #tpu.memory_space<vmem_shared>>) offsets(%arg10 : memref<128xi32, #tpu.memory_space<vmem>>) semaphore(%run_scoped3A : memref<!tpu.dma_semaphore, #tpu.memory_space<semaphore_mem>>) {add = true}
          %dma_wait3A_56 = arith.constant 0 : i32
          %dma_wait3A_57 = arith.constant 0 : i32
          %dma_wait3A_58 = tpu.memref_slice %arg8[%dma_wait3A_56, %dma_wait3A_57] : memref<10240x96xf32, #tpu.memory_space<vmem_shared>> -> memref<10240x96xf32, #tpu.memory_space<vmem_shared>>
          tpu.wait_indirect_dma semaphore(%run_scoped3A : memref<!tpu.dma_semaphore, #tpu.memory_space<semaphore_mem>>) src(%arg11 : memref<128x96xf32, #tpu.memory_space<vmem>>) dst(%dma_wait3A_58 : memref<10240x96xf32, #tpu.memory_space<vmem_shared>>)
          tpu.yield
        }) : () -> ()
        %scan3A_52 = arith.constant 0 : i32
        scf.yield %scan3A_52 : i32
      }
      %scan3A_42 = arith.constant 158 : i32
    } else {
    }
    %eq3A_20 = arith.constant 1 : i32
    %eq3A_21 = arith.cmpi eq, %arg0, %eq3A_20 : i32
    %convert_element_type3A_22 = arith.extui %eq3A_21 : i1 to i32
    %cond3A_23 = arith.constant 0 : i32
    %cond3A_24 = arith.cmpi ne, %convert_element_type3A_22, %cond3A_23 : i32
    scf.if %cond3A_24 {
      %scan3A_36 = arith.constant 0 : i32
      %scan3A_37 = arith.constant 0 : i32
      %scan3A_38 = arith.constant 158 : i32
      %scan3A_39 = arith.addi %scan3A_37, %scan3A_38 : i32
      %scan3A_40 = arith.constant 1 : i32
      %scan3A_41 = scf.for %scan3A_43 = %scan3A_37 to %scan3A_39 step %scan3A_40 iter_args(%scan3A_44 = %scan3A_36) -> (i32)  : i32 {
        %mul3A_45 = arith.constant 128 : i32
        %mul3A_46 = arith.muli %scan3A_43, %mul3A_45 : i32
        %add3A_47 = arith.addi %mul3A_17, %mul3A_46 : i32
        "tpu.region"() ({
          %run_scoped3A = tpu.sem_alloc : memref<!tpu.dma_semaphore, #tpu.memory_space<semaphore_mem>>
          %dma_start3A_53 = tpu.memref_slice %arg4[%add3A_47] : memref<323584xi32, #tpu.memory_space<hbm>> -> memref<128xi32, #tpu.memory_space<hbm>>
          %dma_start3A_54 = tpu.memref_slice %arg4[%add3A_47] : memref<323584xi32, #tpu.memory_space<hbm>> -> memref<128xi32, #tpu.memory_space<hbm>>
          tpu.enqueue_dma source(%dma_start3A_54 : memref<128xi32, #tpu.memory_space<hbm>>) target(%arg9 : memref<128xi32, #tpu.memory_space<vmem>>) target_semaphore(%run_scoped3A : memref<!tpu.dma_semaphore, #tpu.memory_space<semaphore_mem>>)
          %dma_wait3A_55 = tpu.memref_slice %arg4[%add3A_47] : memref<323584xi32, #tpu.memory_space<hbm>> -> memref<128xi32, #tpu.memory_space<hbm>>
          %dma_wait3A_56 = tpu.memref_slice %arg4[%add3A_47] : memref<323584xi32, #tpu.memory_space<hbm>> -> memref<128xi32, #tpu.memory_space<hbm>>
          tpu.wait_dma2 semaphore(%run_scoped3A : memref<!tpu.dma_semaphore, #tpu.memory_space<semaphore_mem>>) src(%dma_wait3A_56 : memref<128xi32, #tpu.memory_space<hbm>>) dst(%arg9 : memref<128xi32, #tpu.memory_space<vmem>>)
          tpu.yield
        }) : () -> ()
        "tpu.region"() ({
          %run_scoped3A = tpu.sem_alloc : memref<!tpu.dma_semaphore, #tpu.memory_space<semaphore_mem>>
          %dma_start3A_53 = tpu.memref_slice %arg5[%add3A_47] : memref<323584xi32, #tpu.memory_space<hbm>> -> memref<128xi32, #tpu.memory_space<hbm>>
          %dma_start3A_54 = tpu.memref_slice %arg5[%add3A_47] : memref<323584xi32, #tpu.memory_space<hbm>> -> memref<128xi32, #tpu.memory_space<hbm>>
          tpu.enqueue_dma source(%dma_start3A_54 : memref<128xi32, #tpu.memory_space<hbm>>) target(%arg10 : memref<128xi32, #tpu.memory_space<vmem>>) target_semaphore(%run_scoped3A : memref<!tpu.dma_semaphore, #tpu.memory_space<semaphore_mem>>)
          %dma_wait3A_55 = tpu.memref_slice %arg5[%add3A_47] : memref<323584xi32, #tpu.memory_space<hbm>> -> memref<128xi32, #tpu.memory_space<hbm>>
          %dma_wait3A_56 = tpu.memref_slice %arg5[%add3A_47] : memref<323584xi32, #tpu.memory_space<hbm>> -> memref<128xi32, #tpu.memory_space<hbm>>
          tpu.wait_dma2 semaphore(%run_scoped3A : memref<!tpu.dma_semaphore, #tpu.memory_space<semaphore_mem>>) src(%dma_wait3A_56 : memref<128xi32, #tpu.memory_space<hbm>>) dst(%arg10 : memref<128xi32, #tpu.memory_space<vmem>>)
          tpu.yield
        }) : () -> ()
        %dma_start3A = arith.constant 0 : i32
        %dma_start3A_48 = arith.constant 0 : i32
        %dma_start3A_49 = tpu.memref_slice %arg3[%dma_start3A, %dma_start3A_48] : memref<10000x96xf32, #tpu.memory_space<hbm>> -> memref<10000x96xf32, #tpu.memory_space<hbm>>
        tpu.enqueue_indirect_dma source(%dma_start3A_49 : memref<10000x96xf32, #tpu.memory_space<hbm>>) target(%arg11 : memref<128x96xf32, #tpu.memory_space<vmem>>) offsets(%arg9 : memref<128xi32, #tpu.memory_space<vmem>>) semaphore(%arg12 : memref<!tpu.dma_semaphore, #tpu.memory_space<semaphore_mem>>)
        %dma_wait3A = arith.constant 0 : i32
        %dma_wait3A_50 = arith.constant 0 : i32
        %dma_wait3A_51 = tpu.memref_slice %arg3[%dma_wait3A, %dma_wait3A_50] : memref<10000x96xf32, #tpu.memory_space<hbm>> -> memref<10000x96xf32, #tpu.memory_space<hbm>>
        tpu.wait_indirect_dma semaphore(%arg12 : memref<!tpu.dma_semaphore, #tpu.memory_space<semaphore_mem>>) src(%dma_wait3A_51 : memref<10000x96xf32, #tpu.memory_space<hbm>>) dst(%arg11 : memref<128x96xf32, #tpu.memory_space<vmem>>)
        "tpu.region"() ({
          %run_scoped3A = tpu.sem_alloc : memref<!tpu.dma_semaphore, #tpu.memory_space<semaphore_mem>>
          %dma_start3A_53 = arith.constant 0 : i32
          %dma_start3A_54 = arith.constant 0 : i32
          %dma_start3A_55 = tpu.memref_slice %arg8[%dma_start3A_53, %dma_start3A_54] : memref<10240x96xf32, #tpu.memory_space<vmem_shared>> -> memref<10240x96xf32, #tpu.memory_space<vmem_shared>>
          tpu.enqueue_indirect_dma source(%arg11 : memref<128x96xf32, #tpu.memory_space<vmem>>) target(%dma_start3A_55 : memref<10240x96xf32, #tpu.memory_space<vmem_shared>>) offsets(%arg10 : memref<128xi32, #tpu.memory_space<vmem>>) semaphore(%run_scoped3A : memref<!tpu.dma_semaphore, #tpu.memory_space<semaphore_mem>>) {add = true}
          %dma_wait3A_56 = arith.constant 0 : i32
          %dma_wait3A_57 = arith.constant 0 : i32
          %dma_wait3A_58 = tpu.memref_slice %arg8[%dma_wait3A_56, %dma_wait3A_57] : memref<10240x96xf32, #tpu.memory_space<vmem_shared>> -> memref<10240x96xf32, #tpu.memory_space<vmem_shared>>
          tpu.wait_indirect_dma semaphore(%run_scoped3A : memref<!tpu.dma_semaphore, #tpu.memory_space<semaphore_mem>>) src(%arg11 : memref<128x96xf32, #tpu.memory_space<vmem>>) dst(%dma_wait3A_58 : memref<10240x96xf32, #tpu.memory_space<vmem_shared>>)
          tpu.yield
        }) : () -> ()
        %scan3A_52 = arith.constant 0 : i32
        scf.yield %scan3A_52 : i32
      }
      %scan3A_42 = arith.constant 158 : i32
    } else {
    }
    %barrier3A_25 = arith.constant 0 : index
    tpu.barrier barrier_id(%barrier3A_25)
    %eq3A_26 = arith.constant 0 : i32
    %eq3A_27 = arith.cmpi eq, %arg0, %eq3A_26 : i32
    %convert_element_type3A_28 = arith.extui %eq3A_27 : i1 to i32
    %cond3A_29 = arith.constant 0 : i32
    %cond3A_30 = arith.cmpi ne, %convert_element_type3A_28, %cond3A_29 : i32
    scf.if %cond3A_30 {
      "tpu.region"() ({
        %run_scoped3A = tpu.sem_alloc : memref<!tpu.dma_semaphore, #tpu.memory_space<semaphore_mem>>
        %dma_start3A = arith.constant 0 : i32
        %dma_start3A_36 = tpu.memref_slice %arg6[%mul3A_6, %dma_start3A] : memref<10240x96xf32, #tpu.memory_space<hbm>> -> memref<640x96xf32, #tpu.memory_space<hbm>>
        %dma_start3A_37 = arith.constant 0 : i32
        %dma_start3A_38 = tpu.memref_slice %arg8[%mul3A_6, %dma_start3A_37] : memref<10240x96xf32, #tpu.memory_space<vmem_shared>> -> memref<640x96xf32, #tpu.memory_space<vmem_shared>>
        tpu.enqueue_dma source(%dma_start3A_38 : memref<640x96xf32, #tpu.memory_space<vmem_shared>>) target(%dma_start3A_36 : memref<640x96xf32, #tpu.memory_space<hbm>>) target_semaphore(%run_scoped3A : memref<!tpu.dma_semaphore, #tpu.memory_space<semaphore_mem>>)
        %dma_wait3A = arith.constant 0 : i32
        %dma_wait3A_39 = tpu.memref_slice %arg6[%mul3A_6, %dma_wait3A] : memref<10240x96xf32, #tpu.memory_space<hbm>> -> memref<640x96xf32, #tpu.memory_space<hbm>>
        %dma_wait3A_40 = arith.constant 0 : i32
        %dma_wait3A_41 = tpu.memref_slice %arg8[%mul3A_6, %dma_wait3A_40] : memref<10240x96xf32, #tpu.memory_space<vmem_shared>> -> memref<640x96xf32, #tpu.memory_space<vmem_shared>>
        tpu.wait_dma2 semaphore(%run_scoped3A : memref<!tpu.dma_semaphore, #tpu.memory_space<semaphore_mem>>) src(%dma_wait3A_41 : memref<640x96xf32, #tpu.memory_space<vmem_shared>>) dst(%dma_wait3A_39 : memref<640x96xf32, #tpu.memory_space<hbm>>)
        tpu.yield
      }) : () -> ()
    } else {
    }
    %eq3A_31 = arith.constant 1 : i32
    %eq3A_32 = arith.cmpi eq, %arg0, %eq3A_31 : i32
    %convert_element_type3A_33 = arith.extui %eq3A_32 : i1 to i32
    %cond3A_34 = arith.constant 0 : i32
    %cond3A_35 = arith.cmpi ne, %convert_element_type3A_33, %cond3A_34 : i32
    scf.if %cond3A_35 {
      "tpu.region"() ({
        %run_scoped3A = tpu.sem_alloc : memref<!tpu.dma_semaphore, #tpu.memory_space<semaphore_mem>>
        %dma_start3A = arith.constant 0 : i32
        %dma_start3A_36 = tpu.memref_slice %arg7[%mul3A_6, %dma_start3A] : memref<10240x96xf32, #tpu.memory_space<hbm>> -> memref<640x96xf32, #tpu.memory_space<hbm>>
        %dma_start3A_37 = arith.constant 0 : i32
        %dma_start3A_38 = tpu.memref_slice %arg8[%mul3A_6, %dma_start3A_37] : memref<10240x96xf32, #tpu.memory_space<vmem_shared>> -> memref<640x96xf32, #tpu.memory_space<vmem_shared>>
        tpu.enqueue_dma source(%dma_start3A_38 : memref<640x96xf32, #tpu.memory_space<vmem_shared>>) target(%dma_start3A_36 : memref<640x96xf32, #tpu.memory_space<hbm>>) target_semaphore(%run_scoped3A : memref<!tpu.dma_semaphore, #tpu.memory_space<semaphore_mem>>)
        %dma_wait3A = arith.constant 0 : i32
        %dma_wait3A_39 = tpu.memref_slice %arg7[%mul3A_6, %dma_wait3A] : memref<10240x96xf32, #tpu.memory_space<hbm>> -> memref<640x96xf32, #tpu.memory_space<hbm>>
        %dma_wait3A_40 = arith.constant 0 : i32
        %dma_wait3A_41 = tpu.memref_slice %arg8[%mul3A_6, %dma_wait3A_40] : memref<10240x96xf32, #tpu.memory_space<vmem_shared>> -> memref<640x96xf32, #tpu.memory_space<vmem_shared>>
        tpu.wait_dma2 semaphore(%run_scoped3A : memref<!tpu.dma_semaphore, #tpu.memory_space<semaphore_mem>>) src(%dma_wait3A_41 : memref<640x96xf32, #tpu.memory_space<vmem_shared>>) dst(%dma_wait3A_39 : memref<640x96xf32, #tpu.memory_space<hbm>>)
        tpu.yield
      }) : () -> ()
    } else {
    }
    return
  }
}

#map = affine_map<(d0, d1) -> (0, 0)>
#map1 = affine_map<(d0, d1) -> (0)>
module attributes {stable_mosaic.version = 14 : i64} {
  func.func @spmm(%arg0: i32, %arg1: i32, %arg2: memref<10000x96xf32, #tpu.memory_space<hbm>>, %arg3: memref<10000x96xf32, #tpu.memory_space<hbm>>, %arg4: memref<323584xi32, #tpu.memory_space<hbm>>, %arg5: memref<323584xi32, #tpu.memory_space<hbm>>, %arg6: memref<10240x96xf32, #tpu.memory_space<hbm>>, %arg7: memref<10240x96xf32, #tpu.memory_space<hbm>>, %arg8: memref<10240x96xf32, #tpu.memory_space<vmem_shared>>, %arg9: memref<128xi32, #tpu.memory_space<vmem>>, %arg10: memref<128xi32, #tpu.memory_space<vmem>>, %arg11: memref<128x96xf32, #tpu.memory_space<vmem>>, %arg12: memref<!tpu.dma_semaphore, #tpu.memory_space<semaphore_mem>>) attributes {dimension_semantics = [#tpu.dimension_semantics<core_parallel>, #tpu.dimension_semantics<subcore_parallel>], iteration_bounds = array<i64: 2, 16>, scalar_prefetch = 0 : i64, scratch_operands = 5 : i64, tpu.core_type = #tpu.core_type<sc_vector_subcore>, window_params = [{transform_indices = #map}, {transform_indices = #map}, {transform_indices = #map1}, {transform_indices = #map1}, {transform_indices = #map}, {transform_indices = #map}]} {
    %scan3A = arith.constant 0 : i32
    %scan3A_0 = arith.constant 0 : i32
    %scan3A_1 = arith.constant 768 : i32
    %scan3A_2 = arith.addi %scan3A_0, %scan3A_1 : i32
    %scan3A_3 = arith.constant 1 : i32
    %scan3A_4 = scf.for %scan3A_36 = %scan3A_0 to %scan3A_2 step %scan3A_3 iter_args(%scan3A_37 = %scan3A) -> (i32)  : i32 {
      %broadcast_in_dim3A = arith.constant 0.000000e+00 : f32
      %broadcast_in_dim3A_38 = vector.broadcast %broadcast_in_dim3A : f32 to vector<16xf32>
      %jit3A = arith.constant 6 : i32
      %div3A = arith.divsi %scan3A_36, %jit3A : i32
      %sign3A = arith.constant 0 : i32
      %sign3A_39 = arith.cmpi sgt, %scan3A_36, %sign3A : i32
      %sign3A_40 = arith.extui %sign3A_39 : i1 to i32
      %sign3A_41 = arith.constant 0 : i32
      %sign3A_42 = arith.cmpi slt, %scan3A_36, %sign3A_41 : i32
      %sign3A_43 = arith.extui %sign3A_42 : i1 to i32
      %sign3A_44 = arith.subi %sign3A_40, %sign3A_43 : i32
      %sign3A_45 = arith.constant 0 : i32
      %sign3A_46 = arith.cmpi sgt, %jit3A, %sign3A_45 : i32
      %sign3A_47 = arith.extui %sign3A_46 : i1 to i32
      %sign3A_48 = arith.constant 0 : i32
      %sign3A_49 = arith.cmpi slt, %jit3A, %sign3A_48 : i32
      %sign3A_50 = arith.extui %sign3A_49 : i1 to i32
      %sign3A_51 = arith.subi %sign3A_47, %sign3A_50 : i32
      %ne3A = arith.cmpi ne, %sign3A_44, %sign3A_51 : i32
      %rem3A = arith.remsi %scan3A_36, %jit3A : i32
      %ne3A_52 = arith.constant 0 : i32
      %ne3A_53 = arith.cmpi ne, %rem3A, %ne3A_52 : i32
      %and3A = arith.andi %ne3A, %ne3A_53 : i1
      %sub3A = arith.constant 1 : i32
      %sub3A_54 = arith.subi %div3A, %sub3A : i32
      %select_n3A = arith.select %and3A, %sub3A_54, %div3A : i32
      %jit3A_55 = arith.constant 6 : i32
      %eq3A_56 = arith.constant 0 : i32
      %eq3A_57 = arith.cmpi eq, %jit3A_55, %eq3A_56 : i32
      %jit3A_58 = arith.constant 1 : i32
      %select_n3A_59 = arith.select %eq3A_57, %jit3A_58, %jit3A_55 : i32
      %rem3A_60 = arith.remsi %scan3A_36, %select_n3A_59 : i32
      %ne3A_61 = arith.constant 0 : i32
      %ne3A_62 = arith.cmpi ne, %rem3A_60, %ne3A_61 : i32
      %lt3A = arith.constant 0 : i32
      %lt3A_63 = arith.cmpi slt, %rem3A_60, %lt3A : i32
      %lt3A_64 = arith.constant 0 : i32
      %lt3A_65 = arith.cmpi slt, %select_n3A_59, %lt3A_64 : i32
      %ne3A_66 = arith.xori %lt3A_63, %lt3A_65 : i1
      %and3A_67 = arith.andi %ne3A_66, %ne3A_62 : i1
      %add3A_68 = arith.addi %rem3A_60, %select_n3A_59 : i32
      %select_n3A_69 = arith.select %and3A_67, %add3A_68, %rem3A_60 : i32
      %mul3A_70 = arith.constant 16 : i32
      %mul3A_71 = arith.muli %select_n3A_69, %mul3A_70 : i32
      %swap3A = arith.index_cast %select_n3A : i32 to index
      %swap3A_72 = arith.index_cast %mul3A_71 : i32 to index
      %swap3A_73 = tpu.vector_load %arg11[%swap3A, %swap3A_72] {strides = array<i32>} : memref<128x96xf32, #tpu.memory_space<vmem>>, vector<1x16xf32>,
      %swap3A_74 = vector.shape_cast %swap3A_73 : vector<1x16xf32> to vector<16xf32>
      %swap3A_75 = vector.shape_cast %broadcast_in_dim3A_38 : vector<16xf32> to vector<1x16xf32>
      tpu.vector_store %arg11[%swap3A, %swap3A_72], %swap3A_75 {strides = array<i32>} : memref<128x96xf32, #tpu.memory_space<vmem>>, vector<1x16xf32>,
      %scan3A_76 = arith.constant 0 : i32
      scf.yield %scan3A_76 : i32
    }
    %scan3A_5 = arith.constant 768 : i32
    %mul3A = arith.constant 640 : i32
    %mul3A_6 = arith.muli %arg1, %mul3A : i32
    %add3A = arith.constant 0 : i32
    %add3A_7 = arith.addi %mul3A_6, %add3A : i32
    "tpu.region"() ({
      %run_scoped3A = tpu.sem_alloc : memref<!tpu.dma_semaphore, #tpu.memory_space<semaphore_mem>>
      %dma_start3A = arith.constant 0 : i32
      %dma_start3A_36 = tpu.memref_slice %arg8[%add3A_7, %dma_start3A] : memref<10240x96xf32, #tpu.memory_space<vmem_shared>> -> memref<128x96xf32, #tpu.memory_space<vmem_shared>>
      %dma_start3A_37 = arith.constant 0 : i32
      %dma_start3A_38 = tpu.memref_slice %arg8[%add3A_7, %dma_start3A_37] : memref<10240x96xf32, #tpu.memory_space<vmem_shared>> -> memref<128x96xf32, #tpu.memory_space<vmem_shared>>
      tpu.enqueue_dma source(%arg11 : memref<128x96xf32, #tpu.memory_space<vmem>>) target(%dma_start3A_38 : memref<128x96xf32, #tpu.memory_space<vmem_shared>>) target_semaphore(%run_scoped3A : memref<!tpu.dma_semaphore, #tpu.memory_space<semaphore_mem>>)
      %dma_wait3A = arith.constant 0 : i32
      %dma_wait3A_39 = tpu.memref_slice %arg8[%add3A_7, %dma_wait3A] : memref<10240x96xf32, #tpu.memory_space<vmem_shared>> -> memref<128x96xf32, #tpu.memory_space<vmem_shared>>
      %dma_wait3A_40 = arith.constant 0 : i32
      %dma_wait3A_41 = tpu.memref_slice %arg8[%add3A_7, %dma_wait3A_40] : memref<10240x96xf32, #tpu.memory_space<vmem_shared>> -> memref<128x96xf32, #tpu.memory_space<vmem_shared>>
      tpu.wait_dma2 semaphore(%run_scoped3A : memref<!tpu.dma_semaphore, #tpu.memory_space<semaphore_mem>>) src(%arg11 : memref<128x96xf32, #tpu.memory_space<vmem>>) dst(%dma_wait3A_41 : memref<128x96xf32, #tpu.memory_space<vmem_shared>>)
      tpu.yield
    }) : () -> ()
    %add3A_8 = arith.constant 128 : i32
    %add3A_9 = arith.addi %mul3A_6, %add3A_8 : i32
    "tpu.region"() ({
      %run_scoped3A = tpu.sem_alloc : memref<!tpu.dma_semaphore, #tpu.memory_space<semaphore_mem>>
      %dma_start3A = arith.constant 0 : i32
      %dma_start3A_36 = tpu.memref_slice %arg8[%add3A_9, %dma_start3A] : memref<10240x96xf32, #tpu.memory_space<vmem_shared>> -> memref<128x96xf32, #tpu.memory_space<vmem_shared>>
      %dma_start3A_37 = arith.constant 0 : i32
      %dma_start3A_38 = tpu.memref_slice %arg8[%add3A_9, %dma_start3A_37] : memref<10240x96xf32, #tpu.memory_space<vmem_shared>> -> memref<128x96xf32, #tpu.memory_space<vmem_shared>>
      tpu.enqueue_dma source(%arg11 : memref<128x96xf32, #tpu.memory_space<vmem>>) target(%dma_start3A_38 : memref<128x96xf32, #tpu.memory_space<vmem_shared>>) target_semaphore(%run_scoped3A : memref<!tpu.dma_semaphore, #tpu.memory_space<semaphore_mem>>)
      %dma_wait3A = arith.constant 0 : i32
      %dma_wait3A_39 = tpu.memref_slice %arg8[%add3A_9, %dma_wait3A] : memref<10240x96xf32, #tpu.memory_space<vmem_shared>> -> memref<128x96xf32, #tpu.memory_space<vmem_shared>>
      %dma_wait3A_40 = arith.constant 0 : i32
      %dma_wait3A_41 = tpu.memref_slice %arg8[%add3A_9, %dma_wait3A_40] : memref<10240x96xf32, #tpu.memory_space<vmem_shared>> -> memref<128x96xf32, #tpu.memory_space<vmem_shared>>
      tpu.wait_dma2 semaphore(%run_scoped3A : memref<!tpu.dma_semaphore, #tpu.memory_space<semaphore_mem>>) src(%arg11 : memref<128x96xf32, #tpu.memory_space<vmem>>) dst(%dma_wait3A_41 : memref<128x96xf32, #tpu.memory_space<vmem_shared>>)
      tpu.yield
    }) : () -> ()
    %add3A_10 = arith.constant 256 : i32
    %add3A_11 = arith.addi %mul3A_6, %add3A_10 : i32
    "tpu.region"() ({
      %run_scoped3A = tpu.sem_alloc : memref<!tpu.dma_semaphore, #tpu.memory_space<semaphore_mem>>
      %dma_start3A = arith.constant 0 : i32
      %dma_start3A_36 = tpu.memref_slice %arg8[%add3A_11, %dma_start3A] : memref<10240x96xf32, #tpu.memory_space<vmem_shared>> -> memref<128x96xf32, #tpu.memory_space<vmem_shared>>
      %dma_start3A_37 = arith.constant 0 : i32
      %dma_start3A_38 = tpu.memref_slice %arg8[%add3A_11, %dma_start3A_37] : memref<10240x96xf32, #tpu.memory_space<vmem_shared>> -> memref<128x96xf32, #tpu.memory_space<vmem_shared>>
      tpu.enqueue_dma source(%arg11 : memref<128x96xf32, #tpu.memory_space<vmem>>) target(%dma_start3A_38 : memref<128x96xf32, #tpu.memory_space<vmem_shared>>) target_semaphore(%run_scoped3A : memref<!tpu.dma_semaphore, #tpu.memory_space<semaphore_mem>>)
      %dma_wait3A = arith.constant 0 : i32
      %dma_wait3A_39 = tpu.memref_slice %arg8[%add3A_11, %dma_wait3A] : memref<10240x96xf32, #tpu.memory_space<vmem_shared>> -> memref<128x96xf32, #tpu.memory_space<vmem_shared>>
      %dma_wait3A_40 = arith.constant 0 : i32
      %dma_wait3A_41 = tpu.memref_slice %arg8[%add3A_11, %dma_wait3A_40] : memref<10240x96xf32, #tpu.memory_space<vmem_shared>> -> memref<128x96xf32, #tpu.memory_space<vmem_shared>>
      tpu.wait_dma2 semaphore(%run_scoped3A : memref<!tpu.dma_semaphore, #tpu.memory_space<semaphore_mem>>) src(%arg11 : memref<128x96xf32, #tpu.memory_space<vmem>>) dst(%dma_wait3A_41 : memref<128x96xf32, #tpu.memory_space<vmem_shared>>)
      tpu.yield
    }) : () -> ()
    %add3A_12 = arith.constant 384 : i32
    %add3A_13 = arith.addi %mul3A_6, %add3A_12 : i32
    "tpu.region"() ({
      %run_scoped3A = tpu.sem_alloc : memref<!tpu.dma_semaphore, #tpu.memory_space<semaphore_mem>>
      %dma_start3A = arith.constant 0 : i32
      %dma_start3A_36 = tpu.memref_slice %arg8[%add3A_13, %dma_start3A] : memref<10240x96xf32, #tpu.memory_space<vmem_shared>> -> memref<128x96xf32, #tpu.memory_space<vmem_shared>>
      %dma_start3A_37 = arith.constant 0 : i32
      %dma_start3A_38 = tpu.memref_slice %arg8[%add3A_13, %dma_start3A_37] : memref<10240x96xf32, #tpu.memory_space<vmem_shared>> -> memref<128x96xf32, #tpu.memory_space<vmem_shared>>
      tpu.enqueue_dma source(%arg11 : memref<128x96xf32, #tpu.memory_space<vmem>>) target(%dma_start3A_38 : memref<128x96xf32, #tpu.memory_space<vmem_shared>>) target_semaphore(%run_scoped3A : memref<!tpu.dma_semaphore, #tpu.memory_space<semaphore_mem>>)
      %dma_wait3A = arith.constant 0 : i32
      %dma_wait3A_39 = tpu.memref_slice %arg8[%add3A_13, %dma_wait3A] : memref<10240x96xf32, #tpu.memory_space<vmem_shared>> -> memref<128x96xf32, #tpu.memory_space<vmem_shared>>
      %dma_wait3A_40 = arith.constant 0 : i32
      %dma_wait3A_41 = tpu.memref_slice %arg8[%add3A_13, %dma_wait3A_40] : memref<10240x96xf32, #tpu.memory_space<vmem_shared>> -> memref<128x96xf32, #tpu.memory_space<vmem_shared>>
      tpu.wait_dma2 semaphore(%run_scoped3A : memref<!tpu.dma_semaphore, #tpu.memory_space<semaphore_mem>>) src(%arg11 : memref<128x96xf32, #tpu.memory_space<vmem>>) dst(%dma_wait3A_41 : memref<128x96xf32, #tpu.memory_space<vmem_shared>>)
      tpu.yield
    }) : () -> ()
    %add3A_14 = arith.constant 512 : i32
    %add3A_15 = arith.addi %mul3A_6, %add3A_14 : i32
    "tpu.region"() ({
      %run_scoped3A = tpu.sem_alloc : memref<!tpu.dma_semaphore, #tpu.memory_space<semaphore_mem>>
      %dma_start3A = arith.constant 0 : i32
      %dma_start3A_36 = tpu.memref_slice %arg8[%add3A_15, %dma_start3A] : memref<10240x96xf32, #tpu.memory_space<vmem_shared>> -> memref<128x96xf32, #tpu.memory_space<vmem_shared>>
      %dma_start3A_37 = arith.constant 0 : i32
      %dma_start3A_38 = tpu.memref_slice %arg8[%add3A_15, %dma_start3A_37] : memref<10240x96xf32, #tpu.memory_space<vmem_shared>> -> memref<128x96xf32, #tpu.memory_space<vmem_shared>>
      tpu.enqueue_dma source(%arg11 : memref<128x96xf32, #tpu.memory_space<vmem>>) target(%dma_start3A_38 : memref<128x96xf32, #tpu.memory_space<vmem_shared>>) target_semaphore(%run_scoped3A : memref<!tpu.dma_semaphore, #tpu.memory_space<semaphore_mem>>)
      %dma_wait3A = arith.constant 0 : i32
      %dma_wait3A_39 = tpu.memref_slice %arg8[%add3A_15, %dma_wait3A] : memref<10240x96xf32, #tpu.memory_space<vmem_shared>> -> memref<128x96xf32, #tpu.memory_space<vmem_shared>>
      %dma_wait3A_40 = arith.constant 0 : i32
      %dma_wait3A_41 = tpu.memref_slice %arg8[%add3A_15, %dma_wait3A_40] : memref<10240x96xf32, #tpu.memory_space<vmem_shared>> -> memref<128x96xf32, #tpu.memory_space<vmem_shared>>
      tpu.wait_dma2 semaphore(%run_scoped3A : memref<!tpu.dma_semaphore, #tpu.memory_space<semaphore_mem>>) src(%arg11 : memref<128x96xf32, #tpu.memory_space<vmem>>) dst(%dma_wait3A_41 : memref<128x96xf32, #tpu.memory_space<vmem_shared>>)
      tpu.yield
    }) : () -> ()
    %barrier3A = arith.constant 0 : index
    tpu.barrier barrier_id(%barrier3A)
    %mul3A_16 = arith.constant 20224 : i32
    %mul3A_17 = arith.muli %arg1, %mul3A_16 : i32
    %eq3A = arith.constant 0 : i32
    %eq3A_18 = arith.cmpi eq, %arg0, %eq3A : i32
    %convert_element_type3A = arith.extui %eq3A_18 : i1 to i32
    %cond3A = arith.constant 0 : i32
    %cond3A_19 = arith.cmpi ne, %convert_element_type3A, %cond3A : i32
    scf.if %cond3A_19 {
      %scan3A_36 = arith.constant 0 : i32
      %scan3A_37 = arith.constant 0 : i32
      %scan3A_38 = arith.constant 158 : i32
      %scan3A_39 = arith.addi %scan3A_37, %scan3A_38 : i32
      %scan3A_40 = arith.constant 1 : i32
      %scan3A_41 = scf.for %scan3A_43 = %scan3A_37 to %scan3A_39 step %scan3A_40 iter_args(%scan3A_44 = %scan3A_36) -> (i32)  : i32 {
        %mul3A_45 = arith.constant 128 : i32
        %mul3A_46 = arith.muli %scan3A_43, %mul3A_45 : i32
        %add3A_47 = arith.addi %mul3A_17, %mul3A_46 : i32
        "tpu.region"() ({
          %run_scoped3A = tpu.sem_alloc : memref<!tpu.dma_semaphore, #tpu.memory_space<semaphore_mem>>
          %dma_start3A_53 = tpu.memref_slice %arg4[%add3A_47] : memref<323584xi32, #tpu.memory_space<hbm>> -> memref<128xi32, #tpu.memory_space<hbm>>
          %dma_start3A_54 = tpu.memref_slice %arg4[%add3A_47] : memref<323584xi32, #tpu.memory_space<hbm>> -> memref<128xi32, #tpu.memory_space<hbm>>
          tpu.enqueue_dma source(%dma_start3A_54 : memref<128xi32, #tpu.memory_space<hbm>>) target(%arg9 : memref<128xi32, #tpu.memory_space<vmem>>) target_semaphore(%run_scoped3A : memref<!tpu.dma_semaphore, #tpu.memory_space<semaphore_mem>>)
          %dma_wait3A_55 = tpu.memref_slice %arg4[%add3A_47] : memref<323584xi32, #tpu.memory_space<hbm>> -> memref<128xi32, #tpu.memory_space<hbm>>
          %dma_wait3A_56 = tpu.memref_slice %arg4[%add3A_47] : memref<323584xi32, #tpu.memory_space<hbm>> -> memref<128xi32, #tpu.memory_space<hbm>>
          tpu.wait_dma2 semaphore(%run_scoped3A : memref<!tpu.dma_semaphore, #tpu.memory_space<semaphore_mem>>) src(%dma_wait3A_56 : memref<128xi32, #tpu.memory_space<hbm>>) dst(%arg9 : memref<128xi32, #tpu.memory_space<vmem>>)
          tpu.yield
        }) : () -> ()
        "tpu.region"() ({
          %run_scoped3A = tpu.sem_alloc : memref<!tpu.dma_semaphore, #tpu.memory_space<semaphore_mem>>
          %dma_start3A_53 = tpu.memref_slice %arg5[%add3A_47] : memref<323584xi32, #tpu.memory_space<hbm>> -> memref<128xi32, #tpu.memory_space<hbm>>
          %dma_start3A_54 = tpu.memref_slice %arg5[%add3A_47] : memref<323584xi32, #tpu.memory_space<hbm>> -> memref<128xi32, #tpu.memory_space<hbm>>
          tpu.enqueue_dma source(%dma_start3A_54 : memref<128xi32, #tpu.memory_space<hbm>>) target(%arg10 : memref<128xi32, #tpu.memory_space<vmem>>) target_semaphore(%run_scoped3A : memref<!tpu.dma_semaphore, #tpu.memory_space<semaphore_mem>>)
          %dma_wait3A_55 = tpu.memref_slice %arg5[%add3A_47] : memref<323584xi32, #tpu.memory_space<hbm>> -> memref<128xi32, #tpu.memory_space<hbm>>
          %dma_wait3A_56 = tpu.memref_slice %arg5[%add3A_47] : memref<323584xi32, #tpu.memory_space<hbm>> -> memref<128xi32, #tpu.memory_space<hbm>>
          tpu.wait_dma2 semaphore(%run_scoped3A : memref<!tpu.dma_semaphore, #tpu.memory_space<semaphore_mem>>) src(%dma_wait3A_56 : memref<128xi32, #tpu.memory_space<hbm>>) dst(%arg10 : memref<128xi32, #tpu.memory_space<vmem>>)
          tpu.yield
        }) : () -> ()
        %dma_start3A = arith.constant 0 : i32
        %dma_start3A_48 = arith.constant 0 : i32
        %dma_start3A_49 = tpu.memref_slice %arg2[%dma_start3A, %dma_start3A_48] : memref<10000x96xf32, #tpu.memory_space<hbm>> -> memref<10000x96xf32, #tpu.memory_space<hbm>>
        tpu.enqueue_indirect_dma source(%dma_start3A_49 : memref<10000x96xf32, #tpu.memory_space<hbm>>) target(%arg11 : memref<128x96xf32, #tpu.memory_space<vmem>>) offsets(%arg9 : memref<128xi32, #tpu.memory_space<vmem>>) semaphore(%arg12 : memref<!tpu.dma_semaphore, #tpu.memory_space<semaphore_mem>>)
        %dma_wait3A = arith.constant 0 : i32
        %dma_wait3A_50 = arith.constant 0 : i32
        %dma_wait3A_51 = tpu.memref_slice %arg2[%dma_wait3A, %dma_wait3A_50] : memref<10000x96xf32, #tpu.memory_space<hbm>> -> memref<10000x96xf32, #tpu.memory_space<hbm>>
        tpu.wait_indirect_dma semaphore(%arg12 : memref<!tpu.dma_semaphore, #tpu.memory_space<semaphore_mem>>) src(%dma_wait3A_51 : memref<10000x96xf32, #tpu.memory_space<hbm>>) dst(%arg11 : memref<128x96xf32, #tpu.memory_space<vmem>>)
        "tpu.region"() ({
          %run_scoped3A = tpu.sem_alloc : memref<!tpu.dma_semaphore, #tpu.memory_space<semaphore_mem>>
          %dma_start3A_53 = arith.constant 0 : i32
          %dma_start3A_54 = arith.constant 0 : i32
          %dma_start3A_55 = tpu.memref_slice %arg8[%dma_start3A_53, %dma_start3A_54] : memref<10240x96xf32, #tpu.memory_space<vmem_shared>> -> memref<10240x96xf32, #tpu.memory_space<vmem_shared>>
          tpu.enqueue_indirect_dma source(%arg11 : memref<128x96xf32, #tpu.memory_space<vmem>>) target(%dma_start3A_55 : memref<10240x96xf32, #tpu.memory_space<vmem_shared>>) offsets(%arg10 : memref<128xi32, #tpu.memory_space<vmem>>) semaphore(%run_scoped3A : memref<!tpu.dma_semaphore, #tpu.memory_space<semaphore_mem>>) {add = true}
          %dma_wait3A_56 = arith.constant 0 : i32
          %dma_wait3A_57 = arith.constant 0 : i32
          %dma_wait3A_58 = tpu.memref_slice %arg8[%dma_wait3A_56, %dma_wait3A_57] : memref<10240x96xf32, #tpu.memory_space<vmem_shared>> -> memref<10240x96xf32, #tpu.memory_space<vmem_shared>>
          tpu.wait_indirect_dma semaphore(%run_scoped3A : memref<!tpu.dma_semaphore, #tpu.memory_space<semaphore_mem>>) src(%arg11 : memref<128x96xf32, #tpu.memory_space<vmem>>) dst(%dma_wait3A_58 : memref<10240x96xf32, #tpu.memory_space<vmem_shared>>)
          tpu.yield
        }) : () -> ()
        %scan3A_52 = arith.constant 0 : i32
        scf.yield %scan3A_52 : i32
      }
      %scan3A_42 = arith.constant 158 : i32
    } else {
    }
    %eq3A_20 = arith.constant 1 : i32
    %eq3A_21 = arith.cmpi eq, %arg0, %eq3A_20 : i32
    %convert_element_type3A_22 = arith.extui %eq3A_21 : i1 to i32
    %cond3A_23 = arith.constant 0 : i32
    %cond3A_24 = arith.cmpi ne, %convert_element_type3A_22, %cond3A_23 : i32
    scf.if %cond3A_24 {
      %scan3A_36 = arith.constant 0 : i32
      %scan3A_37 = arith.constant 0 : i32
      %scan3A_38 = arith.constant 158 : i32
      %scan3A_39 = arith.addi %scan3A_37, %scan3A_38 : i32
      %scan3A_40 = arith.constant 1 : i32
      %scan3A_41 = scf.for %scan3A_43 = %scan3A_37 to %scan3A_39 step %scan3A_40 iter_args(%scan3A_44 = %scan3A_36) -> (i32)  : i32 {
        %mul3A_45 = arith.constant 128 : i32
        %mul3A_46 = arith.muli %scan3A_43, %mul3A_45 : i32
        %add3A_47 = arith.addi %mul3A_17, %mul3A_46 : i32
        "tpu.region"() ({
          %run_scoped3A = tpu.sem_alloc : memref<!tpu.dma_semaphore, #tpu.memory_space<semaphore_mem>>
          %dma_start3A_53 = tpu.memref_slice %arg4[%add3A_47] : memref<323584xi32, #tpu.memory_space<hbm>> -> memref<128xi32, #tpu.memory_space<hbm>>
          %dma_start3A_54 = tpu.memref_slice %arg4[%add3A_47] : memref<323584xi32, #tpu.memory_space<hbm>> -> memref<128xi32, #tpu.memory_space<hbm>>
          tpu.enqueue_dma source(%dma_start3A_54 : memref<128xi32, #tpu.memory_space<hbm>>) target(%arg9 : memref<128xi32, #tpu.memory_space<vmem>>) target_semaphore(%run_scoped3A : memref<!tpu.dma_semaphore, #tpu.memory_space<semaphore_mem>>)
          %dma_wait3A_55 = tpu.memref_slice %arg4[%add3A_47] : memref<323584xi32, #tpu.memory_space<hbm>> -> memref<128xi32, #tpu.memory_space<hbm>>
          %dma_wait3A_56 = tpu.memref_slice %arg4[%add3A_47] : memref<323584xi32, #tpu.memory_space<hbm>> -> memref<128xi32, #tpu.memory_space<hbm>>
          tpu.wait_dma2 semaphore(%run_scoped3A : memref<!tpu.dma_semaphore, #tpu.memory_space<semaphore_mem>>) src(%dma_wait3A_56 : memref<128xi32, #tpu.memory_space<hbm>>) dst(%arg9 : memref<128xi32, #tpu.memory_space<vmem>>)
          tpu.yield
        }) : () -> ()
        "tpu.region"() ({
          %run_scoped3A = tpu.sem_alloc : memref<!tpu.dma_semaphore, #tpu.memory_space<semaphore_mem>>
          %dma_start3A_53 = tpu.memref_slice %arg5[%add3A_47] : memref<323584xi32, #tpu.memory_space<hbm>> -> memref<128xi32, #tpu.memory_space<hbm>>
          %dma_start3A_54 = tpu.memref_slice %arg5[%add3A_47] : memref<323584xi32, #tpu.memory_space<hbm>> -> memref<128xi32, #tpu.memory_space<hbm>>
          tpu.enqueue_dma source(%dma_start3A_54 : memref<128xi32, #tpu.memory_space<hbm>>) target(%arg10 : memref<128xi32, #tpu.memory_space<vmem>>) target_semaphore(%run_scoped3A : memref<!tpu.dma_semaphore, #tpu.memory_space<semaphore_mem>>)
          %dma_wait3A_55 = tpu.memref_slice %arg5[%add3A_47] : memref<323584xi32, #tpu.memory_space<hbm>> -> memref<128xi32, #tpu.memory_space<hbm>>
          %dma_wait3A_56 = tpu.memref_slice %arg5[%add3A_47] : memref<323584xi32, #tpu.memory_space<hbm>> -> memref<128xi32, #tpu.memory_space<hbm>>
          tpu.wait_dma2 semaphore(%run_scoped3A : memref<!tpu.dma_semaphore, #tpu.memory_space<semaphore_mem>>) src(%dma_wait3A_56 : memref<128xi32, #tpu.memory_space<hbm>>) dst(%arg10 : memref<128xi32, #tpu.memory_space<vmem>>)
          tpu.yield
        }) : () -> ()
        %dma_start3A = arith.constant 0 : i32
        %dma_start3A_48 = arith.constant 0 : i32
        %dma_start3A_49 = tpu.memref_slice %arg3[%dma_start3A, %dma_start3A_48] : memref<10000x96xf32, #tpu.memory_space<hbm>> -> memref<10000x96xf32, #tpu.memory_space<hbm>>
        tpu.enqueue_indirect_dma source(%dma_start3A_49 : memref<10000x96xf32, #tpu.memory_space<hbm>>) target(%arg11 : memref<128x96xf32, #tpu.memory_space<vmem>>) offsets(%arg9 : memref<128xi32, #tpu.memory_space<vmem>>) semaphore(%arg12 : memref<!tpu.dma_semaphore, #tpu.memory_space<semaphore_mem>>)
        %dma_wait3A = arith.constant 0 : i32
        %dma_wait3A_50 = arith.constant 0 : i32
        %dma_wait3A_51 = tpu.memref_slice %arg3[%dma_wait3A, %dma_wait3A_50] : memref<10000x96xf32, #tpu.memory_space<hbm>> -> memref<10000x96xf32, #tpu.memory_space<hbm>>
        tpu.wait_indirect_dma semaphore(%arg12 : memref<!tpu.dma_semaphore, #tpu.memory_space<semaphore_mem>>) src(%dma_wait3A_51 : memref<10000x96xf32, #tpu.memory_space<hbm>>) dst(%arg11 : memref<128x96xf32, #tpu.memory_space<vmem>>)
        "tpu.region"() ({
          %run_scoped3A = tpu.sem_alloc : memref<!tpu.dma_semaphore, #tpu.memory_space<semaphore_mem>>
          %dma_start3A_53 = arith.constant 0 : i32
          %dma_start3A_54 = arith.constant 0 : i32
          %dma_start3A_55 = tpu.memref_slice %arg8[%dma_start3A_53, %dma_start3A_54] : memref<10240x96xf32, #tpu.memory_space<vmem_shared>> -> memref<10240x96xf32, #tpu.memory_space<vmem_shared>>
          tpu.enqueue_indirect_dma source(%arg11 : memref<128x96xf32, #tpu.memory_space<vmem>>) target(%dma_start3A_55 : memref<10240x96xf32, #tpu.memory_space<vmem_shared>>) offsets(%arg10 : memref<128xi32, #tpu.memory_space<vmem>>) semaphore(%run_scoped3A : memref<!tpu.dma_semaphore, #tpu.memory_space<semaphore_mem>>) {add = true}
          %dma_wait3A_56 = arith.constant 0 : i32
          %dma_wait3A_57 = arith.constant 0 : i32
          %dma_wait3A_58 = tpu.memref_slice %arg8[%dma_wait3A_56, %dma_wait3A_57] : memref<10240x96xf32, #tpu.memory_space<vmem_shared>> -> memref<10240x96xf32, #tpu.memory_space<vmem_shared>>
          tpu.wait_indirect_dma semaphore(%run_scoped3A : memref<!tpu.dma_semaphore, #tpu.memory_space<semaphore_mem>>) src(%arg11 : memref<128x96xf32, #tpu.memory_space<vmem>>) dst(%dma_wait3A_58 : memref<10240x96xf32, #tpu.memory_space<vmem_shared>>)
          tpu.yield
        }) : () -> ()
        %scan3A_52 = arith.constant 0 : i32
        scf.yield %scan3A_52 : i32
      }
      %scan3A_42 = arith.constant 158 : i32
    } else {
    }
    %barrier3A_25 = arith.constant 0 : index
    tpu.barrier barrier_id(%barrier3A_25)
    %eq3A_26 = arith.constant 0 : i32
    %eq3A_27 = arith.cmpi eq, %arg0, %eq3A_26 : i32
    %convert_element_type3A_28 = arith.extui %eq3A_27 : i1 to i32
    %cond3A_29 = arith.constant 0 : i32
    %cond3A_30 = arith.cmpi ne, %convert_element_type3A_28, %cond3A_29 : i32
    scf.if %cond3A_30 {
      "tpu.region"() ({
        %run_scoped3A = tpu.sem_alloc : memref<!tpu.dma_semaphore, #tpu.memory_space<semaphore_mem>>
        %dma_start3A = arith.constant 0 : i32
        %dma_start3A_36 = tpu.memref_slice %arg6[%mul3A_6, %dma_start3A] : memref<10240x96xf32, #tpu.memory_space<hbm>> -> memref<640x96xf32, #tpu.memory_space<hbm>>
        %dma_start3A_37 = arith.constant 0 : i32
        %dma_start3A_38 = tpu.memref_slice %arg8[%mul3A_6, %dma_start3A_37] : memref<10240x96xf32, #tpu.memory_space<vmem_shared>> -> memref<640x96xf32, #tpu.memory_space<vmem_shared>>
        tpu.enqueue_dma source(%dma_start3A_38 : memref<640x96xf32, #tpu.memory_space<vmem_shared>>) target(%dma_start3A_36 : memref<640x96xf32, #tpu.memory_space<hbm>>) target_semaphore(%run_scoped3A : memref<!tpu.dma_semaphore, #tpu.memory_space<semaphore_mem>>)
        %dma_wait3A = arith.constant 0 : i32
        %dma_wait3A_39 = tpu.memref_slice %arg6[%mul3A_6, %dma_wait3A] : memref<10240x96xf32, #tpu.memory_space<hbm>> -> memref<640x96xf32, #tpu.memory_space<hbm>>
        %dma_wait3A_40 = arith.constant 0 : i32
        %dma_wait3A_41 = tpu.memref_slice %arg8[%mul3A_6, %dma_wait3A_40] : memref<10240x96xf32, #tpu.memory_space<vmem_shared>> -> memref<640x96xf32, #tpu.memory_space<vmem_shared>>
        tpu.wait_dma2 semaphore(%run_scoped3A : memref<!tpu.dma_semaphore, #tpu.memory_space<semaphore_mem>>) src(%dma_wait3A_41 : memref<640x96xf32, #tpu.memory_space<vmem_shared>>) dst(%dma_wait3A_39 : memref<640x96xf32, #tpu.memory_space<hbm>>)
        tpu.yield
      }) : () -> ()
    } else {
    }
    %eq3A_31 = arith.constant 1 : i32
    %eq3A_32 = arith.cmpi eq, %arg0, %eq3A_31 : i32
    %convert_element_type3A_33 = arith.extui %eq3A_32 : i1 to i32
    %cond3A_34 = arith.constant 0 : i32
    %cond3A_35 = arith.cmpi ne, %convert_element_type3A_33, %cond3A_34 : i32
    scf.if %cond3A_35 {
      "tpu.region"() ({
        %run_scoped3A = tpu.sem_alloc : memref<!tpu.dma_semaphore, #tpu.memory_space<semaphore_mem>>
        %dma_start3A = arith.constant 0 : i32
        %dma_start3A_36 = tpu.memref_slice %arg7[%mul3A_6, %dma_start3A] : memref<10240x96xf32, #tpu.memory_space<hbm>> -> memref<640x96xf32, #tpu.memory_space<hbm>>
        %dma_start3A_37 = arith.constant 0 : i32
        %dma_start3A_38 = tpu.memref_slice %arg8[%mul3A_6, %dma_start3A_37] : memref<10240x96xf32, #tpu.memory_space<vmem_shared>> -> memref<640x96xf32, #tpu.memory_space<vmem_shared>>
        tpu.enqueue_dma source(%dma_start3A_38 : memref<640x96xf32, #tpu.memory_space<vmem_shared>>) target(%dma_start3A_36 : memref<640x96xf32, #tpu.memory_space<hbm>>) target_semaphore(%run_scoped3A : memref<!tpu.dma_semaphore, #tpu.memory_space<semaphore_mem>>)
        %dma_wait3A = arith.constant 0 : i32
        %dma_wait3A_39 = tpu.memref_slice %arg7[%mul3A_6, %dma_wait3A] : memref<10240x96xf32, #tpu.memory_space<hbm>> -> memref<640x96xf32, #tpu.memory_space<hbm>>
        %dma_wait3A_40 = arith.constant 0 : i32
        %dma_wait3A_41 = tpu.memref_slice %arg8[%mul3A_6, %dma_wait3A_40] : memref<10240x96xf32, #tpu.memory_space<vmem_shared>> -> memref<640x96xf32, #tpu.memory_space<vmem_shared>>
        tpu.wait_dma2 semaphore(%run_scoped3A : memref<!tpu.dma_semaphore, #tpu.memory_space<semaphore_mem>>) src(%dma_wait3A_41 : memref<640x96xf32, #tpu.memory_space<vmem_shared>>) dst(%dma_wait3A_39 : memref<640x96xf32, #tpu.memory_space<hbm>>)
        tpu.yield
      }) : () -> ()
    } else {
    }
    return
  }
}

module attributes {stable_mosaic.version = 14 : i64} {
  func.func @_tc1_body(%arg0: i32, %arg1: memref<400x128xf32, #tpu.memory_space<vmem>>, %arg2: memref<400x16xf32, #tpu.memory_space<vmem>>, %arg3: memref<400x16xf32, #tpu.memory_space<vmem>>, %arg4: memref<128x384xf32, #tpu.memory_space<vmem>>, %arg5: memref<128x384xf32, #tpu.memory_space<vmem>>, %arg6: memref<400x96xf32, #tpu.memory_space<vmem>>, %arg7: memref<400x96xf32, #tpu.memory_space<vmem>>, %arg8: memref<400x96xf32, #tpu.memory_space<vmem>>, %arg9: memref<400x96xf32, #tpu.memory_space<vmem>>, %arg10: memref<400x384xf32, #tpu.memory_space<vmem>>, %arg11: memref<400x1xf32, #tpu.memory_space<vmem>>) attributes {dimension_semantics = [#tpu.dimension_semantics<arbitrary>], iteration_bounds = array<i64: 25>, scalar_prefetch = 0 : i64, scratch_operands = 0 : i64, tpu.core_type = #tpu.core_type<tc>, window_params = [{transform_indices = @transform_0, window_bounds = array<i64: 400, 128>}, {transform_indices = @transform_1, window_bounds = array<i64: 400, 16>}, {transform_indices = @transform_2, window_bounds = array<i64: 400, 16>}, {pipeline_mode = #tpu.pipeline_mode<synchronous>, transform_indices = @transform_3, window_bounds = array<i64: 128, 384>}, {pipeline_mode = #tpu.pipeline_mode<synchronous>, transform_indices = @transform_4, window_bounds = array<i64: 128, 384>}, {transform_indices = @transform_5, window_bounds = array<i64: 400, 96>}, {transform_indices = @transform_6, window_bounds = array<i64: 400, 96>}, {transform_indices = @transform_7, window_bounds = array<i64: 400, 96>}, {transform_indices = @transform_8, window_bounds = array<i64: 400, 96>}, {transform_indices = @transform_9, window_bounds = array<i64: 400, 384>}, {transform_indices = @transform_10, window_bounds = array<i64: 400, 1>}]} {
    %get3A = arith.constant 0 : index
    %get3A_0 = arith.constant 0 : index
    %get3A_1 = vector.load %arg2[%get3A, %get3A_0] : memref<400x16xf32, #tpu.memory_space<vmem>>, vector<400x1xf32>
    %get3A_2 = arith.constant 0 : index
    %get3A_3 = arith.constant 0 : index
    %get3A_4 = vector.load %arg3[%get3A_2, %get3A_3] : memref<400x16xf32, #tpu.memory_space<vmem>>, vector<400x1xf32>
    %add3A = arith.addf %get3A_1, %get3A_4 : vector<400x1xf32>
    %gt3A = arith.constant 0.000000e+00 : f32
    %gt3A_5 = vector.broadcast %gt3A : f32 to vector<400x1xf32>
    %gt3A_6 = arith.cmpf ogt, %add3A, %gt3A_5 : vector<400x1xf32>
    %max3A = arith.constant 9.99999996E-13 : f32
    %max3A_7 = vector.broadcast %max3A : f32 to vector<400x1xf32>
    %max3A_8 = arith.maximumf %add3A, %max3A_7 : vector<400x1xf32>
    %rsqrt3A = math.rsqrt %max3A_8 : vector<400x1xf32>
    %jit3A = arith.constant 0.000000e+00 : f32
    %broadcast_in_dim3A = vector.broadcast %jit3A : f32 to vector<400x1xf32>
    %select_n3A = arith.select %gt3A_6, %rsqrt3A, %broadcast_in_dim3A : vector<400x1xi1>, vector<400x1xf32>
    %get3A_9 = arith.constant 0 : index
    %get3A_10 = arith.constant 0 : index
    %get3A_11 = vector.load %arg1[%get3A_9, %get3A_10] : memref<400x128xf32, #tpu.memory_space<vmem>>, vector<400x128xf32>
    %get3A_12 = arith.constant 0 : index
    %get3A_13 = arith.constant 0 : index
    %get3A_14 = vector.load %arg4[%get3A_12, %get3A_13] : memref<128x384xf32, #tpu.memory_space<vmem>>, vector<128x384xf32>
    %dot_general3A = arith.constant dense<0.000000e+00> : vector<400x384xf32>
    %dot_general3A_15 = tpu.matmul %get3A_11, %get3A_14, %dot_general3A {dimension_numbers = #tpu.dot_dimension_numbers<[1], [0], [0], [1], [0, 0, 1, 1], [], []>, precision = #tpu.contract_precision<fp32>, transpose_lhs_hint = false} : vector<400x128xf32>, vector<128x384xf32>, vector<400x384xf32> -> vector<400x384xf32>
    %mul3A = vector.broadcast %select_n3A : vector<400x1xf32> to vector<400x384xf32>
    %mul3A_16 = arith.mulf %dot_general3A_15, %mul3A : vector<400x384xf32>
    %slice3A = vector.extract_strided_slice %mul3A_16 {offsets = [0, 0], sizes = [400, 96], strides = [1, 1]} : vector<400x384xf32> to vector<400x96xf32>
    %swap3A = arith.constant 0 : index
    %swap3A_17 = arith.constant 0 : index
    %swap3A_18 = vector.load %arg6[%swap3A, %swap3A_17] : memref<400x96xf32, #tpu.memory_space<vmem>>, vector<400x96xf32>
    tpu.vector_store %arg6[%swap3A, %swap3A_17], %slice3A {strides = array<i32>} : memref<400x96xf32, #tpu.memory_space<vmem>>, vector<400x96xf32>,
    %slice3A_19 = vector.extract_strided_slice %mul3A_16 {offsets = [0, 96], sizes = [400, 96], strides = [1, 1]} : vector<400x384xf32> to vector<400x96xf32>
    %swap3A_20 = arith.constant 0 : index
    %swap3A_21 = arith.constant 0 : index
    %swap3A_22 = vector.load %arg7[%swap3A_20, %swap3A_21] : memref<400x96xf32, #tpu.memory_space<vmem>>, vector<400x96xf32>
    tpu.vector_store %arg7[%swap3A_20, %swap3A_21], %slice3A_19 {strides = array<i32>} : memref<400x96xf32, #tpu.memory_space<vmem>>, vector<400x96xf32>,
    %slice3A_23 = vector.extract_strided_slice %mul3A_16 {offsets = [0, 192], sizes = [400, 96], strides = [1, 1]} : vector<400x384xf32> to vector<400x96xf32>
    %swap3A_24 = arith.constant 0 : index
    %swap3A_25 = arith.constant 0 : index
    %swap3A_26 = vector.load %arg8[%swap3A_24, %swap3A_25] : memref<400x96xf32, #tpu.memory_space<vmem>>, vector<400x96xf32>
    tpu.vector_store %arg8[%swap3A_24, %swap3A_25], %slice3A_23 {strides = array<i32>} : memref<400x96xf32, #tpu.memory_space<vmem>>, vector<400x96xf32>,
    %slice3A_27 = vector.extract_strided_slice %mul3A_16 {offsets = [0, 288], sizes = [400, 96], strides = [1, 1]} : vector<400x384xf32> to vector<400x96xf32>
    %swap3A_28 = arith.constant 0 : index
    %swap3A_29 = arith.constant 0 : index
    %swap3A_30 = vector.load %arg9[%swap3A_28, %swap3A_29] : memref<400x96xf32, #tpu.memory_space<vmem>>, vector<400x96xf32>
    tpu.vector_store %arg9[%swap3A_28, %swap3A_29], %slice3A_27 {strides = array<i32>} : memref<400x96xf32, #tpu.memory_space<vmem>>, vector<400x96xf32>,
    %get3A_31 = arith.constant 0 : index
    %get3A_32 = arith.constant 0 : index
    %get3A_33 = vector.load %arg1[%get3A_31, %get3A_32] : memref<400x128xf32, #tpu.memory_space<vmem>>, vector<400x128xf32>
    %get3A_34 = arith.constant 0 : index
    %get3A_35 = arith.constant 0 : index
    %get3A_36 = vector.load %arg5[%get3A_34, %get3A_35] : memref<128x384xf32, #tpu.memory_space<vmem>>, vector<128x384xf32>
    %dot_general3A_37 = arith.constant dense<0.000000e+00> : vector<400x384xf32>
    %dot_general3A_38 = tpu.matmul %get3A_33, %get3A_36, %dot_general3A_37 {dimension_numbers = #tpu.dot_dimension_numbers<[1], [0], [0], [1], [0, 0, 1, 1], [], []>, precision = #tpu.contract_precision<fp32>, transpose_lhs_hint = false} : vector<400x128xf32>, vector<128x384xf32>, vector<400x384xf32> -> vector<400x384xf32>
    %swap3A_39 = arith.constant 0 : index
    %swap3A_40 = arith.constant 0 : index
    %swap3A_41 = vector.load %arg10[%swap3A_39, %swap3A_40] : memref<400x384xf32, #tpu.memory_space<vmem>>, vector<400x384xf32>
    tpu.vector_store %arg10[%swap3A_39, %swap3A_40], %dot_general3A_38 {strides = array<i32>} : memref<400x384xf32, #tpu.memory_space<vmem>>, vector<400x384xf32>,
    %swap3A_42 = arith.constant 0 : index
    %swap3A_43 = arith.constant 0 : index
    %swap3A_44 = vector.load %arg11[%swap3A_42, %swap3A_43] : memref<400x1xf32, #tpu.memory_space<vmem>>, vector<400x1xf32>
    tpu.vector_store %arg11[%swap3A_42, %swap3A_43], %select_n3A {strides = array<i32>} : memref<400x1xf32, #tpu.memory_space<vmem>>, vector<400x1xf32>,
    return
  }
  func.func @transform_0(%arg0: i32) -> (i32, i32) {
    %c0_i32 = arith.constant 0 : i32
    %c0_i32_0 = arith.constant 0 : i32
    return %arg0, %c0_i32 : i32, i32
  }
  func.func @transform_1(%arg0: i32) -> (i32, i32) {
    %c0_i32 = arith.constant 0 : i32
    %c0_i32_0 = arith.constant 0 : i32
    return %arg0, %c0_i32 : i32, i32
  }
  func.func @transform_2(%arg0: i32) -> (i32, i32) {
    %c0_i32 = arith.constant 0 : i32
    %c0_i32_0 = arith.constant 0 : i32
    return %arg0, %c0_i32 : i32, i32
  }
  func.func @transform_3(%arg0: i32) -> (i32, i32) {
    %c0_i32 = arith.constant 0 : i32
    %c0_i32_0 = arith.constant 0 : i32
    %c0_i32_1 = arith.constant 0 : i32
    return %c0_i32, %c0_i32_0 : i32, i32
  }
  func.func @transform_4(%arg0: i32) -> (i32, i32) {
    %c0_i32 = arith.constant 0 : i32
    %c0_i32_0 = arith.constant 0 : i32
    %c0_i32_1 = arith.constant 0 : i32
    return %c0_i32, %c0_i32_0 : i32, i32
  }
  func.func @transform_5(%arg0: i32) -> (i32, i32) {
    %c0_i32 = arith.constant 0 : i32
    %c0_i32_0 = arith.constant 0 : i32
    return %arg0, %c0_i32 : i32, i32
  }
  func.func @transform_6(%arg0: i32) -> (i32, i32) {
    %c0_i32 = arith.constant 0 : i32
    %c0_i32_0 = arith.constant 0 : i32
    return %arg0, %c0_i32 : i32, i32
  }
  func.func @transform_7(%arg0: i32) -> (i32, i32) {
    %c0_i32 = arith.constant 0 : i32
    %c0_i32_0 = arith.constant 0 : i32
    return %arg0, %c0_i32 : i32, i32
  }
  func.func @transform_8(%arg0: i32) -> (i32, i32) {
    %c0_i32 = arith.constant 0 : i32
    %c0_i32_0 = arith.constant 0 : i32
    return %arg0, %c0_i32 : i32, i32
  }
  func.func @transform_9(%arg0: i32) -> (i32, i32) {
    %c0_i32 = arith.constant 0 : i32
    %c0_i32_0 = arith.constant 0 : i32
    return %arg0, %c0_i32 : i32, i32
  }
  func.func @transform_10(%arg0: i32) -> (i32, i32) {
    %c0_i32 = arith.constant 0 : i32
    %c0_i32_0 = arith.constant 0 : i32
    return %arg0, %c0_i32 : i32, i32
  }
}

module attributes {stable_mosaic.version = 14 : i64} {
  func.func @_tc2_body(%arg0: i32, %arg1: memref<400x96xf32, #tpu.memory_space<vmem>>, %arg2: memref<400x96xf32, #tpu.memory_space<vmem>>, %arg3: memref<400x96xf32, #tpu.memory_space<vmem>>, %arg4: memref<400x96xf32, #tpu.memory_space<vmem>>, %arg5: memref<400x384xf32, #tpu.memory_space<vmem>>, %arg6: memref<400x1xf32, #tpu.memory_space<vmem>>, %arg7: memref<1x384xf32, #tpu.memory_space<vmem>>, %arg8: memref<384x384xf32, #tpu.memory_space<vmem>>, %arg9: memref<400x96xf32, #tpu.memory_space<vmem>>, %arg10: memref<400x96xf32, #tpu.memory_space<vmem>>, %arg11: memref<400x96xf32, #tpu.memory_space<vmem>>, %arg12: memref<400x96xf32, #tpu.memory_space<vmem>>) attributes {dimension_semantics = [#tpu.dimension_semantics<arbitrary>], iteration_bounds = array<i64: 25>, scalar_prefetch = 0 : i64, scratch_operands = 0 : i64, tpu.core_type = #tpu.core_type<tc>, window_params = [{transform_indices = @transform_0, window_bounds = array<i64: 400, 96>}, {transform_indices = @transform_1, window_bounds = array<i64: 400, 96>}, {transform_indices = @transform_2, window_bounds = array<i64: 400, 96>}, {transform_indices = @transform_3, window_bounds = array<i64: 400, 96>}, {transform_indices = @transform_4, window_bounds = array<i64: 400, 384>}, {transform_indices = @transform_5, window_bounds = array<i64: 400, 1>}, {pipeline_mode = #tpu.pipeline_mode<synchronous>, transform_indices = @transform_6, window_bounds = array<i64: 1, 384>}, {pipeline_mode = #tpu.pipeline_mode<synchronous>, transform_indices = @transform_7, window_bounds = array<i64: 384, 384>}, {transform_indices = @transform_8, window_bounds = array<i64: 400, 96>}, {transform_indices = @transform_9, window_bounds = array<i64: 400, 96>}, {transform_indices = @transform_10, window_bounds = array<i64: 400, 96>}, {transform_indices = @transform_11, window_bounds = array<i64: 400, 96>}]} {
    %get3A = arith.constant 0 : index
    %get3A_0 = arith.constant 0 : index
    %get3A_1 = vector.load %arg1[%get3A, %get3A_0] : memref<400x96xf32, #tpu.memory_space<vmem>>, vector<400x96xf32>
    %get3A_2 = arith.constant 0 : index
    %get3A_3 = arith.constant 0 : index
    %get3A_4 = vector.load %arg2[%get3A_2, %get3A_3] : memref<400x96xf32, #tpu.memory_space<vmem>>, vector<400x96xf32>
    %get3A_5 = arith.constant 0 : index
    %get3A_6 = arith.constant 0 : index
    %get3A_7 = vector.load %arg3[%get3A_5, %get3A_6] : memref<400x96xf32, #tpu.memory_space<vmem>>, vector<400x96xf32>
    %get3A_8 = arith.constant 0 : index
    %get3A_9 = arith.constant 0 : index
    %get3A_10 = vector.load %arg4[%get3A_8, %get3A_9] : memref<400x96xf32, #tpu.memory_space<vmem>>, vector<400x96xf32>
    %concatenate3A = tpu.concatenate %get3A_1, %get3A_4, %get3A_7, %get3A_10 in 1 : vector<400x96xf32>, vector<400x96xf32>, vector<400x96xf32>, vector<400x96xf32> -> vector<400x384xf32>
    %get3A_11 = arith.constant 0 : index
    %get3A_12 = arith.constant 0 : index
    %get3A_13 = vector.load %arg6[%get3A_11, %get3A_12] : memref<400x1xf32, #tpu.memory_space<vmem>>, vector<400x1xf32>
    %mul3A = vector.broadcast %get3A_13 : vector<400x1xf32> to vector<400x384xf32>
    %mul3A_14 = arith.mulf %concatenate3A, %mul3A : vector<400x384xf32>
    %get3A_15 = arith.constant 0 : index
    %get3A_16 = arith.constant 0 : index
    %get3A_17 = vector.load %arg5[%get3A_15, %get3A_16] : memref<400x384xf32, #tpu.memory_space<vmem>>, vector<400x384xf32>
    %add3A = arith.addf %mul3A_14, %get3A_17 : vector<400x384xf32>
    %get3A_18 = arith.constant 0 : index
    %get3A_19 = arith.constant 0 : index
    %get3A_20 = vector.load %arg7[%get3A_18, %get3A_19] : memref<1x384xf32, #tpu.memory_space<vmem>>, vector<1x384xf32>
    %add3A_21 = vector.broadcast %get3A_20 : vector<1x384xf32> to vector<400x384xf32>
    %add3A_22 = arith.addf %add3A, %add3A_21 : vector<400x384xf32>
    %max3A = arith.constant 0.000000e+00 : f32
    %max3A_23 = vector.broadcast %max3A : f32 to vector<400x384xf32>
    %max3A_24 = arith.maximumf %add3A_22, %max3A_23 : vector<400x384xf32>
    %get3A_25 = arith.constant 0 : index
    %get3A_26 = arith.constant 0 : index
    %get3A_27 = vector.load %arg8[%get3A_25, %get3A_26] : memref<384x384xf32, #tpu.memory_space<vmem>>, vector<384x384xf32>
    %dot_general3A = arith.constant dense<0.000000e+00> : vector<400x384xf32>
    %dot_general3A_28 = tpu.matmul %max3A_24, %get3A_27, %dot_general3A {dimension_numbers = #tpu.dot_dimension_numbers<[1], [0], [0], [1], [0, 0, 1, 1], [], []>, precision = #tpu.contract_precision<fp32>, transpose_lhs_hint = false} : vector<400x384xf32>, vector<384x384xf32>, vector<400x384xf32> -> vector<400x384xf32>
    %get3A_29 = arith.constant 0 : index
    %get3A_30 = arith.constant 0 : index
    %get3A_31 = vector.load %arg6[%get3A_29, %get3A_30] : memref<400x1xf32, #tpu.memory_space<vmem>>, vector<400x1xf32>
    %mul3A_32 = vector.broadcast %get3A_31 : vector<400x1xf32> to vector<400x384xf32>
    %mul3A_33 = arith.mulf %dot_general3A_28, %mul3A_32 : vector<400x384xf32>
    %slice3A = vector.extract_strided_slice %mul3A_33 {offsets = [0, 0], sizes = [400, 96], strides = [1, 1]} : vector<400x384xf32> to vector<400x96xf32>
    %swap3A = arith.constant 0 : index
    %swap3A_34 = arith.constant 0 : index
    %swap3A_35 = vector.load %arg9[%swap3A, %swap3A_34] : memref<400x96xf32, #tpu.memory_space<vmem>>, vector<400x96xf32>
    tpu.vector_store %arg9[%swap3A, %swap3A_34], %slice3A {strides = array<i32>} : memref<400x96xf32, #tpu.memory_space<vmem>>, vector<400x96xf32>,
    %slice3A_36 = vector.extract_strided_slice %mul3A_33 {offsets = [0, 96], sizes = [400, 96], strides = [1, 1]} : vector<400x384xf32> to vector<400x96xf32>
    %swap3A_37 = arith.constant 0 : index
    %swap3A_38 = arith.constant 0 : index
    %swap3A_39 = vector.load %arg10[%swap3A_37, %swap3A_38] : memref<400x96xf32, #tpu.memory_space<vmem>>, vector<400x96xf32>
    tpu.vector_store %arg10[%swap3A_37, %swap3A_38], %slice3A_36 {strides = array<i32>} : memref<400x96xf32, #tpu.memory_space<vmem>>, vector<400x96xf32>,
    %slice3A_40 = vector.extract_strided_slice %mul3A_33 {offsets = [0, 192], sizes = [400, 96], strides = [1, 1]} : vector<400x384xf32> to vector<400x96xf32>
    %swap3A_41 = arith.constant 0 : index
    %swap3A_42 = arith.constant 0 : index
    %swap3A_43 = vector.load %arg11[%swap3A_41, %swap3A_42] : memref<400x96xf32, #tpu.memory_space<vmem>>, vector<400x96xf32>
    tpu.vector_store %arg11[%swap3A_41, %swap3A_42], %slice3A_40 {strides = array<i32>} : memref<400x96xf32, #tpu.memory_space<vmem>>, vector<400x96xf32>,
    %slice3A_44 = vector.extract_strided_slice %mul3A_33 {offsets = [0, 288], sizes = [400, 96], strides = [1, 1]} : vector<400x384xf32> to vector<400x96xf32>
    %swap3A_45 = arith.constant 0 : index
    %swap3A_46 = arith.constant 0 : index
    %swap3A_47 = vector.load %arg12[%swap3A_45, %swap3A_46] : memref<400x96xf32, #tpu.memory_space<vmem>>, vector<400x96xf32>
    tpu.vector_store %arg12[%swap3A_45, %swap3A_46], %slice3A_44 {strides = array<i32>} : memref<400x96xf32, #tpu.memory_space<vmem>>, vector<400x96xf32>,
    return
  }
  func.func @transform_0(%arg0: i32) -> (i32, i32) {
    %c0_i32 = arith.constant 0 : i32
    %c0_i32_0 = arith.constant 0 : i32
    return %arg0, %c0_i32 : i32, i32
  }
  func.func @transform_1(%arg0: i32) -> (i32, i32) {
    %c0_i32 = arith.constant 0 : i32
    %c0_i32_0 = arith.constant 0 : i32
    return %arg0, %c0_i32 : i32, i32
  }
  func.func @transform_2(%arg0: i32) -> (i32, i32) {
    %c0_i32 = arith.constant 0 : i32
    %c0_i32_0 = arith.constant 0 : i32
    return %arg0, %c0_i32 : i32, i32
  }
  func.func @transform_3(%arg0: i32) -> (i32, i32) {
    %c0_i32 = arith.constant 0 : i32
    %c0_i32_0 = arith.constant 0 : i32
    return %arg0, %c0_i32 : i32, i32
  }
  func.func @transform_4(%arg0: i32) -> (i32, i32) {
    %c0_i32 = arith.constant 0 : i32
    %c0_i32_0 = arith.constant 0 : i32
    return %arg0, %c0_i32 : i32, i32
  }
  func.func @transform_5(%arg0: i32) -> (i32, i32) {
    %c0_i32 = arith.constant 0 : i32
    %c0_i32_0 = arith.constant 0 : i32
    return %arg0, %c0_i32 : i32, i32
  }
  func.func @transform_6(%arg0: i32) -> (i32, i32) {
    %c0_i32 = arith.constant 0 : i32
    %c0_i32_0 = arith.constant 0 : i32
    %c0_i32_1 = arith.constant 0 : i32
    return %c0_i32, %c0_i32_0 : i32, i32
  }
  func.func @transform_7(%arg0: i32) -> (i32, i32) {
    %c0_i32 = arith.constant 0 : i32
    %c0_i32_0 = arith.constant 0 : i32
    %c0_i32_1 = arith.constant 0 : i32
    return %c0_i32, %c0_i32_0 : i32, i32
  }
  func.func @transform_8(%arg0: i32) -> (i32, i32) {
    %c0_i32 = arith.constant 0 : i32
    %c0_i32_0 = arith.constant 0 : i32
    return %arg0, %c0_i32 : i32, i32
  }
  func.func @transform_9(%arg0: i32) -> (i32, i32) {
    %c0_i32 = arith.constant 0 : i32
    %c0_i32_0 = arith.constant 0 : i32
    return %arg0, %c0_i32 : i32, i32
  }
  func.func @transform_10(%arg0: i32) -> (i32, i32) {
    %c0_i32 = arith.constant 0 : i32
    %c0_i32_0 = arith.constant 0 : i32
    return %arg0, %c0_i32 : i32, i32
  }
  func.func @transform_11(%arg0: i32) -> (i32, i32) {
    %c0_i32 = arith.constant 0 : i32
    %c0_i32_0 = arith.constant 0 : i32
    return %arg0, %c0_i32 : i32, i32
  }
}

module attributes {stable_mosaic.version = 14 : i64} {
  func.func @_tc3_body(%arg0: i32, %arg1: memref<400x96xf32, #tpu.memory_space<vmem>>, %arg2: memref<400x96xf32, #tpu.memory_space<vmem>>, %arg3: memref<400x96xf32, #tpu.memory_space<vmem>>, %arg4: memref<400x96xf32, #tpu.memory_space<vmem>>, %arg5: memref<400x384xf32, #tpu.memory_space<vmem>>, %arg6: memref<400x1xf32, #tpu.memory_space<vmem>>, %arg7: memref<1x384xf32, #tpu.memory_space<vmem>>, %arg8: memref<128x192xf32, #tpu.memory_space<vmem>>, %arg9: memref<128x192xf32, #tpu.memory_space<vmem>>, %arg10: memref<400x96xf32, #tpu.memory_space<vmem>>, %arg11: memref<400x96xf32, #tpu.memory_space<vmem>>, %arg12: memref<400x192xf32, #tpu.memory_space<vmem>>) attributes {dimension_semantics = [#tpu.dimension_semantics<arbitrary>], iteration_bounds = array<i64: 25>, scalar_prefetch = 0 : i64, scratch_operands = 0 : i64, tpu.core_type = #tpu.core_type<tc>, window_params = [{transform_indices = @transform_0, window_bounds = array<i64: 400, 96>}, {transform_indices = @transform_1, window_bounds = array<i64: 400, 96>}, {transform_indices = @transform_2, window_bounds = array<i64: 400, 96>}, {transform_indices = @transform_3, window_bounds = array<i64: 400, 96>}, {transform_indices = @transform_4, window_bounds = array<i64: 400, 384>}, {transform_indices = @transform_5, window_bounds = array<i64: 400, 1>}, {pipeline_mode = #tpu.pipeline_mode<synchronous>, transform_indices = @transform_6, window_bounds = array<i64: 1, 384>}, {pipeline_mode = #tpu.pipeline_mode<synchronous>, transform_indices = @transform_7, window_bounds = array<i64: 128, 192>}, {pipeline_mode = #tpu.pipeline_mode<synchronous>, transform_indices = @transform_8, window_bounds = array<i64: 128, 192>}, {transform_indices = @transform_9, window_bounds = array<i64: 400, 96>}, {transform_indices = @transform_10, window_bounds = array<i64: 400, 96>}, {transform_indices = @transform_11, window_bounds = array<i64: 400, 192>}]} {
    %get3A = arith.constant 0 : index
    %get3A_0 = arith.constant 0 : index
    %get3A_1 = vector.load %arg1[%get3A, %get3A_0] : memref<400x96xf32, #tpu.memory_space<vmem>>, vector<400x96xf32>
    %get3A_2 = arith.constant 0 : index
    %get3A_3 = arith.constant 0 : index
    %get3A_4 = vector.load %arg2[%get3A_2, %get3A_3] : memref<400x96xf32, #tpu.memory_space<vmem>>, vector<400x96xf32>
    %get3A_5 = arith.constant 0 : index
    %get3A_6 = arith.constant 0 : index
    %get3A_7 = vector.load %arg3[%get3A_5, %get3A_6] : memref<400x96xf32, #tpu.memory_space<vmem>>, vector<400x96xf32>
    %get3A_8 = arith.constant 0 : index
    %get3A_9 = arith.constant 0 : index
    %get3A_10 = vector.load %arg4[%get3A_8, %get3A_9] : memref<400x96xf32, #tpu.memory_space<vmem>>, vector<400x96xf32>
    %concatenate3A = tpu.concatenate %get3A_1, %get3A_4, %get3A_7, %get3A_10 in 1 : vector<400x96xf32>, vector<400x96xf32>, vector<400x96xf32>, vector<400x96xf32> -> vector<400x384xf32>
    %get3A_11 = arith.constant 0 : index
    %get3A_12 = arith.constant 0 : index
    %get3A_13 = vector.load %arg6[%get3A_11, %get3A_12] : memref<400x1xf32, #tpu.memory_space<vmem>>, vector<400x1xf32>
    %mul3A = vector.broadcast %get3A_13 : vector<400x1xf32> to vector<400x384xf32>
    %mul3A_14 = arith.mulf %concatenate3A, %mul3A : vector<400x384xf32>
    %get3A_15 = arith.constant 0 : index
    %get3A_16 = arith.constant 0 : index
    %get3A_17 = vector.load %arg5[%get3A_15, %get3A_16] : memref<400x384xf32, #tpu.memory_space<vmem>>, vector<400x384xf32>
    %add3A = arith.addf %mul3A_14, %get3A_17 : vector<400x384xf32>
    %get3A_18 = arith.constant 0 : index
    %get3A_19 = arith.constant 0 : index
    %get3A_20 = vector.load %arg7[%get3A_18, %get3A_19] : memref<1x384xf32, #tpu.memory_space<vmem>>, vector<1x384xf32>
    %add3A_21 = vector.broadcast %get3A_20 : vector<1x384xf32> to vector<400x384xf32>
    %add3A_22 = arith.addf %add3A, %add3A_21 : vector<400x384xf32>
    %max3A = arith.constant 0.000000e+00 : f32
    %max3A_23 = vector.broadcast %max3A : f32 to vector<400x384xf32>
    %max3A_24 = arith.maximumf %add3A_22, %max3A_23 : vector<400x384xf32>
    %slice3A = vector.extract_strided_slice %max3A_24 {offsets = [0, 0], sizes = [400, 128], strides = [1, 1]} : vector<400x384xf32> to vector<400x128xf32>
    %slice3A_25 = vector.extract_strided_slice %max3A_24 {offsets = [0, 128], sizes = [400, 128], strides = [1, 1]} : vector<400x384xf32> to vector<400x128xf32>
    %add3A_26 = arith.addf %slice3A, %slice3A_25 : vector<400x128xf32>
    %slice3A_27 = vector.extract_strided_slice %max3A_24 {offsets = [0, 256], sizes = [400, 128], strides = [1, 1]} : vector<400x384xf32> to vector<400x128xf32>
    %add3A_28 = arith.addf %add3A_26, %slice3A_27 : vector<400x128xf32>
    %mul3A_29 = arith.constant 0.333333343 : f32
    %mul3A_30 = vector.broadcast %mul3A_29 : f32 to vector<400x128xf32>
    %mul3A_31 = arith.mulf %add3A_28, %mul3A_30 : vector<400x128xf32>
    %max3A_32 = arith.constant 0.000000e+00 : f32
    %max3A_33 = vector.broadcast %max3A_32 : f32 to vector<400x128xf32>
    %max3A_34 = arith.maximumf %mul3A_31, %max3A_33 : vector<400x128xf32>
    %get3A_35 = arith.constant 0 : index
    %get3A_36 = arith.constant 0 : index
    %get3A_37 = vector.load %arg8[%get3A_35, %get3A_36] : memref<128x192xf32, #tpu.memory_space<vmem>>, vector<128x192xf32>
    %dot_general3A = arith.constant dense<0.000000e+00> : vector<400x192xf32>
    %dot_general3A_38 = tpu.matmul %max3A_34, %get3A_37, %dot_general3A {dimension_numbers = #tpu.dot_dimension_numbers<[1], [0], [0], [1], [0, 0, 1, 1], [], []>, precision = #tpu.contract_precision<fp32>, transpose_lhs_hint = false} : vector<400x128xf32>, vector<128x192xf32>, vector<400x192xf32> -> vector<400x192xf32>
    %get3A_39 = arith.constant 0 : index
    %get3A_40 = arith.constant 0 : index
    %get3A_41 = vector.load %arg6[%get3A_39, %get3A_40] : memref<400x1xf32, #tpu.memory_space<vmem>>, vector<400x1xf32>
    %mul3A_42 = vector.broadcast %get3A_41 : vector<400x1xf32> to vector<400x192xf32>
    %mul3A_43 = arith.mulf %dot_general3A_38, %mul3A_42 : vector<400x192xf32>
    %slice3A_44 = vector.extract_strided_slice %mul3A_43 {offsets = [0, 0], sizes = [400, 96], strides = [1, 1]} : vector<400x192xf32> to vector<400x96xf32>
    %swap3A = arith.constant 0 : index
    %swap3A_45 = arith.constant 0 : index
    %swap3A_46 = vector.load %arg10[%swap3A, %swap3A_45] : memref<400x96xf32, #tpu.memory_space<vmem>>, vector<400x96xf32>
    tpu.vector_store %arg10[%swap3A, %swap3A_45], %slice3A_44 {strides = array<i32>} : memref<400x96xf32, #tpu.memory_space<vmem>>, vector<400x96xf32>,
    %slice3A_47 = vector.extract_strided_slice %mul3A_43 {offsets = [0, 96], sizes = [400, 96], strides = [1, 1]} : vector<400x192xf32> to vector<400x96xf32>
    %swap3A_48 = arith.constant 0 : index
    %swap3A_49 = arith.constant 0 : index
    %swap3A_50 = vector.load %arg11[%swap3A_48, %swap3A_49] : memref<400x96xf32, #tpu.memory_space<vmem>>, vector<400x96xf32>
    tpu.vector_store %arg11[%swap3A_48, %swap3A_49], %slice3A_47 {strides = array<i32>} : memref<400x96xf32, #tpu.memory_space<vmem>>, vector<400x96xf32>,
    %get3A_51 = arith.constant 0 : index
    %get3A_52 = arith.constant 0 : index
    %get3A_53 = vector.load %arg9[%get3A_51, %get3A_52] : memref<128x192xf32, #tpu.memory_space<vmem>>, vector<128x192xf32>
    %dot_general3A_54 = arith.constant dense<0.000000e+00> : vector<400x192xf32>
    %dot_general3A_55 = tpu.matmul %max3A_34, %get3A_53, %dot_general3A_54 {dimension_numbers = #tpu.dot_dimension_numbers<[1], [0], [0], [1], [0, 0, 1, 1], [], []>, precision = #tpu.contract_precision<fp32>, transpose_lhs_hint = false} : vector<400x128xf32>, vector<128x192xf32>, vector<400x192xf32> -> vector<400x192xf32>
    %swap3A_56 = arith.constant 0 : index
    %swap3A_57 = arith.constant 0 : index
    %swap3A_58 = vector.load %arg12[%swap3A_56, %swap3A_57] : memref<400x192xf32, #tpu.memory_space<vmem>>, vector<400x192xf32>
    tpu.vector_store %arg12[%swap3A_56, %swap3A_57], %dot_general3A_55 {strides = array<i32>} : memref<400x192xf32, #tpu.memory_space<vmem>>, vector<400x192xf32>,
    return
  }
  func.func @transform_0(%arg0: i32) -> (i32, i32) {
    %c0_i32 = arith.constant 0 : i32
    %c0_i32_0 = arith.constant 0 : i32
    return %arg0, %c0_i32 : i32, i32
  }
  func.func @transform_1(%arg0: i32) -> (i32, i32) {
    %c0_i32 = arith.constant 0 : i32
    %c0_i32_0 = arith.constant 0 : i32
    return %arg0, %c0_i32 : i32, i32
  }
  func.func @transform_2(%arg0: i32) -> (i32, i32) {
    %c0_i32 = arith.constant 0 : i32
    %c0_i32_0 = arith.constant 0 : i32
    return %arg0, %c0_i32 : i32, i32
  }
  func.func @transform_3(%arg0: i32) -> (i32, i32) {
    %c0_i32 = arith.constant 0 : i32
    %c0_i32_0 = arith.constant 0 : i32
    return %arg0, %c0_i32 : i32, i32
  }
  func.func @transform_4(%arg0: i32) -> (i32, i32) {
    %c0_i32 = arith.constant 0 : i32
    %c0_i32_0 = arith.constant 0 : i32
    return %arg0, %c0_i32 : i32, i32
  }
  func.func @transform_5(%arg0: i32) -> (i32, i32) {
    %c0_i32 = arith.constant 0 : i32
    %c0_i32_0 = arith.constant 0 : i32
    return %arg0, %c0_i32 : i32, i32
  }
  func.func @transform_6(%arg0: i32) -> (i32, i32) {
    %c0_i32 = arith.constant 0 : i32
    %c0_i32_0 = arith.constant 0 : i32
    %c0_i32_1 = arith.constant 0 : i32
    return %c0_i32, %c0_i32_0 : i32, i32
  }
  func.func @transform_7(%arg0: i32) -> (i32, i32) {
    %c0_i32 = arith.constant 0 : i32
    %c0_i32_0 = arith.constant 0 : i32
    %c0_i32_1 = arith.constant 0 : i32
    return %c0_i32, %c0_i32_0 : i32, i32
  }
  func.func @transform_8(%arg0: i32) -> (i32, i32) {
    %c0_i32 = arith.constant 0 : i32
    %c0_i32_0 = arith.constant 0 : i32
    %c0_i32_1 = arith.constant 0 : i32
    return %c0_i32, %c0_i32_0 : i32, i32
  }
  func.func @transform_9(%arg0: i32) -> (i32, i32) {
    %c0_i32 = arith.constant 0 : i32
    %c0_i32_0 = arith.constant 0 : i32
    return %arg0, %c0_i32 : i32, i32
  }
  func.func @transform_10(%arg0: i32) -> (i32, i32) {
    %c0_i32 = arith.constant 0 : i32
    %c0_i32_0 = arith.constant 0 : i32
    return %arg0, %c0_i32 : i32, i32
  }
  func.func @transform_11(%arg0: i32) -> (i32, i32) {
    %c0_i32 = arith.constant 0 : i32
    %c0_i32_0 = arith.constant 0 : i32
    return %arg0, %c0_i32 : i32, i32
  }
}

module attributes {stable_mosaic.version = 14 : i64} {
  func.func @_tc4_body(%arg0: i32, %arg1: memref<400x96xf32, #tpu.memory_space<vmem>>, %arg2: memref<400x96xf32, #tpu.memory_space<vmem>>, %arg3: memref<400x192xf32, #tpu.memory_space<vmem>>, %arg4: memref<400x1xf32, #tpu.memory_space<vmem>>, %arg5: memref<1x192xf32, #tpu.memory_space<vmem>>, %arg6: memref<192x192xf32, #tpu.memory_space<vmem>>, %arg7: memref<400x96xf32, #tpu.memory_space<vmem>>, %arg8: memref<400x96xf32, #tpu.memory_space<vmem>>) attributes {dimension_semantics = [#tpu.dimension_semantics<arbitrary>], iteration_bounds = array<i64: 25>, scalar_prefetch = 0 : i64, scratch_operands = 0 : i64, tpu.core_type = #tpu.core_type<tc>, window_params = [{transform_indices = @transform_0, window_bounds = array<i64: 400, 96>}, {transform_indices = @transform_1, window_bounds = array<i64: 400, 96>}, {transform_indices = @transform_2, window_bounds = array<i64: 400, 192>}, {transform_indices = @transform_3, window_bounds = array<i64: 400, 1>}, {pipeline_mode = #tpu.pipeline_mode<synchronous>, transform_indices = @transform_4, window_bounds = array<i64: 1, 192>}, {pipeline_mode = #tpu.pipeline_mode<synchronous>, transform_indices = @transform_5, window_bounds = array<i64: 192, 192>}, {transform_indices = @transform_6, window_bounds = array<i64: 400, 96>}, {transform_indices = @transform_7, window_bounds = array<i64: 400, 96>}]} {
    %get3A = arith.constant 0 : index
    %get3A_0 = arith.constant 0 : index
    %get3A_1 = vector.load %arg1[%get3A, %get3A_0] : memref<400x96xf32, #tpu.memory_space<vmem>>, vector<400x96xf32>
    %get3A_2 = arith.constant 0 : index
    %get3A_3 = arith.constant 0 : index
    %get3A_4 = vector.load %arg2[%get3A_2, %get3A_3] : memref<400x96xf32, #tpu.memory_space<vmem>>, vector<400x96xf32>
    %concatenate3A = tpu.concatenate %get3A_1, %get3A_4 in 1 : vector<400x96xf32>, vector<400x96xf32> -> vector<400x192xf32>
    %get3A_5 = arith.constant 0 : index
    %get3A_6 = arith.constant 0 : index
    %get3A_7 = vector.load %arg4[%get3A_5, %get3A_6] : memref<400x1xf32, #tpu.memory_space<vmem>>, vector<400x1xf32>
    %mul3A = vector.broadcast %get3A_7 : vector<400x1xf32> to vector<400x192xf32>
    %mul3A_8 = arith.mulf %concatenate3A, %mul3A : vector<400x192xf32>
    %get3A_9 = arith.constant 0 : index
    %get3A_10 = arith.constant 0 : index
    %get3A_11 = vector.load %arg3[%get3A_9, %get3A_10] : memref<400x192xf32, #tpu.memory_space<vmem>>, vector<400x192xf32>
    %add3A = arith.addf %mul3A_8, %get3A_11 : vector<400x192xf32>
    %get3A_12 = arith.constant 0 : index
    %get3A_13 = arith.constant 0 : index
    %get3A_14 = vector.load %arg5[%get3A_12, %get3A_13] : memref<1x192xf32, #tpu.memory_space<vmem>>, vector<1x192xf32>
    %add3A_15 = vector.broadcast %get3A_14 : vector<1x192xf32> to vector<400x192xf32>
    %add3A_16 = arith.addf %add3A, %add3A_15 : vector<400x192xf32>
    %get3A_17 = arith.constant 0 : index
    %get3A_18 = arith.constant 0 : index
    %get3A_19 = vector.load %arg6[%get3A_17, %get3A_18] : memref<192x192xf32, #tpu.memory_space<vmem>>, vector<192x192xf32>
    %dot_general3A = arith.constant dense<0.000000e+00> : vector<400x192xf32>
    %dot_general3A_20 = tpu.matmul %add3A_16, %get3A_19, %dot_general3A {dimension_numbers = #tpu.dot_dimension_numbers<[1], [0], [0], [1], [0, 0, 1, 1], [], []>, precision = #tpu.contract_precision<fp32>, transpose_lhs_hint = false} : vector<400x192xf32>, vector<192x192xf32>, vector<400x192xf32> -> vector<400x192xf32>
    %get3A_21 = arith.constant 0 : index
    %get3A_22 = arith.constant 0 : index
    %get3A_23 = vector.load %arg4[%get3A_21, %get3A_22] : memref<400x1xf32, #tpu.memory_space<vmem>>, vector<400x1xf32>
    %mul3A_24 = vector.broadcast %get3A_23 : vector<400x1xf32> to vector<400x192xf32>
    %mul3A_25 = arith.mulf %dot_general3A_20, %mul3A_24 : vector<400x192xf32>
    %slice3A = vector.extract_strided_slice %mul3A_25 {offsets = [0, 0], sizes = [400, 96], strides = [1, 1]} : vector<400x192xf32> to vector<400x96xf32>
    %swap3A = arith.constant 0 : index
    %swap3A_26 = arith.constant 0 : index
    %swap3A_27 = vector.load %arg7[%swap3A, %swap3A_26] : memref<400x96xf32, #tpu.memory_space<vmem>>, vector<400x96xf32>
    tpu.vector_store %arg7[%swap3A, %swap3A_26], %slice3A {strides = array<i32>} : memref<400x96xf32, #tpu.memory_space<vmem>>, vector<400x96xf32>,
    %slice3A_28 = vector.extract_strided_slice %mul3A_25 {offsets = [0, 96], sizes = [400, 96], strides = [1, 1]} : vector<400x192xf32> to vector<400x96xf32>
    %swap3A_29 = arith.constant 0 : index
    %swap3A_30 = arith.constant 0 : index
    %swap3A_31 = vector.load %arg8[%swap3A_29, %swap3A_30] : memref<400x96xf32, #tpu.memory_space<vmem>>, vector<400x96xf32>
    tpu.vector_store %arg8[%swap3A_29, %swap3A_30], %slice3A_28 {strides = array<i32>} : memref<400x96xf32, #tpu.memory_space<vmem>>, vector<400x96xf32>,
    return
  }
  func.func @transform_0(%arg0: i32) -> (i32, i32) {
    %c0_i32 = arith.constant 0 : i32
    %c0_i32_0 = arith.constant 0 : i32
    return %arg0, %c0_i32 : i32, i32
  }
  func.func @transform_1(%arg0: i32) -> (i32, i32) {
    %c0_i32 = arith.constant 0 : i32
    %c0_i32_0 = arith.constant 0 : i32
    return %arg0, %c0_i32 : i32, i32
  }
  func.func @transform_2(%arg0: i32) -> (i32, i32) {
    %c0_i32 = arith.constant 0 : i32
    %c0_i32_0 = arith.constant 0 : i32
    return %arg0, %c0_i32 : i32, i32
  }
  func.func @transform_3(%arg0: i32) -> (i32, i32) {
    %c0_i32 = arith.constant 0 : i32
    %c0_i32_0 = arith.constant 0 : i32
    return %arg0, %c0_i32 : i32, i32
  }
  func.func @transform_4(%arg0: i32) -> (i32, i32) {
    %c0_i32 = arith.constant 0 : i32
    %c0_i32_0 = arith.constant 0 : i32
    %c0_i32_1 = arith.constant 0 : i32
    return %c0_i32, %c0_i32_0 : i32, i32
  }
  func.func @transform_5(%arg0: i32) -> (i32, i32) {
    %c0_i32 = arith.constant 0 : i32
    %c0_i32_0 = arith.constant 0 : i32
    %c0_i32_1 = arith.constant 0 : i32
    return %c0_i32, %c0_i32_0 : i32, i32
  }
  func.func @transform_6(%arg0: i32) -> (i32, i32) {
    %c0_i32 = arith.constant 0 : i32
    %c0_i32_0 = arith.constant 0 : i32
    return %arg0, %c0_i32 : i32, i32
  }
  func.func @transform_7(%arg0: i32) -> (i32, i32) {
    %c0_i32 = arith.constant 0 : i32
    %c0_i32_0 = arith.constant 0 : i32
    return %arg0, %c0_i32 : i32, i32
  }
}

module attributes {stable_mosaic.version = 14 : i64} {
  func.func @_tc5_body(%arg0: i32, %arg1: memref<400x96xf32, #tpu.memory_space<vmem>>, %arg2: memref<400x96xf32, #tpu.memory_space<vmem>>, %arg3: memref<400x192xf32, #tpu.memory_space<vmem>>, %arg4: memref<400x1xf32, #tpu.memory_space<vmem>>, %arg5: memref<1x192xf32, #tpu.memory_space<vmem>>, %arg6: memref<400x64xf32, #tpu.memory_space<vmem>>) attributes {dimension_semantics = [#tpu.dimension_semantics<arbitrary>], iteration_bounds = array<i64: 25>, scalar_prefetch = 0 : i64, scratch_operands = 0 : i64, tpu.core_type = #tpu.core_type<tc>, window_params = [{transform_indices = @transform_0, window_bounds = array<i64: 400, 96>}, {transform_indices = @transform_1, window_bounds = array<i64: 400, 96>}, {transform_indices = @transform_2, window_bounds = array<i64: 400, 192>}, {transform_indices = @transform_3, window_bounds = array<i64: 400, 1>}, {pipeline_mode = #tpu.pipeline_mode<synchronous>, transform_indices = @transform_4, window_bounds = array<i64: 1, 192>}, {transform_indices = @transform_5, window_bounds = array<i64: 400, 64>}]} {
    %get3A = arith.constant 0 : index
    %get3A_0 = arith.constant 0 : index
    %get3A_1 = vector.load %arg1[%get3A, %get3A_0] : memref<400x96xf32, #tpu.memory_space<vmem>>, vector<400x96xf32>
    %get3A_2 = arith.constant 0 : index
    %get3A_3 = arith.constant 0 : index
    %get3A_4 = vector.load %arg2[%get3A_2, %get3A_3] : memref<400x96xf32, #tpu.memory_space<vmem>>, vector<400x96xf32>
    %concatenate3A = tpu.concatenate %get3A_1, %get3A_4 in 1 : vector<400x96xf32>, vector<400x96xf32> -> vector<400x192xf32>
    %get3A_5 = arith.constant 0 : index
    %get3A_6 = arith.constant 0 : index
    %get3A_7 = vector.load %arg4[%get3A_5, %get3A_6] : memref<400x1xf32, #tpu.memory_space<vmem>>, vector<400x1xf32>
    %mul3A = vector.broadcast %get3A_7 : vector<400x1xf32> to vector<400x192xf32>
    %mul3A_8 = arith.mulf %concatenate3A, %mul3A : vector<400x192xf32>
    %get3A_9 = arith.constant 0 : index
    %get3A_10 = arith.constant 0 : index
    %get3A_11 = vector.load %arg3[%get3A_9, %get3A_10] : memref<400x192xf32, #tpu.memory_space<vmem>>, vector<400x192xf32>
    %add3A = arith.addf %mul3A_8, %get3A_11 : vector<400x192xf32>
    %get3A_12 = arith.constant 0 : index
    %get3A_13 = arith.constant 0 : index
    %get3A_14 = vector.load %arg5[%get3A_12, %get3A_13] : memref<1x192xf32, #tpu.memory_space<vmem>>, vector<1x192xf32>
    %add3A_15 = vector.broadcast %get3A_14 : vector<1x192xf32> to vector<400x192xf32>
    %add3A_16 = arith.addf %add3A, %add3A_15 : vector<400x192xf32>
    %slice3A = vector.extract_strided_slice %add3A_16 {offsets = [0, 0], sizes = [400, 64], strides = [1, 1]} : vector<400x192xf32> to vector<400x64xf32>
    %slice3A_17 = vector.extract_strided_slice %add3A_16 {offsets = [0, 64], sizes = [400, 64], strides = [1, 1]} : vector<400x192xf32> to vector<400x64xf32>
    %add3A_18 = arith.addf %slice3A, %slice3A_17 : vector<400x64xf32>
    %slice3A_19 = vector.extract_strided_slice %add3A_16 {offsets = [0, 128], sizes = [400, 64], strides = [1, 1]} : vector<400x192xf32> to vector<400x64xf32>
    %add3A_20 = arith.addf %add3A_18, %slice3A_19 : vector<400x64xf32>
    %mul3A_21 = arith.constant 0.333333343 : f32
    %mul3A_22 = vector.broadcast %mul3A_21 : f32 to vector<400x64xf32>
    %mul3A_23 = arith.mulf %add3A_20, %mul3A_22 : vector<400x64xf32>
    %reduce_max3A = arith.constant dense<0xFF800000> : vector<400xf32>
    %reduce_max3A_24 = vector.multi_reduction <maximumf>, %mul3A_23, %reduce_max3A [1] : vector<400x64xf32> to vector<400xf32>
    %broadcast_in_dim3A = vector.shape_cast %reduce_max3A_24 : vector<400xf32> to vector<400x1xf32>
    %sub3A = vector.broadcast %broadcast_in_dim3A : vector<400x1xf32> to vector<400x64xf32>
    %sub3A_25 = arith.subf %mul3A_23, %sub3A : vector<400x64xf32>
    %exp3A = math.exp %sub3A_25 : vector<400x64xf32>
    %reduce_sum3A = arith.constant dense<0.000000e+00> : vector<400xf32>
    %reduce_sum3A_26 = vector.multi_reduction <add>, %exp3A, %reduce_sum3A [1] : vector<400x64xf32> to vector<400xf32>
    %broadcast_in_dim3A_27 = vector.shape_cast %reduce_sum3A_26 : vector<400xf32> to vector<400x1xf32>
    %log3A = math.log %broadcast_in_dim3A_27 : vector<400x1xf32>
    %add3A_28 = arith.addf %log3A, %broadcast_in_dim3A : vector<400x1xf32>
    %sub3A_29 = vector.broadcast %add3A_28 : vector<400x1xf32> to vector<400x64xf32>
    %sub3A_30 = arith.subf %mul3A_23, %sub3A_29 : vector<400x64xf32>
    %swap3A = arith.constant 0 : index
    %swap3A_31 = arith.constant 0 : index
    %swap3A_32 = vector.load %arg6[%swap3A, %swap3A_31] : memref<400x64xf32, #tpu.memory_space<vmem>>, vector<400x64xf32>
    tpu.vector_store %arg6[%swap3A, %swap3A_31], %sub3A_30 {strides = array<i32>} : memref<400x64xf32, #tpu.memory_space<vmem>>, vector<400x64xf32>,
    return
  }
  func.func @transform_0(%arg0: i32) -> (i32, i32) {
    %c0_i32 = arith.constant 0 : i32
    %c0_i32_0 = arith.constant 0 : i32
    return %arg0, %c0_i32 : i32, i32
  }
  func.func @transform_1(%arg0: i32) -> (i32, i32) {
    %c0_i32 = arith.constant 0 : i32
    %c0_i32_0 = arith.constant 0 : i32
    return %arg0, %c0_i32 : i32, i32
  }
  func.func @transform_2(%arg0: i32) -> (i32, i32) {
    %c0_i32 = arith.constant 0 : i32
    %c0_i32_0 = arith.constant 0 : i32
    return %arg0, %c0_i32 : i32, i32
  }
  func.func @transform_3(%arg0: i32) -> (i32, i32) {
    %c0_i32 = arith.constant 0 : i32
    %c0_i32_0 = arith.constant 0 : i32
    return %arg0, %c0_i32 : i32, i32
  }
  func.func @transform_4(%arg0: i32) -> (i32, i32) {
    %c0_i32 = arith.constant 0 : i32
    %c0_i32_0 = arith.constant 0 : i32
    %c0_i32_1 = arith.constant 0 : i32
    return %c0_i32, %c0_i32_0 : i32, i32
  }
  func.func @transform_5(%arg0: i32) -> (i32, i32) {
    %c0_i32 = arith.constant 0 : i32
    %c0_i32_0 = arith.constant 0 : i32
    return %arg0, %c0_i32 : i32, i32
  }
}

</mosaic_0001>

<sc_bundles>
// kernel: kernel.14.cloned.1.call-start
scs
__scs_entry_jumppad:
0x0: {  	(pc) =	sbr.rel $0x88, $3  }
0x1: {  	(tag) =	ssettag $0x0;
	lr =	simm.s32 $0x1  }
0x2: {  	[smem:$0x3F97] =	sst lr;
	_ =	strace $0xD0000000  }
0x3: {  	_ = 	snop  }
0x4: {  	_ = 	snop  }
0x5: {  	_ = 	snop  }
0x6: {  	_ = 	snop  }
0x7: {  	_ = 	snop  }
__scs_overlays_trampoline_lowered:
0x8: {  	[smem:$0x3FA6] =	sst s0  }
0x9: {  	[smem:$0x3FA7] =	sst s1  }
0xa: {  	[smem:$0x3FA8] =	sst s2  }
0xb: {  	[smem:$0x3FA9] =	sst s3  }
0xc: {  	[smem:$0x3FAA] =	sst s4  }
0xd: {  	[smem:$0x3FAB] =	sst s5  }
0xe: {  	[smem:$0x3FAC] =	sst s6  }
0xf: {  	[smem:$0x3FAD] =	sst s7  }
0x10: {  	[smem:$0x3FAE] =	sst s8  }
0x11: {  	[smem:$0x3FAF] =	sst s9;
	s0 =	simm.s32 @!p0 $0x0  }
0x12: {  	s1 =	sld [smem:$0x3F95];
	s0 =	simm.s32 @p0 $0x1  }
0x13: {  	[smem:$0x3FB0] =	sst s0;
	s0 =	simm.s32 @!p1 $0x0  }
0x14: {  	s2 =	sld [smem:$0x3F94];
	s0 =	simm.s32 @p1 $0x1  }
0x15: {  	[smem:$0x3FB1] =	sst s0;
	s0 =	simm.s32 @!p2 $0x0  }
0x16: {  	s3 =	sld [smem:$0x3FDB];
	s0 =	simm.s32 @p2 $0x1  }
0x17: {  	s4 =	simm.s32 $0x1BF5;
	[smem:$0x3FB3] =	sst s0  }
0x18: {  	s0 =	sld [smem:$0x3F96];
	_ =	swait.ge [sflag:s4], $0x0  }
0x19: {  	s7 =	sld [smem:$0x3F97]  }
0x1a: {  	s8 =	sadd.s32 $0xFFFFE003, lr  }
0x1b: {  	s9 =	sadd.s32 $0xFFFFFEF7, lr;
	s5 =	simm.s32 $0xFFFFFFFF;
	p2 =	slt.u32 s8, $0xFFFFF086  }
0x1c: {  	p1 =	slt.u32 s9, $0xF7A;
	s5 =	simm.s32 @!p2 $0x0  }
0x1d: {  	s5 =	simm.s32 @p1 $0x1;
	p0 =	seq.s32 s7, s2  }
0x1e: {  	s7 =	smul.u32 @!p0 $0xF7A, s2;
	p2 =	seq.s32 @!p0 s5, $0x0  }
0x1f: {  	s9 =	smul.u32 $0xF7A, s1;
	s8 =	simm.s32 @!p0 $0x1BF5;
	p2 =	por !p2, p0  }
0x20: {  	[sflag:s8] =	ssyncset.s32 @!p0 $0xFFFFF086;
	s6 =	sadd.s32 @!p0 s3, s7;
	s7 =	simm.s32 @!p0 $0x108  }
0x21: {  	s3 =	sadd.s32 s3, s9;
	s6 =	sadd.s32 @!p0 $0x88, s6;
	s7 =	simm.s32 @p2 $0x1082  }
0x22: {  	[simem:s7], [sflag:s8] =	dma.local @!p0 [hbm:s6], $0xF7A  }
0x23: {  	s9 =	sor.u32 $0xD0000000, s2;
	s6 =	simm.s32 $0x108;
	_ =	swait.ge @!p0 [sflag:s8], $0x0  }
0x24: {  	s3 =	sadd.s32 $0x88, s3;
	s6 =	simm.s32 @!p1 $0x1082;
	[sflag:s4] =	ssyncset.s32 $0xFFFFF086  }
0x25: {  	[simem:s6], [sflag:s4] =	dma.local [hbm:s3], $0xF7A  }
0x26: {  	[smem:$0x3F97] =	sst s1;
	(tag) =	ssettag s2;
	_ =	strace s9  }
0x27: {  	s1 =	sld [smem:$0x3FA7]  }
0x28: {  	s2 =	sld [smem:$0x3FA8]  }
0x29: {  	s4 =	sld [smem:$0x3FAA]  }
0x2a: {  	p0 =	seq.s32 s5, $0x0;
	s5 =	sld [smem:$0x3FAB]  }
0x2b: {  	s6 =	sld [smem:$0x3FAC]  }
0x2c: {  	s7 =	sld [smem:$0x3FAD]  }
0x2d: {  	s3 =	simm.s32 $0x108;
	s8 =	sld [smem:$0x3FAE]  }
0x2e: {  	s3 =	simm.s32 @!p0 $0x1082;
	s9 =	sld [smem:$0x3FAF]  }
0x2f: {  	lr =	sadd.s32 s0, s3;
	s0 =	sld [smem:$0x3FA6]  }
0x30: {  	s3 =	sld [smem:$0x3FA9]  }
0x31: {  	[smem:$0x3FB2] =	sst s10  }
0x32: {  	s10 =	sld [smem:$0x3FB0];
	_ =	sdelay $0x3  }
0x33: {  	p0 =	seq.s32 s10, $0x1;
	s10 =	sld [smem:$0x3FB2];
	_ =	sdelay $0x3  }
0x34: {  	[smem:$0x3FB2] =	sst s10  }
0x35: {  	s10 =	sld [smem:$0x3FB1];
	_ =	sdelay $0x3  }
0x36: {  	p1 =	seq.s32 s10, $0x1;
	s10 =	sld [smem:$0x3FB2];
	_ =	sdelay $0x3  }
0x37: {  	[smem:$0x3FB2] =	sst s10  }
0x38: {  	s10 =	sld [smem:$0x3FB3]  }
0x39: {  	_ = 	snop;
	(pc) =	sbr.ind lr, $3  }
0x3a: {  	_ = 	snop  }
0x3b: {  	_ = 	snop  }
0x3c: {  	p2 =	seq.s32 s10, $0x1;
	s10 =	sld [smem:$0x3FB2]  }
0x3d: {  	_ =	shalt  }
0x3e: {  	_ =	shalt  }
0x3f: {  	_ =	shalt  }
0x40: {  	_ =	shalt  }
0x41: {  	_ =	shalt  }
0x42: {  	_ =	shalt  }
0x43: {  	_ =	shalt  }
0x44: {  	_ =	shalt  }
0x45: {  	_ =	shalt  }
0x46: {  	_ =	shalt  }
0x47: {  	_ =	shalt  }
0x48: {  	_ =	shalt  }
0x49: {  	_ =	shalt  }
0x4a: {  	_ =	shalt  }
0x4b: {  	_ =	shalt  }
0x4c: {  	_ =	shalt  }
0x4d: {  	_ =	shalt  }
0x4e: {  	_ =	shalt  }
0x4f: {  	_ =	shalt  }
0x50: {  	_ =	shalt  }
0x51: {  	_ =	shalt  }
0x52: {  	_ =	shalt  }
0x53: {  	_ =	shalt  }
0x54: {  	_ =	shalt  }
0x55: {  	_ =	shalt  }
0x56: {  	_ =	shalt  }
0x57: {  	_ =	shalt  }
0x58: {  	_ =	shalt  }
0x59: {  	_ =	shalt  }
0x5a: {  	_ =	shalt  }
0x5b: {  	_ =	shalt  }
0x5c: {  	_ =	shalt  }
0x5d: {  	_ =	shalt  }
0x5e: {  	_ =	shalt  }
0x5f: {  	_ =	shalt  }
0x60: {  	_ =	shalt  }
0x61: {  	_ =	shalt  }
0x62: {  	_ =	shalt  }
0x63: {  	_ =	shalt  }
0x64: {  	_ =	shalt  }
0x65: {  	_ =	shalt  }
0x66: {  	_ =	shalt  }
0x67: {  	_ =	shalt  }
0x68: {  	_ =	shalt  }
0x69: {  	_ =	shalt  }
0x6a: {  	_ =	shalt  }
0x6b: {  	_ =	shalt  }
0x6c: {  	_ =	shalt  }
0x6d: {  	_ =	shalt  }
0x6e: {  	_ =	shalt  }
0x6f: {  	_ =	shalt  }
0x70: {  	_ =	shalt  }
0x71: {  	_ =	shalt  }
0x72: {  	_ =	shalt  }
0x73: {  	_ =	shalt  }
0x74: {  	_ =	shalt  }
0x75: {  	_ =	shalt  }
0x76: {  	_ =	shalt  }
0x77: {  	_ =	shalt  }
0x78: {  	_ =	shalt  }
0x79: {  	_ =	shalt  }
0x7a: {  	_ =	shalt  }
0x7b: {  	_ =	shalt  }
0x7c: {  	_ =	shalt  }
0x7d: {  	_ =	shalt  }
0x7e: {  	_ =	shalt  }
0x7f: {  	_ =	shalt  }
0x80: {  	_ =	shalt  }
0x81: {  	_ =	shalt  }
0x82: {  	_ =	shalt  }
0x83: {  	_ =	shalt  }
0x84: {  	_ =	shalt  }
0x85: {  	_ =	shalt  }
0x86: {  	_ =	shalt  }
0x87: {  	_ =	shalt  }
.Lfunc_end0:
.L_simem_size_0:
called_computation_lowered:
.L_overlay_start_0:
0x88: {  	s2 =	sld [smem:$0x3FD9]  }
0x89: {  	s3 =	sld [smem:$0x3FFE];
	_ =	sdelay $0x1  }
0x8a: {  	s1 =	srdreg.scid  }
0x8b: {  	s0 =	sand.u32 $0x1, s1  }
0x8c: {  	s17 =	sshll.u32 s0, $0xA;
	s2 =	sadd.s32 s3, s2  }
0x8d: {  	s2 =	sadd.s32 s2, s17  }
0x8e: {  	[smem:$0x3FBE] =	sst s2  }
0x8f: {  	_ = 	snop  }
0x90: {  	s2 =	sld [smem:$0x3FD0];
	(tm) =	ssettm $0x1  }
0x91: {  	s18 =	sld [smem:$0x3FFB];
	_ =	sdelay $0x3  }
0x92: {  	_ =	strace s18  }
0x93: {  	s3 =	sld [smem:$0x3FFC];
	_ =	sdelay $0x3  }
0x94: {  	_ =	strace s3  }
0x95: {  	s3 =	sld [smem:$0x3FFD];
	_ =	sdelay $0x3  }
0x96: {  	_ =	strace s3  }
0x97: {  	_ =	strace $0x8FFFFFFF  }
0x98: {  	s19 =	sld [smem:$0x3FDB];
	_ =	sdelay $0x1  }
0x99: {  	s4 =	simm.s32 $_scs_section_size  }
0x9a: {  	s5 =	simm.s32 $_size__tile_overlayer_lowered;
	s6 =	simm.s32 $_tile_overlayer_lowered  }
0x9b: {  	s22 =	simm.s32 $0x1BFF;
	s21 =	sshll.u32 s6, $0x1;
	s3 =	sadd.s32 s4, s19  }
0x9c: {  	s7 =	simm.s32 $0x0;
	s20 =	sshll.u32 s5, $0x1;
	s5 =	sadd.s32 s21, s3  }
0x9d: {  	[timem:s7], [sflag:s22] =	dma.local [hbm:s5], s20  }
0x9e: {  	_ =	swait.ge [sflag:s22], s20  }
0x9f: {  	s4 =	ssub.s32 $0x0, s20;
	[sflag:s22] =	ssyncset.done $0x0  }
0xa0: {  	[sflag:s22] =	ssyncadd.s32 s4;
	_ =	sdelay $0x1  }
0xa1: {  	s23 =	simm.s32 $0x1B8B  }
0xa2: {  	_ =	swait.ge [sflag:s23], $0x1  }
0xa3: {  	[sflag:s23] =	ssyncset.done $0x0  }
0xa4: {  	s25 =	simm.s32 $0x1B8E;
	s24 =	sld [smem:$0x3FFE];
	[sflag:s23] =	ssyncadd.s32 $0xFFFFFFFF  }
0xa5: {  	s26 =	simm.s32 $execute0_lowered;
	[smem:$0x3FD2] =	sst s25  }
0xa6: {  	s5 =	sshll.u32 s26, $0x1;
	_ =	strace $0x80000046;
	[dreg:$0x1] =	wrdreg $0xFFFFFFFF  }
0xa7: {  	s28 =	simm.s32 $_size_execute0_lowered;
	s3 =	sadd.s32 s3, s5;
	[dreg:$0x0] =	wrdreg $0x0  }
0xa8: {  	s5 =	sshll.u32 s28, $0x1;
	[dreg:$0x2] =	wrdreg s3  }
0xa9: {  	[dreg:$0x3] =	wrdreg s5  }
0xaa: {  	[dreg:$0x4] =	wrdreg $0xC0  }
0xab: {  	_ =	task [dreg:s7], $0x5FFFF  }
0xac: {  	[dreg:$0x1] =	wrdreg $0xFFFFFFFF  }
0xad: {  	[dreg:$0x0] =	wrdreg $0x60  }
0xae: {  	[dreg:$0x2] =	wrdreg s2  }
0xaf: {  	[dreg:$0x3] =	wrdreg s24  }
0xb0: {  	[dreg:$0x4] =	wrdreg $0x0  }
0xb1: {  	[dreg:$0x5] =	wrdreg $0x9  }
0xb2: {  	_ =	task.clear_ibuf [dreg:s7], $0x6FFFF;
	_ =	strace $0x90000046  }
0xb3: {  	s29 =	simm.s32 $0x9;
	_ =	strace $0x80000048  }
0xb4: {  	_ =	swait.ge [sflag:s29], $0x1  }
0xb5: {  	[sflag:s29] =	ssyncadd.s32 $0xFFFFFFFF  }
0xb6: {  	_ =	strace $0x90000048  }
0xb7: {  	_ =	sfence  }
0xb8: {  	s30 =	sld [smem:$0x0];
	_ =	sdelay $0x2  }
0xb9: {  	s31 =	sshll.u32 s1, $0xD;
	s1 =	sshrl.u32 s1, $0x2  }
0xba: {  	s3 =	sand.u32 $0x4000, s31;
	s1 =	sadd.s32 s1, s30  }
0xbb: {  	s0 =	sor.u32 s3, s0;
	s1 =	sshll.u32 s1, $0x11  }
0xbc: {  	s0 =	sor.u32 s1, s0  }
0xbd: {  	s0 =	sadd.s32 $0x8F2B, s0  }
0xbe: {  	[sflag:s0] =	ssyncadd.remote.s32 $0x1  }
0xbf: {  	_ =	sfence.sel $0xFFFF  }
0xc0: {  	[dreg:$0x0] =	wrdreg $0xFFFFFFFF;
	(pc) =	sbr.abs _section_cstart, $3  }
0xc1: {  	[dreg:$0x1] =	wrdreg $0xFFFFFFFF  }
0xc2: {  	_ =	task.clear_ibuf [dreg:s7], $0x2FFFF;
	_ =	strace $0x9FFFFFFF  }
0xc3: {  	(tm) =	ssettm $0x7FFFFFFF  }
tec
execute0_lowered:
.L_overlay_start_1:
0x0: {  	(tag) =	ssettag $0x1  }
0x1: {  	s11 =	rddreg [dreg:$0x0]  }
0x2: {  	s5 =	rddreg [dreg:$0x1]  }
0x3: {  	s1 =	rddreg [dreg:$0x2]  }
0x4: {  	s0 =	rddreg [dreg:$0x3];
	s3 =	simm.s32 $0x0;
	s4 =	srdreg.scid  }
0x5: {  	s2 =	stileid.u32;
	s15 =	simm.s32 $0x2880;
	s16 =	simm.s32 $0x1  }
0x6: {  	s18 =	simm.s32 $0x80;
	s21 =	simm.s32 $0x0;
	s6 =	smul.u32 $0xA000, s2  }
0x7: {  	[smem:$0x7FF] =	sst s3;
	s17 =	sand.u32 $0x1, s4;
	s12 =	smul.u32 $0x2800, s2  }
0x8: {  	s4 =	sadd.s32 $0xB000, s5;
	s5 =	sadd.s32 $0x6000, s5;
	s14 =	smul.u32 $0x4F0, s2  }
0x9: {  	s19 =	sshll.u32 s2, $0x6;
	_ =	strace $0x80000047;
	s7 =	ssub.s32 $0x2, s17  }
0xa: {  	p0 =	sne.s32 s17, $0x0;
	s17 =	simm.s32 $0x2800;
	s19 =	sor.u32 $0x1C01, s19  }
.Ltmp0:
0xb: {  	s8 =	sshrl.u32 s7, $0x1;
	s6 =	sshrl.u32 s6, $0x2;
	(pc) =	sbr.rel .LBB2_1-.Ltmp0, $4  }
0xc: {  	s11 =	sadd.s32 s14, s11;
	s13 =	ssub.s32 s7, s8;
	s10 =	sadd.s32 s6, s1  }
0xd: {  	s6 =	sadd.s32 s12, s1;
	s12 =	sshrl.u32 s12, $0x3;
	s14 =	sadd.s32 $0x4F00, s11  }
0xe: {  	s7 =	sadd.s32 $0x800, s10;
	s8 =	sadd.s32 $0x1000, s10;
	s9 =	sadd.s32 $0x1800, s10  }
0xf: {  	v0 =	vimm.f32 $0.0e+00;
	v1 =	vimm.f32 $1.000000000e+00;
	s10 =	sadd.s32 $0x2000, s10;
	s13 =	smax.u32 s13, $0x1;
	s20 =	sshrl.u32 s6, $0x3  }
.LBB2_11:
0x10: {  	s22 =	sadd.s32 s22, s14;
	[sflag:s16] =	ssyncadd.s32 $0xFFFFF800  }
0x11: {  	[tilespmem:s17], [sflag:$0x1] =	stream.linear.gather [hbm4b:s22+s3], $0x80, $0x38;
	[tilespmem:$0x3080] =	vst v63  }
0x12: {  	_ =	swait.ge [sflag:s16], $0x80  }
0x13: {  	[sflag:s16] =	ssyncset.done $0x0  }
0x14: {  	[sflag:s16] =	ssyncadd.s32 $0xFFFFFF80  }
0x15: {  	[spmem:s1] =	stream.indirect.scatter.add.f32 [tilespmem:s15], [sflag:$0x1], $0x10, s17, s18, $0xb8;
	[tilespmem:$0x3080] =	vst v63  }
0x16: {  	_ =	swait.ge [sflag:s16], $0x800  }
0x17: {  	[sflag:s16] =	ssyncset.done $0x0  }
0x18: {  	s22 =	smov.u32 s5;
	[sflag:s16] =	ssyncadd.s32 $0xFFFFF800  }
.LBB2_12:
0x19: {  	s21 =	sadd.s32 $0x1, s21  }
0x1a: {  	p1 =	sne.s32 s21, s13  }
.Ltmp1:
0x1b: {  	s22 =	sadd.s32 s22, s12;
	[bflag:$0x0] =	sbarrier.arrive $0xFFFF;
	(pc) =	sbr.rel @!p1 .LBB2_13-.Ltmp1, $4  }
0x1c: {  	[hbm:s22], [sflag:s19] =	dma.local [spmem:s20], $0x500  }
0x1d: {  	_ =	swait.ge [sflag:s16], $0x500  }
0x1e: {  	[sflag:s16] =	ssyncset.done $0x0  }
0x1f: {  	[sflag:s16] =	ssyncadd.s32 $0xFFFFFB00  }
.LBB2_1:
0x20: {  	s22 =	simm.s32 $0x40;
	s23 =	simm.s32 $0x0  }
.LBB2_2:
0x21: {  	p1 =	sne.s32 s22, $0x1FC0;
	[tilespmem:s23+$0x2880] =	vst v0;
	s23 =	smov.u32 s22;
	s22 =	sadd.s32 $0x40, s22  }
.Ltmp2:
0x22: {  	(pc) =	sbr.rel @p1 .LBB2_2-.Ltmp2, $2  }
0x23: {  	_ =	sdelay $0x2  }
0x24: {  	s23 =	sshra.s32 s23, $0x2  }
0x25: {  	[tilespmem:s23+$0x2880] =	vst v0  }
0x26: {  	[spmem:s6] =	stream.linear.scatter [tilespmem:s15], [sflag:$0x1], $0x800, $0x38;
	[tilespmem:$0x3080] =	vst v63  }
0x27: {  	_ =	swait.ge [sflag:s16], $0x800  }
0x28: {  	[sflag:s16] =	ssyncset.done $0x0  }
0x29: {  	[sflag:s16] =	ssyncadd.s32 $0xFFFFF800  }
0x2a: {  	[spmem:s7] =	stream.linear.scatter [tilespmem:s15], [sflag:$0x1], $0x800, $0x38;
	[tilespmem:$0x3080] =	vst v63  }
0x2b: {  	_ =	swait.ge [sflag:s16], $0x800  }
0x2c: {  	[sflag:s16] =	ssyncset.done $0x0  }
0x2d: {  	[sflag:s16] =	ssyncadd.s32 $0xFFFFF800  }
0x2e: {  	[spmem:s8] =	stream.linear.scatter [tilespmem:s15], [sflag:$0x1], $0x800, $0x38;
	[tilespmem:$0x3080] =	vst v63  }
0x2f: {  	_ =	swait.ge [sflag:s16], $0x800  }
0x30: {  	[sflag:s16] =	ssyncset.done $0x0  }
0x31: {  	[sflag:s16] =	ssyncadd.s32 $0xFFFFF800  }
0x32: {  	[spmem:s9] =	stream.linear.scatter [tilespmem:s15], [sflag:$0x1], $0x800, $0x38;
	[tilespmem:$0x3080] =	vst v63  }
0x33: {  	_ =	swait.ge [sflag:s16], $0x800  }
0x34: {  	[sflag:s16] =	ssyncset.done $0x0  }
0x35: {  	[sflag:s16] =	ssyncadd.s32 $0xFFFFF800  }
0x36: {  	[spmem:s10] =	stream.linear.scatter [tilespmem:s15], [sflag:$0x1], $0x800, $0x38;
	[tilespmem:$0x3080] =	vst v63  }
0x37: {  	_ =	swait.ge [sflag:s16], $0x800  }
0x38: {  	[sflag:s16] =	ssyncset.done $0x0  }
0x39: {  	s22 =	simm.s32 $0x40;
	s23 =	simm.s32 $0x0;
	[sflag:s16] =	ssyncadd.s32 $0xFFFFF800  }
.LBB2_4:
0x3a: {  	p1 =	sne.s32 s22, $0x1FC0;
	[tilespmem:s23+$0x2880] =	vst v1;
	s23 =	smov.u32 s22;
	s22 =	sadd.s32 $0x40, s22  }
.Ltmp3:
0x3b: {  	(pc) =	sbr.rel @p1 .LBB2_4-.Ltmp3, $2  }
0x3c: {  	_ =	sdelay $0x2  }
0x3d: {  	s23 =	sshra.s32 s23, $0x2  }
.Ltmp4:
0x3e: {  	(pc) =	sbr.rel @p0 .LBB2_9-.Ltmp4, $3  }
0x3f: {  	_ = 	snop  }
0x40: {  	[tilespmem:s23+$0x2880] =	vst v1  }
0x41: {  	[bflag:$0x0] =	sbarrier.arrive $0xFFFF;
	_ =	sdelay $0x1  }
0x42: {  	s22 =	sadd.s32 $0x0, s11  }
0x43: {  	[tilespmem:s17], [sflag:$0x1] =	stream.linear.gather [hbm4b:s22+s3], $0x80, $0x38;
	[tilespmem:$0x3080] =	vst v63  }
0x44: {  	_ =	swait.ge [sflag:s16], $0x80  }
0x45: {  	[sflag:s16] =	ssyncset.done $0x0  }
0x46: {  	[sflag:s16] =	ssyncadd.s32 $0xFFFFFF80  }
0x47: {  	[spmem:s1] =	stream.indirect.scatter.add.f32 [tilespmem:s15], [sflag:$0x1], $0x10, s17, s18, $0xb8;
	[tilespmem:$0x3080] =	vst v63  }
0x48: {  	_ =	swait.ge [sflag:s16], $0x800  }
0x49: {  	s23 =	simm.s32 $0x20;
	s22 =	simm.s32 $0x10;
	[sflag:s16] =	ssyncset.done $0x0  }
.LBB2_7:
0x4a: {  	s24 =	sadd.s32 s22, s11  }
0x4b: {  	[sflag:s16] =	ssyncadd.s32 $0xFFFFF800;
	s22 =	smov.u32 s23;
	s25 =	sadd.s32 $0x10, s23  }
0x4c: {  	[tilespmem:s17], [sflag:$0x1] =	stream.linear.gather [hbm4b:s24+s3], $0x80, $0x38;
	[tilespmem:$0x3080] =	vst v63  }
0x4d: {  	p1 =	seq.s32 s23, $0x4E0;
	_ =	swait.ge [sflag:s16], $0x80  }
.Ltmp5:
0x4e: {  	[sflag:s16] =	ssyncset.done $0x0;
	(pc) =	sbr.rel @!p1 .LBB2_7-.Ltmp5, $4  }
0x4f: {  	[sflag:s16] =	ssyncadd.s32 $0xFFFFFF80  }
0x50: {  	[spmem:s1] =	stream.indirect.scatter.add.f32 [tilespmem:s15], [sflag:$0x1], $0x10, s17, s18, $0xb8;
	[tilespmem:$0x3080] =	vst v63  }
0x51: {  	_ =	swait.ge [sflag:s16], $0x800  }
0x52: {  	s23 =	smov.u32 s25;
	[sflag:s16] =	ssyncset.done $0x0  }
0x53: {  	s22 =	sadd.s32 s22, s11;
	[sflag:s16] =	ssyncadd.s32 $0xFFFFF800  }
0x54: {  	[tilespmem:s17], [sflag:$0x1] =	stream.linear.gather [hbm4b:s22+s3], $0x80, $0x38;
	[tilespmem:$0x3080] =	vst v63  }
0x55: {  	_ =	swait.ge [sflag:s16], $0x80  }
0x56: {  	[sflag:s16] =	ssyncset.done $0x0  }
.Ltmp6:
0x57: {  	[sflag:s16] =	ssyncadd.s32 $0xFFFFFF80;
	(pc) =	sbr.rel .LBB2_12-.Ltmp6, $4  }
0x58: {  	[spmem:s1] =	stream.indirect.scatter.add.f32 [tilespmem:s15], [sflag:$0x1], $0x10, s17, s18, $0xb8;
	[tilespmem:$0x3080] =	vst v63  }
0x59: {  	_ =	swait.ge [sflag:s16], $0x800  }
0x5a: {  	[sflag:s16] =	ssyncset.done $0x0  }
0x5b: {  	s22 =	smov.u32 s4;
	[sflag:s16] =	ssyncadd.s32 $0xFFFFF800  }
.LBB2_9:
0x5c: {  	s22 =	sadd.s32 $0x0, s14  }
0x5d: {  	[tilespmem:s17], [sflag:$0x1] =	stream.linear.gather [hbm4b:s22+s3], $0x80, $0x38;
	[tilespmem:$0x3080] =	vst v63  }
0x5e: {  	_ =	swait.ge [sflag:s16], $0x80  }
0x5f: {  	[sflag:s16] =	ssyncset.done $0x0  }
0x60: {  	[sflag:s16] =	ssyncadd.s32 $0xFFFFFF80  }
0x61: {  	[spmem:s1] =	stream.indirect.scatter.add.f32 [tilespmem:s15], [sflag:$0x1], $0x10, s17, s18, $0xb8;
	[tilespmem:$0x3080] =	vst v63  }
0x62: {  	_ =	swait.ge [sflag:s16], $0x800  }
0x63: {  	s23 =	simm.s32 $0x20;
	s22 =	simm.s32 $0x10;
	[sflag:s16] =	ssyncset.done $0x0  }
.LBB2_10:
0x64: {  	s24 =	sadd.s32 s22, s14  }
0x65: {  	[sflag:s16] =	ssyncadd.s32 $0xFFFFF800;
	s22 =	smov.u32 s23;
	s25 =	sadd.s32 $0x10, s23  }
0x66: {  	[tilespmem:s17], [sflag:$0x1] =	stream.linear.gather [hbm4b:s24+s3], $0x80, $0x38;
	[tilespmem:$0x3080] =	vst v63  }
0x67: {  	p1 =	sne.s32 s23, $0x4E0;
	_ =	swait.ge [sflag:s16], $0x80  }
.Ltmp7:
0x68: {  	[sflag:s16] =	ssyncset.done $0x0;
	(pc) =	sbr.rel @p1 .LBB2_10-.Ltmp7, $4  }
0x69: {  	[sflag:s16] =	ssyncadd.s32 $0xFFFFFF80  }
0x6a: {  	[spmem:s1] =	stream.indirect.scatter.add.f32 [tilespmem:s15], [sflag:$0x1], $0x10, s17, s18, $0xb8;
	[tilespmem:$0x3080] =	vst v63  }
0x6b: {  	_ =	swait.ge [sflag:s16], $0x800  }
0x6c: {  	s23 =	smov.u32 s25;
	[sflag:s16] =	ssyncset.done $0x0  }
.Ltmp8:
0x6d: {  	_ = 	snop;
	(pc) =	sbr.rel .LBB2_11-.Ltmp8, $1  }
0x6e: {  	_ =	sdelay $0x3  }
.LBB2_13:
0x6f: {  	_ =	sfence.sel $0x180000  }
0x70: {  	[bflag:$0x0] =	sbarrier.arrive $0xFFFF  }
0x71: {  	p0 =	sne.s32 s2, $0x0;
	_ =	strace $0x90000047  }
0x72: {  	s0 =	sadd.s32 @!p0 $0x100000, s0;
	[bflag:$0x2] =	sbarrier.arrive $0xFFFF  }
0x73: {  	[sflag:s0] =	ssyncadd.tile.s32 @!p0 $0x1;
	_ =	shalt  }
.Lfunc_end2:
_tile_overlayer_lowered:
.L_overlay_start_2:
0x74: {  	(tag) =	ssettag $0x2  }
0x75: {  	s0 =	rddreg [dreg:$0x0];
	s2 =	stileid.u32  }
0x76: {  	s1 =	rddreg [dreg:$0x1];
	p0 =	sne.s32 s2, $0x0  }
0x77: {  	s3 =	rddreg [dreg:$0x2];
	[bflag:$0x3] =	sbarrier.arrive $0xFFFF;
	s2 =	simm.s32 @!p0 $0x1C01  }
0x78: {  	[timem:s3], [sflag:s2] =	dma.local @!p0 [hbm:s0], s1  }
0x79: {  	s0 =	simm.s32 @!p0 $0x1  }
0x7a: {  	_ =	swait.ge @!p0 [sflag:s0], s1  }
0x7b: {  	s1 =	ssub.s32 @!p0 $0x0, s1;
	[sflag:s0] =	ssyncset.done @!p0 $0x0  }
0x7c: {  	[sflag:s0] =	ssyncadd.s32 @!p0 s1  }
0x7d: {  	[bflag:$0x3] =	sbarrier.arrive $0xFFFF  }
0x7e: {  	_ =	shalt  }

// kernel: kernel.17.cloned.1.call-start
scs
__scs_entry_jumppad:
0x0: {  	(pc) =	sbr.rel $0x88, $3  }
0x1: {  	(tag) =	ssettag $0x0;
	lr =	simm.s32 $0x1  }
0x2: {  	[smem:$0x3F97] =	sst lr;
	_ =	strace $0xD0000000  }
0x3: {  	_ = 	snop  }
0x4: {  	_ = 	snop  }
0x5: {  	_ = 	snop  }
0x6: {  	_ = 	snop  }
0x7: {  	_ = 	snop  }
__scs_overlays_trampoline_lowered:
0x8: {  	[smem:$0x3FA6] =	sst s0  }
0x9: {  	[smem:$0x3FA7] =	sst s1  }
0xa: {  	[smem:$0x3FA8] =	sst s2  }
0xb: {  	[smem:$0x3FA9] =	sst s3  }
0xc: {  	[smem:$0x3FAA] =	sst s4  }
0xd: {  	[smem:$0x3FAB] =	sst s5  }
0xe: {  	[smem:$0x3FAC] =	sst s6  }
0xf: {  	[smem:$0x3FAD] =	sst s7  }
0x10: {  	[smem:$0x3FAE] =	sst s8  }
0x11: {  	[smem:$0x3FAF] =	sst s9;
	s0 =	simm.s32 @!p0 $0x0  }
0x12: {  	s1 =	sld [smem:$0x3F95];
	s0 =	simm.s32 @p0 $0x1  }
0x13: {  	[smem:$0x3FB0] =	sst s0;
	s0 =	simm.s32 @!p1 $0x0  }
0x14: {  	s2 =	sld [smem:$0x3F94];
	s0 =	simm.s32 @p1 $0x1  }
0x15: {  	[smem:$0x3FB1] =	sst s0;
	s0 =	simm.s32 @!p2 $0x0  }
0x16: {  	s3 =	sld [smem:$0x3FDB];
	s0 =	simm.s32 @p2 $0x1  }
0x17: {  	s4 =	simm.s32 $0x1BF5;
	[smem:$0x3FB3] =	sst s0  }
0x18: {  	s0 =	sld [smem:$0x3F96];
	_ =	swait.ge [sflag:s4], $0x0  }
0x19: {  	s7 =	sld [smem:$0x3F97]  }
0x1a: {  	s8 =	sadd.s32 $0xFFFFE003, lr  }
0x1b: {  	s9 =	sadd.s32 $0xFFFFFEF7, lr;
	s5 =	simm.s32 $0xFFFFFFFF;
	p2 =	slt.u32 s8, $0xFFFFF086  }
0x1c: {  	p1 =	slt.u32 s9, $0xF7A;
	s5 =	simm.s32 @!p2 $0x0  }
0x1d: {  	s5 =	simm.s32 @p1 $0x1;
	p0 =	seq.s32 s7, s2  }
0x1e: {  	s7 =	smul.u32 @!p0 $0xF7A, s2;
	p2 =	seq.s32 @!p0 s5, $0x0  }
0x1f: {  	s9 =	smul.u32 $0xF7A, s1;
	s8 =	simm.s32 @!p0 $0x1BF5;
	p2 =	por !p2, p0  }
0x20: {  	[sflag:s8] =	ssyncset.s32 @!p0 $0xFFFFF086;
	s6 =	sadd.s32 @!p0 s3, s7;
	s7 =	simm.s32 @!p0 $0x108  }
0x21: {  	s3 =	sadd.s32 s3, s9;
	s6 =	sadd.s32 @!p0 $0x88, s6;
	s7 =	simm.s32 @p2 $0x1082  }
0x22: {  	[simem:s7], [sflag:s8] =	dma.local @!p0 [hbm:s6], $0xF7A  }
0x23: {  	s9 =	sor.u32 $0xD0000000, s2;
	s6 =	simm.s32 $0x108;
	_ =	swait.ge @!p0 [sflag:s8], $0x0  }
0x24: {  	s3 =	sadd.s32 $0x88, s3;
	s6 =	simm.s32 @!p1 $0x1082;
	[sflag:s4] =	ssyncset.s32 $0xFFFFF086  }
0x25: {  	[simem:s6], [sflag:s4] =	dma.local [hbm:s3], $0xF7A  }
0x26: {  	[smem:$0x3F97] =	sst s1;
	(tag) =	ssettag s2;
	_ =	strace s9  }
0x27: {  	s1 =	sld [smem:$0x3FA7]  }
0x28: {  	s2 =	sld [smem:$0x3FA8]  }
0x29: {  	s4 =	sld [smem:$0x3FAA]  }
0x2a: {  	p0 =	seq.s32 s5, $0x0;
	s5 =	sld [smem:$0x3FAB]  }
0x2b: {  	s6 =	sld [smem:$0x3FAC]  }
0x2c: {  	s7 =	sld [smem:$0x3FAD]  }
0x2d: {  	s3 =	simm.s32 $0x108;
	s8 =	sld [smem:$0x3FAE]  }
0x2e: {  	s3 =	simm.s32 @!p0 $0x1082;
	s9 =	sld [smem:$0x3FAF]  }
0x2f: {  	lr =	sadd.s32 s0, s3;
	s0 =	sld [smem:$0x3FA6]  }
0x30: {  	s3 =	sld [smem:$0x3FA9]  }
0x31: {  	[smem:$0x3FB2] =	sst s10  }
0x32: {  	s10 =	sld [smem:$0x3FB0];
	_ =	sdelay $0x3  }
0x33: {  	p0 =	seq.s32 s10, $0x1;
	s10 =	sld [smem:$0x3FB2];
	_ =	sdelay $0x3  }
0x34: {  	[smem:$0x3FB2] =	sst s10  }
0x35: {  	s10 =	sld [smem:$0x3FB1];
	_ =	sdelay $0x3  }
0x36: {  	p1 =	seq.s32 s10, $0x1;
	s10 =	sld [smem:$0x3FB2];
	_ =	sdelay $0x3  }
0x37: {  	[smem:$0x3FB2] =	sst s10  }
0x38: {  	s10 =	sld [smem:$0x3FB3]  }
0x39: {  	_ = 	snop;
	(pc) =	sbr.ind lr, $3  }
0x3a: {  	_ = 	snop  }
0x3b: {  	_ = 	snop  }
0x3c: {  	p2 =	seq.s32 s10, $0x1;
	s10 =	sld [smem:$0x3FB2]  }
0x3d: {  	_ =	shalt  }
0x3e: {  	_ =	shalt  }
0x3f: {  	_ =	shalt  }
0x40: {  	_ =	shalt  }
0x41: {  	_ =	shalt  }
0x42: {  	_ =	shalt  }
0x43: {  	_ =	shalt  }
0x44: {  	_ =	shalt  }
0x45: {  	_ =	shalt  }
0x46: {  	_ =	shalt  }
0x47: {  	_ =	shalt  }
0x48: {  	_ =	shalt  }
0x49: {  	_ =	shalt  }
0x4a: {  	_ =	shalt  }
0x4b: {  	_ =	shalt  }
0x4c: {  	_ =	shalt  }
0x4d: {  	_ =	shalt  }
0x4e: {  	_ =	shalt  }
0x4f: {  	_ =	shalt  }
0x50: {  	_ =	shalt  }
0x51: {  	_ =	shalt  }
0x52: {  	_ =	shalt  }
0x53: {  	_ =	shalt  }
0x54: {  	_ =	shalt  }
0x55: {  	_ =	shalt  }
0x56: {  	_ =	shalt  }
0x57: {  	_ =	shalt  }
0x58: {  	_ =	shalt  }
0x59: {  	_ =	shalt  }
0x5a: {  	_ =	shalt  }
0x5b: {  	_ =	shalt  }
0x5c: {  	_ =	shalt  }
0x5d: {  	_ =	shalt  }
0x5e: {  	_ =	shalt  }
0x5f: {  	_ =	shalt  }
0x60: {  	_ =	shalt  }
0x61: {  	_ =	shalt  }
0x62: {  	_ =	shalt  }
0x63: {  	_ =	shalt  }
0x64: {  	_ =	shalt  }
0x65: {  	_ =	shalt  }
0x66: {  	_ =	shalt  }
0x67: {  	_ =	shalt  }
0x68: {  	_ =	shalt  }
0x69: {  	_ =	shalt  }
0x6a: {  	_ =	shalt  }
0x6b: {  	_ =	shalt  }
0x6c: {  	_ =	shalt  }
0x6d: {  	_ =	shalt  }
0x6e: {  	_ =	shalt  }
0x6f: {  	_ =	shalt  }
0x70: {  	_ =	shalt  }
0x71: {  	_ =	shalt  }
0x72: {  	_ =	shalt  }
0x73: {  	_ =	shalt  }
0x74: {  	_ =	shalt  }
0x75: {  	_ =	shalt  }
0x76: {  	_ =	shalt  }
0x77: {  	_ =	shalt  }
0x78: {  	_ =	shalt  }
0x79: {  	_ =	shalt  }
0x7a: {  	_ =	shalt  }
0x7b: {  	_ =	shalt  }
0x7c: {  	_ =	shalt  }
0x7d: {  	_ =	shalt  }
0x7e: {  	_ =	shalt  }
0x7f: {  	_ =	shalt  }
0x80: {  	_ =	shalt  }
0x81: {  	_ =	shalt  }
0x82: {  	_ =	shalt  }
0x83: {  	_ =	shalt  }
0x84: {  	_ =	shalt  }
0x85: {  	_ =	shalt  }
0x86: {  	_ =	shalt  }
0x87: {  	_ =	shalt  }
.Lfunc_end0:
.L_simem_size_0:
called_computation.1_lowered:
.L_overlay_start_0:
0x88: {  	s2 =	sld [smem:$0x3FD9]  }
0x89: {  	s3 =	sld [smem:$0x3FFE];
	_ =	sdelay $0x1  }
0x8a: {  	s1 =	srdreg.scid  }
0x8b: {  	s0 =	sand.u32 $0x1, s1  }
0x8c: {  	s17 =	sshll.u32 s0, $0xA;
	s2 =	sadd.s32 s3, s2  }
0x8d: {  	s2 =	sadd.s32 s2, s17  }
0x8e: {  	[smem:$0x3FBE] =	sst s2  }
0x8f: {  	_ = 	snop  }
0x90: {  	s18 =	sld [smem:$0x3FD0];
	(tm) =	ssettm $0x1  }
0x91: {  	s19 =	sld [smem:$0x3FFB];
	_ =	sdelay $0x3  }
0x92: {  	_ =	strace s19  }
0x93: {  	s2 =	sld [smem:$0x3FFC];
	_ =	sdelay $0x3  }
0x94: {  	_ =	strace s2  }
0x95: {  	s2 =	sld [smem:$0x3FFD];
	_ =	sdelay $0x3  }
0x96: {  	_ =	strace s2  }
0x97: {  	_ =	strace $0x8FFFFFFF  }
0x98: {  	s20 =	sld [smem:$0x3FDB];
	_ =	sdelay $0x1  }
0x99: {  	s4 =	simm.s32 $_scs_section_size  }
0x9a: {  	s5 =	simm.s32 $_size__tile_overlayer_lowered;
	s6 =	simm.s32 $_tile_overlayer_lowered  }
0x9b: {  	s7 =	simm.s32 $0x1BFF;
	s21 =	sshll.u32 s6, $0x1;
	s4 =	sadd.s32 s4, s20  }
0x9c: {  	s22 =	simm.s32 $0x0;
	s5 =	sshll.u32 s5, $0x1;
	s6 =	sadd.s32 s21, s4  }
0x9d: {  	[timem:s22], [sflag:s7] =	dma.local [hbm:s6], s5  }
0x9e: {  	_ =	swait.ge [sflag:s7], s5  }
0x9f: {  	s5 =	ssub.s32 $0x0, s5;
	[sflag:s7] =	ssyncset.done $0x0  }
0xa0: {  	[sflag:s7] =	ssyncadd.s32 s5;
	_ =	sdelay $0x1  }
0xa1: {  	s23 =	simm.s32 $0x1B8B  }
0xa2: {  	_ =	swait.ge [sflag:s23], $0x1  }
0xa3: {  	[sflag:s23] =	ssyncset.done $0x0  }
0xa4: {  	[sflag:s23] =	ssyncadd.s32 $0xFFFFFFFF  }
0xa5: {  	s5 =	sld [smem:$0x0]  }
0xa6: {  	s6 =	sand.u32 $0xFFFFFFFE, s1  }
0xa7: {  	p0 =	sne.s32 s1, s6  }
0xa8: {  	s6 =	sshll.u32 @p0 s6, $0xE  }
0xa9: {  	s6 =	sadd.s32 @p0 $0x11B8D, s6;
	s7 =	sshll.u32 @p0 s5, $0x11  }
0xaa: {  	s6 =	sor.u32 @p0 s7, s6  }
0xab: {  	[sflag:s6] =	ssyncadd.remote.s32 @p0 $0x1;
	_ =	sdelay $0x1  }
0xac: {  	s6 =	simm.s32 @p0 $0x1B8D  }
0xad: {  	_ =	swait.eq @p0 [sflag:s6], $0x1  }
0xae: {  	[sflag:s6] =	ssyncadd.s32 @p0 $0xFFFFFFFF  }
0xaf: {  	s7 =	sshll.u32 @!p0 s1, $0xE  }
0xb0: {  	s7 =	sor.u32 @!p0 $0x4000, s7;
	s6 =	simm.s32 @!p0 $0x1B8D  }
0xb1: {  	s5 =	sshll.u32 @!p0 s5, $0x11;
	s7 =	sadd.s32 @!p0 $0x11B8D, s7;
	_ =	swait.eq @!p0 [sflag:s6], $0x1  }
0xb2: {  	s5 =	sor.u32 @!p0 s5, s7;
	[sflag:s6] =	ssyncadd.s32 @!p0 $0xFFFFFFFF  }
0xb3: {  	s25 =	simm.s32 $0x1B8E;
	s24 =	sld [smem:$0x3FFE];
	[sflag:s5] =	ssyncadd.remote.s32 @!p0 $0x1  }
0xb4: {  	s26 =	simm.s32 $execute0_lowered;
	[smem:$0x3FD2] =	sst s25  }
0xb5: {  	s6 =	sshll.u32 s26, $0x1;
	_ =	strace $0x8000004C;
	[dreg:$0x1] =	wrdreg $0xFFFFFFFF  }
0xb6: {  	s28 =	simm.s32 $_size_execute0_lowered;
	s4 =	sadd.s32 s4, s6;
	[dreg:$0x0] =	wrdreg $0x0  }
0xb7: {  	s6 =	sshll.u32 s28, $0x1;
	[dreg:$0x2] =	wrdreg s4  }
0xb8: {  	[dreg:$0x3] =	wrdreg s6  }
0xb9: {  	[dreg:$0x4] =	wrdreg $0xC0  }
0xba: {  	_ =	task [dreg:s22], $0x5FFFF  }
0xbb: {  	[dreg:$0x1] =	wrdreg $0xFFFFFFFF  }
0xbc: {  	[dreg:$0x0] =	wrdreg $0x60  }
0xbd: {  	[dreg:$0x2] =	wrdreg s24  }
0xbe: {  	[dreg:$0x3] =	wrdreg s18  }
0xbf: {  	[dreg:$0x4] =	wrdreg $0x0  }
0xc0: {  	[dreg:$0x5] =	wrdreg $0x9  }
0xc1: {  	_ =	task.clear_ibuf [dreg:s22], $0x6FFFF;
	_ =	strace $0x9000004C  }
0xc2: {  	s29 =	simm.s32 $0x9;
	_ =	strace $0x8000004E  }
0xc3: {  	_ =	swait.ge [sflag:s29], $0x1  }
0xc4: {  	[sflag:s29] =	ssyncadd.s32 $0xFFFFFFFF  }
0xc5: {  	_ =	strace $0x9000004E  }
0xc6: {  	_ =	sfence  }
0xc7: {  	s30 =	sld [smem:$0x0];
	_ =	sdelay $0x2  }
0xc8: {  	s31 =	sshll.u32 s1, $0xD;
	s1 =	sshrl.u32 s1, $0x2  }
0xc9: {  	s4 =	sand.u32 $0x4000, s31;
	s1 =	sadd.s32 s1, s30  }
0xca: {  	s0 =	sor.u32 s4, s0;
	s1 =	sshll.u32 s1, $0x11  }
0xcb: {  	s0 =	sor.u32 s1, s0  }
0xcc: {  	s0 =	sadd.s32 $0x8F2B, s0  }
0xcd: {  	[sflag:s0] =	ssyncadd.remote.s32 $0x1  }
0xce: {  	_ =	sfence.sel $0xFFFF  }
0xcf: {  	[dreg:$0x0] =	wrdreg $0xFFFFFFFF;
	(pc) =	sbr.abs _section_cstart, $3  }
0xd0: {  	[dreg:$0x1] =	wrdreg $0xFFFFFFFF  }
0xd1: {  	_ =	task.clear_ibuf [dreg:s22], $0x2FFFF;
	_ =	strace $0x9FFFFFFF  }
0xd2: {  	(tm) =	ssettm $0x7FFFFFFF  }
0xd3: {  	_ =	shalt  }
tec
execute0_lowered:
.L_overlay_start_1:
0x0: {  	(tag) =	ssettag $0x1  }
0x1: {  	s7 =	rddreg [dreg:$0x0]  }
0x2: {  	s15 =	rddreg [dreg:$0x1]  }
0x3: {  	s1 =	rddreg [dreg:$0x2]  }
0x4: {  	s0 =	rddreg [dreg:$0x3];
	s3 =	simm.s32 $0x0  }
0x5: {  	s2 =	stileid.u32;
	s8 =	srdreg.scid;
	s19 =	simm.s32 $0xF000  }
0x6: {  	s20 =	simm.s32 $0xF080;
	s21 =	simm.s32 $0x80;
	s22 =	simm.s32 $0x1  }
0x7: {  	s23 =	simm.s32 $0x0;
	s4 =	sadd.s32 $0x15FA00, s7;
	s16 =	smul.u32 $0x9E0, s2  }
0x8: {  	[smem:$0x7FF] =	sst s3;
	s5 =	sadd.s32 $0x142400, s7;
	s9 =	smul.u32 $0x3C000, s2  }
0x9: {  	s6 =	sadd.s32 $0x19B000, s7;
	s18 =	sand.u32 $0x1, s8;
	s13 =	smul.u32 $0xF000, s2  }
0xa: {  	_ =	strace $0x8000004D;
	s8 =	ssub.s32 $0x2, s18;
	p0 =	sne.s32 s18, $0x0  }
0xb: {  	s18 =	simm.s32 $0x2;
	s17 =	sadd.s32 s16, s7;
	s9 =	sshrl.u32 s9, $0x2  }
.Ltmp0:
0xc: {  	s7 =	sadd.s32 $0x17D000, s7;
	s10 =	sshrl.u32 s8, $0x1;
	(pc) =	sbr.rel .LBB2_1-.Ltmp0, $4  }
0xd: {  	s15 =	sadd.s32 s16, s15;
	s12 =	sadd.s32 s9, s1;
	s14 =	ssub.s32 s8, s10  }
0xe: {  	s8 =	sadd.s32 s13, s1;
	s13 =	sshrl.u32 s13, $0x3;
	s16 =	sadd.s32 $0x10000, s17  }
0xf: {  	s17 =	simm.s32 $0xF100;
	s9 =	sadd.s32 $0x3000, s12;
	s10 =	sadd.s32 $0x6000, s12  }
0x10: {  	v0 =	vimm.f32 $0.0e+00;
	s11 =	sadd.s32 $0x9000, s12;
	s12 =	sadd.s32 $0xC000, s12;
	s14 =	smax.u32 s14, $0x1  }
.LBB2_9:
0x11: {  	s25 =	sadd.s32 s24, s16;
	[sflag:s18] =	ssyncadd.s32 $0xFFFFD000  }
0x12: {  	[tilespmem:s19], [sflag:$0x2] =	stream.linear.gather [hbm4b:s25+s3], $0x80, $0x38;
	[tilespmem:$0x12100] =	vst v63  }
0x13: {  	_ =	swait.ge [sflag:s18], $0x80  }
0x14: {  	[sflag:s18] =	ssyncset.done $0x0  }
0x15: {  	s31 =	sadd.s32 s24, s15;
	[sflag:s18] =	ssyncadd.s32 $0xFFFFFF80  }
0x16: {  	[tilespmem:s20], [sflag:$0x2] =	stream.linear.gather [hbm4b:s31+s3], $0x80, $0x38;
	[tilespmem:$0x12100] =	vst v63  }
0x17: {  	_ =	swait.ge [sflag:s18], $0x80  }
0x18: {  	[sflag:s18] =	ssyncset.done $0x0  }
0x19: {  	[sflag:s18] =	ssyncadd.s32 $0xFFFFFF80  }
0x1a: {  	[tilespmem:s17], [sflag:$0x1] =	stream.indirect.gather [hbm4b:s5+s21], $0x60, s19, s21, $0xb8;
	[tilespmem:$0x12100] =	vst v63  }
0x1b: {  	_ =	swait.ge [sflag:s22], $0x3000  }
0x1c: {  	[sflag:s22] =	ssyncset.done $0x0  }
0x1d: {  	[sflag:s22] =	ssyncadd.s32 $0xFFFFD000  }
0x1e: {  	[spmem:s1] =	stream.indirect.scatter.add.f32 [tilespmem:s17], [sflag:$0x2], $0x60, s20, s21, $0xb8;
	[tilespmem:$0x12100] =	vst v63  }
0x1f: {  	_ =	swait.ge [sflag:s18], $0x3000  }
0x20: {  	[sflag:s18] =	ssyncset.done $0x0  }
0x21: {  	s24 =	smov.u32 s7;
	[sflag:s18] =	ssyncadd.s32 $0xFFFFD000  }
.LBB2_10:
0x22: {  	s24 =	sadd.s32 s24, s13;
	s23 =	sadd.s32 $0x1, s23  }
0x23: {  	s25 =	sshll.u32 s2, $0x6;
	[bflag:$0x0] =	sbarrier.arrive $0xFFFF;
	p1 =	sne.s32 s23, s14  }
.Ltmp1:
0x24: {  	s26 =	sshrl.u32 s8, $0x3;
	s25 =	sor.u32 $0x1C02, s25;
	(pc) =	sbr.rel @!p1 .LBB2_11-.Ltmp1, $4  }
0x25: {  	[hbm:s24], [sflag:s25] =	dma.local [spmem:s26], $0x1E00  }
0x26: {  	_ =	swait.ge [sflag:s18], $0x1E00  }
0x27: {  	[sflag:s18] =	ssyncset.done $0x0  }
0x28: {  	[sflag:s18] =	ssyncadd.s32 $0xFFFFE200  }
.LBB2_1:
0x29: {  	s24 =	smul.u32 $0xAAAB, s3;
	_ =	sdelay $0x1  }
0x2a: {  	s25 =	sshrl.u32 s24, $0x12  }
0x2b: {  	s26 =	simm.s32 $0x0;
	s24 =	simm.s32 $0x1;
	s28 =	smul.u32 $0x6, s25  }
.LBB2_2:
0x2c: {  	s29 =	smul.u32 $0xAAAB, s24  }
0x2d: {  	s30 =	smov.u32 s24;
	s25 =	smul.u32 $0x180, s25;
	p1 =	sne.s32 s24, $0x2FF  }
.Ltmp2:
0x2e: {  	s26 =	ssub.s32 s26, s28;
	(pc) =	sbr.rel @p1 .LBB2_2-.Ltmp2, $4  }
0x2f: {  	s24 =	sadd.s32 $0x1, s24;
	s26 =	sand.u32 $0xFFFF, s26  }
0x30: {  	s28 =	sshrl.u32 s25, $0x2;
	s31 =	sshll.u32 s26, $0x4;
	s26 =	smov.u32 s30  }
0x31: {  	s25 =	sshrl.u32 s29, $0x12;
	s29 =	sadd.s32 s31, s28  }
0x32: {  	s28 =	smul.u32 $0x6, s25;
	[tilespmem:s29+$0xF100] =	vst v0  }
0x33: {  	_ = 	snop  }
0x34: {  	s25 =	smul.u32 $0x180, s25;
	s24 =	ssub.s32 s26, s28  }
0x35: {  	s24 =	sand.u32 $0xFFFF, s24  }
0x36: {  	s25 =	sshrl.u32 s25, $0x2;
	s24 =	sshll.u32 s24, $0x4  }
0x37: {  	s24 =	sadd.s32 s24, s25  }
0x38: {  	[tilespmem:s24+$0xF100] =	vst v0  }
0x39: {  	[spmem:s8] =	stream.linear.scatter [tilespmem:s17], [sflag:$0x2], $0x3000, $0x38;
	[tilespmem:$0x12100] =	vst v63  }
0x3a: {  	_ =	swait.ge [sflag:s18], $0x3000  }
0x3b: {  	[sflag:s18] =	ssyncset.done $0x0  }
0x3c: {  	[sflag:s18] =	ssyncadd.s32 $0xFFFFD000  }
0x3d: {  	[spmem:s9] =	stream.linear.scatter [tilespmem:s17], [sflag:$0x2], $0x3000, $0x38;
	[tilespmem:$0x12100] =	vst v63  }
0x3e: {  	_ =	swait.ge [sflag:s18], $0x3000  }
0x3f: {  	[sflag:s18] =	ssyncset.done $0x0  }
0x40: {  	[sflag:s18] =	ssyncadd.s32 $0xFFFFD000  }
0x41: {  	[spmem:s10] =	stream.linear.scatter [tilespmem:s17], [sflag:$0x2], $0x3000, $0x38;
	[tilespmem:$0x12100] =	vst v63  }
0x42: {  	_ =	swait.ge [sflag:s18], $0x3000  }
0x43: {  	[sflag:s18] =	ssyncset.done $0x0  }
0x44: {  	[sflag:s18] =	ssyncadd.s32 $0xFFFFD000  }
0x45: {  	[spmem:s11] =	stream.linear.scatter [tilespmem:s17], [sflag:$0x2], $0x3000, $0x38;
	[tilespmem:$0x12100] =	vst v63  }
0x46: {  	_ =	swait.ge [sflag:s18], $0x3000  }
0x47: {  	[sflag:s18] =	ssyncset.done $0x0  }
0x48: {  	[sflag:s18] =	ssyncadd.s32 $0xFFFFD000  }
0x49: {  	[spmem:s12] =	stream.linear.scatter [tilespmem:s17], [sflag:$0x2], $0x3000, $0x38;
	[tilespmem:$0x12100] =	vst v63  }
.Ltmp3:
0x4a: {  	_ =	swait.ge [sflag:s18], $0x3000;
	(pc) =	sbr.rel @p0 .LBB2_7-.Ltmp3, $4  }
0x4b: {  	[sflag:s18] =	ssyncset.done $0x0  }
0x4c: {  	[sflag:s18] =	ssyncadd.s32 $0xFFFFD000  }
0x4d: {  	[bflag:$0x0] =	sbarrier.arrive $0xFFFF  }
0x4e: {  	s24 =	sadd.s32 $0x0, s16  }
0x4f: {  	[tilespmem:s19], [sflag:$0x2] =	stream.linear.gather [hbm4b:s24+s3], $0x80, $0x38;
	[tilespmem:$0x12100] =	vst v63  }
0x50: {  	_ =	swait.ge [sflag:s18], $0x80  }
0x51: {  	[sflag:s18] =	ssyncset.done $0x0  }
0x52: {  	s31 =	sadd.s32 $0x0, s15;
	[sflag:s18] =	ssyncadd.s32 $0xFFFFFF80  }
0x53: {  	[tilespmem:s20], [sflag:$0x2] =	stream.linear.gather [hbm4b:s31+s3], $0x80, $0x38;
	[tilespmem:$0x12100] =	vst v63  }
0x54: {  	_ =	swait.ge [sflag:s18], $0x80  }
0x55: {  	[sflag:s18] =	ssyncset.done $0x0  }
0x56: {  	[sflag:s18] =	ssyncadd.s32 $0xFFFFFF80  }
0x57: {  	[tilespmem:s17], [sflag:$0x1] =	stream.indirect.gather [hbm4b:s4+s21], $0x60, s19, s21, $0xb8;
	[tilespmem:$0x12100] =	vst v63  }
0x58: {  	_ =	swait.ge [sflag:s22], $0x3000  }
0x59: {  	[sflag:s22] =	ssyncset.done $0x0  }
0x5a: {  	[sflag:s22] =	ssyncadd.s32 $0xFFFFD000  }
0x5b: {  	[spmem:s1] =	stream.indirect.scatter.add.f32 [tilespmem:s17], [sflag:$0x2], $0x60, s20, s21, $0xb8;
	[tilespmem:$0x12100] =	vst v63  }
0x5c: {  	_ =	swait.ge [sflag:s18], $0x3000  }
0x5d: {  	s24 =	simm.s32 $0x10;
	s25 =	simm.s32 $0x20;
	[sflag:s18] =	ssyncset.done $0x0  }
.LBB2_5:
0x5e: {  	s26 =	sadd.s32 s24, s16  }
0x5f: {  	[sflag:s18] =	ssyncadd.s32 $0xFFFFD000;
	s28 =	smov.u32 s25;
	s29 =	sadd.s32 $0x10, s25  }
0x60: {  	[tilespmem:s19], [sflag:$0x2] =	stream.linear.gather [hbm4b:s26+s3], $0x80, $0x38;
	[tilespmem:$0x12100] =	vst v63  }
0x61: {  	p1 =	seq.s32 s25, $0x9D0;
	_ =	swait.ge [sflag:s18], $0x80  }
0x62: {  	[sflag:s18] =	ssyncset.done $0x0  }
0x63: {  	s25 =	sadd.s32 s24, s15;
	s24 =	smov.u32 s28;
	[sflag:s18] =	ssyncadd.s32 $0xFFFFFF80  }
0x64: {  	[tilespmem:s20], [sflag:$0x2] =	stream.linear.gather [hbm4b:s25+s3], $0x80, $0x38;
	[tilespmem:$0x12100] =	vst v63  }
0x65: {  	_ =	swait.ge [sflag:s18], $0x80  }
0x66: {  	[sflag:s18] =	ssyncset.done $0x0  }
0x67: {  	[sflag:s18] =	ssyncadd.s32 $0xFFFFFF80  }
0x68: {  	[tilespmem:s17], [sflag:$0x1] =	stream.indirect.gather [hbm4b:s4+s21], $0x60, s19, s21, $0xb8;
	[tilespmem:$0x12100] =	vst v63  }
0x69: {  	_ =	swait.ge [sflag:s22], $0x3000  }
.Ltmp4:
0x6a: {  	[sflag:s22] =	ssyncset.done $0x0;
	(pc) =	sbr.rel @!p1 .LBB2_5-.Ltmp4, $4  }
0x6b: {  	[sflag:s22] =	ssyncadd.s32 $0xFFFFD000  }
0x6c: {  	[spmem:s1] =	stream.indirect.scatter.add.f32 [tilespmem:s17], [sflag:$0x2], $0x60, s20, s21, $0xb8;
	[tilespmem:$0x12100] =	vst v63  }
0x6d: {  	_ =	swait.ge [sflag:s18], $0x3000  }
0x6e: {  	s25 =	smov.u32 s29;
	[sflag:s18] =	ssyncset.done $0x0  }
0x6f: {  	s25 =	sadd.s32 s24, s16;
	[sflag:s18] =	ssyncadd.s32 $0xFFFFD000  }
0x70: {  	[tilespmem:s19], [sflag:$0x2] =	stream.linear.gather [hbm4b:s25+s3], $0x80, $0x38;
	[tilespmem:$0x12100] =	vst v63  }
0x71: {  	_ =	swait.ge [sflag:s18], $0x80  }
0x72: {  	[sflag:s18] =	ssyncset.done $0x0  }
0x73: {  	s31 =	sadd.s32 s24, s15;
	[sflag:s18] =	ssyncadd.s32 $0xFFFFFF80  }
0x74: {  	[tilespmem:s20], [sflag:$0x2] =	stream.linear.gather [hbm4b:s31+s3], $0x80, $0x38;
	[tilespmem:$0x12100] =	vst v63  }
0x75: {  	_ =	swait.ge [sflag:s18], $0x80  }
0x76: {  	[sflag:s18] =	ssyncset.done $0x0  }
0x77: {  	[sflag:s18] =	ssyncadd.s32 $0xFFFFFF80  }
0x78: {  	[tilespmem:s17], [sflag:$0x1] =	stream.indirect.gather [hbm4b:s4+s21], $0x60, s19, s21, $0xb8;
	[tilespmem:$0x12100] =	vst v63  }
0x79: {  	_ =	swait.ge [sflag:s22], $0x3000  }
0x7a: {  	[sflag:s22] =	ssyncset.done $0x0  }
.Ltmp5:
0x7b: {  	[sflag:s22] =	ssyncadd.s32 $0xFFFFD000;
	(pc) =	sbr.rel .LBB2_10-.Ltmp5, $4  }
0x7c: {  	[spmem:s1] =	stream.indirect.scatter.add.f32 [tilespmem:s17], [sflag:$0x2], $0x60, s20, s21, $0xb8;
	[tilespmem:$0x12100] =	vst v63  }
0x7d: {  	_ =	swait.ge [sflag:s18], $0x3000  }
0x7e: {  	[sflag:s18] =	ssyncset.done $0x0  }
0x7f: {  	s24 =	smov.u32 s6;
	[sflag:s18] =	ssyncadd.s32 $0xFFFFD000  }
.LBB2_7:
0x80: {  	[tilespmem:s19], [sflag:$0x2] =	stream.linear.gather [hbm4b:s24+s3], $0x80, $0x38;
	[tilespmem:$0x12100] =	vst v63  }
0x81: {  	_ =	swait.ge [sflag:s18], $0x80  }
0x82: {  	[sflag:s18] =	ssyncset.done $0x0  }
0x83: {  	s31 =	sadd.s32 $0x0, s15;
	[sflag:s18] =	ssyncadd.s32 $0xFFFFFF80  }
0x84: {  	[tilespmem:s20], [sflag:$0x2] =	stream.linear.gather [hbm4b:s31+s3], $0x80, $0x38;
	[tilespmem:$0x12100] =	vst v63  }
0x85: {  	_ =	swait.ge [sflag:s18], $0x80  }
0x86: {  	[sflag:s18] =	ssyncset.done $0x0  }
0x87: {  	[sflag:s18] =	ssyncadd.s32 $0xFFFFFF80  }
0x88: {  	[tilespmem:s17], [sflag:$0x1] =	stream.indirect.gather [hbm4b:s5+s21], $0x60, s19, s21, $0xb8;
	[tilespmem:$0x12100] =	vst v63  }
0x89: {  	_ =	swait.ge [sflag:s22], $0x3000  }
0x8a: {  	[sflag:s22] =	ssyncset.done $0x0  }
0x8b: {  	[sflag:s22] =	ssyncadd.s32 $0xFFFFD000  }
0x8c: {  	[spmem:s1] =	stream.indirect.scatter.add.f32 [tilespmem:s17], [sflag:$0x2], $0x60, s20, s21, $0xb8;
	[tilespmem:$0x12100] =	vst v63  }
0x8d: {  	_ =	swait.ge [sflag:s18], $0x3000  }
0x8e: {  	s24 =	simm.s32 $0x10;
	s25 =	simm.s32 $0x20;
	[sflag:s18] =	ssyncset.done $0x0  }
.LBB2_8:
0x8f: {  	s26 =	sadd.s32 s24, s16  }
0x90: {  	[sflag:s18] =	ssyncadd.s32 $0xFFFFD000;
	s28 =	smov.u32 s25;
	s29 =	sadd.s32 $0x10, s25  }
0x91: {  	[tilespmem:s19], [sflag:$0x2] =	stream.linear.gather [hbm4b:s26+s3], $0x80, $0x38;
	[tilespmem:$0x12100] =	vst v63  }
0x92: {  	p1 =	sne.s32 s25, $0x9D0;
	_ =	swait.ge [sflag:s18], $0x80  }
0x93: {  	[sflag:s18] =	ssyncset.done $0x0  }
0x94: {  	s25 =	sadd.s32 s24, s15;
	s24 =	smov.u32 s28;
	[sflag:s18] =	ssyncadd.s32 $0xFFFFFF80  }
0x95: {  	[tilespmem:s20], [sflag:$0x2] =	stream.linear.gather [hbm4b:s25+s3], $0x80, $0x38;
	[tilespmem:$0x12100] =	vst v63  }
0x96: {  	_ =	swait.ge [sflag:s18], $0x80  }
0x97: {  	[sflag:s18] =	ssyncset.done $0x0  }
0x98: {  	[sflag:s18] =	ssyncadd.s32 $0xFFFFFF80  }
0x99: {  	[tilespmem:s17], [sflag:$0x1] =	stream.indirect.gather [hbm4b:s5+s21], $0x60, s19, s21, $0xb8;
	[tilespmem:$0x12100] =	vst v63  }
0x9a: {  	_ =	swait.ge [sflag:s22], $0x3000  }
.Ltmp6:
0x9b: {  	[sflag:s22] =	ssyncset.done $0x0;
	(pc) =	sbr.rel @p1 .LBB2_8-.Ltmp6, $4  }
0x9c: {  	[sflag:s22] =	ssyncadd.s32 $0xFFFFD000  }
0x9d: {  	[spmem:s1] =	stream.indirect.scatter.add.f32 [tilespmem:s17], [sflag:$0x2], $0x60, s20, s21, $0xb8;
	[tilespmem:$0x12100] =	vst v63  }
0x9e: {  	_ =	swait.ge [sflag:s18], $0x3000  }
0x9f: {  	s25 =	smov.u32 s29;
	[sflag:s18] =	ssyncset.done $0x0  }
.Ltmp7:
0xa0: {  	_ = 	snop;
	(pc) =	sbr.rel .LBB2_9-.Ltmp7, $1  }
0xa1: {  	_ =	sdelay $0x3  }
.LBB2_11:
0xa2: {  	_ =	sfence.sel $0x180000  }
0xa3: {  	[bflag:$0x0] =	sbarrier.arrive $0xFFFF  }
0xa4: {  	p0 =	sne.s32 s2, $0x0;
	_ =	strace $0x9000004D  }
0xa5: {  	s0 =	sadd.s32 @!p0 $0x100000, s0;
	[bflag:$0x2] =	sbarrier.arrive $0xFFFF  }
0xa6: {  	[sflag:s0] =	ssyncadd.tile.s32 @!p0 $0x1;
	_ =	shalt  }
.Lfunc_end2:
_tile_overlayer_lowered:
.L_overlay_start_2:
0xa7: {  	(tag) =	ssettag $0x2  }
0xa8: {  	s0 =	rddreg [dreg:$0x0];
	s2 =	stileid.u32  }
0xa9: {  	s1 =	rddreg [dreg:$0x1];
	p0 =	sne.s32 s2, $0x0  }
0xaa: {  	s3 =	rddreg [dreg:$0x2];
	[bflag:$0x3] =	sbarrier.arrive $0xFFFF;
	s2 =	simm.s32 @!p0 $0x1C02  }
0xab: {  	[timem:s3], [sflag:s2] =	dma.local @!p0 [hbm:s0], s1  }
0xac: {  	s0 =	simm.s32 @!p0 $0x2  }
0xad: {  	_ =	swait.ge @!p0 [sflag:s0], s1  }
0xae: {  	s1 =	ssub.s32 @!p0 $0x0, s1;
	[sflag:s0] =	ssyncset.done @!p0 $0x0  }
0xaf: {  	[sflag:s0] =	ssyncadd.s32 @!p0 s1  }
0xb0: {  	[bflag:$0x3] =	sbarrier.arrive $0xFFFF  }
0xb1: {  	_ =	shalt  }

// kernel: kernel.20.cloned.1.call-start
scs
__scs_entry_jumppad:
0x0: {  	(pc) =	sbr.rel $0x88, $3  }
0x1: {  	(tag) =	ssettag $0x0;
	lr =	simm.s32 $0x1  }
0x2: {  	[smem:$0x3F97] =	sst lr;
	_ =	strace $0xD0000000  }
0x3: {  	_ = 	snop  }
0x4: {  	_ = 	snop  }
0x5: {  	_ = 	snop  }
0x6: {  	_ = 	snop  }
0x7: {  	_ = 	snop  }
__scs_overlays_trampoline_lowered:
0x8: {  	[smem:$0x3FA6] =	sst s0  }
0x9: {  	[smem:$0x3FA7] =	sst s1  }
0xa: {  	[smem:$0x3FA8] =	sst s2  }
0xb: {  	[smem:$0x3FA9] =	sst s3  }
0xc: {  	[smem:$0x3FAA] =	sst s4  }
0xd: {  	[smem:$0x3FAB] =	sst s5  }
0xe: {  	[smem:$0x3FAC] =	sst s6  }
0xf: {  	[smem:$0x3FAD] =	sst s7  }
0x10: {  	[smem:$0x3FAE] =	sst s8  }
0x11: {  	[smem:$0x3FAF] =	sst s9;
	s0 =	simm.s32 @!p0 $0x0  }
0x12: {  	s1 =	sld [smem:$0x3F95];
	s0 =	simm.s32 @p0 $0x1  }
0x13: {  	[smem:$0x3FB0] =	sst s0;
	s0 =	simm.s32 @!p1 $0x0  }
0x14: {  	s2 =	sld [smem:$0x3F94];
	s0 =	simm.s32 @p1 $0x1  }
0x15: {  	[smem:$0x3FB1] =	sst s0;
	s0 =	simm.s32 @!p2 $0x0  }
0x16: {  	s3 =	sld [smem:$0x3FDB];
	s0 =	simm.s32 @p2 $0x1  }
0x17: {  	s4 =	simm.s32 $0x1BF5;
	[smem:$0x3FB3] =	sst s0  }
0x18: {  	s0 =	sld [smem:$0x3F96];
	_ =	swait.ge [sflag:s4], $0x0  }
0x19: {  	s7 =	sld [smem:$0x3F97]  }
0x1a: {  	s8 =	sadd.s32 $0xFFFFE003, lr  }
0x1b: {  	s9 =	sadd.s32 $0xFFFFFEF7, lr;
	s5 =	simm.s32 $0xFFFFFFFF;
	p2 =	slt.u32 s8, $0xFFFFF086  }
0x1c: {  	p1 =	slt.u32 s9, $0xF7A;
	s5 =	simm.s32 @!p2 $0x0  }
0x1d: {  	s5 =	simm.s32 @p1 $0x1;
	p0 =	seq.s32 s7, s2  }
0x1e: {  	s7 =	smul.u32 @!p0 $0xF7A, s2;
	p2 =	seq.s32 @!p0 s5, $0x0  }
0x1f: {  	s9 =	smul.u32 $0xF7A, s1;
	s8 =	simm.s32 @!p0 $0x1BF5;
	p2 =	por !p2, p0  }
0x20: {  	[sflag:s8] =	ssyncset.s32 @!p0 $0xFFFFF086;
	s6 =	sadd.s32 @!p0 s3, s7;
	s7 =	simm.s32 @!p0 $0x108  }
0x21: {  	s3 =	sadd.s32 s3, s9;
	s6 =	sadd.s32 @!p0 $0x88, s6;
	s7 =	simm.s32 @p2 $0x1082  }
0x22: {  	[simem:s7], [sflag:s8] =	dma.local @!p0 [hbm:s6], $0xF7A  }
0x23: {  	s9 =	sor.u32 $0xD0000000, s2;
	s6 =	simm.s32 $0x108;
	_ =	swait.ge @!p0 [sflag:s8], $0x0  }
0x24: {  	s3 =	sadd.s32 $0x88, s3;
	s6 =	simm.s32 @!p1 $0x1082;
	[sflag:s4] =	ssyncset.s32 $0xFFFFF086  }
0x25: {  	[simem:s6], [sflag:s4] =	dma.local [hbm:s3], $0xF7A  }
0x26: {  	[smem:$0x3F97] =	sst s1;
	(tag) =	ssettag s2;
	_ =	strace s9  }
0x27: {  	s1 =	sld [smem:$0x3FA7]  }
0x28: {  	s2 =	sld [smem:$0x3FA8]  }
0x29: {  	s4 =	sld [smem:$0x3FAA]  }
0x2a: {  	p0 =	seq.s32 s5, $0x0;
	s5 =	sld [smem:$0x3FAB]  }
0x2b: {  	s6 =	sld [smem:$0x3FAC]  }
0x2c: {  	s7 =	sld [smem:$0x3FAD]  }
0x2d: {  	s3 =	simm.s32 $0x108;
	s8 =	sld [smem:$0x3FAE]  }
0x2e: {  	s3 =	simm.s32 @!p0 $0x1082;
	s9 =	sld [smem:$0x3FAF]  }
0x2f: {  	lr =	sadd.s32 s0, s3;
	s0 =	sld [smem:$0x3FA6]  }
0x30: {  	s3 =	sld [smem:$0x3FA9]  }
0x31: {  	[smem:$0x3FB2] =	sst s10  }
0x32: {  	s10 =	sld [smem:$0x3FB0];
	_ =	sdelay $0x3  }
0x33: {  	p0 =	seq.s32 s10, $0x1;
	s10 =	sld [smem:$0x3FB2];
	_ =	sdelay $0x3  }
0x34: {  	[smem:$0x3FB2] =	sst s10  }
0x35: {  	s10 =	sld [smem:$0x3FB1];
	_ =	sdelay $0x3  }
0x36: {  	p1 =	seq.s32 s10, $0x1;
	s10 =	sld [smem:$0x3FB2];
	_ =	sdelay $0x3  }
0x37: {  	[smem:$0x3FB2] =	sst s10  }
0x38: {  	s10 =	sld [smem:$0x3FB3]  }
0x39: {  	_ = 	snop;
	(pc) =	sbr.ind lr, $3  }
0x3a: {  	_ = 	snop  }
0x3b: {  	_ = 	snop  }
0x3c: {  	p2 =	seq.s32 s10, $0x1;
	s10 =	sld [smem:$0x3FB2]  }
0x3d: {  	_ =	shalt  }
0x3e: {  	_ =	shalt  }
0x3f: {  	_ =	shalt  }
0x40: {  	_ =	shalt  }
0x41: {  	_ =	shalt  }
0x42: {  	_ =	shalt  }
0x43: {  	_ =	shalt  }
0x44: {  	_ =	shalt  }
0x45: {  	_ =	shalt  }
0x46: {  	_ =	shalt  }
0x47: {  	_ =	shalt  }
0x48: {  	_ =	shalt  }
0x49: {  	_ =	shalt  }
0x4a: {  	_ =	shalt  }
0x4b: {  	_ =	shalt  }
0x4c: {  	_ =	shalt  }
0x4d: {  	_ =	shalt  }
0x4e: {  	_ =	shalt  }
0x4f: {  	_ =	shalt  }
0x50: {  	_ =	shalt  }
0x51: {  	_ =	shalt  }
0x52: {  	_ =	shalt  }
0x53: {  	_ =	shalt  }
0x54: {  	_ =	shalt  }
0x55: {  	_ =	shalt  }
0x56: {  	_ =	shalt  }
0x57: {  	_ =	shalt  }
0x58: {  	_ =	shalt  }
0x59: {  	_ =	shalt  }
0x5a: {  	_ =	shalt  }
0x5b: {  	_ =	shalt  }
0x5c: {  	_ =	shalt  }
0x5d: {  	_ =	shalt  }
0x5e: {  	_ =	shalt  }
0x5f: {  	_ =	shalt  }
0x60: {  	_ =	shalt  }
0x61: {  	_ =	shalt  }
0x62: {  	_ =	shalt  }
0x63: {  	_ =	shalt  }
0x64: {  	_ =	shalt  }
0x65: {  	_ =	shalt  }
0x66: {  	_ =	shalt  }
0x67: {  	_ =	shalt  }
0x68: {  	_ =	shalt  }
0x69: {  	_ =	shalt  }
0x6a: {  	_ =	shalt  }
0x6b: {  	_ =	shalt  }
0x6c: {  	_ =	shalt  }
0x6d: {  	_ =	shalt  }
0x6e: {  	_ =	shalt  }
0x6f: {  	_ =	shalt  }
0x70: {  	_ =	shalt  }
0x71: {  	_ =	shalt  }
0x72: {  	_ =	shalt  }
0x73: {  	_ =	shalt  }
0x74: {  	_ =	shalt  }
0x75: {  	_ =	shalt  }
0x76: {  	_ =	shalt  }
0x77: {  	_ =	shalt  }
0x78: {  	_ =	shalt  }
0x79: {  	_ =	shalt  }
0x7a: {  	_ =	shalt  }
0x7b: {  	_ =	shalt  }
0x7c: {  	_ =	shalt  }
0x7d: {  	_ =	shalt  }
0x7e: {  	_ =	shalt  }
0x7f: {  	_ =	shalt  }
0x80: {  	_ =	shalt  }
0x81: {  	_ =	shalt  }
0x82: {  	_ =	shalt  }
0x83: {  	_ =	shalt  }
0x84: {  	_ =	shalt  }
0x85: {  	_ =	shalt  }
0x86: {  	_ =	shalt  }
0x87: {  	_ =	shalt  }
.Lfunc_end0:
.L_simem_size_0:
called_computation.2_lowered:
.L_overlay_start_0:
0x88: {  	s2 =	sld [smem:$0x3FD9]  }
0x89: {  	s3 =	sld [smem:$0x3FFE];
	_ =	sdelay $0x1  }
0x8a: {  	s1 =	srdreg.scid  }
0x8b: {  	s0 =	sand.u32 $0x1, s1  }
0x8c: {  	s17 =	sshll.u32 s0, $0xA;
	s2 =	sadd.s32 s3, s2  }
0x8d: {  	s2 =	sadd.s32 s2, s17  }
0x8e: {  	[smem:$0x3FBE] =	sst s2  }
0x8f: {  	_ = 	snop  }
0x90: {  	s2 =	sld [smem:$0x3FD0];
	(tm) =	ssettm $0x1  }
0x91: {  	s18 =	sld [smem:$0x3FFB];
	_ =	sdelay $0x3  }
0x92: {  	_ =	strace s18  }
0x93: {  	s3 =	sld [smem:$0x3FFC];
	_ =	sdelay $0x3  }
0x94: {  	_ =	strace s3  }
0x95: {  	s3 =	sld [smem:$0x3FFD];
	_ =	sdelay $0x3  }
0x96: {  	_ =	strace s3  }
0x97: {  	_ =	strace $0x8FFFFFFF  }
0x98: {  	s19 =	sld [smem:$0x3FDB];
	_ =	sdelay $0x1  }
0x99: {  	s4 =	simm.s32 $_scs_section_size  }
0x9a: {  	s5 =	simm.s32 $_size__tile_overlayer_lowered;
	s6 =	simm.s32 $_tile_overlayer_lowered  }
0x9b: {  	s22 =	simm.s32 $0x1BFF;
	s21 =	sshll.u32 s6, $0x1;
	s3 =	sadd.s32 s4, s19  }
0x9c: {  	s7 =	simm.s32 $0x0;
	s20 =	sshll.u32 s5, $0x1;
	s5 =	sadd.s32 s21, s3  }
0x9d: {  	[timem:s7], [sflag:s22] =	dma.local [hbm:s5], s20  }
0x9e: {  	_ =	swait.ge [sflag:s22], s20  }
0x9f: {  	s4 =	ssub.s32 $0x0, s20;
	[sflag:s22] =	ssyncset.done $0x0  }
0xa0: {  	[sflag:s22] =	ssyncadd.s32 s4;
	_ =	sdelay $0x1  }
0xa1: {  	s23 =	simm.s32 $0x1B8B  }
0xa2: {  	_ =	swait.ge [sflag:s23], $0x1  }
0xa3: {  	[sflag:s23] =	ssyncset.done $0x0  }
0xa4: {  	s25 =	simm.s32 $0x1B8E;
	s24 =	sld [smem:$0x3FFE];
	[sflag:s23] =	ssyncadd.s32 $0xFFFFFFFF  }
0xa5: {  	s26 =	simm.s32 $execute0_lowered;
	[smem:$0x3FD2] =	sst s25  }
0xa6: {  	s5 =	sshll.u32 s26, $0x1;
	_ =	strace $0x80000049;
	[dreg:$0x1] =	wrdreg $0xFFFFFFFF  }
0xa7: {  	s28 =	simm.s32 $_size_execute0_lowered;
	s3 =	sadd.s32 s3, s5;
	[dreg:$0x0] =	wrdreg $0x0  }
0xa8: {  	s5 =	sshll.u32 s28, $0x1;
	[dreg:$0x2] =	wrdreg s3  }
0xa9: {  	[dreg:$0x3] =	wrdreg s5  }
0xaa: {  	[dreg:$0x4] =	wrdreg $0xC0  }
0xab: {  	_ =	task [dreg:s7], $0x5FFFF  }
0xac: {  	[dreg:$0x1] =	wrdreg $0xFFFFFFFF  }
0xad: {  	[dreg:$0x0] =	wrdreg $0x60  }
0xae: {  	[dreg:$0x2] =	wrdreg s24  }
0xaf: {  	[dreg:$0x3] =	wrdreg s2  }
0xb0: {  	[dreg:$0x4] =	wrdreg $0x0  }
0xb1: {  	[dreg:$0x5] =	wrdreg $0xA  }
0xb2: {  	_ =	task.clear_ibuf [dreg:s7], $0x6FFFF;
	_ =	strace $0x90000049  }
0xb3: {  	s29 =	simm.s32 $0xA;
	_ =	strace $0x8000004B  }
0xb4: {  	_ =	swait.ge [sflag:s29], $0x1  }
0xb5: {  	[sflag:s29] =	ssyncadd.s32 $0xFFFFFFFF  }
0xb6: {  	_ =	strace $0x9000004B  }
0xb7: {  	_ =	sfence  }
0xb8: {  	s30 =	sld [smem:$0x0];
	_ =	sdelay $0x2  }
0xb9: {  	s31 =	sshll.u32 s1, $0xD;
	s1 =	sshrl.u32 s1, $0x2  }
0xba: {  	s3 =	sand.u32 $0x4000, s31;
	s1 =	sadd.s32 s1, s30  }
0xbb: {  	s0 =	sor.u32 s3, s0;
	s1 =	sshll.u32 s1, $0x11  }
0xbc: {  	s0 =	sor.u32 s1, s0  }
0xbd: {  	s0 =	sadd.s32 $0x8F2B, s0  }
0xbe: {  	[sflag:s0] =	ssyncadd.remote.s32 $0x1  }
0xbf: {  	_ =	sfence.sel $0xFFFF  }
0xc0: {  	[dreg:$0x0] =	wrdreg $0xFFFFFFFF;
	(pc) =	sbr.abs _section_cstart, $3  }
0xc1: {  	[dreg:$0x1] =	wrdreg $0xFFFFFFFF  }
0xc2: {  	_ =	task.clear_ibuf [dreg:s7], $0x2FFFF;
	_ =	strace $0x9FFFFFFF  }
0xc3: {  	(tm) =	ssettm $0x7FFFFFFF  }
tec
execute0_lowered:
.L_overlay_start_1:
0x0: {  	(tag) =	ssettag $0x1  }
0x1: {  	s7 =	rddreg [dreg:$0x0]  }
0x2: {  	s15 =	rddreg [dreg:$0x1]  }
0x3: {  	s2 =	rddreg [dreg:$0x2]  }
0x4: {  	s0 =	rddreg [dreg:$0x3];
	s3 =	simm.s32 $0x0  }
0x5: {  	s1 =	stileid.u32;
	s8 =	srdreg.scid;
	s19 =	simm.s32 $0xF000  }
0x6: {  	s20 =	simm.s32 $0xF080;
	s21 =	simm.s32 $0x80;
	s22 =	simm.s32 $0x1  }
0x7: {  	s23 =	simm.s32 $0x0;
	[smem:$0x7FF] =	sst s3;
	s16 =	smul.u32 $0x9E0, s1  }
0x8: {  	s4 =	sadd.s32 $0x37400, s7;
	s5 =	sadd.s32 $0x19E00, s7;
	s9 =	smul.u32 $0x3C000, s1  }
0x9: {  	s6 =	sadd.s32 $0x124400, s7;
	s18 =	sand.u32 $0x1, s8;
	s13 =	smul.u32 $0xF000, s1  }
0xa: {  	_ =	strace $0x8000004A;
	s8 =	ssub.s32 $0x2, s18;
	p0 =	sne.s32 s18, $0x0  }
0xb: {  	s18 =	simm.s32 $0x2;
	s17 =	sadd.s32 s16, s7;
	s9 =	sshrl.u32 s9, $0x2  }
.Ltmp0:
0xc: {  	s7 =	sadd.s32 $0x106400, s7;
	s10 =	sshrl.u32 s8, $0x1;
	(pc) =	sbr.rel .LBB2_1-.Ltmp0, $4  }
0xd: {  	s15 =	sadd.s32 s16, s15;
	s12 =	sadd.s32 s9, s2;
	s14 =	ssub.s32 s8, s10  }
0xe: {  	s8 =	sadd.s32 s13, s2;
	s13 =	sshrl.u32 s13, $0x3;
	s16 =	sadd.s32 $0x10000, s17  }
0xf: {  	s17 =	simm.s32 $0xF100;
	s9 =	sadd.s32 $0x3000, s12;
	s10 =	sadd.s32 $0x6000, s12  }
0x10: {  	v0 =	vimm.f32 $0.0e+00;
	s11 =	sadd.s32 $0x9000, s12;
	s12 =	sadd.s32 $0xC000, s12;
	s14 =	smax.u32 s14, $0x1  }
.LBB2_9:
0x11: {  	s25 =	sadd.s32 s24, s16;
	[sflag:s18] =	ssyncadd.s32 $0xFFFFD000  }
0x12: {  	[tilespmem:s19], [sflag:$0x2] =	stream.linear.gather [hbm4b:s25+s3], $0x80, $0x38;
	[tilespmem:$0x12100] =	vst v63  }
0x13: {  	_ =	swait.ge [sflag:s18], $0x80  }
0x14: {  	[sflag:s18] =	ssyncset.done $0x0  }
0x15: {  	s31 =	sadd.s32 s24, s15;
	[sflag:s18] =	ssyncadd.s32 $0xFFFFFF80  }
0x16: {  	[tilespmem:s20], [sflag:$0x2] =	stream.linear.gather [hbm4b:s31+s3], $0x80, $0x38;
	[tilespmem:$0x12100] =	vst v63  }
0x17: {  	_ =	swait.ge [sflag:s18], $0x80  }
0x18: {  	[sflag:s18] =	ssyncset.done $0x0  }
0x19: {  	[sflag:s18] =	ssyncadd.s32 $0xFFFFFF80  }
0x1a: {  	[tilespmem:s17], [sflag:$0x1] =	stream.indirect.gather [hbm4b:s5+s21], $0x60, s19, s21, $0xb8;
	[tilespmem:$0x12100] =	vst v63  }
0x1b: {  	_ =	swait.ge [sflag:s22], $0x3000  }
0x1c: {  	[sflag:s22] =	ssyncset.done $0x0  }
0x1d: {  	[sflag:s22] =	ssyncadd.s32 $0xFFFFD000  }
0x1e: {  	[spmem:s2] =	stream.indirect.scatter.add.f32 [tilespmem:s17], [sflag:$0x2], $0x60, s20, s21, $0xb8;
	[tilespmem:$0x12100] =	vst v63  }
0x1f: {  	_ =	swait.ge [sflag:s18], $0x3000  }
0x20: {  	[sflag:s18] =	ssyncset.done $0x0  }
0x21: {  	s24 =	smov.u32 s7;
	[sflag:s18] =	ssyncadd.s32 $0xFFFFD000  }
.LBB2_10:
0x22: {  	s24 =	sadd.s32 s24, s13;
	s23 =	sadd.s32 $0x1, s23  }
0x23: {  	s25 =	sshll.u32 s1, $0x6;
	[bflag:$0x0] =	sbarrier.arrive $0xFFFF;
	p1 =	sne.s32 s23, s14  }
.Ltmp1:
0x24: {  	s26 =	sshrl.u32 s8, $0x3;
	s25 =	sor.u32 $0x1C02, s25;
	(pc) =	sbr.rel @!p1 .LBB2_11-.Ltmp1, $4  }
0x25: {  	[hbm:s24], [sflag:s25] =	dma.local [spmem:s26], $0x1E00  }
0x26: {  	_ =	swait.ge [sflag:s18], $0x1E00  }
0x27: {  	[sflag:s18] =	ssyncset.done $0x0  }
0x28: {  	[sflag:s18] =	ssyncadd.s32 $0xFFFFE200  }
.LBB2_1:
0x29: {  	s24 =	smul.u32 $0xAAAB, s3;
	_ =	sdelay $0x1  }
0x2a: {  	s25 =	sshrl.u32 s24, $0x12  }
0x2b: {  	s26 =	simm.s32 $0x0;
	s24 =	simm.s32 $0x1;
	s28 =	smul.u32 $0x6, s25  }
.LBB2_2:
0x2c: {  	s29 =	smul.u32 $0xAAAB, s24  }
0x2d: {  	s30 =	smov.u32 s24;
	s25 =	smul.u32 $0x180, s25;
	p1 =	sne.s32 s24, $0x2FF  }
.Ltmp2:
0x2e: {  	s26 =	ssub.s32 s26, s28;
	(pc) =	sbr.rel @p1 .LBB2_2-.Ltmp2, $4  }
0x2f: {  	s24 =	sadd.s32 $0x1, s24;
	s26 =	sand.u32 $0xFFFF, s26  }
0x30: {  	s28 =	sshrl.u32 s25, $0x2;
	s31 =	sshll.u32 s26, $0x4;
	s26 =	smov.u32 s30  }
0x31: {  	s25 =	sshrl.u32 s29, $0x12;
	s29 =	sadd.s32 s31, s28  }
0x32: {  	s28 =	smul.u32 $0x6, s25;
	[tilespmem:s29+$0xF100] =	vst v0  }
0x33: {  	_ = 	snop  }
0x34: {  	s25 =	smul.u32 $0x180, s25;
	s24 =	ssub.s32 s26, s28  }
0x35: {  	s24 =	sand.u32 $0xFFFF, s24  }
0x36: {  	s25 =	sshrl.u32 s25, $0x2;
	s24 =	sshll.u32 s24, $0x4  }
0x37: {  	s24 =	sadd.s32 s24, s25  }
0x38: {  	[tilespmem:s24+$0xF100] =	vst v0  }
0x39: {  	[spmem:s8] =	stream.linear.scatter [tilespmem:s17], [sflag:$0x2], $0x3000, $0x38;
	[tilespmem:$0x12100] =	vst v63  }
0x3a: {  	_ =	swait.ge [sflag:s18], $0x3000  }
0x3b: {  	[sflag:s18] =	ssyncset.done $0x0  }
0x3c: {  	[sflag:s18] =	ssyncadd.s32 $0xFFFFD000  }
0x3d: {  	[spmem:s9] =	stream.linear.scatter [tilespmem:s17], [sflag:$0x2], $0x3000, $0x38;
	[tilespmem:$0x12100] =	vst v63  }
0x3e: {  	_ =	swait.ge [sflag:s18], $0x3000  }
0x3f: {  	[sflag:s18] =	ssyncset.done $0x0  }
0x40: {  	[sflag:s18] =	ssyncadd.s32 $0xFFFFD000  }
0x41: {  	[spmem:s10] =	stream.linear.scatter [tilespmem:s17], [sflag:$0x2], $0x3000, $0x38;
	[tilespmem:$0x12100] =	vst v63  }
0x42: {  	_ =	swait.ge [sflag:s18], $0x3000  }
0x43: {  	[sflag:s18] =	ssyncset.done $0x0  }
0x44: {  	[sflag:s18] =	ssyncadd.s32 $0xFFFFD000  }
0x45: {  	[spmem:s11] =	stream.linear.scatter [tilespmem:s17], [sflag:$0x2], $0x3000, $0x38;
	[tilespmem:$0x12100] =	vst v63  }
0x46: {  	_ =	swait.ge [sflag:s18], $0x3000  }
0x47: {  	[sflag:s18] =	ssyncset.done $0x0  }
0x48: {  	[sflag:s18] =	ssyncadd.s32 $0xFFFFD000  }
0x49: {  	[spmem:s12] =	stream.linear.scatter [tilespmem:s17], [sflag:$0x2], $0x3000, $0x38;
	[tilespmem:$0x12100] =	vst v63  }
.Ltmp3:
0x4a: {  	_ =	swait.ge [sflag:s18], $0x3000;
	(pc) =	sbr.rel @p0 .LBB2_7-.Ltmp3, $4  }
0x4b: {  	[sflag:s18] =	ssyncset.done $0x0  }
0x4c: {  	[sflag:s18] =	ssyncadd.s32 $0xFFFFD000  }
0x4d: {  	[bflag:$0x0] =	sbarrier.arrive $0xFFFF  }
0x4e: {  	s24 =	sadd.s32 $0x0, s16  }
0x4f: {  	[tilespmem:s19], [sflag:$0x2] =	stream.linear.gather [hbm4b:s24+s3], $0x80, $0x38;
	[tilespmem:$0x12100] =	vst v63  }
0x50: {  	_ =	swait.ge [sflag:s18], $0x80  }
0x51: {  	[sflag:s18] =	ssyncset.done $0x0  }
0x52: {  	s31 =	sadd.s32 $0x0, s15;
	[sflag:s18] =	ssyncadd.s32 $0xFFFFFF80  }
0x53: {  	[tilespmem:s20], [sflag:$0x2] =	stream.linear.gather [hbm4b:s31+s3], $0x80, $0x38;
	[tilespmem:$0x12100] =	vst v63  }
0x54: {  	_ =	swait.ge [sflag:s18], $0x80  }
0x55: {  	[sflag:s18] =	ssyncset.done $0x0  }
0x56: {  	[sflag:s18] =	ssyncadd.s32 $0xFFFFFF80  }
0x57: {  	[tilespmem:s17], [sflag:$0x1] =	stream.indirect.gather [hbm4b:s4+s21], $0x60, s19, s21, $0xb8;
	[tilespmem:$0x12100] =	vst v63  }
0x58: {  	_ =	swait.ge [sflag:s22], $0x3000  }
0x59: {  	[sflag:s22] =	ssyncset.done $0x0  }
0x5a: {  	[sflag:s22] =	ssyncadd.s32 $0xFFFFD000  }
0x5b: {  	[spmem:s2] =	stream.indirect.scatter.add.f32 [tilespmem:s17], [sflag:$0x2], $0x60, s20, s21, $0xb8;
	[tilespmem:$0x12100] =	vst v63  }
0x5c: {  	_ =	swait.ge [sflag:s18], $0x3000  }
0x5d: {  	s24 =	simm.s32 $0x10;
	s25 =	simm.s32 $0x20;
	[sflag:s18] =	ssyncset.done $0x0  }
.LBB2_5:
0x5e: {  	s26 =	sadd.s32 s24, s16  }
0x5f: {  	[sflag:s18] =	ssyncadd.s32 $0xFFFFD000;
	s28 =	smov.u32 s25;
	s29 =	sadd.s32 $0x10, s25  }
0x60: {  	[tilespmem:s19], [sflag:$0x2] =	stream.linear.gather [hbm4b:s26+s3], $0x80, $0x38;
	[tilespmem:$0x12100] =	vst v63  }
0x61: {  	p1 =	seq.s32 s25, $0x9D0;
	_ =	swait.ge [sflag:s18], $0x80  }
0x62: {  	[sflag:s18] =	ssyncset.done $0x0  }
0x63: {  	s25 =	sadd.s32 s24, s15;
	s24 =	smov.u32 s28;
	[sflag:s18] =	ssyncadd.s32 $0xFFFFFF80  }
0x64: {  	[tilespmem:s20], [sflag:$0x2] =	stream.linear.gather [hbm4b:s25+s3], $0x80, $0x38;
	[tilespmem:$0x12100] =	vst v63  }
0x65: {  	_ =	swait.ge [sflag:s18], $0x80  }
0x66: {  	[sflag:s18] =	ssyncset.done $0x0  }
0x67: {  	[sflag:s18] =	ssyncadd.s32 $0xFFFFFF80  }
0x68: {  	[tilespmem:s17], [sflag:$0x1] =	stream.indirect.gather [hbm4b:s4+s21], $0x60, s19, s21, $0xb8;
	[tilespmem:$0x12100] =	vst v63  }
0x69: {  	_ =	swait.ge [sflag:s22], $0x3000  }
.Ltmp4:
0x6a: {  	[sflag:s22] =	ssyncset.done $0x0;
	(pc) =	sbr.rel @!p1 .LBB2_5-.Ltmp4, $4  }
0x6b: {  	[sflag:s22] =	ssyncadd.s32 $0xFFFFD000  }
0x6c: {  	[spmem:s2] =	stream.indirect.scatter.add.f32 [tilespmem:s17], [sflag:$0x2], $0x60, s20, s21, $0xb8;
	[tilespmem:$0x12100] =	vst v63  }
0x6d: {  	_ =	swait.ge [sflag:s18], $0x3000  }
0x6e: {  	s25 =	smov.u32 s29;
	[sflag:s18] =	ssyncset.done $0x0  }
0x6f: {  	s25 =	sadd.s32 s24, s16;
	[sflag:s18] =	ssyncadd.s32 $0xFFFFD000  }
0x70: {  	[tilespmem:s19], [sflag:$0x2] =	stream.linear.gather [hbm4b:s25+s3], $0x80, $0x38;
	[tilespmem:$0x12100] =	vst v63  }
0x71: {  	_ =	swait.ge [sflag:s18], $0x80  }
0x72: {  	[sflag:s18] =	ssyncset.done $0x0  }
0x73: {  	s31 =	sadd.s32 s24, s15;
	[sflag:s18] =	ssyncadd.s32 $0xFFFFFF80  }
0x74: {  	[tilespmem:s20], [sflag:$0x2] =	stream.linear.gather [hbm4b:s31+s3], $0x80, $0x38;
	[tilespmem:$0x12100] =	vst v63  }
0x75: {  	_ =	swait.ge [sflag:s18], $0x80  }
0x76: {  	[sflag:s18] =	ssyncset.done $0x0  }
0x77: {  	[sflag:s18] =	ssyncadd.s32 $0xFFFFFF80  }
0x78: {  	[tilespmem:s17], [sflag:$0x1] =	stream.indirect.gather [hbm4b:s4+s21], $0x60, s19, s21, $0xb8;
	[tilespmem:$0x12100] =	vst v63  }
0x79: {  	_ =	swait.ge [sflag:s22], $0x3000  }
0x7a: {  	[sflag:s22] =	ssyncset.done $0x0  }
.Ltmp5:
0x7b: {  	[sflag:s22] =	ssyncadd.s32 $0xFFFFD000;
	(pc) =	sbr.rel .LBB2_10-.Ltmp5, $4  }
0x7c: {  	[spmem:s2] =	stream.indirect.scatter.add.f32 [tilespmem:s17], [sflag:$0x2], $0x60, s20, s21, $0xb8;
	[tilespmem:$0x12100] =	vst v63  }
0x7d: {  	_ =	swait.ge [sflag:s18], $0x3000  }
0x7e: {  	[sflag:s18] =	ssyncset.done $0x0  }
0x7f: {  	s24 =	smov.u32 s6;
	[sflag:s18] =	ssyncadd.s32 $0xFFFFD000  }
.LBB2_7:
0x80: {  	[tilespmem:s19], [sflag:$0x2] =	stream.linear.gather [hbm4b:s24+s3], $0x80, $0x38;
	[tilespmem:$0x12100] =	vst v63  }
0x81: {  	_ =	swait.ge [sflag:s18], $0x80  }
0x82: {  	[sflag:s18] =	ssyncset.done $0x0  }
0x83: {  	s31 =	sadd.s32 $0x0, s15;
	[sflag:s18] =	ssyncadd.s32 $0xFFFFFF80  }
0x84: {  	[tilespmem:s20], [sflag:$0x2] =	stream.linear.gather [hbm4b:s31+s3], $0x80, $0x38;
	[tilespmem:$0x12100] =	vst v63  }
0x85: {  	_ =	swait.ge [sflag:s18], $0x80  }
0x86: {  	[sflag:s18] =	ssyncset.done $0x0  }
0x87: {  	[sflag:s18] =	ssyncadd.s32 $0xFFFFFF80  }
0x88: {  	[tilespmem:s17], [sflag:$0x1] =	stream.indirect.gather [hbm4b:s5+s21], $0x60, s19, s21, $0xb8;
	[tilespmem:$0x12100] =	vst v63  }
0x89: {  	_ =	swait.ge [sflag:s22], $0x3000  }
0x8a: {  	[sflag:s22] =	ssyncset.done $0x0  }
0x8b: {  	[sflag:s22] =	ssyncadd.s32 $0xFFFFD000  }
0x8c: {  	[spmem:s2] =	stream.indirect.scatter.add.f32 [tilespmem:s17], [sflag:$0x2], $0x60, s20, s21, $0xb8;
	[tilespmem:$0x12100] =	vst v63  }
0x8d: {  	_ =	swait.ge [sflag:s18], $0x3000  }
0x8e: {  	s24 =	simm.s32 $0x10;
	s25 =	simm.s32 $0x20;
	[sflag:s18] =	ssyncset.done $0x0  }
.LBB2_8:
0x8f: {  	s26 =	sadd.s32 s24, s16  }
0x90: {  	[sflag:s18] =	ssyncadd.s32 $0xFFFFD000;
	s28 =	smov.u32 s25;
	s29 =	sadd.s32 $0x10, s25  }
0x91: {  	[tilespmem:s19], [sflag:$0x2] =	stream.linear.gather [hbm4b:s26+s3], $0x80, $0x38;
	[tilespmem:$0x12100] =	vst v63  }
0x92: {  	p1 =	sne.s32 s25, $0x9D0;
	_ =	swait.ge [sflag:s18], $0x80  }
0x93: {  	[sflag:s18] =	ssyncset.done $0x0  }
0x94: {  	s25 =	sadd.s32 s24, s15;
	s24 =	smov.u32 s28;
	[sflag:s18] =	ssyncadd.s32 $0xFFFFFF80  }
0x95: {  	[tilespmem:s20], [sflag:$0x2] =	stream.linear.gather [hbm4b:s25+s3], $0x80, $0x38;
	[tilespmem:$0x12100] =	vst v63  }
0x96: {  	_ =	swait.ge [sflag:s18], $0x80  }
0x97: {  	[sflag:s18] =	ssyncset.done $0x0  }
0x98: {  	[sflag:s18] =	ssyncadd.s32 $0xFFFFFF80  }
0x99: {  	[tilespmem:s17], [sflag:$0x1] =	stream.indirect.gather [hbm4b:s5+s21], $0x60, s19, s21, $0xb8;
	[tilespmem:$0x12100] =	vst v63  }
0x9a: {  	_ =	swait.ge [sflag:s22], $0x3000  }
.Ltmp6:
0x9b: {  	[sflag:s22] =	ssyncset.done $0x0;
	(pc) =	sbr.rel @p1 .LBB2_8-.Ltmp6, $4  }
0x9c: {  	[sflag:s22] =	ssyncadd.s32 $0xFFFFD000  }
0x9d: {  	[spmem:s2] =	stream.indirect.scatter.add.f32 [tilespmem:s17], [sflag:$0x2], $0x60, s20, s21, $0xb8;
	[tilespmem:$0x12100] =	vst v63  }
0x9e: {  	_ =	swait.ge [sflag:s18], $0x3000  }
0x9f: {  	s25 =	smov.u32 s29;
	[sflag:s18] =	ssyncset.done $0x0  }
.Ltmp7:
0xa0: {  	_ = 	snop;
	(pc) =	sbr.rel .LBB2_9-.Ltmp7, $1  }
0xa1: {  	_ =	sdelay $0x3  }
.LBB2_11:
0xa2: {  	_ =	sfence.sel $0x180000  }
0xa3: {  	[bflag:$0x0] =	sbarrier.arrive $0xFFFF  }
0xa4: {  	p0 =	sne.s32 s1, $0x0;
	_ =	strace $0x9000004A  }
0xa5: {  	s0 =	sadd.s32 @!p0 $0x100000, s0;
	[bflag:$0x2] =	sbarrier.arrive $0xFFFF  }
0xa6: {  	[sflag:s0] =	ssyncadd.tile.s32 @!p0 $0x1;
	_ =	shalt  }
.Lfunc_end2:
_tile_overlayer_lowered:
.L_overlay_start_2:
0xa7: {  	(tag) =	ssettag $0x2  }
0xa8: {  	s0 =	rddreg [dreg:$0x0];
	s2 =	stileid.u32  }
0xa9: {  	s1 =	rddreg [dreg:$0x1];
	p0 =	sne.s32 s2, $0x0  }
0xaa: {  	s3 =	rddreg [dreg:$0x2];
	[bflag:$0x3] =	sbarrier.arrive $0xFFFF;
	s2 =	simm.s32 @!p0 $0x1C02  }
0xab: {  	[timem:s3], [sflag:s2] =	dma.local @!p0 [hbm:s0], s1  }
0xac: {  	s0 =	simm.s32 @!p0 $0x2  }
0xad: {  	_ =	swait.ge @!p0 [sflag:s0], s1  }
0xae: {  	s1 =	ssub.s32 @!p0 $0x0, s1;
	[sflag:s0] =	ssyncset.done @!p0 $0x0  }
0xaf: {  	[sflag:s0] =	ssyncadd.s32 @!p0 s1  }
0xb0: {  	[bflag:$0x3] =	sbarrier.arrive $0xFFFF  }
0xb1: {  	_ =	shalt  }

// kernel: kernel.23.cloned.1.call-start
scs
__scs_entry_jumppad:
0x0: {  	(pc) =	sbr.rel $0x88, $3  }
0x1: {  	(tag) =	ssettag $0x0;
	lr =	simm.s32 $0x1  }
0x2: {  	[smem:$0x3F97] =	sst lr;
	_ =	strace $0xD0000000  }
0x3: {  	_ = 	snop  }
0x4: {  	_ = 	snop  }
0x5: {  	_ = 	snop  }
0x6: {  	_ = 	snop  }
0x7: {  	_ = 	snop  }
__scs_overlays_trampoline_lowered:
0x8: {  	[smem:$0x3FA6] =	sst s0  }
0x9: {  	[smem:$0x3FA7] =	sst s1  }
0xa: {  	[smem:$0x3FA8] =	sst s2  }
0xb: {  	[smem:$0x3FA9] =	sst s3  }
0xc: {  	[smem:$0x3FAA] =	sst s4  }
0xd: {  	[smem:$0x3FAB] =	sst s5  }
0xe: {  	[smem:$0x3FAC] =	sst s6  }
0xf: {  	[smem:$0x3FAD] =	sst s7  }
0x10: {  	[smem:$0x3FAE] =	sst s8  }
0x11: {  	[smem:$0x3FAF] =	sst s9;
	s0 =	simm.s32 @!p0 $0x0  }
0x12: {  	s1 =	sld [smem:$0x3F95];
	s0 =	simm.s32 @p0 $0x1  }
0x13: {  	[smem:$0x3FB0] =	sst s0;
	s0 =	simm.s32 @!p1 $0x0  }
0x14: {  	s2 =	sld [smem:$0x3F94];
	s0 =	simm.s32 @p1 $0x1  }
0x15: {  	[smem:$0x3FB1] =	sst s0;
	s0 =	simm.s32 @!p2 $0x0  }
0x16: {  	s3 =	sld [smem:$0x3FDB];
	s0 =	simm.s32 @p2 $0x1  }
0x17: {  	s4 =	simm.s32 $0x1BF5;
	[smem:$0x3FB3] =	sst s0  }
0x18: {  	s0 =	sld [smem:$0x3F96];
	_ =	swait.ge [sflag:s4], $0x0  }
0x19: {  	s7 =	sld [smem:$0x3F97]  }
0x1a: {  	s8 =	sadd.s32 $0xFFFFE003, lr  }
0x1b: {  	s9 =	sadd.s32 $0xFFFFFEF7, lr;
	s5 =	simm.s32 $0xFFFFFFFF;
	p2 =	slt.u32 s8, $0xFFFFF086  }
0x1c: {  	p1 =	slt.u32 s9, $0xF7A;
	s5 =	simm.s32 @!p2 $0x0  }
0x1d: {  	s5 =	simm.s32 @p1 $0x1;
	p0 =	seq.s32 s7, s2  }
0x1e: {  	s7 =	smul.u32 @!p0 $0xF7A, s2;
	p2 =	seq.s32 @!p0 s5, $0x0  }
0x1f: {  	s9 =	smul.u32 $0xF7A, s1;
	s8 =	simm.s32 @!p0 $0x1BF5;
	p2 =	por !p2, p0  }
0x20: {  	[sflag:s8] =	ssyncset.s32 @!p0 $0xFFFFF086;
	s6 =	sadd.s32 @!p0 s3, s7;
	s7 =	simm.s32 @!p0 $0x108  }
0x21: {  	s3 =	sadd.s32 s3, s9;
	s6 =	sadd.s32 @!p0 $0x88, s6;
	s7 =	simm.s32 @p2 $0x1082  }
0x22: {  	[simem:s7], [sflag:s8] =	dma.local @!p0 [hbm:s6], $0xF7A  }
0x23: {  	s9 =	sor.u32 $0xD0000000, s2;
	s6 =	simm.s32 $0x108;
	_ =	swait.ge @!p0 [sflag:s8], $0x0  }
0x24: {  	s3 =	sadd.s32 $0x88, s3;
	s6 =	simm.s32 @!p1 $0x1082;
	[sflag:s4] =	ssyncset.s32 $0xFFFFF086  }
0x25: {  	[simem:s6], [sflag:s4] =	dma.local [hbm:s3], $0xF7A  }
0x26: {  	[smem:$0x3F97] =	sst s1;
	(tag) =	ssettag s2;
	_ =	strace s9  }
0x27: {  	s1 =	sld [smem:$0x3FA7]  }
0x28: {  	s2 =	sld [smem:$0x3FA8]  }
0x29: {  	s4 =	sld [smem:$0x3FAA]  }
0x2a: {  	p0 =	seq.s32 s5, $0x0;
	s5 =	sld [smem:$0x3FAB]  }
0x2b: {  	s6 =	sld [smem:$0x3FAC]  }
0x2c: {  	s7 =	sld [smem:$0x3FAD]  }
0x2d: {  	s3 =	simm.s32 $0x108;
	s8 =	sld [smem:$0x3FAE]  }
0x2e: {  	s3 =	simm.s32 @!p0 $0x1082;
	s9 =	sld [smem:$0x3FAF]  }
0x2f: {  	lr =	sadd.s32 s0, s3;
	s0 =	sld [smem:$0x3FA6]  }
0x30: {  	s3 =	sld [smem:$0x3FA9]  }
0x31: {  	[smem:$0x3FB2] =	sst s10  }
0x32: {  	s10 =	sld [smem:$0x3FB0];
	_ =	sdelay $0x3  }
0x33: {  	p0 =	seq.s32 s10, $0x1;
	s10 =	sld [smem:$0x3FB2];
	_ =	sdelay $0x3  }
0x34: {  	[smem:$0x3FB2] =	sst s10  }
0x35: {  	s10 =	sld [smem:$0x3FB1];
	_ =	sdelay $0x3  }
0x36: {  	p1 =	seq.s32 s10, $0x1;
	s10 =	sld [smem:$0x3FB2];
	_ =	sdelay $0x3  }
0x37: {  	[smem:$0x3FB2] =	sst s10  }
0x38: {  	s10 =	sld [smem:$0x3FB3]  }
0x39: {  	_ = 	snop;
	(pc) =	sbr.ind lr, $3  }
0x3a: {  	_ = 	snop  }
0x3b: {  	_ = 	snop  }
0x3c: {  	p2 =	seq.s32 s10, $0x1;
	s10 =	sld [smem:$0x3FB2]  }
0x3d: {  	_ =	shalt  }
0x3e: {  	_ =	shalt  }
0x3f: {  	_ =	shalt  }
0x40: {  	_ =	shalt  }
0x41: {  	_ =	shalt  }
0x42: {  	_ =	shalt  }
0x43: {  	_ =	shalt  }
0x44: {  	_ =	shalt  }
0x45: {  	_ =	shalt  }
0x46: {  	_ =	shalt  }
0x47: {  	_ =	shalt  }
0x48: {  	_ =	shalt  }
0x49: {  	_ =	shalt  }
0x4a: {  	_ =	shalt  }
0x4b: {  	_ =	shalt  }
0x4c: {  	_ =	shalt  }
0x4d: {  	_ =	shalt  }
0x4e: {  	_ =	shalt  }
0x4f: {  	_ =	shalt  }
0x50: {  	_ =	shalt  }
0x51: {  	_ =	shalt  }
0x52: {  	_ =	shalt  }
0x53: {  	_ =	shalt  }
0x54: {  	_ =	shalt  }
0x55: {  	_ =	shalt  }
0x56: {  	_ =	shalt  }
0x57: {  	_ =	shalt  }
0x58: {  	_ =	shalt  }
0x59: {  	_ =	shalt  }
0x5a: {  	_ =	shalt  }
0x5b: {  	_ =	shalt  }
0x5c: {  	_ =	shalt  }
0x5d: {  	_ =	shalt  }
0x5e: {  	_ =	shalt  }
0x5f: {  	_ =	shalt  }
0x60: {  	_ =	shalt  }
0x61: {  	_ =	shalt  }
0x62: {  	_ =	shalt  }
0x63: {  	_ =	shalt  }
0x64: {  	_ =	shalt  }
0x65: {  	_ =	shalt  }
0x66: {  	_ =	shalt  }
0x67: {  	_ =	shalt  }
0x68: {  	_ =	shalt  }
0x69: {  	_ =	shalt  }
0x6a: {  	_ =	shalt  }
0x6b: {  	_ =	shalt  }
0x6c: {  	_ =	shalt  }
0x6d: {  	_ =	shalt  }
0x6e: {  	_ =	shalt  }
0x6f: {  	_ =	shalt  }
0x70: {  	_ =	shalt  }
0x71: {  	_ =	shalt  }
0x72: {  	_ =	shalt  }
0x73: {  	_ =	shalt  }
0x74: {  	_ =	shalt  }
0x75: {  	_ =	shalt  }
0x76: {  	_ =	shalt  }
0x77: {  	_ =	shalt  }
0x78: {  	_ =	shalt  }
0x79: {  	_ =	shalt  }
0x7a: {  	_ =	shalt  }
0x7b: {  	_ =	shalt  }
0x7c: {  	_ =	shalt  }
0x7d: {  	_ =	shalt  }
0x7e: {  	_ =	shalt  }
0x7f: {  	_ =	shalt  }
0x80: {  	_ =	shalt  }
0x81: {  	_ =	shalt  }
0x82: {  	_ =	shalt  }
0x83: {  	_ =	shalt  }
0x84: {  	_ =	shalt  }
0x85: {  	_ =	shalt  }
0x86: {  	_ =	shalt  }
0x87: {  	_ =	shalt  }
.Lfunc_end0:
.L_simem_size_0:
called_computation.3_lowered:
.L_overlay_start_0:
0x88: {  	s2 =	sld [smem:$0x3FD9]  }
0x89: {  	s3 =	sld [smem:$0x3FFE];
	_ =	sdelay $0x1  }
0x8a: {  	s1 =	srdreg.scid  }
0x8b: {  	s0 =	sand.u32 $0x1, s1  }
0x8c: {  	s17 =	sshll.u32 s0, $0xA;
	s2 =	sadd.s32 s3, s2  }
0x8d: {  	s2 =	sadd.s32 s2, s17  }
0x8e: {  	[smem:$0x3FBE] =	sst s2  }
0x8f: {  	_ = 	snop  }
0x90: {  	s18 =	sld [smem:$0x3FD0];
	(tm) =	ssettm $0x1  }
0x91: {  	s19 =	sld [smem:$0x3FFB];
	_ =	sdelay $0x3  }
0x92: {  	_ =	strace s19  }
0x93: {  	s2 =	sld [smem:$0x3FFC];
	_ =	sdelay $0x3  }
0x94: {  	_ =	strace s2  }
0x95: {  	s2 =	sld [smem:$0x3FFD];
	_ =	sdelay $0x3  }
0x96: {  	_ =	strace s2  }
0x97: {  	_ =	strace $0x8FFFFFFF  }
0x98: {  	s20 =	sld [smem:$0x3FDB];
	_ =	sdelay $0x1  }
0x99: {  	s4 =	simm.s32 $_scs_section_size  }
0x9a: {  	s5 =	simm.s32 $_size__tile_overlayer_lowered;
	s6 =	simm.s32 $_tile_overlayer_lowered  }
0x9b: {  	s7 =	simm.s32 $0x1BFF;
	s21 =	sshll.u32 s6, $0x1;
	s4 =	sadd.s32 s4, s20  }
0x9c: {  	s22 =	simm.s32 $0x0;
	s5 =	sshll.u32 s5, $0x1;
	s6 =	sadd.s32 s21, s4  }
0x9d: {  	[timem:s22], [sflag:s7] =	dma.local [hbm:s6], s5  }
0x9e: {  	_ =	swait.ge [sflag:s7], s5  }
0x9f: {  	s5 =	ssub.s32 $0x0, s5;
	[sflag:s7] =	ssyncset.done $0x0  }
0xa0: {  	[sflag:s7] =	ssyncadd.s32 s5;
	_ =	sdelay $0x1  }
0xa1: {  	s23 =	simm.s32 $0x1B8B  }
0xa2: {  	_ =	swait.ge [sflag:s23], $0x1  }
0xa3: {  	[sflag:s23] =	ssyncset.done $0x0  }
0xa4: {  	[sflag:s23] =	ssyncadd.s32 $0xFFFFFFFF  }
0xa5: {  	s5 =	sld [smem:$0x0]  }
0xa6: {  	s6 =	sand.u32 $0xFFFFFFFE, s1  }
0xa7: {  	p0 =	sne.s32 s1, s6  }
0xa8: {  	s6 =	sshll.u32 @p0 s6, $0xE  }
0xa9: {  	s6 =	sadd.s32 @p0 $0x11B8D, s6;
	s7 =	sshll.u32 @p0 s5, $0x11  }
0xaa: {  	s6 =	sor.u32 @p0 s7, s6  }
0xab: {  	[sflag:s6] =	ssyncadd.remote.s32 @p0 $0x1;
	_ =	sdelay $0x1  }
0xac: {  	s6 =	simm.s32 @p0 $0x1B8D  }
0xad: {  	_ =	swait.eq @p0 [sflag:s6], $0x1  }
0xae: {  	[sflag:s6] =	ssyncadd.s32 @p0 $0xFFFFFFFF  }
0xaf: {  	s7 =	sshll.u32 @!p0 s1, $0xE  }
0xb0: {  	s7 =	sor.u32 @!p0 $0x4000, s7;
	s6 =	simm.s32 @!p0 $0x1B8D  }
0xb1: {  	s5 =	sshll.u32 @!p0 s5, $0x11;
	s7 =	sadd.s32 @!p0 $0x11B8D, s7;
	_ =	swait.eq @!p0 [sflag:s6], $0x1  }
0xb2: {  	s5 =	sor.u32 @!p0 s5, s7;
	[sflag:s6] =	ssyncadd.s32 @!p0 $0xFFFFFFFF  }
0xb3: {  	s25 =	simm.s32 $0x1B8E;
	s24 =	sld [smem:$0x3FFE];
	[sflag:s5] =	ssyncadd.remote.s32 @!p0 $0x1  }
0xb4: {  	s26 =	simm.s32 $execute0_lowered;
	[smem:$0x3FD2] =	sst s25  }
0xb5: {  	s6 =	sshll.u32 s26, $0x1;
	_ =	strace $0x80000052;
	[dreg:$0x1] =	wrdreg $0xFFFFFFFF  }
0xb6: {  	s28 =	simm.s32 $_size_execute0_lowered;
	s4 =	sadd.s32 s4, s6;
	[dreg:$0x0] =	wrdreg $0x0  }
0xb7: {  	s6 =	sshll.u32 s28, $0x1;
	[dreg:$0x2] =	wrdreg s4  }
0xb8: {  	[dreg:$0x3] =	wrdreg s6  }
0xb9: {  	[dreg:$0x4] =	wrdreg $0xC0  }
0xba: {  	_ =	task [dreg:s22], $0x5FFFF  }
0xbb: {  	[dreg:$0x1] =	wrdreg $0xFFFFFFFF  }
0xbc: {  	[dreg:$0x0] =	wrdreg $0x60  }
0xbd: {  	[dreg:$0x2] =	wrdreg s24  }
0xbe: {  	[dreg:$0x3] =	wrdreg s18  }
0xbf: {  	[dreg:$0x4] =	wrdreg $0x0  }
0xc0: {  	[dreg:$0x5] =	wrdreg $0x9  }
0xc1: {  	_ =	task.clear_ibuf [dreg:s22], $0x6FFFF;
	_ =	strace $0x90000052  }
0xc2: {  	s29 =	simm.s32 $0x9;
	_ =	strace $0x80000054  }
0xc3: {  	_ =	swait.ge [sflag:s29], $0x1  }
0xc4: {  	[sflag:s29] =	ssyncadd.s32 $0xFFFFFFFF  }
0xc5: {  	_ =	strace $0x90000054  }
0xc6: {  	_ =	sfence  }
0xc7: {  	s30 =	sld [smem:$0x0];
	_ =	sdelay $0x2  }
0xc8: {  	s31 =	sshll.u32 s1, $0xD;
	s1 =	sshrl.u32 s1, $0x2  }
0xc9: {  	s4 =	sand.u32 $0x4000, s31;
	s1 =	sadd.s32 s1, s30  }
0xca: {  	s0 =	sor.u32 s4, s0;
	s1 =	sshll.u32 s1, $0x11  }
0xcb: {  	s0 =	sor.u32 s1, s0  }
0xcc: {  	s0 =	sadd.s32 $0x8F2B, s0  }
0xcd: {  	[sflag:s0] =	ssyncadd.remote.s32 $0x1  }
0xce: {  	_ =	sfence.sel $0xFFFF  }
0xcf: {  	[dreg:$0x0] =	wrdreg $0xFFFFFFFF;
	(pc) =	sbr.abs _section_cstart, $3  }
0xd0: {  	[dreg:$0x1] =	wrdreg $0xFFFFFFFF  }
0xd1: {  	_ =	task.clear_ibuf [dreg:s22], $0x2FFFF;
	_ =	strace $0x9FFFFFFF  }
0xd2: {  	(tm) =	ssettm $0x7FFFFFFF  }
0xd3: {  	_ =	shalt  }
tec
execute0_lowered:
.L_overlay_start_1:
0x0: {  	(tag) =	ssettag $0x1  }
0x1: {  	s7 =	rddreg [dreg:$0x0]  }
0x2: {  	s15 =	rddreg [dreg:$0x1]  }
0x3: {  	s1 =	rddreg [dreg:$0x2]  }
0x4: {  	s0 =	rddreg [dreg:$0x3];
	s3 =	simm.s32 $0x0  }
0x5: {  	s2 =	stileid.u32;
	s8 =	srdreg.scid;
	s19 =	simm.s32 $0xF000  }
0x6: {  	s20 =	simm.s32 $0xF080;
	s21 =	simm.s32 $0x80;
	s22 =	simm.s32 $0x1  }
0x7: {  	s23 =	simm.s32 $0x0;
	s4 =	sadd.s32 $0x15FA00, s7;
	s16 =	smul.u32 $0x9E0, s2  }
0x8: {  	[smem:$0x7FF] =	sst s3;
	s5 =	sadd.s32 $0x142400, s7;
	s9 =	smul.u32 $0x3C000, s2  }
0x9: {  	s6 =	sadd.s32 $0x19B000, s7;
	s18 =	sand.u32 $0x1, s8;
	s13 =	smul.u32 $0xF000, s2  }
0xa: {  	_ =	strace $0x80000053;
	s8 =	ssub.s32 $0x2, s18;
	p0 =	sne.s32 s18, $0x0  }
0xb: {  	s18 =	simm.s32 $0x2;
	s17 =	sadd.s32 s16, s7;
	s9 =	sshrl.u32 s9, $0x2  }
.Ltmp0:
0xc: {  	s7 =	sadd.s32 $0x17D000, s7;
	s10 =	sshrl.u32 s8, $0x1;
	(pc) =	sbr.rel .LBB2_1-.Ltmp0, $4  }
0xd: {  	s15 =	sadd.s32 s16, s15;
	s12 =	sadd.s32 s9, s1;
	s14 =	ssub.s32 s8, s10  }
0xe: {  	s8 =	sadd.s32 s13, s1;
	s13 =	sshrl.u32 s13, $0x3;
	s16 =	sadd.s32 $0x10000, s17  }
0xf: {  	s17 =	simm.s32 $0xF100;
	s9 =	sadd.s32 $0x3000, s12;
	s10 =	sadd.s32 $0x6000, s12  }
0x10: {  	v0 =	vimm.f32 $0.0e+00;
	s11 =	sadd.s32 $0x9000, s12;
	s12 =	sadd.s32 $0xC000, s12;
	s14 =	smax.u32 s14, $0x1  }
.LBB2_9:
0x11: {  	s25 =	sadd.s32 s24, s16;
	[sflag:s18] =	ssyncadd.s32 $0xFFFFD000  }
0x12: {  	[tilespmem:s19], [sflag:$0x2] =	stream.linear.gather [hbm4b:s25+s3], $0x80, $0x38;
	[tilespmem:$0x12100] =	vst v63  }
0x13: {  	_ =	swait.ge [sflag:s18], $0x80  }
0x14: {  	[sflag:s18] =	ssyncset.done $0x0  }
0x15: {  	s31 =	sadd.s32 s24, s15;
	[sflag:s18] =	ssyncadd.s32 $0xFFFFFF80  }
0x16: {  	[tilespmem:s20], [sflag:$0x2] =	stream.linear.gather [hbm4b:s31+s3], $0x80, $0x38;
	[tilespmem:$0x12100] =	vst v63  }
0x17: {  	_ =	swait.ge [sflag:s18], $0x80  }
0x18: {  	[sflag:s18] =	ssyncset.done $0x0  }
0x19: {  	[sflag:s18] =	ssyncadd.s32 $0xFFFFFF80  }
0x1a: {  	[tilespmem:s17], [sflag:$0x1] =	stream.indirect.gather [hbm4b:s5+s21], $0x60, s19, s21, $0xb8;
	[tilespmem:$0x12100] =	vst v63  }
0x1b: {  	_ =	swait.ge [sflag:s22], $0x3000  }
0x1c: {  	[sflag:s22] =	ssyncset.done $0x0  }
0x1d: {  	[sflag:s22] =	ssyncadd.s32 $0xFFFFD000  }
0x1e: {  	[spmem:s1] =	stream.indirect.scatter.add.f32 [tilespmem:s17], [sflag:$0x2], $0x60, s20, s21, $0xb8;
	[tilespmem:$0x12100] =	vst v63  }
0x1f: {  	_ =	swait.ge [sflag:s18], $0x3000  }
0x20: {  	[sflag:s18] =	ssyncset.done $0x0  }
0x21: {  	s24 =	smov.u32 s7;
	[sflag:s18] =	ssyncadd.s32 $0xFFFFD000  }
.LBB2_10:
0x22: {  	s24 =	sadd.s32 s24, s13;
	s23 =	sadd.s32 $0x1, s23  }
0x23: {  	s25 =	sshll.u32 s2, $0x6;
	[bflag:$0x0] =	sbarrier.arrive $0xFFFF;
	p1 =	sne.s32 s23, s14  }
.Ltmp1:
0x24: {  	s26 =	sshrl.u32 s8, $0x3;
	s25 =	sor.u32 $0x1C02, s25;
	(pc) =	sbr.rel @!p1 .LBB2_11-.Ltmp1, $4  }
0x25: {  	[hbm:s24], [sflag:s25] =	dma.local [spmem:s26], $0x1E00  }
0x26: {  	_ =	swait.ge [sflag:s18], $0x1E00  }
0x27: {  	[sflag:s18] =	ssyncset.done $0x0  }
0x28: {  	[sflag:s18] =	ssyncadd.s32 $0xFFFFE200  }
.LBB2_1:
0x29: {  	s24 =	smul.u32 $0xAAAB, s3;
	_ =	sdelay $0x1  }
0x2a: {  	s25 =	sshrl.u32 s24, $0x12  }
0x2b: {  	s26 =	simm.s32 $0x0;
	s24 =	simm.s32 $0x1;
	s28 =	smul.u32 $0x6, s25  }
.LBB2_2:
0x2c: {  	s29 =	smul.u32 $0xAAAB, s24  }
0x2d: {  	s30 =	smov.u32 s24;
	s25 =	smul.u32 $0x180, s25;
	p1 =	sne.s32 s24, $0x2FF  }
.Ltmp2:
0x2e: {  	s26 =	ssub.s32 s26, s28;
	(pc) =	sbr.rel @p1 .LBB2_2-.Ltmp2, $4  }
0x2f: {  	s24 =	sadd.s32 $0x1, s24;
	s26 =	sand.u32 $0xFFFF, s26  }
0x30: {  	s28 =	sshrl.u32 s25, $0x2;
	s31 =	sshll.u32 s26, $0x4;
	s26 =	smov.u32 s30  }
0x31: {  	s25 =	sshrl.u32 s29, $0x12;
	s29 =	sadd.s32 s31, s28  }
0x32: {  	s28 =	smul.u32 $0x6, s25;
	[tilespmem:s29+$0xF100] =	vst v0  }
0x33: {  	_ = 	snop  }
0x34: {  	s25 =	smul.u32 $0x180, s25;
	s24 =	ssub.s32 s26, s28  }
0x35: {  	s24 =	sand.u32 $0xFFFF, s24  }
0x36: {  	s25 =	sshrl.u32 s25, $0x2;
	s24 =	sshll.u32 s24, $0x4  }
0x37: {  	s24 =	sadd.s32 s24, s25  }
0x38: {  	[tilespmem:s24+$0xF100] =	vst v0  }
0x39: {  	[spmem:s8] =	stream.linear.scatter [tilespmem:s17], [sflag:$0x2], $0x3000, $0x38;
	[tilespmem:$0x12100] =	vst v63  }
0x3a: {  	_ =	swait.ge [sflag:s18], $0x3000  }
0x3b: {  	[sflag:s18] =	ssyncset.done $0x0  }
0x3c: {  	[sflag:s18] =	ssyncadd.s32 $0xFFFFD000  }
0x3d: {  	[spmem:s9] =	stream.linear.scatter [tilespmem:s17], [sflag:$0x2], $0x3000, $0x38;
	[tilespmem:$0x12100] =	vst v63  }
0x3e: {  	_ =	swait.ge [sflag:s18], $0x3000  }
0x3f: {  	[sflag:s18] =	ssyncset.done $0x0  }
0x40: {  	[sflag:s18] =	ssyncadd.s32 $0xFFFFD000  }
0x41: {  	[spmem:s10] =	stream.linear.scatter [tilespmem:s17], [sflag:$0x2], $0x3000, $0x38;
	[tilespmem:$0x12100] =	vst v63  }
0x42: {  	_ =	swait.ge [sflag:s18], $0x3000  }
0x43: {  	[sflag:s18] =	ssyncset.done $0x0  }
0x44: {  	[sflag:s18] =	ssyncadd.s32 $0xFFFFD000  }
0x45: {  	[spmem:s11] =	stream.linear.scatter [tilespmem:s17], [sflag:$0x2], $0x3000, $0x38;
	[tilespmem:$0x12100] =	vst v63  }
0x46: {  	_ =	swait.ge [sflag:s18], $0x3000  }
0x47: {  	[sflag:s18] =	ssyncset.done $0x0  }
0x48: {  	[sflag:s18] =	ssyncadd.s32 $0xFFFFD000  }
0x49: {  	[spmem:s12] =	stream.linear.scatter [tilespmem:s17], [sflag:$0x2], $0x3000, $0x38;
	[tilespmem:$0x12100] =	vst v63  }
.Ltmp3:
0x4a: {  	_ =	swait.ge [sflag:s18], $0x3000;
	(pc) =	sbr.rel @p0 .LBB2_7-.Ltmp3, $4  }
0x4b: {  	[sflag:s18] =	ssyncset.done $0x0  }
0x4c: {  	[sflag:s18] =	ssyncadd.s32 $0xFFFFD000  }
0x4d: {  	[bflag:$0x0] =	sbarrier.arrive $0xFFFF  }
0x4e: {  	s24 =	sadd.s32 $0x0, s16  }
0x4f: {  	[tilespmem:s19], [sflag:$0x2] =	stream.linear.gather [hbm4b:s24+s3], $0x80, $0x38;
	[tilespmem:$0x12100] =	vst v63  }
0x50: {  	_ =	swait.ge [sflag:s18], $0x80  }
0x51: {  	[sflag:s18] =	ssyncset.done $0x0  }
0x52: {  	s31 =	sadd.s32 $0x0, s15;
	[sflag:s18] =	ssyncadd.s32 $0xFFFFFF80  }
0x53: {  	[tilespmem:s20], [sflag:$0x2] =	stream.linear.gather [hbm4b:s31+s3], $0x80, $0x38;
	[tilespmem:$0x12100] =	vst v63  }
0x54: {  	_ =	swait.ge [sflag:s18], $0x80  }
0x55: {  	[sflag:s18] =	ssyncset.done $0x0  }
0x56: {  	[sflag:s18] =	ssyncadd.s32 $0xFFFFFF80  }
0x57: {  	[tilespmem:s17], [sflag:$0x1] =	stream.indirect.gather [hbm4b:s4+s21], $0x60, s19, s21, $0xb8;
	[tilespmem:$0x12100] =	vst v63  }
0x58: {  	_ =	swait.ge [sflag:s22], $0x3000  }
0x59: {  	[sflag:s22] =	ssyncset.done $0x0  }
0x5a: {  	[sflag:s22] =	ssyncadd.s32 $0xFFFFD000  }
0x5b: {  	[spmem:s1] =	stream.indirect.scatter.add.f32 [tilespmem:s17], [sflag:$0x2], $0x60, s20, s21, $0xb8;
	[tilespmem:$0x12100] =	vst v63  }
0x5c: {  	_ =	swait.ge [sflag:s18], $0x3000  }
0x5d: {  	s24 =	simm.s32 $0x10;
	s25 =	simm.s32 $0x20;
	[sflag:s18] =	ssyncset.done $0x0  }
.LBB2_5:
0x5e: {  	s26 =	sadd.s32 s24, s16  }
0x5f: {  	[sflag:s18] =	ssyncadd.s32 $0xFFFFD000;
	s28 =	smov.u32 s25;
	s29 =	sadd.s32 $0x10, s25  }
0x60: {  	[tilespmem:s19], [sflag:$0x2] =	stream.linear.gather [hbm4b:s26+s3], $0x80, $0x38;
	[tilespmem:$0x12100] =	vst v63  }
0x61: {  	p1 =	seq.s32 s25, $0x9D0;
	_ =	swait.ge [sflag:s18], $0x80  }
0x62: {  	[sflag:s18] =	ssyncset.done $0x0  }
0x63: {  	s25 =	sadd.s32 s24, s15;
	s24 =	smov.u32 s28;
	[sflag:s18] =	ssyncadd.s32 $0xFFFFFF80  }
0x64: {  	[tilespmem:s20], [sflag:$0x2] =	stream.linear.gather [hbm4b:s25+s3], $0x80, $0x38;
	[tilespmem:$0x12100] =	vst v63  }
0x65: {  	_ =	swait.ge [sflag:s18], $0x80  }
0x66: {  	[sflag:s18] =	ssyncset.done $0x0  }
0x67: {  	[sflag:s18] =	ssyncadd.s32 $0xFFFFFF80  }
0x68: {  	[tilespmem:s17], [sflag:$0x1] =	stream.indirect.gather [hbm4b:s4+s21], $0x60, s19, s21, $0xb8;
	[tilespmem:$0x12100] =	vst v63  }
0x69: {  	_ =	swait.ge [sflag:s22], $0x3000  }
.Ltmp4:
0x6a: {  	[sflag:s22] =	ssyncset.done $0x0;
	(pc) =	sbr.rel @!p1 .LBB2_5-.Ltmp4, $4  }
0x6b: {  	[sflag:s22] =	ssyncadd.s32 $0xFFFFD000  }
0x6c: {  	[spmem:s1] =	stream.indirect.scatter.add.f32 [tilespmem:s17], [sflag:$0x2], $0x60, s20, s21, $0xb8;
	[tilespmem:$0x12100] =	vst v63  }
0x6d: {  	_ =	swait.ge [sflag:s18], $0x3000  }
0x6e: {  	s25 =	smov.u32 s29;
	[sflag:s18] =	ssyncset.done $0x0  }
0x6f: {  	s25 =	sadd.s32 s24, s16;
	[sflag:s18] =	ssyncadd.s32 $0xFFFFD000  }
0x70: {  	[tilespmem:s19], [sflag:$0x2] =	stream.linear.gather [hbm4b:s25+s3], $0x80, $0x38;
	[tilespmem:$0x12100] =	vst v63  }
0x71: {  	_ =	swait.ge [sflag:s18], $0x80  }
0x72: {  	[sflag:s18] =	ssyncset.done $0x0  }
0x73: {  	s31 =	sadd.s32 s24, s15;
	[sflag:s18] =	ssyncadd.s32 $0xFFFFFF80  }
0x74: {  	[tilespmem:s20], [sflag:$0x2] =	stream.linear.gather [hbm4b:s31+s3], $0x80, $0x38;
	[tilespmem:$0x12100] =	vst v63  }
0x75: {  	_ =	swait.ge [sflag:s18], $0x80  }
0x76: {  	[sflag:s18] =	ssyncset.done $0x0  }
0x77: {  	[sflag:s18] =	ssyncadd.s32 $0xFFFFFF80  }
0x78: {  	[tilespmem:s17], [sflag:$0x1] =	stream.indirect.gather [hbm4b:s4+s21], $0x60, s19, s21, $0xb8;
	[tilespmem:$0x12100] =	vst v63  }
0x79: {  	_ =	swait.ge [sflag:s22], $0x3000  }
0x7a: {  	[sflag:s22] =	ssyncset.done $0x0  }
.Ltmp5:
0x7b: {  	[sflag:s22] =	ssyncadd.s32 $0xFFFFD000;
	(pc) =	sbr.rel .LBB2_10-.Ltmp5, $4  }
0x7c: {  	[spmem:s1] =	stream.indirect.scatter.add.f32 [tilespmem:s17], [sflag:$0x2], $0x60, s20, s21, $0xb8;
	[tilespmem:$0x12100] =	vst v63  }
0x7d: {  	_ =	swait.ge [sflag:s18], $0x3000  }
0x7e: {  	[sflag:s18] =	ssyncset.done $0x0  }
0x7f: {  	s24 =	smov.u32 s6;
	[sflag:s18] =	ssyncadd.s32 $0xFFFFD000  }
.LBB2_7:
0x80: {  	[tilespmem:s19], [sflag:$0x2] =	stream.linear.gather [hbm4b:s24+s3], $0x80, $0x38;
	[tilespmem:$0x12100] =	vst v63  }
0x81: {  	_ =	swait.ge [sflag:s18], $0x80  }
0x82: {  	[sflag:s18] =	ssyncset.done $0x0  }
0x83: {  	s31 =	sadd.s32 $0x0, s15;
	[sflag:s18] =	ssyncadd.s32 $0xFFFFFF80  }
0x84: {  	[tilespmem:s20], [sflag:$0x2] =	stream.linear.gather [hbm4b:s31+s3], $0x80, $0x38;
	[tilespmem:$0x12100] =	vst v63  }
0x85: {  	_ =	swait.ge [sflag:s18], $0x80  }
0x86: {  	[sflag:s18] =	ssyncset.done $0x0  }
0x87: {  	[sflag:s18] =	ssyncadd.s32 $0xFFFFFF80  }
0x88: {  	[tilespmem:s17], [sflag:$0x1] =	stream.indirect.gather [hbm4b:s5+s21], $0x60, s19, s21, $0xb8;
	[tilespmem:$0x12100] =	vst v63  }
0x89: {  	_ =	swait.ge [sflag:s22], $0x3000  }
0x8a: {  	[sflag:s22] =	ssyncset.done $0x0  }
0x8b: {  	[sflag:s22] =	ssyncadd.s32 $0xFFFFD000  }
0x8c: {  	[spmem:s1] =	stream.indirect.scatter.add.f32 [tilespmem:s17], [sflag:$0x2], $0x60, s20, s21, $0xb8;
	[tilespmem:$0x12100] =	vst v63  }
0x8d: {  	_ =	swait.ge [sflag:s18], $0x3000  }
0x8e: {  	s24 =	simm.s32 $0x10;
	s25 =	simm.s32 $0x20;
	[sflag:s18] =	ssyncset.done $0x0  }
.LBB2_8:
0x8f: {  	s26 =	sadd.s32 s24, s16  }
0x90: {  	[sflag:s18] =	ssyncadd.s32 $0xFFFFD000;
	s28 =	smov.u32 s25;
	s29 =	sadd.s32 $0x10, s25  }
0x91: {  	[tilespmem:s19], [sflag:$0x2] =	stream.linear.gather [hbm4b:s26+s3], $0x80, $0x38;
	[tilespmem:$0x12100] =	vst v63  }
0x92: {  	p1 =	sne.s32 s25, $0x9D0;
	_ =	swait.ge [sflag:s18], $0x80  }
0x93: {  	[sflag:s18] =	ssyncset.done $0x0  }
0x94: {  	s25 =	sadd.s32 s24, s15;
	s24 =	smov.u32 s28;
	[sflag:s18] =	ssyncadd.s32 $0xFFFFFF80  }
0x95: {  	[tilespmem:s20], [sflag:$0x2] =	stream.linear.gather [hbm4b:s25+s3], $0x80, $0x38;
	[tilespmem:$0x12100] =	vst v63  }
0x96: {  	_ =	swait.ge [sflag:s18], $0x80  }
0x97: {  	[sflag:s18] =	ssyncset.done $0x0  }
0x98: {  	[sflag:s18] =	ssyncadd.s32 $0xFFFFFF80  }
0x99: {  	[tilespmem:s17], [sflag:$0x1] =	stream.indirect.gather [hbm4b:s5+s21], $0x60, s19, s21, $0xb8;
	[tilespmem:$0x12100] =	vst v63  }
0x9a: {  	_ =	swait.ge [sflag:s22], $0x3000  }
.Ltmp6:
0x9b: {  	[sflag:s22] =	ssyncset.done $0x0;
	(pc) =	sbr.rel @p1 .LBB2_8-.Ltmp6, $4  }
0x9c: {  	[sflag:s22] =	ssyncadd.s32 $0xFFFFD000  }
0x9d: {  	[spmem:s1] =	stream.indirect.scatter.add.f32 [tilespmem:s17], [sflag:$0x2], $0x60, s20, s21, $0xb8;
	[tilespmem:$0x12100] =	vst v63  }
0x9e: {  	_ =	swait.ge [sflag:s18], $0x3000  }
0x9f: {  	s25 =	smov.u32 s29;
	[sflag:s18] =	ssyncset.done $0x0  }
.Ltmp7:
0xa0: {  	_ = 	snop;
	(pc) =	sbr.rel .LBB2_9-.Ltmp7, $1  }
0xa1: {  	_ =	sdelay $0x3  }
.LBB2_11:
0xa2: {  	_ =	sfence.sel $0x180000  }
0xa3: {  	[bflag:$0x0] =	sbarrier.arrive $0xFFFF  }
0xa4: {  	p0 =	sne.s32 s2, $0x0;
	_ =	strace $0x90000053  }
0xa5: {  	s0 =	sadd.s32 @!p0 $0x100000, s0;
	[bflag:$0x2] =	sbarrier.arrive $0xFFFF  }
0xa6: {  	[sflag:s0] =	ssyncadd.tile.s32 @!p0 $0x1;
	_ =	shalt  }
.Lfunc_end2:
_tile_overlayer_lowered:
.L_overlay_start_2:
0xa7: {  	(tag) =	ssettag $0x2  }
0xa8: {  	s0 =	rddreg [dreg:$0x0];
	s2 =	stileid.u32  }
0xa9: {  	s1 =	rddreg [dreg:$0x1];
	p0 =	sne.s32 s2, $0x0  }
0xaa: {  	s3 =	rddreg [dreg:$0x2];
	[bflag:$0x3] =	sbarrier.arrive $0xFFFF;
	s2 =	simm.s32 @!p0 $0x1C02  }
0xab: {  	[timem:s3], [sflag:s2] =	dma.local @!p0 [hbm:s0], s1  }
0xac: {  	s0 =	simm.s32 @!p0 $0x2  }
0xad: {  	_ =	swait.ge @!p0 [sflag:s0], s1  }
0xae: {  	s1 =	ssub.s32 @!p0 $0x0, s1;
	[sflag:s0] =	ssyncset.done @!p0 $0x0  }
0xaf: {  	[sflag:s0] =	ssyncadd.s32 @!p0 s1  }
0xb0: {  	[bflag:$0x3] =	sbarrier.arrive $0xFFFF  }
0xb1: {  	_ =	shalt  }

// kernel: kernel.26.cloned.1.call-start
scs
__scs_entry_jumppad:
0x0: {  	(pc) =	sbr.rel $0x88, $3  }
0x1: {  	(tag) =	ssettag $0x0;
	lr =	simm.s32 $0x1  }
0x2: {  	[smem:$0x3F97] =	sst lr;
	_ =	strace $0xD0000000  }
0x3: {  	_ = 	snop  }
0x4: {  	_ = 	snop  }
0x5: {  	_ = 	snop  }
0x6: {  	_ = 	snop  }
0x7: {  	_ = 	snop  }
__scs_overlays_trampoline_lowered:
0x8: {  	[smem:$0x3FA6] =	sst s0  }
0x9: {  	[smem:$0x3FA7] =	sst s1  }
0xa: {  	[smem:$0x3FA8] =	sst s2  }
0xb: {  	[smem:$0x3FA9] =	sst s3  }
0xc: {  	[smem:$0x3FAA] =	sst s4  }
0xd: {  	[smem:$0x3FAB] =	sst s5  }
0xe: {  	[smem:$0x3FAC] =	sst s6  }
0xf: {  	[smem:$0x3FAD] =	sst s7  }
0x10: {  	[smem:$0x3FAE] =	sst s8  }
0x11: {  	[smem:$0x3FAF] =	sst s9;
	s0 =	simm.s32 @!p0 $0x0  }
0x12: {  	s1 =	sld [smem:$0x3F95];
	s0 =	simm.s32 @p0 $0x1  }
0x13: {  	[smem:$0x3FB0] =	sst s0;
	s0 =	simm.s32 @!p1 $0x0  }
0x14: {  	s2 =	sld [smem:$0x3F94];
	s0 =	simm.s32 @p1 $0x1  }
0x15: {  	[smem:$0x3FB1] =	sst s0;
	s0 =	simm.s32 @!p2 $0x0  }
0x16: {  	s3 =	sld [smem:$0x3FDB];
	s0 =	simm.s32 @p2 $0x1  }
0x17: {  	s4 =	simm.s32 $0x1BF5;
	[smem:$0x3FB3] =	sst s0  }
0x18: {  	s0 =	sld [smem:$0x3F96];
	_ =	swait.ge [sflag:s4], $0x0  }
0x19: {  	s7 =	sld [smem:$0x3F97]  }
0x1a: {  	s8 =	sadd.s32 $0xFFFFE003, lr  }
0x1b: {  	s9 =	sadd.s32 $0xFFFFFEF7, lr;
	s5 =	simm.s32 $0xFFFFFFFF;
	p2 =	slt.u32 s8, $0xFFFFF086  }
0x1c: {  	p1 =	slt.u32 s9, $0xF7A;
	s5 =	simm.s32 @!p2 $0x0  }
0x1d: {  	s5 =	simm.s32 @p1 $0x1;
	p0 =	seq.s32 s7, s2  }
0x1e: {  	s7 =	smul.u32 @!p0 $0xF7A, s2;
	p2 =	seq.s32 @!p0 s5, $0x0  }
0x1f: {  	s9 =	smul.u32 $0xF7A, s1;
	s8 =	simm.s32 @!p0 $0x1BF5;
	p2 =	por !p2, p0  }
0x20: {  	[sflag:s8] =	ssyncset.s32 @!p0 $0xFFFFF086;
	s6 =	sadd.s32 @!p0 s3, s7;
	s7 =	simm.s32 @!p0 $0x108  }
0x21: {  	s3 =	sadd.s32 s3, s9;
	s6 =	sadd.s32 @!p0 $0x88, s6;
	s7 =	simm.s32 @p2 $0x1082  }
0x22: {  	[simem:s7], [sflag:s8] =	dma.local @!p0 [hbm:s6], $0xF7A  }
0x23: {  	s9 =	sor.u32 $0xD0000000, s2;
	s6 =	simm.s32 $0x108;
	_ =	swait.ge @!p0 [sflag:s8], $0x0  }
0x24: {  	s3 =	sadd.s32 $0x88, s3;
	s6 =	simm.s32 @!p1 $0x1082;
	[sflag:s4] =	ssyncset.s32 $0xFFFFF086  }
0x25: {  	[simem:s6], [sflag:s4] =	dma.local [hbm:s3], $0xF7A  }
0x26: {  	[smem:$0x3F97] =	sst s1;
	(tag) =	ssettag s2;
	_ =	strace s9  }
0x27: {  	s1 =	sld [smem:$0x3FA7]  }
0x28: {  	s2 =	sld [smem:$0x3FA8]  }
0x29: {  	s4 =	sld [smem:$0x3FAA]  }
0x2a: {  	p0 =	seq.s32 s5, $0x0;
	s5 =	sld [smem:$0x3FAB]  }
0x2b: {  	s6 =	sld [smem:$0x3FAC]  }
0x2c: {  	s7 =	sld [smem:$0x3FAD]  }
0x2d: {  	s3 =	simm.s32 $0x108;
	s8 =	sld [smem:$0x3FAE]  }
0x2e: {  	s3 =	simm.s32 @!p0 $0x1082;
	s9 =	sld [smem:$0x3FAF]  }
0x2f: {  	lr =	sadd.s32 s0, s3;
	s0 =	sld [smem:$0x3FA6]  }
0x30: {  	s3 =	sld [smem:$0x3FA9]  }
0x31: {  	[smem:$0x3FB2] =	sst s10  }
0x32: {  	s10 =	sld [smem:$0x3FB0];
	_ =	sdelay $0x3  }
0x33: {  	p0 =	seq.s32 s10, $0x1;
	s10 =	sld [smem:$0x3FB2];
	_ =	sdelay $0x3  }
0x34: {  	[smem:$0x3FB2] =	sst s10  }
0x35: {  	s10 =	sld [smem:$0x3FB1];
	_ =	sdelay $0x3  }
0x36: {  	p1 =	seq.s32 s10, $0x1;
	s10 =	sld [smem:$0x3FB2];
	_ =	sdelay $0x3  }
0x37: {  	[smem:$0x3FB2] =	sst s10  }
0x38: {  	s10 =	sld [smem:$0x3FB3]  }
0x39: {  	_ = 	snop;
	(pc) =	sbr.ind lr, $3  }
0x3a: {  	_ = 	snop  }
0x3b: {  	_ = 	snop  }
0x3c: {  	p2 =	seq.s32 s10, $0x1;
	s10 =	sld [smem:$0x3FB2]  }
0x3d: {  	_ =	shalt  }
0x3e: {  	_ =	shalt  }
0x3f: {  	_ =	shalt  }
0x40: {  	_ =	shalt  }
0x41: {  	_ =	shalt  }
0x42: {  	_ =	shalt  }
0x43: {  	_ =	shalt  }
0x44: {  	_ =	shalt  }
0x45: {  	_ =	shalt  }
0x46: {  	_ =	shalt  }
0x47: {  	_ =	shalt  }
0x48: {  	_ =	shalt  }
0x49: {  	_ =	shalt  }
0x4a: {  	_ =	shalt  }
0x4b: {  	_ =	shalt  }
0x4c: {  	_ =	shalt  }
0x4d: {  	_ =	shalt  }
0x4e: {  	_ =	shalt  }
0x4f: {  	_ =	shalt  }
0x50: {  	_ =	shalt  }
0x51: {  	_ =	shalt  }
0x52: {  	_ =	shalt  }
0x53: {  	_ =	shalt  }
0x54: {  	_ =	shalt  }
0x55: {  	_ =	shalt  }
0x56: {  	_ =	shalt  }
0x57: {  	_ =	shalt  }
0x58: {  	_ =	shalt  }
0x59: {  	_ =	shalt  }
0x5a: {  	_ =	shalt  }
0x5b: {  	_ =	shalt  }
0x5c: {  	_ =	shalt  }
0x5d: {  	_ =	shalt  }
0x5e: {  	_ =	shalt  }
0x5f: {  	_ =	shalt  }
0x60: {  	_ =	shalt  }
0x61: {  	_ =	shalt  }
0x62: {  	_ =	shalt  }
0x63: {  	_ =	shalt  }
0x64: {  	_ =	shalt  }
0x65: {  	_ =	shalt  }
0x66: {  	_ =	shalt  }
0x67: {  	_ =	shalt  }
0x68: {  	_ =	shalt  }
0x69: {  	_ =	shalt  }
0x6a: {  	_ =	shalt  }
0x6b: {  	_ =	shalt  }
0x6c: {  	_ =	shalt  }
0x6d: {  	_ =	shalt  }
0x6e: {  	_ =	shalt  }
0x6f: {  	_ =	shalt  }
0x70: {  	_ =	shalt  }
0x71: {  	_ =	shalt  }
0x72: {  	_ =	shalt  }
0x73: {  	_ =	shalt  }
0x74: {  	_ =	shalt  }
0x75: {  	_ =	shalt  }
0x76: {  	_ =	shalt  }
0x77: {  	_ =	shalt  }
0x78: {  	_ =	shalt  }
0x79: {  	_ =	shalt  }
0x7a: {  	_ =	shalt  }
0x7b: {  	_ =	shalt  }
0x7c: {  	_ =	shalt  }
0x7d: {  	_ =	shalt  }
0x7e: {  	_ =	shalt  }
0x7f: {  	_ =	shalt  }
0x80: {  	_ =	shalt  }
0x81: {  	_ =	shalt  }
0x82: {  	_ =	shalt  }
0x83: {  	_ =	shalt  }
0x84: {  	_ =	shalt  }
0x85: {  	_ =	shalt  }
0x86: {  	_ =	shalt  }
0x87: {  	_ =	shalt  }
.Lfunc_end0:
.L_simem_size_0:
called_computation.4_lowered:
.L_overlay_start_0:
0x88: {  	s2 =	sld [smem:$0x3FD9]  }
0x89: {  	s3 =	sld [smem:$0x3FFE];
	_ =	sdelay $0x1  }
0x8a: {  	s1 =	srdreg.scid  }
0x8b: {  	s0 =	sand.u32 $0x1, s1  }
0x8c: {  	s17 =	sshll.u32 s0, $0xA;
	s2 =	sadd.s32 s3, s2  }
0x8d: {  	s2 =	sadd.s32 s2, s17  }
0x8e: {  	[smem:$0x3FBE] =	sst s2  }
0x8f: {  	_ = 	snop  }
0x90: {  	s2 =	sld [smem:$0x3FD0];
	(tm) =	ssettm $0x1  }
0x91: {  	s18 =	sld [smem:$0x3FFB];
	_ =	sdelay $0x3  }
0x92: {  	_ =	strace s18  }
0x93: {  	s3 =	sld [smem:$0x3FFC];
	_ =	sdelay $0x3  }
0x94: {  	_ =	strace s3  }
0x95: {  	s3 =	sld [smem:$0x3FFD];
	_ =	sdelay $0x3  }
0x96: {  	_ =	strace s3  }
0x97: {  	_ =	strace $0x8FFFFFFF  }
0x98: {  	s19 =	sld [smem:$0x3FDB];
	_ =	sdelay $0x1  }
0x99: {  	s4 =	simm.s32 $_scs_section_size  }
0x9a: {  	s5 =	simm.s32 $_size__tile_overlayer_lowered;
	s6 =	simm.s32 $_tile_overlayer_lowered  }
0x9b: {  	s22 =	simm.s32 $0x1BFF;
	s21 =	sshll.u32 s6, $0x1;
	s3 =	sadd.s32 s4, s19  }
0x9c: {  	s7 =	simm.s32 $0x0;
	s20 =	sshll.u32 s5, $0x1;
	s5 =	sadd.s32 s21, s3  }
0x9d: {  	[timem:s7], [sflag:s22] =	dma.local [hbm:s5], s20  }
0x9e: {  	_ =	swait.ge [sflag:s22], s20  }
0x9f: {  	s4 =	ssub.s32 $0x0, s20;
	[sflag:s22] =	ssyncset.done $0x0  }
0xa0: {  	[sflag:s22] =	ssyncadd.s32 s4;
	_ =	sdelay $0x1  }
0xa1: {  	s23 =	simm.s32 $0x1B8B  }
0xa2: {  	_ =	swait.ge [sflag:s23], $0x1  }
0xa3: {  	[sflag:s23] =	ssyncset.done $0x0  }
0xa4: {  	s25 =	simm.s32 $0x1B8E;
	s24 =	sld [smem:$0x3FFE];
	[sflag:s23] =	ssyncadd.s32 $0xFFFFFFFF  }
0xa5: {  	s26 =	simm.s32 $execute0_lowered;
	[smem:$0x3FD2] =	sst s25  }
0xa6: {  	s5 =	sshll.u32 s26, $0x1;
	_ =	strace $0x8000004F;
	[dreg:$0x1] =	wrdreg $0xFFFFFFFF  }
0xa7: {  	s28 =	simm.s32 $_size_execute0_lowered;
	s3 =	sadd.s32 s3, s5;
	[dreg:$0x0] =	wrdreg $0x0  }
0xa8: {  	s5 =	sshll.u32 s28, $0x1;
	[dreg:$0x2] =	wrdreg s3  }
0xa9: {  	[dreg:$0x3] =	wrdreg s5  }
0xaa: {  	[dreg:$0x4] =	wrdreg $0xC0  }
0xab: {  	_ =	task [dreg:s7], $0x5FFFF  }
0xac: {  	[dreg:$0x1] =	wrdreg $0xFFFFFFFF  }
0xad: {  	[dreg:$0x0] =	wrdreg $0x60  }
0xae: {  	[dreg:$0x2] =	wrdreg s24  }
0xaf: {  	[dreg:$0x3] =	wrdreg s2  }
0xb0: {  	[dreg:$0x4] =	wrdreg $0x0  }
0xb1: {  	[dreg:$0x5] =	wrdreg $0xA  }
0xb2: {  	_ =	task.clear_ibuf [dreg:s7], $0x6FFFF;
	_ =	strace $0x9000004F  }
0xb3: {  	s29 =	simm.s32 $0xA;
	_ =	strace $0x80000051  }
0xb4: {  	_ =	swait.ge [sflag:s29], $0x1  }
0xb5: {  	[sflag:s29] =	ssyncadd.s32 $0xFFFFFFFF  }
0xb6: {  	_ =	strace $0x90000051  }
0xb7: {  	_ =	sfence  }
0xb8: {  	s30 =	sld [smem:$0x0];
	_ =	sdelay $0x2  }
0xb9: {  	s31 =	sshll.u32 s1, $0xD;
	s1 =	sshrl.u32 s1, $0x2  }
0xba: {  	s3 =	sand.u32 $0x4000, s31;
	s1 =	sadd.s32 s1, s30  }
0xbb: {  	s0 =	sor.u32 s3, s0;
	s1 =	sshll.u32 s1, $0x11  }
0xbc: {  	s0 =	sor.u32 s1, s0  }
0xbd: {  	s0 =	sadd.s32 $0x8F2B, s0  }
0xbe: {  	[sflag:s0] =	ssyncadd.remote.s32 $0x1  }
0xbf: {  	_ =	sfence.sel $0xFFFF  }
0xc0: {  	[dreg:$0x0] =	wrdreg $0xFFFFFFFF;
	(pc) =	sbr.abs _section_cstart, $3  }
0xc1: {  	[dreg:$0x1] =	wrdreg $0xFFFFFFFF  }
0xc2: {  	_ =	task.clear_ibuf [dreg:s7], $0x2FFFF;
	_ =	strace $0x9FFFFFFF  }
0xc3: {  	(tm) =	ssettm $0x7FFFFFFF  }
tec
execute0_lowered:
.L_overlay_start_1:
0x0: {  	(tag) =	ssettag $0x1  }
0x1: {  	s7 =	rddreg [dreg:$0x0]  }
0x2: {  	s15 =	rddreg [dreg:$0x1]  }
0x3: {  	s2 =	rddreg [dreg:$0x2]  }
0x4: {  	s0 =	rddreg [dreg:$0x3];
	s3 =	simm.s32 $0x0  }
0x5: {  	s1 =	stileid.u32;
	s8 =	srdreg.scid;
	s19 =	simm.s32 $0xF000  }
0x6: {  	s20 =	simm.s32 $0xF080;
	s21 =	simm.s32 $0x80;
	s22 =	simm.s32 $0x1  }
0x7: {  	s23 =	simm.s32 $0x0;
	[smem:$0x7FF] =	sst s3;
	s16 =	smul.u32 $0x9E0, s1  }
0x8: {  	s4 =	sadd.s32 $0x37400, s7;
	s5 =	sadd.s32 $0x19E00, s7;
	s9 =	smul.u32 $0x3C000, s1  }
0x9: {  	s6 =	sadd.s32 $0x124400, s7;
	s18 =	sand.u32 $0x1, s8;
	s13 =	smul.u32 $0xF000, s1  }
0xa: {  	_ =	strace $0x80000050;
	s8 =	ssub.s32 $0x2, s18;
	p0 =	sne.s32 s18, $0x0  }
0xb: {  	s18 =	simm.s32 $0x2;
	s17 =	sadd.s32 s16, s7;
	s9 =	sshrl.u32 s9, $0x2  }
.Ltmp0:
0xc: {  	s7 =	sadd.s32 $0x106400, s7;
	s10 =	sshrl.u32 s8, $0x1;
	(pc) =	sbr.rel .LBB2_1-.Ltmp0, $4  }
0xd: {  	s15 =	sadd.s32 s16, s15;
	s12 =	sadd.s32 s9, s2;
	s14 =	ssub.s32 s8, s10  }
0xe: {  	s8 =	sadd.s32 s13, s2;
	s13 =	sshrl.u32 s13, $0x3;
	s16 =	sadd.s32 $0x10000, s17  }
0xf: {  	s17 =	simm.s32 $0xF100;
	s9 =	sadd.s32 $0x3000, s12;
	s10 =	sadd.s32 $0x6000, s12  }
0x10: {  	v0 =	vimm.f32 $0.0e+00;
	s11 =	sadd.s32 $0x9000, s12;
	s12 =	sadd.s32 $0xC000, s12;
	s14 =	smax.u32 s14, $0x1  }
.LBB2_9:
0x11: {  	s25 =	sadd.s32 s24, s16;
	[sflag:s18] =	ssyncadd.s32 $0xFFFFD000  }
0x12: {  	[tilespmem:s19], [sflag:$0x2] =	stream.linear.gather [hbm4b:s25+s3], $0x80, $0x38;
	[tilespmem:$0x12100] =	vst v63  }
0x13: {  	_ =	swait.ge [sflag:s18], $0x80  }
0x14: {  	[sflag:s18] =	ssyncset.done $0x0  }
0x15: {  	s31 =	sadd.s32 s24, s15;
	[sflag:s18] =	ssyncadd.s32 $0xFFFFFF80  }
0x16: {  	[tilespmem:s20], [sflag:$0x2] =	stream.linear.gather [hbm4b:s31+s3], $0x80, $0x38;
	[tilespmem:$0x12100] =	vst v63  }
0x17: {  	_ =	swait.ge [sflag:s18], $0x80  }
0x18: {  	[sflag:s18] =	ssyncset.done $0x0  }
0x19: {  	[sflag:s18] =	ssyncadd.s32 $0xFFFFFF80  }
0x1a: {  	[tilespmem:s17], [sflag:$0x1] =	stream.indirect.gather [hbm4b:s5+s21], $0x60, s19, s21, $0xb8;
	[tilespmem:$0x12100] =	vst v63  }
0x1b: {  	_ =	swait.ge [sflag:s22], $0x3000  }
0x1c: {  	[sflag:s22] =	ssyncset.done $0x0  }
0x1d: {  	[sflag:s22] =	ssyncadd.s32 $0xFFFFD000  }
0x1e: {  	[spmem:s2] =	stream.indirect.scatter.add.f32 [tilespmem:s17], [sflag:$0x2], $0x60, s20, s21, $0xb8;
	[tilespmem:$0x12100] =	vst v63  }
0x1f: {  	_ =	swait.ge [sflag:s18], $0x3000  }
0x20: {  	[sflag:s18] =	ssyncset.done $0x0  }
0x21: {  	s24 =	smov.u32 s7;
	[sflag:s18] =	ssyncadd.s32 $0xFFFFD000  }
.LBB2_10:
0x22: {  	s24 =	sadd.s32 s24, s13;
	s23 =	sadd.s32 $0x1, s23  }
0x23: {  	s25 =	sshll.u32 s1, $0x6;
	[bflag:$0x0] =	sbarrier.arrive $0xFFFF;
	p1 =	sne.s32 s23, s14  }
.Ltmp1:
0x24: {  	s26 =	sshrl.u32 s8, $0x3;
	s25 =	sor.u32 $0x1C02, s25;
	(pc) =	sbr.rel @!p1 .LBB2_11-.Ltmp1, $4  }
0x25: {  	[hbm:s24], [sflag:s25] =	dma.local [spmem:s26], $0x1E00  }
0x26: {  	_ =	swait.ge [sflag:s18], $0x1E00  }
0x27: {  	[sflag:s18] =	ssyncset.done $0x0  }
0x28: {  	[sflag:s18] =	ssyncadd.s32 $0xFFFFE200  }
.LBB2_1:
0x29: {  	s24 =	smul.u32 $0xAAAB, s3;
	_ =	sdelay $0x1  }
0x2a: {  	s25 =	sshrl.u32 s24, $0x12  }
0x2b: {  	s26 =	simm.s32 $0x0;
	s24 =	simm.s32 $0x1;
	s28 =	smul.u32 $0x6, s25  }
.LBB2_2:
0x2c: {  	s29 =	smul.u32 $0xAAAB, s24  }
0x2d: {  	s30 =	smov.u32 s24;
	s25 =	smul.u32 $0x180, s25;
	p1 =	sne.s32 s24, $0x2FF  }
.Ltmp2:
0x2e: {  	s26 =	ssub.s32 s26, s28;
	(pc) =	sbr.rel @p1 .LBB2_2-.Ltmp2, $4  }
0x2f: {  	s24 =	sadd.s32 $0x1, s24;
	s26 =	sand.u32 $0xFFFF, s26  }
0x30: {  	s28 =	sshrl.u32 s25, $0x2;
	s31 =	sshll.u32 s26, $0x4;
	s26 =	smov.u32 s30  }
0x31: {  	s25 =	sshrl.u32 s29, $0x12;
	s29 =	sadd.s32 s31, s28  }
0x32: {  	s28 =	smul.u32 $0x6, s25;
	[tilespmem:s29+$0xF100] =	vst v0  }
0x33: {  	_ = 	snop  }
0x34: {  	s25 =	smul.u32 $0x180, s25;
	s24 =	ssub.s32 s26, s28  }
0x35: {  	s24 =	sand.u32 $0xFFFF, s24  }
0x36: {  	s25 =	sshrl.u32 s25, $0x2;
	s24 =	sshll.u32 s24, $0x4  }
0x37: {  	s24 =	sadd.s32 s24, s25  }
0x38: {  	[tilespmem:s24+$0xF100] =	vst v0  }
0x39: {  	[spmem:s8] =	stream.linear.scatter [tilespmem:s17], [sflag:$0x2], $0x3000, $0x38;
	[tilespmem:$0x12100] =	vst v63  }
0x3a: {  	_ =	swait.ge [sflag:s18], $0x3000  }
0x3b: {  	[sflag:s18] =	ssyncset.done $0x0  }
0x3c: {  	[sflag:s18] =	ssyncadd.s32 $0xFFFFD000  }
0x3d: {  	[spmem:s9] =	stream.linear.scatter [tilespmem:s17], [sflag:$0x2], $0x3000, $0x38;
	[tilespmem:$0x12100] =	vst v63  }
0x3e: {  	_ =	swait.ge [sflag:s18], $0x3000  }
0x3f: {  	[sflag:s18] =	ssyncset.done $0x0  }
0x40: {  	[sflag:s18] =	ssyncadd.s32 $0xFFFFD000  }
0x41: {  	[spmem:s10] =	stream.linear.scatter [tilespmem:s17], [sflag:$0x2], $0x3000, $0x38;
	[tilespmem:$0x12100] =	vst v63  }
0x42: {  	_ =	swait.ge [sflag:s18], $0x3000  }
0x43: {  	[sflag:s18] =	ssyncset.done $0x0  }
0x44: {  	[sflag:s18] =	ssyncadd.s32 $0xFFFFD000  }
0x45: {  	[spmem:s11] =	stream.linear.scatter [tilespmem:s17], [sflag:$0x2], $0x3000, $0x38;
	[tilespmem:$0x12100] =	vst v63  }
0x46: {  	_ =	swait.ge [sflag:s18], $0x3000  }
0x47: {  	[sflag:s18] =	ssyncset.done $0x0  }
0x48: {  	[sflag:s18] =	ssyncadd.s32 $0xFFFFD000  }
0x49: {  	[spmem:s12] =	stream.linear.scatter [tilespmem:s17], [sflag:$0x2], $0x3000, $0x38;
	[tilespmem:$0x12100] =	vst v63  }
.Ltmp3:
0x4a: {  	_ =	swait.ge [sflag:s18], $0x3000;
	(pc) =	sbr.rel @p0 .LBB2_7-.Ltmp3, $4  }
0x4b: {  	[sflag:s18] =	ssyncset.done $0x0  }
0x4c: {  	[sflag:s18] =	ssyncadd.s32 $0xFFFFD000  }
0x4d: {  	[bflag:$0x0] =	sbarrier.arrive $0xFFFF  }
0x4e: {  	s24 =	sadd.s32 $0x0, s16  }
0x4f: {  	[tilespmem:s19], [sflag:$0x2] =	stream.linear.gather [hbm4b:s24+s3], $0x80, $0x38;
	[tilespmem:$0x12100] =	vst v63  }
0x50: {  	_ =	swait.ge [sflag:s18], $0x80  }
0x51: {  	[sflag:s18] =	ssyncset.done $0x0  }
0x52: {  	s31 =	sadd.s32 $0x0, s15;
	[sflag:s18] =	ssyncadd.s32 $0xFFFFFF80  }
0x53: {  	[tilespmem:s20], [sflag:$0x2] =	stream.linear.gather [hbm4b:s31+s3], $0x80, $0x38;
	[tilespmem:$0x12100] =	vst v63  }
0x54: {  	_ =	swait.ge [sflag:s18], $0x80  }
0x55: {  	[sflag:s18] =	ssyncset.done $0x0  }
0x56: {  	[sflag:s18] =	ssyncadd.s32 $0xFFFFFF80  }
0x57: {  	[tilespmem:s17], [sflag:$0x1] =	stream.indirect.gather [hbm4b:s4+s21], $0x60, s19, s21, $0xb8;
	[tilespmem:$0x12100] =	vst v63  }
0x58: {  	_ =	swait.ge [sflag:s22], $0x3000  }
0x59: {  	[sflag:s22] =	ssyncset.done $0x0  }
0x5a: {  	[sflag:s22] =	ssyncadd.s32 $0xFFFFD000  }
0x5b: {  	[spmem:s2] =	stream.indirect.scatter.add.f32 [tilespmem:s17], [sflag:$0x2], $0x60, s20, s21, $0xb8;
	[tilespmem:$0x12100] =	vst v63  }
0x5c: {  	_ =	swait.ge [sflag:s18], $0x3000  }
0x5d: {  	s24 =	simm.s32 $0x10;
	s25 =	simm.s32 $0x20;
	[sflag:s18] =	ssyncset.done $0x0  }
.LBB2_5:
0x5e: {  	s26 =	sadd.s32 s24, s16  }
0x5f: {  	[sflag:s18] =	ssyncadd.s32 $0xFFFFD000;
	s28 =	smov.u32 s25;
	s29 =	sadd.s32 $0x10, s25  }
0x60: {  	[tilespmem:s19], [sflag:$0x2] =	stream.linear.gather [hbm4b:s26+s3], $0x80, $0x38;
	[tilespmem:$0x12100] =	vst v63  }
0x61: {  	p1 =	seq.s32 s25, $0x9D0;
	_ =	swait.ge [sflag:s18], $0x80  }
0x62: {  	[sflag:s18] =	ssyncset.done $0x0  }
0x63: {  	s25 =	sadd.s32 s24, s15;
	s24 =	smov.u32 s28;
	[sflag:s18] =	ssyncadd.s32 $0xFFFFFF80  }
0x64: {  	[tilespmem:s20], [sflag:$0x2] =	stream.linear.gather [hbm4b:s25+s3], $0x80, $0x38;
	[tilespmem:$0x12100] =	vst v63  }
0x65: {  	_ =	swait.ge [sflag:s18], $0x80  }
0x66: {  	[sflag:s18] =	ssyncset.done $0x0  }
0x67: {  	[sflag:s18] =	ssyncadd.s32 $0xFFFFFF80  }
0x68: {  	[tilespmem:s17], [sflag:$0x1] =	stream.indirect.gather [hbm4b:s4+s21], $0x60, s19, s21, $0xb8;
	[tilespmem:$0x12100] =	vst v63  }
0x69: {  	_ =	swait.ge [sflag:s22], $0x3000  }
.Ltmp4:
0x6a: {  	[sflag:s22] =	ssyncset.done $0x0;
	(pc) =	sbr.rel @!p1 .LBB2_5-.Ltmp4, $4  }
0x6b: {  	[sflag:s22] =	ssyncadd.s32 $0xFFFFD000  }
0x6c: {  	[spmem:s2] =	stream.indirect.scatter.add.f32 [tilespmem:s17], [sflag:$0x2], $0x60, s20, s21, $0xb8;
	[tilespmem:$0x12100] =	vst v63  }
0x6d: {  	_ =	swait.ge [sflag:s18], $0x3000  }
0x6e: {  	s25 =	smov.u32 s29;
	[sflag:s18] =	ssyncset.done $0x0  }
0x6f: {  	s25 =	sadd.s32 s24, s16;
	[sflag:s18] =	ssyncadd.s32 $0xFFFFD000  }
0x70: {  	[tilespmem:s19], [sflag:$0x2] =	stream.linear.gather [hbm4b:s25+s3], $0x80, $0x38;
	[tilespmem:$0x12100] =	vst v63  }
0x71: {  	_ =	swait.ge [sflag:s18], $0x80  }
0x72: {  	[sflag:s18] =	ssyncset.done $0x0  }
0x73: {  	s31 =	sadd.s32 s24, s15;
	[sflag:s18] =	ssyncadd.s32 $0xFFFFFF80  }
0x74: {  	[tilespmem:s20], [sflag:$0x2] =	stream.linear.gather [hbm4b:s31+s3], $0x80, $0x38;
	[tilespmem:$0x12100] =	vst v63  }
0x75: {  	_ =	swait.ge [sflag:s18], $0x80  }
0x76: {  	[sflag:s18] =	ssyncset.done $0x0  }
0x77: {  	[sflag:s18] =	ssyncadd.s32 $0xFFFFFF80  }
0x78: {  	[tilespmem:s17], [sflag:$0x1] =	stream.indirect.gather [hbm4b:s4+s21], $0x60, s19, s21, $0xb8;
	[tilespmem:$0x12100] =	vst v63  }
0x79: {  	_ =	swait.ge [sflag:s22], $0x3000  }
0x7a: {  	[sflag:s22] =	ssyncset.done $0x0  }
.Ltmp5:
0x7b: {  	[sflag:s22] =	ssyncadd.s32 $0xFFFFD000;
	(pc) =	sbr.rel .LBB2_10-.Ltmp5, $4  }
0x7c: {  	[spmem:s2] =	stream.indirect.scatter.add.f32 [tilespmem:s17], [sflag:$0x2], $0x60, s20, s21, $0xb8;
	[tilespmem:$0x12100] =	vst v63  }
0x7d: {  	_ =	swait.ge [sflag:s18], $0x3000  }
0x7e: {  	[sflag:s18] =	ssyncset.done $0x0  }
0x7f: {  	s24 =	smov.u32 s6;
	[sflag:s18] =	ssyncadd.s32 $0xFFFFD000  }
.LBB2_7:
0x80: {  	[tilespmem:s19], [sflag:$0x2] =	stream.linear.gather [hbm4b:s24+s3], $0x80, $0x38;
	[tilespmem:$0x12100] =	vst v63  }
0x81: {  	_ =	swait.ge [sflag:s18], $0x80  }
0x82: {  	[sflag:s18] =	ssyncset.done $0x0  }
0x83: {  	s31 =	sadd.s32 $0x0, s15;
	[sflag:s18] =	ssyncadd.s32 $0xFFFFFF80  }
0x84: {  	[tilespmem:s20], [sflag:$0x2] =	stream.linear.gather [hbm4b:s31+s3], $0x80, $0x38;
	[tilespmem:$0x12100] =	vst v63  }
0x85: {  	_ =	swait.ge [sflag:s18], $0x80  }
0x86: {  	[sflag:s18] =	ssyncset.done $0x0  }
0x87: {  	[sflag:s18] =	ssyncadd.s32 $0xFFFFFF80  }
0x88: {  	[tilespmem:s17], [sflag:$0x1] =	stream.indirect.gather [hbm4b:s5+s21], $0x60, s19, s21, $0xb8;
	[tilespmem:$0x12100] =	vst v63  }
0x89: {  	_ =	swait.ge [sflag:s22], $0x3000  }
0x8a: {  	[sflag:s22] =	ssyncset.done $0x0  }
0x8b: {  	[sflag:s22] =	ssyncadd.s32 $0xFFFFD000  }
0x8c: {  	[spmem:s2] =	stream.indirect.scatter.add.f32 [tilespmem:s17], [sflag:$0x2], $0x60, s20, s21, $0xb8;
	[tilespmem:$0x12100] =	vst v63  }
0x8d: {  	_ =	swait.ge [sflag:s18], $0x3000  }
0x8e: {  	s24 =	simm.s32 $0x10;
	s25 =	simm.s32 $0x20;
	[sflag:s18] =	ssyncset.done $0x0  }
.LBB2_8:
0x8f: {  	s26 =	sadd.s32 s24, s16  }
0x90: {  	[sflag:s18] =	ssyncadd.s32 $0xFFFFD000;
	s28 =	smov.u32 s25;
	s29 =	sadd.s32 $0x10, s25  }
0x91: {  	[tilespmem:s19], [sflag:$0x2] =	stream.linear.gather [hbm4b:s26+s3], $0x80, $0x38;
	[tilespmem:$0x12100] =	vst v63  }
0x92: {  	p1 =	sne.s32 s25, $0x9D0;
	_ =	swait.ge [sflag:s18], $0x80  }
0x93: {  	[sflag:s18] =	ssyncset.done $0x0  }
0x94: {  	s25 =	sadd.s32 s24, s15;
	s24 =	smov.u32 s28;
	[sflag:s18] =	ssyncadd.s32 $0xFFFFFF80  }
0x95: {  	[tilespmem:s20], [sflag:$0x2] =	stream.linear.gather [hbm4b:s25+s3], $0x80, $0x38;
	[tilespmem:$0x12100] =	vst v63  }
0x96: {  	_ =	swait.ge [sflag:s18], $0x80  }
0x97: {  	[sflag:s18] =	ssyncset.done $0x0  }
0x98: {  	[sflag:s18] =	ssyncadd.s32 $0xFFFFFF80  }
0x99: {  	[tilespmem:s17], [sflag:$0x1] =	stream.indirect.gather [hbm4b:s5+s21], $0x60, s19, s21, $0xb8;
	[tilespmem:$0x12100] =	vst v63  }
0x9a: {  	_ =	swait.ge [sflag:s22], $0x3000  }
.Ltmp6:
0x9b: {  	[sflag:s22] =	ssyncset.done $0x0;
	(pc) =	sbr.rel @p1 .LBB2_8-.Ltmp6, $4  }
0x9c: {  	[sflag:s22] =	ssyncadd.s32 $0xFFFFD000  }
0x9d: {  	[spmem:s2] =	stream.indirect.scatter.add.f32 [tilespmem:s17], [sflag:$0x2], $0x60, s20, s21, $0xb8;
	[tilespmem:$0x12100] =	vst v63  }
0x9e: {  	_ =	swait.ge [sflag:s18], $0x3000  }
0x9f: {  	s25 =	smov.u32 s29;
	[sflag:s18] =	ssyncset.done $0x0  }
.Ltmp7:
0xa0: {  	_ = 	snop;
	(pc) =	sbr.rel .LBB2_9-.Ltmp7, $1  }
0xa1: {  	_ =	sdelay $0x3  }
.LBB2_11:
0xa2: {  	_ =	sfence.sel $0x180000  }
0xa3: {  	[bflag:$0x0] =	sbarrier.arrive $0xFFFF  }
0xa4: {  	p0 =	sne.s32 s1, $0x0;
	_ =	strace $0x90000050  }
0xa5: {  	s0 =	sadd.s32 @!p0 $0x100000, s0;
	[bflag:$0x2] =	sbarrier.arrive $0xFFFF  }
0xa6: {  	[sflag:s0] =	ssyncadd.tile.s32 @!p0 $0x1;
	_ =	shalt  }
.Lfunc_end2:
_tile_overlayer_lowered:
.L_overlay_start_2:
0xa7: {  	(tag) =	ssettag $0x2  }
0xa8: {  	s0 =	rddreg [dreg:$0x0];
	s2 =	stileid.u32  }
0xa9: {  	s1 =	rddreg [dreg:$0x1];
	p0 =	sne.s32 s2, $0x0  }
0xaa: {  	s3 =	rddreg [dreg:$0x2];
	[bflag:$0x3] =	sbarrier.arrive $0xFFFF;
	s2 =	simm.s32 @!p0 $0x1C02  }
0xab: {  	[timem:s3], [sflag:s2] =	dma.local @!p0 [hbm:s0], s1  }
0xac: {  	s0 =	simm.s32 @!p0 $0x2  }
0xad: {  	_ =	swait.ge @!p0 [sflag:s0], s1  }
0xae: {  	s1 =	ssub.s32 @!p0 $0x0, s1;
	[sflag:s0] =	ssyncset.done @!p0 $0x0  }
0xaf: {  	[sflag:s0] =	ssyncadd.s32 @!p0 s1  }
0xb0: {  	[bflag:$0x3] =	sbarrier.arrive $0xFFFF  }
0xb1: {  	_ =	shalt  }

// kernel: kernel.29.cloned.1.call-start
scs
__scs_entry_jumppad:
0x0: {  	(pc) =	sbr.rel $0x88, $3  }
0x1: {  	(tag) =	ssettag $0x0;
	lr =	simm.s32 $0x1  }
0x2: {  	[smem:$0x3F97] =	sst lr;
	_ =	strace $0xD0000000  }
0x3: {  	_ = 	snop  }
0x4: {  	_ = 	snop  }
0x5: {  	_ = 	snop  }
0x6: {  	_ = 	snop  }
0x7: {  	_ = 	snop  }
__scs_overlays_trampoline_lowered:
0x8: {  	[smem:$0x3FA6] =	sst s0  }
0x9: {  	[smem:$0x3FA7] =	sst s1  }
0xa: {  	[smem:$0x3FA8] =	sst s2  }
0xb: {  	[smem:$0x3FA9] =	sst s3  }
0xc: {  	[smem:$0x3FAA] =	sst s4  }
0xd: {  	[smem:$0x3FAB] =	sst s5  }
0xe: {  	[smem:$0x3FAC] =	sst s6  }
0xf: {  	[smem:$0x3FAD] =	sst s7  }
0x10: {  	[smem:$0x3FAE] =	sst s8  }
0x11: {  	[smem:$0x3FAF] =	sst s9;
	s0 =	simm.s32 @!p0 $0x0  }
0x12: {  	s1 =	sld [smem:$0x3F95];
	s0 =	simm.s32 @p0 $0x1  }
0x13: {  	[smem:$0x3FB0] =	sst s0;
	s0 =	simm.s32 @!p1 $0x0  }
0x14: {  	s2 =	sld [smem:$0x3F94];
	s0 =	simm.s32 @p1 $0x1  }
0x15: {  	[smem:$0x3FB1] =	sst s0;
	s0 =	simm.s32 @!p2 $0x0  }
0x16: {  	s3 =	sld [smem:$0x3FDB];
	s0 =	simm.s32 @p2 $0x1  }
0x17: {  	s4 =	simm.s32 $0x1BF5;
	[smem:$0x3FB3] =	sst s0  }
0x18: {  	s0 =	sld [smem:$0x3F96];
	_ =	swait.ge [sflag:s4], $0x0  }
0x19: {  	s7 =	sld [smem:$0x3F97]  }
0x1a: {  	s8 =	sadd.s32 $0xFFFFE003, lr  }
0x1b: {  	s9 =	sadd.s32 $0xFFFFFEF7, lr;
	s5 =	simm.s32 $0xFFFFFFFF;
	p2 =	slt.u32 s8, $0xFFFFF086  }
0x1c: {  	p1 =	slt.u32 s9, $0xF7A;
	s5 =	simm.s32 @!p2 $0x0  }
0x1d: {  	s5 =	simm.s32 @p1 $0x1;
	p0 =	seq.s32 s7, s2  }
0x1e: {  	s7 =	smul.u32 @!p0 $0xF7A, s2;
	p2 =	seq.s32 @!p0 s5, $0x0  }
0x1f: {  	s9 =	smul.u32 $0xF7A, s1;
	s8 =	simm.s32 @!p0 $0x1BF5;
	p2 =	por !p2, p0  }
0x20: {  	[sflag:s8] =	ssyncset.s32 @!p0 $0xFFFFF086;
	s6 =	sadd.s32 @!p0 s3, s7;
	s7 =	simm.s32 @!p0 $0x108  }
0x21: {  	s3 =	sadd.s32 s3, s9;
	s6 =	sadd.s32 @!p0 $0x88, s6;
	s7 =	simm.s32 @p2 $0x1082  }
0x22: {  	[simem:s7], [sflag:s8] =	dma.local @!p0 [hbm:s6], $0xF7A  }
0x23: {  	s9 =	sor.u32 $0xD0000000, s2;
	s6 =	simm.s32 $0x108;
	_ =	swait.ge @!p0 [sflag:s8], $0x0  }
0x24: {  	s3 =	sadd.s32 $0x88, s3;
	s6 =	simm.s32 @!p1 $0x1082;
	[sflag:s4] =	ssyncset.s32 $0xFFFFF086  }
0x25: {  	[simem:s6], [sflag:s4] =	dma.local [hbm:s3], $0xF7A  }
0x26: {  	[smem:$0x3F97] =	sst s1;
	(tag) =	ssettag s2;
	_ =	strace s9  }
0x27: {  	s1 =	sld [smem:$0x3FA7]  }
0x28: {  	s2 =	sld [smem:$0x3FA8]  }
0x29: {  	s4 =	sld [smem:$0x3FAA]  }
0x2a: {  	p0 =	seq.s32 s5, $0x0;
	s5 =	sld [smem:$0x3FAB]  }
0x2b: {  	s6 =	sld [smem:$0x3FAC]  }
0x2c: {  	s7 =	sld [smem:$0x3FAD]  }
0x2d: {  	s3 =	simm.s32 $0x108;
	s8 =	sld [smem:$0x3FAE]  }
0x2e: {  	s3 =	simm.s32 @!p0 $0x1082;
	s9 =	sld [smem:$0x3FAF]  }
0x2f: {  	lr =	sadd.s32 s0, s3;
	s0 =	sld [smem:$0x3FA6]  }
0x30: {  	s3 =	sld [smem:$0x3FA9]  }
0x31: {  	[smem:$0x3FB2] =	sst s10  }
0x32: {  	s10 =	sld [smem:$0x3FB0];
	_ =	sdelay $0x3  }
0x33: {  	p0 =	seq.s32 s10, $0x1;
	s10 =	sld [smem:$0x3FB2];
	_ =	sdelay $0x3  }
0x34: {  	[smem:$0x3FB2] =	sst s10  }
0x35: {  	s10 =	sld [smem:$0x3FB1];
	_ =	sdelay $0x3  }
0x36: {  	p1 =	seq.s32 s10, $0x1;
	s10 =	sld [smem:$0x3FB2];
	_ =	sdelay $0x3  }
0x37: {  	[smem:$0x3FB2] =	sst s10  }
0x38: {  	s10 =	sld [smem:$0x3FB3]  }
0x39: {  	_ = 	snop;
	(pc) =	sbr.ind lr, $3  }
0x3a: {  	_ = 	snop  }
0x3b: {  	_ = 	snop  }
0x3c: {  	p2 =	seq.s32 s10, $0x1;
	s10 =	sld [smem:$0x3FB2]  }
0x3d: {  	_ =	shalt  }
0x3e: {  	_ =	shalt  }
0x3f: {  	_ =	shalt  }
0x40: {  	_ =	shalt  }
0x41: {  	_ =	shalt  }
0x42: {  	_ =	shalt  }
0x43: {  	_ =	shalt  }
0x44: {  	_ =	shalt  }
0x45: {  	_ =	shalt  }
0x46: {  	_ =	shalt  }
0x47: {  	_ =	shalt  }
0x48: {  	_ =	shalt  }
0x49: {  	_ =	shalt  }
0x4a: {  	_ =	shalt  }
0x4b: {  	_ =	shalt  }
0x4c: {  	_ =	shalt  }
0x4d: {  	_ =	shalt  }
0x4e: {  	_ =	shalt  }
0x4f: {  	_ =	shalt  }
0x50: {  	_ =	shalt  }
0x51: {  	_ =	shalt  }
0x52: {  	_ =	shalt  }
0x53: {  	_ =	shalt  }
0x54: {  	_ =	shalt  }
0x55: {  	_ =	shalt  }
0x56: {  	_ =	shalt  }
0x57: {  	_ =	shalt  }
0x58: {  	_ =	shalt  }
0x59: {  	_ =	shalt  }
0x5a: {  	_ =	shalt  }
0x5b: {  	_ =	shalt  }
0x5c: {  	_ =	shalt  }
0x5d: {  	_ =	shalt  }
0x5e: {  	_ =	shalt  }
0x5f: {  	_ =	shalt  }
0x60: {  	_ =	shalt  }
0x61: {  	_ =	shalt  }
0x62: {  	_ =	shalt  }
0x63: {  	_ =	shalt  }
0x64: {  	_ =	shalt  }
0x65: {  	_ =	shalt  }
0x66: {  	_ =	shalt  }
0x67: {  	_ =	shalt  }
0x68: {  	_ =	shalt  }
0x69: {  	_ =	shalt  }
0x6a: {  	_ =	shalt  }
0x6b: {  	_ =	shalt  }
0x6c: {  	_ =	shalt  }
0x6d: {  	_ =	shalt  }
0x6e: {  	_ =	shalt  }
0x6f: {  	_ =	shalt  }
0x70: {  	_ =	shalt  }
0x71: {  	_ =	shalt  }
0x72: {  	_ =	shalt  }
0x73: {  	_ =	shalt  }
0x74: {  	_ =	shalt  }
0x75: {  	_ =	shalt  }
0x76: {  	_ =	shalt  }
0x77: {  	_ =	shalt  }
0x78: {  	_ =	shalt  }
0x79: {  	_ =	shalt  }
0x7a: {  	_ =	shalt  }
0x7b: {  	_ =	shalt  }
0x7c: {  	_ =	shalt  }
0x7d: {  	_ =	shalt  }
0x7e: {  	_ =	shalt  }
0x7f: {  	_ =	shalt  }
0x80: {  	_ =	shalt  }
0x81: {  	_ =	shalt  }
0x82: {  	_ =	shalt  }
0x83: {  	_ =	shalt  }
0x84: {  	_ =	shalt  }
0x85: {  	_ =	shalt  }
0x86: {  	_ =	shalt  }
0x87: {  	_ =	shalt  }
.Lfunc_end0:
.L_simem_size_0:
called_computation.5_lowered:
.L_overlay_start_0:
0x88: {  	s2 =	sld [smem:$0x3FD9]  }
0x89: {  	s3 =	sld [smem:$0x3FFE];
	_ =	sdelay $0x1  }
0x8a: {  	s1 =	srdreg.scid  }
0x8b: {  	s0 =	sand.u32 $0x1, s1  }
0x8c: {  	s17 =	sshll.u32 s0, $0xA;
	s2 =	sadd.s32 s3, s2  }
0x8d: {  	s2 =	sadd.s32 s2, s17  }
0x8e: {  	[smem:$0x3FBE] =	sst s2  }
0x8f: {  	_ = 	snop  }
0x90: {  	s2 =	sld [smem:$0x3FD0];
	(tm) =	ssettm $0x1  }
0x91: {  	s18 =	sld [smem:$0x3FFB];
	_ =	sdelay $0x3  }
0x92: {  	_ =	strace s18  }
0x93: {  	s3 =	sld [smem:$0x3FFC];
	_ =	sdelay $0x3  }
0x94: {  	_ =	strace s3  }
0x95: {  	s3 =	sld [smem:$0x3FFD];
	_ =	sdelay $0x3  }
0x96: {  	_ =	strace s3  }
0x97: {  	_ =	strace $0x8FFFFFFF  }
0x98: {  	s19 =	sld [smem:$0x3FDB];
	_ =	sdelay $0x1  }
0x99: {  	s4 =	simm.s32 $_scs_section_size  }
0x9a: {  	s5 =	simm.s32 $_size__tile_overlayer_lowered;
	s6 =	simm.s32 $_tile_overlayer_lowered  }
0x9b: {  	s22 =	simm.s32 $0x1BFF;
	s21 =	sshll.u32 s6, $0x1;
	s3 =	sadd.s32 s4, s19  }
0x9c: {  	s7 =	simm.s32 $0x0;
	s20 =	sshll.u32 s5, $0x1;
	s5 =	sadd.s32 s21, s3  }
0x9d: {  	[timem:s7], [sflag:s22] =	dma.local [hbm:s5], s20  }
0x9e: {  	_ =	swait.ge [sflag:s22], s20  }
0x9f: {  	s4 =	ssub.s32 $0x0, s20;
	[sflag:s22] =	ssyncset.done $0x0  }
0xa0: {  	[sflag:s22] =	ssyncadd.s32 s4;
	_ =	sdelay $0x1  }
0xa1: {  	s23 =	simm.s32 $0x1B8B  }
0xa2: {  	_ =	swait.ge [sflag:s23], $0x1  }
0xa3: {  	[sflag:s23] =	ssyncset.done $0x0  }
0xa4: {  	s25 =	simm.s32 $0x1B8E;
	s24 =	sld [smem:$0x3FFE];
	[sflag:s23] =	ssyncadd.s32 $0xFFFFFFFF  }
0xa5: {  	s26 =	simm.s32 $execute0_lowered;
	[smem:$0x3FD2] =	sst s25  }
0xa6: {  	s5 =	sshll.u32 s26, $0x1;
	_ =	strace $0x80000055;
	[dreg:$0x1] =	wrdreg $0xFFFFFFFF  }
0xa7: {  	s28 =	simm.s32 $_size_execute0_lowered;
	s3 =	sadd.s32 s3, s5;
	[dreg:$0x0] =	wrdreg $0x0  }
0xa8: {  	s5 =	sshll.u32 s28, $0x1;
	[dreg:$0x2] =	wrdreg s3  }
0xa9: {  	[dreg:$0x3] =	wrdreg s5  }
0xaa: {  	[dreg:$0x4] =	wrdreg $0xC0  }
0xab: {  	_ =	task [dreg:s7], $0x5FFFF  }
0xac: {  	[dreg:$0x1] =	wrdreg $0xFFFFFFFF  }
0xad: {  	[dreg:$0x0] =	wrdreg $0x60  }
0xae: {  	[dreg:$0x2] =	wrdreg s24  }
0xaf: {  	[dreg:$0x3] =	wrdreg s2  }
0xb0: {  	[dreg:$0x4] =	wrdreg $0x0  }
0xb1: {  	[dreg:$0x5] =	wrdreg $0x9  }
0xb2: {  	_ =	task.clear_ibuf [dreg:s7], $0x6FFFF;
	_ =	strace $0x90000055  }
0xb3: {  	s29 =	simm.s32 $0x9;
	_ =	strace $0x80000057  }
0xb4: {  	_ =	swait.ge [sflag:s29], $0x1  }
0xb5: {  	[sflag:s29] =	ssyncadd.s32 $0xFFFFFFFF  }
0xb6: {  	_ =	strace $0x90000057  }
0xb7: {  	_ =	sfence  }
0xb8: {  	s30 =	sld [smem:$0x0];
	_ =	sdelay $0x2  }
0xb9: {  	s31 =	sshll.u32 s1, $0xD;
	s1 =	sshrl.u32 s1, $0x2  }
0xba: {  	s3 =	sand.u32 $0x4000, s31;
	s1 =	sadd.s32 s1, s30  }
0xbb: {  	s0 =	sor.u32 s3, s0;
	s1 =	sshll.u32 s1, $0x11  }
0xbc: {  	s0 =	sor.u32 s1, s0  }
0xbd: {  	s0 =	sadd.s32 $0x8F2B, s0  }
0xbe: {  	[sflag:s0] =	ssyncadd.remote.s32 $0x1  }
0xbf: {  	_ =	sfence.sel $0xFFFF  }
0xc0: {  	[dreg:$0x0] =	wrdreg $0xFFFFFFFF;
	(pc) =	sbr.abs _section_cstart, $3  }
0xc1: {  	[dreg:$0x1] =	wrdreg $0xFFFFFFFF  }
0xc2: {  	_ =	task.clear_ibuf [dreg:s7], $0x2FFFF;
	_ =	strace $0x9FFFFFFF  }
0xc3: {  	(tm) =	ssettm $0x7FFFFFFF  }
tec
execute0_lowered:
.L_overlay_start_1:
0x0: {  	(tag) =	ssettag $0x1  }
0x1: {  	s7 =	rddreg [dreg:$0x0]  }
0x2: {  	s15 =	rddreg [dreg:$0x1]  }
0x3: {  	s2 =	rddreg [dreg:$0x2]  }
0x4: {  	s0 =	rddreg [dreg:$0x3];
	s3 =	simm.s32 $0x0  }
0x5: {  	s1 =	stileid.u32;
	s8 =	srdreg.scid;
	s19 =	simm.s32 $0xF000  }
0x6: {  	s20 =	simm.s32 $0xF080;
	s21 =	simm.s32 $0x80;
	s22 =	simm.s32 $0x1  }
0x7: {  	s23 =	simm.s32 $0x0;
	[smem:$0x7FF] =	sst s3;
	s16 =	smul.u32 $0x9E0, s1  }
0x8: {  	s4 =	sadd.s32 $0x37400, s7;
	s5 =	sadd.s32 $0x19E00, s7;
	s9 =	smul.u32 $0x3C000, s1  }
0x9: {  	s6 =	sadd.s32 $0x72A00, s7;
	s18 =	sand.u32 $0x1, s8;
	s13 =	smul.u32 $0xF000, s1  }
0xa: {  	_ =	strace $0x80000056;
	s8 =	ssub.s32 $0x2, s18;
	p0 =	sne.s32 s18, $0x0  }
0xb: {  	s18 =	simm.s32 $0x2;
	s17 =	sadd.s32 s16, s7;
	s9 =	sshrl.u32 s9, $0x2  }
.Ltmp0:
0xc: {  	s7 =	sadd.s32 $0x54A00, s7;
	s10 =	sshrl.u32 s8, $0x1;
	(pc) =	sbr.rel .LBB2_1-.Ltmp0, $4  }
0xd: {  	s15 =	sadd.s32 s16, s15;
	s12 =	sadd.s32 s9, s2;
	s14 =	ssub.s32 s8, s10  }
0xe: {  	s8 =	sadd.s32 s13, s2;
	s13 =	sshrl.u32 s13, $0x3;
	s16 =	sadd.s32 $0x10000, s17  }
0xf: {  	s17 =	simm.s32 $0xF100;
	s9 =	sadd.s32 $0x3000, s12;
	s10 =	sadd.s32 $0x6000, s12  }
0x10: {  	v0 =	vimm.f32 $0.0e+00;
	s11 =	sadd.s32 $0x9000, s12;
	s12 =	sadd.s32 $0xC000, s12;
	s14 =	smax.u32 s14, $0x1  }
.LBB2_9:
0x11: {  	s25 =	sadd.s32 s24, s16;
	[sflag:s18] =	ssyncadd.s32 $0xFFFFD000  }
0x12: {  	[tilespmem:s19], [sflag:$0x2] =	stream.linear.gather [hbm4b:s25+s3], $0x80, $0x38;
	[tilespmem:$0x12100] =	vst v63  }
0x13: {  	_ =	swait.ge [sflag:s18], $0x80  }
0x14: {  	[sflag:s18] =	ssyncset.done $0x0  }
0x15: {  	s31 =	sadd.s32 s24, s15;
	[sflag:s18] =	ssyncadd.s32 $0xFFFFFF80  }
0x16: {  	[tilespmem:s20], [sflag:$0x2] =	stream.linear.gather [hbm4b:s31+s3], $0x80, $0x38;
	[tilespmem:$0x12100] =	vst v63  }
0x17: {  	_ =	swait.ge [sflag:s18], $0x80  }
0x18: {  	[sflag:s18] =	ssyncset.done $0x0  }
0x19: {  	[sflag:s18] =	ssyncadd.s32 $0xFFFFFF80  }
0x1a: {  	[tilespmem:s17], [sflag:$0x1] =	stream.indirect.gather [hbm4b:s5+s21], $0x60, s19, s21, $0xb8;
	[tilespmem:$0x12100] =	vst v63  }
0x1b: {  	_ =	swait.ge [sflag:s22], $0x3000  }
0x1c: {  	[sflag:s22] =	ssyncset.done $0x0  }
0x1d: {  	[sflag:s22] =	ssyncadd.s32 $0xFFFFD000  }
0x1e: {  	[spmem:s2] =	stream.indirect.scatter.add.f32 [tilespmem:s17], [sflag:$0x2], $0x60, s20, s21, $0xb8;
	[tilespmem:$0x12100] =	vst v63  }
0x1f: {  	_ =	swait.ge [sflag:s18], $0x3000  }
0x20: {  	[sflag:s18] =	ssyncset.done $0x0  }
0x21: {  	s24 =	smov.u32 s7;
	[sflag:s18] =	ssyncadd.s32 $0xFFFFD000  }
.LBB2_10:
0x22: {  	s24 =	sadd.s32 s24, s13;
	s23 =	sadd.s32 $0x1, s23  }
0x23: {  	s25 =	sshll.u32 s1, $0x6;
	[bflag:$0x0] =	sbarrier.arrive $0xFFFF;
	p1 =	sne.s32 s23, s14  }
.Ltmp1:
0x24: {  	s26 =	sshrl.u32 s8, $0x3;
	s25 =	sor.u32 $0x1C02, s25;
	(pc) =	sbr.rel @!p1 .LBB2_11-.Ltmp1, $4  }
0x25: {  	[hbm:s24], [sflag:s25] =	dma.local [spmem:s26], $0x1E00  }
0x26: {  	_ =	swait.ge [sflag:s18], $0x1E00  }
0x27: {  	[sflag:s18] =	ssyncset.done $0x0  }
0x28: {  	[sflag:s18] =	ssyncadd.s32 $0xFFFFE200  }
.LBB2_1:
0x29: {  	s24 =	smul.u32 $0xAAAB, s3;
	_ =	sdelay $0x1  }
0x2a: {  	s25 =	sshrl.u32 s24, $0x12  }
0x2b: {  	s26 =	simm.s32 $0x0;
	s24 =	simm.s32 $0x1;
	s28 =	smul.u32 $0x6, s25  }
.LBB2_2:
0x2c: {  	s29 =	smul.u32 $0xAAAB, s24  }
0x2d: {  	s30 =	smov.u32 s24;
	s25 =	smul.u32 $0x180, s25;
	p1 =	sne.s32 s24, $0x2FF  }
.Ltmp2:
0x2e: {  	s26 =	ssub.s32 s26, s28;
	(pc) =	sbr.rel @p1 .LBB2_2-.Ltmp2, $4  }
0x2f: {  	s24 =	sadd.s32 $0x1, s24;
	s26 =	sand.u32 $0xFFFF, s26  }
0x30: {  	s28 =	sshrl.u32 s25, $0x2;
	s31 =	sshll.u32 s26, $0x4;
	s26 =	smov.u32 s30  }
0x31: {  	s25 =	sshrl.u32 s29, $0x12;
	s29 =	sadd.s32 s31, s28  }
0x32: {  	s28 =	smul.u32 $0x6, s25;
	[tilespmem:s29+$0xF100] =	vst v0  }
0x33: {  	_ = 	snop  }
0x34: {  	s25 =	smul.u32 $0x180, s25;
	s24 =	ssub.s32 s26, s28  }
0x35: {  	s24 =	sand.u32 $0xFFFF, s24  }
0x36: {  	s25 =	sshrl.u32 s25, $0x2;
	s24 =	sshll.u32 s24, $0x4  }
0x37: {  	s24 =	sadd.s32 s24, s25  }
0x38: {  	[tilespmem:s24+$0xF100] =	vst v0  }
0x39: {  	[spmem:s8] =	stream.linear.scatter [tilespmem:s17], [sflag:$0x2], $0x3000, $0x38;
	[tilespmem:$0x12100] =	vst v63  }
0x3a: {  	_ =	swait.ge [sflag:s18], $0x3000  }
0x3b: {  	[sflag:s18] =	ssyncset.done $0x0  }
0x3c: {  	[sflag:s18] =	ssyncadd.s32 $0xFFFFD000  }
0x3d: {  	[spmem:s9] =	stream.linear.scatter [tilespmem:s17], [sflag:$0x2], $0x3000, $0x38;
	[tilespmem:$0x12100] =	vst v63  }
0x3e: {  	_ =	swait.ge [sflag:s18], $0x3000  }
0x3f: {  	[sflag:s18] =	ssyncset.done $0x0  }
0x40: {  	[sflag:s18] =	ssyncadd.s32 $0xFFFFD000  }
0x41: {  	[spmem:s10] =	stream.linear.scatter [tilespmem:s17], [sflag:$0x2], $0x3000, $0x38;
	[tilespmem:$0x12100] =	vst v63  }
0x42: {  	_ =	swait.ge [sflag:s18], $0x3000  }
0x43: {  	[sflag:s18] =	ssyncset.done $0x0  }
0x44: {  	[sflag:s18] =	ssyncadd.s32 $0xFFFFD000  }
0x45: {  	[spmem:s11] =	stream.linear.scatter [tilespmem:s17], [sflag:$0x2], $0x3000, $0x38;
	[tilespmem:$0x12100] =	vst v63  }
0x46: {  	_ =	swait.ge [sflag:s18], $0x3000  }
0x47: {  	[sflag:s18] =	ssyncset.done $0x0  }
0x48: {  	[sflag:s18] =	ssyncadd.s32 $0xFFFFD000  }
0x49: {  	[spmem:s12] =	stream.linear.scatter [tilespmem:s17], [sflag:$0x2], $0x3000, $0x38;
	[tilespmem:$0x12100] =	vst v63  }
.Ltmp3:
0x4a: {  	_ =	swait.ge [sflag:s18], $0x3000;
	(pc) =	sbr.rel @p0 .LBB2_7-.Ltmp3, $4  }
0x4b: {  	[sflag:s18] =	ssyncset.done $0x0  }
0x4c: {  	[sflag:s18] =	ssyncadd.s32 $0xFFFFD000  }
0x4d: {  	[bflag:$0x0] =	sbarrier.arrive $0xFFFF  }
0x4e: {  	s24 =	sadd.s32 $0x0, s16  }
0x4f: {  	[tilespmem:s19], [sflag:$0x2] =	stream.linear.gather [hbm4b:s24+s3], $0x80, $0x38;
	[tilespmem:$0x12100] =	vst v63  }
0x50: {  	_ =	swait.ge [sflag:s18], $0x80  }
0x51: {  	[sflag:s18] =	ssyncset.done $0x0  }
0x52: {  	s31 =	sadd.s32 $0x0, s15;
	[sflag:s18] =	ssyncadd.s32 $0xFFFFFF80  }
0x53: {  	[tilespmem:s20], [sflag:$0x2] =	stream.linear.gather [hbm4b:s31+s3], $0x80, $0x38;
	[tilespmem:$0x12100] =	vst v63  }
0x54: {  	_ =	swait.ge [sflag:s18], $0x80  }
0x55: {  	[sflag:s18] =	ssyncset.done $0x0  }
0x56: {  	[sflag:s18] =	ssyncadd.s32 $0xFFFFFF80  }
0x57: {  	[tilespmem:s17], [sflag:$0x1] =	stream.indirect.gather [hbm4b:s4+s21], $0x60, s19, s21, $0xb8;
	[tilespmem:$0x12100] =	vst v63  }
0x58: {  	_ =	swait.ge [sflag:s22], $0x3000  }
0x59: {  	[sflag:s22] =	ssyncset.done $0x0  }
0x5a: {  	[sflag:s22] =	ssyncadd.s32 $0xFFFFD000  }
0x5b: {  	[spmem:s2] =	stream.indirect.scatter.add.f32 [tilespmem:s17], [sflag:$0x2], $0x60, s20, s21, $0xb8;
	[tilespmem:$0x12100] =	vst v63  }
0x5c: {  	_ =	swait.ge [sflag:s18], $0x3000  }
0x5d: {  	s24 =	simm.s32 $0x10;
	s25 =	simm.s32 $0x20;
	[sflag:s18] =	ssyncset.done $0x0  }
.LBB2_5:
0x5e: {  	s26 =	sadd.s32 s24, s16  }
0x5f: {  	[sflag:s18] =	ssyncadd.s32 $0xFFFFD000;
	s28 =	smov.u32 s25;
	s29 =	sadd.s32 $0x10, s25  }
0x60: {  	[tilespmem:s19], [sflag:$0x2] =	stream.linear.gather [hbm4b:s26+s3], $0x80, $0x38;
	[tilespmem:$0x12100] =	vst v63  }
0x61: {  	p1 =	seq.s32 s25, $0x9D0;
	_ =	swait.ge [sflag:s18], $0x80  }
0x62: {  	[sflag:s18] =	ssyncset.done $0x0  }
0x63: {  	s25 =	sadd.s32 s24, s15;
	s24 =	smov.u32 s28;
	[sflag:s18] =	ssyncadd.s32 $0xFFFFFF80  }
0x64: {  	[tilespmem:s20], [sflag:$0x2] =	stream.linear.gather [hbm4b:s25+s3], $0x80, $0x38;
	[tilespmem:$0x12100] =	vst v63  }
0x65: {  	_ =	swait.ge [sflag:s18], $0x80  }
0x66: {  	[sflag:s18] =	ssyncset.done $0x0  }
0x67: {  	[sflag:s18] =	ssyncadd.s32 $0xFFFFFF80  }
0x68: {  	[tilespmem:s17], [sflag:$0x1] =	stream.indirect.gather [hbm4b:s4+s21], $0x60, s19, s21, $0xb8;
	[tilespmem:$0x12100] =	vst v63  }
0x69: {  	_ =	swait.ge [sflag:s22], $0x3000  }
.Ltmp4:
0x6a: {  	[sflag:s22] =	ssyncset.done $0x0;
	(pc) =	sbr.rel @!p1 .LBB2_5-.Ltmp4, $4  }
0x6b: {  	[sflag:s22] =	ssyncadd.s32 $0xFFFFD000  }
0x6c: {  	[spmem:s2] =	stream.indirect.scatter.add.f32 [tilespmem:s17], [sflag:$0x2], $0x60, s20, s21, $0xb8;
	[tilespmem:$0x12100] =	vst v63  }
0x6d: {  	_ =	swait.ge [sflag:s18], $0x3000  }
0x6e: {  	s25 =	smov.u32 s29;
	[sflag:s18] =	ssyncset.done $0x0  }
0x6f: {  	s25 =	sadd.s32 s24, s16;
	[sflag:s18] =	ssyncadd.s32 $0xFFFFD000  }
0x70: {  	[tilespmem:s19], [sflag:$0x2] =	stream.linear.gather [hbm4b:s25+s3], $0x80, $0x38;
	[tilespmem:$0x12100] =	vst v63  }
0x71: {  	_ =	swait.ge [sflag:s18], $0x80  }
0x72: {  	[sflag:s18] =	ssyncset.done $0x0  }
0x73: {  	s31 =	sadd.s32 s24, s15;
	[sflag:s18] =	ssyncadd.s32 $0xFFFFFF80  }
0x74: {  	[tilespmem:s20], [sflag:$0x2] =	stream.linear.gather [hbm4b:s31+s3], $0x80, $0x38;
	[tilespmem:$0x12100] =	vst v63  }
0x75: {  	_ =	swait.ge [sflag:s18], $0x80  }
0x76: {  	[sflag:s18] =	ssyncset.done $0x0  }
0x77: {  	[sflag:s18] =	ssyncadd.s32 $0xFFFFFF80  }
0x78: {  	[tilespmem:s17], [sflag:$0x1] =	stream.indirect.gather [hbm4b:s4+s21], $0x60, s19, s21, $0xb8;
	[tilespmem:$0x12100] =	vst v63  }
0x79: {  	_ =	swait.ge [sflag:s22], $0x3000  }
0x7a: {  	[sflag:s22] =	ssyncset.done $0x0  }
.Ltmp5:
0x7b: {  	[sflag:s22] =	ssyncadd.s32 $0xFFFFD000;
	(pc) =	sbr.rel .LBB2_10-.Ltmp5, $4  }
0x7c: {  	[spmem:s2] =	stream.indirect.scatter.add.f32 [tilespmem:s17], [sflag:$0x2], $0x60, s20, s21, $0xb8;
	[tilespmem:$0x12100] =	vst v63  }
0x7d: {  	_ =	swait.ge [sflag:s18], $0x3000  }
0x7e: {  	[sflag:s18] =	ssyncset.done $0x0  }
0x7f: {  	s24 =	smov.u32 s6;
	[sflag:s18] =	ssyncadd.s32 $0xFFFFD000  }
.LBB2_7:
0x80: {  	[tilespmem:s19], [sflag:$0x2] =	stream.linear.gather [hbm4b:s24+s3], $0x80, $0x38;
	[tilespmem:$0x12100] =	vst v63  }
0x81: {  	_ =	swait.ge [sflag:s18], $0x80  }
0x82: {  	[sflag:s18] =	ssyncset.done $0x0  }
0x83: {  	s31 =	sadd.s32 $0x0, s15;
	[sflag:s18] =	ssyncadd.s32 $0xFFFFFF80  }
0x84: {  	[tilespmem:s20], [sflag:$0x2] =	stream.linear.gather [hbm4b:s31+s3], $0x80, $0x38;
	[tilespmem:$0x12100] =	vst v63  }
0x85: {  	_ =	swait.ge [sflag:s18], $0x80  }
0x86: {  	[sflag:s18] =	ssyncset.done $0x0  }
0x87: {  	[sflag:s18] =	ssyncadd.s32 $0xFFFFFF80  }
0x88: {  	[tilespmem:s17], [sflag:$0x1] =	stream.indirect.gather [hbm4b:s5+s21], $0x60, s19, s21, $0xb8;
	[tilespmem:$0x12100] =	vst v63  }
0x89: {  	_ =	swait.ge [sflag:s22], $0x3000  }
0x8a: {  	[sflag:s22] =	ssyncset.done $0x0  }
0x8b: {  	[sflag:s22] =	ssyncadd.s32 $0xFFFFD000  }
0x8c: {  	[spmem:s2] =	stream.indirect.scatter.add.f32 [tilespmem:s17], [sflag:$0x2], $0x60, s20, s21, $0xb8;
	[tilespmem:$0x12100] =	vst v63  }
0x8d: {  	_ =	swait.ge [sflag:s18], $0x3000  }
0x8e: {  	s24 =	simm.s32 $0x10;
	s25 =	simm.s32 $0x20;
	[sflag:s18] =	ssyncset.done $0x0  }
.LBB2_8:
0x8f: {  	s26 =	sadd.s32 s24, s16  }
0x90: {  	[sflag:s18] =	ssyncadd.s32 $0xFFFFD000;
	s28 =	smov.u32 s25;
	s29 =	sadd.s32 $0x10, s25  }
0x91: {  	[tilespmem:s19], [sflag:$0x2] =	stream.linear.gather [hbm4b:s26+s3], $0x80, $0x38;
	[tilespmem:$0x12100] =	vst v63  }
0x92: {  	p1 =	sne.s32 s25, $0x9D0;
	_ =	swait.ge [sflag:s18], $0x80  }
0x93: {  	[sflag:s18] =	ssyncset.done $0x0  }
0x94: {  	s25 =	sadd.s32 s24, s15;
	s24 =	smov.u32 s28;
	[sflag:s18] =	ssyncadd.s32 $0xFFFFFF80  }
0x95: {  	[tilespmem:s20], [sflag:$0x2] =	stream.linear.gather [hbm4b:s25+s3], $0x80, $0x38;
	[tilespmem:$0x12100] =	vst v63  }
0x96: {  	_ =	swait.ge [sflag:s18], $0x80  }
0x97: {  	[sflag:s18] =	ssyncset.done $0x0  }
0x98: {  	[sflag:s18] =	ssyncadd.s32 $0xFFFFFF80  }
0x99: {  	[tilespmem:s17], [sflag:$0x1] =	stream.indirect.gather [hbm4b:s5+s21], $0x60, s19, s21, $0xb8;
	[tilespmem:$0x12100] =	vst v63  }
0x9a: {  	_ =	swait.ge [sflag:s22], $0x3000  }
.Ltmp6:
0x9b: {  	[sflag:s22] =	ssyncset.done $0x0;
	(pc) =	sbr.rel @p1 .LBB2_8-.Ltmp6, $4  }
0x9c: {  	[sflag:s22] =	ssyncadd.s32 $0xFFFFD000  }
0x9d: {  	[spmem:s2] =	stream.indirect.scatter.add.f32 [tilespmem:s17], [sflag:$0x2], $0x60, s20, s21, $0xb8;
	[tilespmem:$0x12100] =	vst v63  }
0x9e: {  	_ =	swait.ge [sflag:s18], $0x3000  }
0x9f: {  	s25 =	smov.u32 s29;
	[sflag:s18] =	ssyncset.done $0x0  }
.Ltmp7:
0xa0: {  	_ = 	snop;
	(pc) =	sbr.rel .LBB2_9-.Ltmp7, $1  }
0xa1: {  	_ =	sdelay $0x3  }
.LBB2_11:
0xa2: {  	_ =	sfence.sel $0x180000  }
0xa3: {  	[bflag:$0x0] =	sbarrier.arrive $0xFFFF  }
0xa4: {  	p0 =	sne.s32 s1, $0x0;
	_ =	strace $0x90000056  }
0xa5: {  	s0 =	sadd.s32 @!p0 $0x100000, s0;
	[bflag:$0x2] =	sbarrier.arrive $0xFFFF  }
0xa6: {  	[sflag:s0] =	ssyncadd.tile.s32 @!p0 $0x1;
	_ =	shalt  }
.Lfunc_end2:
_tile_overlayer_lowered:
.L_overlay_start_2:
0xa7: {  	(tag) =	ssettag $0x2  }
0xa8: {  	s0 =	rddreg [dreg:$0x0];
	s2 =	stileid.u32  }
0xa9: {  	s1 =	rddreg [dreg:$0x1];
	p0 =	sne.s32 s2, $0x0  }
0xaa: {  	s3 =	rddreg [dreg:$0x2];
	[bflag:$0x3] =	sbarrier.arrive $0xFFFF;
	s2 =	simm.s32 @!p0 $0x1C02  }
0xab: {  	[timem:s3], [sflag:s2] =	dma.local @!p0 [hbm:s0], s1  }
0xac: {  	s0 =	simm.s32 @!p0 $0x2  }
0xad: {  	_ =	swait.ge @!p0 [sflag:s0], s1  }
0xae: {  	s1 =	ssub.s32 @!p0 $0x0, s1;
	[sflag:s0] =	ssyncset.done @!p0 $0x0  }
0xaf: {  	[sflag:s0] =	ssyncadd.s32 @!p0 s1  }
0xb0: {  	[bflag:$0x3] =	sbarrier.arrive $0xFFFF  }
0xb1: {  	_ =	shalt  }

// kernel: kernel.32.cloned.1.call-start
scs
__scs_entry_jumppad:
0x0: {  	(pc) =	sbr.rel $0x88, $3  }
0x1: {  	(tag) =	ssettag $0x0;
	lr =	simm.s32 $0x1  }
0x2: {  	[smem:$0x3F97] =	sst lr;
	_ =	strace $0xD0000000  }
0x3: {  	_ = 	snop  }
0x4: {  	_ = 	snop  }
0x5: {  	_ = 	snop  }
0x6: {  	_ = 	snop  }
0x7: {  	_ = 	snop  }
__scs_overlays_trampoline_lowered:
0x8: {  	[smem:$0x3FA6] =	sst s0  }
0x9: {  	[smem:$0x3FA7] =	sst s1  }
0xa: {  	[smem:$0x3FA8] =	sst s2  }
0xb: {  	[smem:$0x3FA9] =	sst s3  }
0xc: {  	[smem:$0x3FAA] =	sst s4  }
0xd: {  	[smem:$0x3FAB] =	sst s5  }
0xe: {  	[smem:$0x3FAC] =	sst s6  }
0xf: {  	[smem:$0x3FAD] =	sst s7  }
0x10: {  	[smem:$0x3FAE] =	sst s8  }
0x11: {  	[smem:$0x3FAF] =	sst s9;
	s0 =	simm.s32 @!p0 $0x0  }
0x12: {  	s1 =	sld [smem:$0x3F95];
	s0 =	simm.s32 @p0 $0x1  }
0x13: {  	[smem:$0x3FB0] =	sst s0;
	s0 =	simm.s32 @!p1 $0x0  }
0x14: {  	s2 =	sld [smem:$0x3F94];
	s0 =	simm.s32 @p1 $0x1  }
0x15: {  	[smem:$0x3FB1] =	sst s0;
	s0 =	simm.s32 @!p2 $0x0  }
0x16: {  	s3 =	sld [smem:$0x3FDB];
	s0 =	simm.s32 @p2 $0x1  }
0x17: {  	s4 =	simm.s32 $0x1BF5;
	[smem:$0x3FB3] =	sst s0  }
0x18: {  	s0 =	sld [smem:$0x3F96];
	_ =	swait.ge [sflag:s4], $0x0  }
0x19: {  	s7 =	sld [smem:$0x3F97]  }
0x1a: {  	s8 =	sadd.s32 $0xFFFFE003, lr  }
0x1b: {  	s9 =	sadd.s32 $0xFFFFFEF7, lr;
	s5 =	simm.s32 $0xFFFFFFFF;
	p2 =	slt.u32 s8, $0xFFFFF086  }
0x1c: {  	p1 =	slt.u32 s9, $0xF7A;
	s5 =	simm.s32 @!p2 $0x0  }
0x1d: {  	s5 =	simm.s32 @p1 $0x1;
	p0 =	seq.s32 s7, s2  }
0x1e: {  	s7 =	smul.u32 @!p0 $0xF7A, s2;
	p2 =	seq.s32 @!p0 s5, $0x0  }
0x1f: {  	s9 =	smul.u32 $0xF7A, s1;
	s8 =	simm.s32 @!p0 $0x1BF5;
	p2 =	por !p2, p0  }
0x20: {  	[sflag:s8] =	ssyncset.s32 @!p0 $0xFFFFF086;
	s6 =	sadd.s32 @!p0 s3, s7;
	s7 =	simm.s32 @!p0 $0x108  }
0x21: {  	s3 =	sadd.s32 s3, s9;
	s6 =	sadd.s32 @!p0 $0x88, s6;
	s7 =	simm.s32 @p2 $0x1082  }
0x22: {  	[simem:s7], [sflag:s8] =	dma.local @!p0 [hbm:s6], $0xF7A  }
0x23: {  	s9 =	sor.u32 $0xD0000000, s2;
	s6 =	simm.s32 $0x108;
	_ =	swait.ge @!p0 [sflag:s8], $0x0  }
0x24: {  	s3 =	sadd.s32 $0x88, s3;
	s6 =	simm.s32 @!p1 $0x1082;
	[sflag:s4] =	ssyncset.s32 $0xFFFFF086  }
0x25: {  	[simem:s6], [sflag:s4] =	dma.local [hbm:s3], $0xF7A  }
0x26: {  	[smem:$0x3F97] =	sst s1;
	(tag) =	ssettag s2;
	_ =	strace s9  }
0x27: {  	s1 =	sld [smem:$0x3FA7]  }
0x28: {  	s2 =	sld [smem:$0x3FA8]  }
0x29: {  	s4 =	sld [smem:$0x3FAA]  }
0x2a: {  	p0 =	seq.s32 s5, $0x0;
	s5 =	sld [smem:$0x3FAB]  }
0x2b: {  	s6 =	sld [smem:$0x3FAC]  }
0x2c: {  	s7 =	sld [smem:$0x3FAD]  }
0x2d: {  	s3 =	simm.s32 $0x108;
	s8 =	sld [smem:$0x3FAE]  }
0x2e: {  	s3 =	simm.s32 @!p0 $0x1082;
	s9 =	sld [smem:$0x3FAF]  }
0x2f: {  	lr =	sadd.s32 s0, s3;
	s0 =	sld [smem:$0x3FA6]  }
0x30: {  	s3 =	sld [smem:$0x3FA9]  }
0x31: {  	[smem:$0x3FB2] =	sst s10  }
0x32: {  	s10 =	sld [smem:$0x3FB0];
	_ =	sdelay $0x3  }
0x33: {  	p0 =	seq.s32 s10, $0x1;
	s10 =	sld [smem:$0x3FB2];
	_ =	sdelay $0x3  }
0x34: {  	[smem:$0x3FB2] =	sst s10  }
0x35: {  	s10 =	sld [smem:$0x3FB1];
	_ =	sdelay $0x3  }
0x36: {  	p1 =	seq.s32 s10, $0x1;
	s10 =	sld [smem:$0x3FB2];
	_ =	sdelay $0x3  }
0x37: {  	[smem:$0x3FB2] =	sst s10  }
0x38: {  	s10 =	sld [smem:$0x3FB3]  }
0x39: {  	_ = 	snop;
	(pc) =	sbr.ind lr, $3  }
0x3a: {  	_ = 	snop  }
0x3b: {  	_ = 	snop  }
0x3c: {  	p2 =	seq.s32 s10, $0x1;
	s10 =	sld [smem:$0x3FB2]  }
0x3d: {  	_ =	shalt  }
0x3e: {  	_ =	shalt  }
0x3f: {  	_ =	shalt  }
0x40: {  	_ =	shalt  }
0x41: {  	_ =	shalt  }
0x42: {  	_ =	shalt  }
0x43: {  	_ =	shalt  }
0x44: {  	_ =	shalt  }
0x45: {  	_ =	shalt  }
0x46: {  	_ =	shalt  }
0x47: {  	_ =	shalt  }
0x48: {  	_ =	shalt  }
0x49: {  	_ =	shalt  }
0x4a: {  	_ =	shalt  }
0x4b: {  	_ =	shalt  }
0x4c: {  	_ =	shalt  }
0x4d: {  	_ =	shalt  }
0x4e: {  	_ =	shalt  }
0x4f: {  	_ =	shalt  }
0x50: {  	_ =	shalt  }
0x51: {  	_ =	shalt  }
0x52: {  	_ =	shalt  }
0x53: {  	_ =	shalt  }
0x54: {  	_ =	shalt  }
0x55: {  	_ =	shalt  }
0x56: {  	_ =	shalt  }
0x57: {  	_ =	shalt  }
0x58: {  	_ =	shalt  }
0x59: {  	_ =	shalt  }
0x5a: {  	_ =	shalt  }
0x5b: {  	_ =	shalt  }
0x5c: {  	_ =	shalt  }
0x5d: {  	_ =	shalt  }
0x5e: {  	_ =	shalt  }
0x5f: {  	_ =	shalt  }
0x60: {  	_ =	shalt  }
0x61: {  	_ =	shalt  }
0x62: {  	_ =	shalt  }
0x63: {  	_ =	shalt  }
0x64: {  	_ =	shalt  }
0x65: {  	_ =	shalt  }
0x66: {  	_ =	shalt  }
0x67: {  	_ =	shalt  }
0x68: {  	_ =	shalt  }
0x69: {  	_ =	shalt  }
0x6a: {  	_ =	shalt  }
0x6b: {  	_ =	shalt  }
0x6c: {  	_ =	shalt  }
0x6d: {  	_ =	shalt  }
0x6e: {  	_ =	shalt  }
0x6f: {  	_ =	shalt  }
0x70: {  	_ =	shalt  }
0x71: {  	_ =	shalt  }
0x72: {  	_ =	shalt  }
0x73: {  	_ =	shalt  }
0x74: {  	_ =	shalt  }
0x75: {  	_ =	shalt  }
0x76: {  	_ =	shalt  }
0x77: {  	_ =	shalt  }
0x78: {  	_ =	shalt  }
0x79: {  	_ =	shalt  }
0x7a: {  	_ =	shalt  }
0x7b: {  	_ =	shalt  }
0x7c: {  	_ =	shalt  }
0x7d: {  	_ =	shalt  }
0x7e: {  	_ =	shalt  }
0x7f: {  	_ =	shalt  }
0x80: {  	_ =	shalt  }
0x81: {  	_ =	shalt  }
0x82: {  	_ =	shalt  }
0x83: {  	_ =	shalt  }
0x84: {  	_ =	shalt  }
0x85: {  	_ =	shalt  }
0x86: {  	_ =	shalt  }
0x87: {  	_ =	shalt  }
.Lfunc_end0:
.L_simem_size_0:
called_computation.6_lowered:
.L_overlay_start_0:
0x88: {  	s2 =	sld [smem:$0x3FD9]  }
0x89: {  	s3 =	sld [smem:$0x3FFE];
	_ =	sdelay $0x1  }
0x8a: {  	s1 =	srdreg.scid  }
0x8b: {  	s0 =	sand.u32 $0x1, s1  }
0x8c: {  	s17 =	sshll.u32 s0, $0xA;
	s2 =	sadd.s32 s3, s2  }
0x8d: {  	s2 =	sadd.s32 s2, s17  }
0x8e: {  	[smem:$0x3FBE] =	sst s2  }
0x8f: {  	_ = 	snop  }
0x90: {  	s2 =	sld [smem:$0x3FD0];
	(tm) =	ssettm $0x1  }
0x91: {  	s18 =	sld [smem:$0x3FFB];
	_ =	sdelay $0x3  }
0x92: {  	_ =	strace s18  }
0x93: {  	s3 =	sld [smem:$0x3FFC];
	_ =	sdelay $0x3  }
0x94: {  	_ =	strace s3  }
0x95: {  	s3 =	sld [smem:$0x3FFD];
	_ =	sdelay $0x3  }
0x96: {  	_ =	strace s3  }
0x97: {  	_ =	strace $0x8FFFFFFF  }
0x98: {  	s19 =	sld [smem:$0x3FDB];
	_ =	sdelay $0x1  }
0x99: {  	s4 =	simm.s32 $_scs_section_size  }
0x9a: {  	s5 =	simm.s32 $_size__tile_overlayer_lowered;
	s6 =	simm.s32 $_tile_overlayer_lowered  }
0x9b: {  	s22 =	simm.s32 $0x1BFF;
	s21 =	sshll.u32 s6, $0x1;
	s3 =	sadd.s32 s4, s19  }
0x9c: {  	s7 =	simm.s32 $0x0;
	s20 =	sshll.u32 s5, $0x1;
	s5 =	sadd.s32 s21, s3  }
0x9d: {  	[timem:s7], [sflag:s22] =	dma.local [hbm:s5], s20  }
0x9e: {  	_ =	swait.ge [sflag:s22], s20  }
0x9f: {  	s4 =	ssub.s32 $0x0, s20;
	[sflag:s22] =	ssyncset.done $0x0  }
0xa0: {  	[sflag:s22] =	ssyncadd.s32 s4;
	_ =	sdelay $0x1  }
0xa1: {  	s23 =	simm.s32 $0x1B8B  }
0xa2: {  	_ =	swait.ge [sflag:s23], $0x1  }
0xa3: {  	[sflag:s23] =	ssyncset.done $0x0  }
0xa4: {  	s25 =	simm.s32 $0x1B8E;
	s24 =	sld [smem:$0x3FFE];
	[sflag:s23] =	ssyncadd.s32 $0xFFFFFFFF  }
0xa5: {  	s26 =	simm.s32 $execute0_lowered;
	[smem:$0x3FD2] =	sst s25  }
0xa6: {  	s5 =	sshll.u32 s26, $0x1;
	_ =	strace $0x80000058;
	[dreg:$0x1] =	wrdreg $0xFFFFFFFF  }
0xa7: {  	s28 =	simm.s32 $_size_execute0_lowered;
	s3 =	sadd.s32 s3, s5;
	[dreg:$0x0] =	wrdreg $0x0  }
0xa8: {  	s5 =	sshll.u32 s28, $0x1;
	[dreg:$0x2] =	wrdreg s3  }
0xa9: {  	[dreg:$0x3] =	wrdreg s5  }
0xaa: {  	[dreg:$0x4] =	wrdreg $0xC0  }
0xab: {  	_ =	task [dreg:s7], $0x5FFFF  }
0xac: {  	[dreg:$0x1] =	wrdreg $0xFFFFFFFF  }
0xad: {  	[dreg:$0x0] =	wrdreg $0x60  }
0xae: {  	[dreg:$0x2] =	wrdreg s24  }
0xaf: {  	[dreg:$0x3] =	wrdreg s2  }
0xb0: {  	[dreg:$0x4] =	wrdreg $0x0  }
0xb1: {  	[dreg:$0x5] =	wrdreg $0x9  }
0xb2: {  	_ =	task.clear_ibuf [dreg:s7], $0x6FFFF;
	_ =	strace $0x90000058  }
0xb3: {  	s29 =	simm.s32 $0x9;
	_ =	strace $0x8000005A  }
0xb4: {  	_ =	swait.ge [sflag:s29], $0x1  }
0xb5: {  	[sflag:s29] =	ssyncadd.s32 $0xFFFFFFFF  }
0xb6: {  	_ =	strace $0x9000005A  }
0xb7: {  	_ =	sfence  }
0xb8: {  	s30 =	sld [smem:$0x0];
	_ =	sdelay $0x2  }
0xb9: {  	s31 =	sshll.u32 s1, $0xD;
	s1 =	sshrl.u32 s1, $0x2  }
0xba: {  	s3 =	sand.u32 $0x4000, s31;
	s1 =	sadd.s32 s1, s30  }
0xbb: {  	s0 =	sor.u32 s3, s0;
	s1 =	sshll.u32 s1, $0x11  }
0xbc: {  	s0 =	sor.u32 s1, s0  }
0xbd: {  	s0 =	sadd.s32 $0x8F2B, s0  }
0xbe: {  	[sflag:s0] =	ssyncadd.remote.s32 $0x1  }
0xbf: {  	_ =	sfence.sel $0xFFFF  }
0xc0: {  	[dreg:$0x0] =	wrdreg $0xFFFFFFFF;
	(pc) =	sbr.abs _section_cstart, $3  }
0xc1: {  	[dreg:$0x1] =	wrdreg $0xFFFFFFFF  }
0xc2: {  	_ =	task.clear_ibuf [dreg:s7], $0x2FFFF;
	_ =	strace $0x9FFFFFFF  }
0xc3: {  	(tm) =	ssettm $0x7FFFFFFF  }
tec
execute0_lowered:
.L_overlay_start_1:
0x0: {  	(tag) =	ssettag $0x1  }
0x1: {  	s7 =	rddreg [dreg:$0x0]  }
0x2: {  	s15 =	rddreg [dreg:$0x1]  }
0x3: {  	s2 =	rddreg [dreg:$0x2]  }
0x4: {  	s0 =	rddreg [dreg:$0x3];
	s3 =	simm.s32 $0x0  }
0x5: {  	s1 =	stileid.u32;
	s8 =	srdreg.scid;
	s19 =	simm.s32 $0xF000  }
0x6: {  	s20 =	simm.s32 $0xF080;
	s21 =	simm.s32 $0x80;
	s22 =	simm.s32 $0x1  }
0x7: {  	s23 =	simm.s32 $0x0;
	[smem:$0x7FF] =	sst s3;
	s16 =	smul.u32 $0x9E0, s1  }
0x8: {  	s4 =	sadd.s32 $0x37400, s7;
	s5 =	sadd.s32 $0x19E00, s7;
	s9 =	smul.u32 $0x3C000, s1  }
0x9: {  	s6 =	sadd.s32 $0x72A00, s7;
	s18 =	sand.u32 $0x1, s8;
	s13 =	smul.u32 $0xF000, s1  }
0xa: {  	_ =	strace $0x80000059;
	s8 =	ssub.s32 $0x2, s18;
	p0 =	sne.s32 s18, $0x0  }
0xb: {  	s18 =	simm.s32 $0x2;
	s17 =	sadd.s32 s16, s7;
	s9 =	sshrl.u32 s9, $0x2  }
.Ltmp0:
0xc: {  	s7 =	sadd.s32 $0x54A00, s7;
	s10 =	sshrl.u32 s8, $0x1;
	(pc) =	sbr.rel .LBB2_1-.Ltmp0, $4  }
0xd: {  	s15 =	sadd.s32 s16, s15;
	s12 =	sadd.s32 s9, s2;
	s14 =	ssub.s32 s8, s10  }
0xe: {  	s8 =	sadd.s32 s13, s2;
	s13 =	sshrl.u32 s13, $0x3;
	s16 =	sadd.s32 $0x10000, s17  }
0xf: {  	s17 =	simm.s32 $0xF100;
	s9 =	sadd.s32 $0x3000, s12;
	s10 =	sadd.s32 $0x6000, s12  }
0x10: {  	v0 =	vimm.f32 $0.0e+00;
	s11 =	sadd.s32 $0x9000, s12;
	s12 =	sadd.s32 $0xC000, s12;
	s14 =	smax.u32 s14, $0x1  }
.LBB2_9:
0x11: {  	s25 =	sadd.s32 s24, s16;
	[sflag:s18] =	ssyncadd.s32 $0xFFFFD000  }
0x12: {  	[tilespmem:s19], [sflag:$0x2] =	stream.linear.gather [hbm4b:s25+s3], $0x80, $0x38;
	[tilespmem:$0x12100] =	vst v63  }
0x13: {  	_ =	swait.ge [sflag:s18], $0x80  }
0x14: {  	[sflag:s18] =	ssyncset.done $0x0  }
0x15: {  	s31 =	sadd.s32 s24, s15;
	[sflag:s18] =	ssyncadd.s32 $0xFFFFFF80  }
0x16: {  	[tilespmem:s20], [sflag:$0x2] =	stream.linear.gather [hbm4b:s31+s3], $0x80, $0x38;
	[tilespmem:$0x12100] =	vst v63  }
0x17: {  	_ =	swait.ge [sflag:s18], $0x80  }
0x18: {  	[sflag:s18] =	ssyncset.done $0x0  }
0x19: {  	[sflag:s18] =	ssyncadd.s32 $0xFFFFFF80  }
0x1a: {  	[tilespmem:s17], [sflag:$0x1] =	stream.indirect.gather [hbm4b:s5+s21], $0x60, s19, s21, $0xb8;
	[tilespmem:$0x12100] =	vst v63  }
0x1b: {  	_ =	swait.ge [sflag:s22], $0x3000  }
0x1c: {  	[sflag:s22] =	ssyncset.done $0x0  }
0x1d: {  	[sflag:s22] =	ssyncadd.s32 $0xFFFFD000  }
0x1e: {  	[spmem:s2] =	stream.indirect.scatter.add.f32 [tilespmem:s17], [sflag:$0x2], $0x60, s20, s21, $0xb8;
	[tilespmem:$0x12100] =	vst v63  }
0x1f: {  	_ =	swait.ge [sflag:s18], $0x3000  }
0x20: {  	[sflag:s18] =	ssyncset.done $0x0  }
0x21: {  	s24 =	smov.u32 s7;
	[sflag:s18] =	ssyncadd.s32 $0xFFFFD000  }
.LBB2_10:
0x22: {  	s24 =	sadd.s32 s24, s13;
	s23 =	sadd.s32 $0x1, s23  }
0x23: {  	s25 =	sshll.u32 s1, $0x6;
	[bflag:$0x0] =	sbarrier.arrive $0xFFFF;
	p1 =	sne.s32 s23, s14  }
.Ltmp1:
0x24: {  	s26 =	sshrl.u32 s8, $0x3;
	s25 =	sor.u32 $0x1C02, s25;
	(pc) =	sbr.rel @!p1 .LBB2_11-.Ltmp1, $4  }
0x25: {  	[hbm:s24], [sflag:s25] =	dma.local [spmem:s26], $0x1E00  }
0x26: {  	_ =	swait.ge [sflag:s18], $0x1E00  }
0x27: {  	[sflag:s18] =	ssyncset.done $0x0  }
0x28: {  	[sflag:s18] =	ssyncadd.s32 $0xFFFFE200  }
.LBB2_1:
0x29: {  	s24 =	smul.u32 $0xAAAB, s3;
	_ =	sdelay $0x1  }
0x2a: {  	s25 =	sshrl.u32 s24, $0x12  }
0x2b: {  	s26 =	simm.s32 $0x0;
	s24 =	simm.s32 $0x1;
	s28 =	smul.u32 $0x6, s25  }
.LBB2_2:
0x2c: {  	s29 =	smul.u32 $0xAAAB, s24  }
0x2d: {  	s30 =	smov.u32 s24;
	s25 =	smul.u32 $0x180, s25;
	p1 =	sne.s32 s24, $0x2FF  }
.Ltmp2:
0x2e: {  	s26 =	ssub.s32 s26, s28;
	(pc) =	sbr.rel @p1 .LBB2_2-.Ltmp2, $4  }
0x2f: {  	s24 =	sadd.s32 $0x1, s24;
	s26 =	sand.u32 $0xFFFF, s26  }
0x30: {  	s28 =	sshrl.u32 s25, $0x2;
	s31 =	sshll.u32 s26, $0x4;
	s26 =	smov.u32 s30  }
0x31: {  	s25 =	sshrl.u32 s29, $0x12;
	s29 =	sadd.s32 s31, s28  }
0x32: {  	s28 =	smul.u32 $0x6, s25;
	[tilespmem:s29+$0xF100] =	vst v0  }
0x33: {  	_ = 	snop  }
0x34: {  	s25 =	smul.u32 $0x180, s25;
	s24 =	ssub.s32 s26, s28  }
0x35: {  	s24 =	sand.u32 $0xFFFF, s24  }
0x36: {  	s25 =	sshrl.u32 s25, $0x2;
	s24 =	sshll.u32 s24, $0x4  }
0x37: {  	s24 =	sadd.s32 s24, s25  }
0x38: {  	[tilespmem:s24+$0xF100] =	vst v0  }
0x39: {  	[spmem:s8] =	stream.linear.scatter [tilespmem:s17], [sflag:$0x2], $0x3000, $0x38;
	[tilespmem:$0x12100] =	vst v63  }
0x3a: {  	_ =	swait.ge [sflag:s18], $0x3000  }
0x3b: {  	[sflag:s18] =	ssyncset.done $0x0  }
0x3c: {  	[sflag:s18] =	ssyncadd.s32 $0xFFFFD000  }
0x3d: {  	[spmem:s9] =	stream.linear.scatter [tilespmem:s17], [sflag:$0x2], $0x3000, $0x38;
	[tilespmem:$0x12100] =	vst v63  }
0x3e: {  	_ =	swait.ge [sflag:s18], $0x3000  }
0x3f: {  	[sflag:s18] =	ssyncset.done $0x0  }
0x40: {  	[sflag:s18] =	ssyncadd.s32 $0xFFFFD000  }
0x41: {  	[spmem:s10] =	stream.linear.scatter [tilespmem:s17], [sflag:$0x2], $0x3000, $0x38;
	[tilespmem:$0x12100] =	vst v63  }
0x42: {  	_ =	swait.ge [sflag:s18], $0x3000  }
0x43: {  	[sflag:s18] =	ssyncset.done $0x0  }
0x44: {  	[sflag:s18] =	ssyncadd.s32 $0xFFFFD000  }
0x45: {  	[spmem:s11] =	stream.linear.scatter [tilespmem:s17], [sflag:$0x2], $0x3000, $0x38;
	[tilespmem:$0x12100] =	vst v63  }
0x46: {  	_ =	swait.ge [sflag:s18], $0x3000  }
0x47: {  	[sflag:s18] =	ssyncset.done $0x0  }
0x48: {  	[sflag:s18] =	ssyncadd.s32 $0xFFFFD000  }
0x49: {  	[spmem:s12] =	stream.linear.scatter [tilespmem:s17], [sflag:$0x2], $0x3000, $0x38;
	[tilespmem:$0x12100] =	vst v63  }
.Ltmp3:
0x4a: {  	_ =	swait.ge [sflag:s18], $0x3000;
	(pc) =	sbr.rel @p0 .LBB2_7-.Ltmp3, $4  }
0x4b: {  	[sflag:s18] =	ssyncset.done $0x0  }
0x4c: {  	[sflag:s18] =	ssyncadd.s32 $0xFFFFD000  }
0x4d: {  	[bflag:$0x0] =	sbarrier.arrive $0xFFFF  }
0x4e: {  	s24 =	sadd.s32 $0x0, s16  }
0x4f: {  	[tilespmem:s19], [sflag:$0x2] =	stream.linear.gather [hbm4b:s24+s3], $0x80, $0x38;
	[tilespmem:$0x12100] =	vst v63  }
0x50: {  	_ =	swait.ge [sflag:s18], $0x80  }
0x51: {  	[sflag:s18] =	ssyncset.done $0x0  }
0x52: {  	s31 =	sadd.s32 $0x0, s15;
	[sflag:s18] =	ssyncadd.s32 $0xFFFFFF80  }
0x53: {  	[tilespmem:s20], [sflag:$0x2] =	stream.linear.gather [hbm4b:s31+s3], $0x80, $0x38;
	[tilespmem:$0x12100] =	vst v63  }
0x54: {  	_ =	swait.ge [sflag:s18], $0x80  }
0x55: {  	[sflag:s18] =	ssyncset.done $0x0  }
0x56: {  	[sflag:s18] =	ssyncadd.s32 $0xFFFFFF80  }
0x57: {  	[tilespmem:s17], [sflag:$0x1] =	stream.indirect.gather [hbm4b:s4+s21], $0x60, s19, s21, $0xb8;
	[tilespmem:$0x12100] =	vst v63  }
0x58: {  	_ =	swait.ge [sflag:s22], $0x3000  }
0x59: {  	[sflag:s22] =	ssyncset.done $0x0  }
0x5a: {  	[sflag:s22] =	ssyncadd.s32 $0xFFFFD000  }
0x5b: {  	[spmem:s2] =	stream.indirect.scatter.add.f32 [tilespmem:s17], [sflag:$0x2], $0x60, s20, s21, $0xb8;
	[tilespmem:$0x12100] =	vst v63  }
0x5c: {  	_ =	swait.ge [sflag:s18], $0x3000  }
0x5d: {  	s24 =	simm.s32 $0x10;
	s25 =	simm.s32 $0x20;
	[sflag:s18] =	ssyncset.done $0x0  }
.LBB2_5:
0x5e: {  	s26 =	sadd.s32 s24, s16  }
0x5f: {  	[sflag:s18] =	ssyncadd.s32 $0xFFFFD000;
	s28 =	smov.u32 s25;
	s29 =	sadd.s32 $0x10, s25  }
0x60: {  	[tilespmem:s19], [sflag:$0x2] =	stream.linear.gather [hbm4b:s26+s3], $0x80, $0x38;
	[tilespmem:$0x12100] =	vst v63  }
0x61: {  	p1 =	seq.s32 s25, $0x9D0;
	_ =	swait.ge [sflag:s18], $0x80  }
0x62: {  	[sflag:s18] =	ssyncset.done $0x0  }
0x63: {  	s25 =	sadd.s32 s24, s15;
	s24 =	smov.u32 s28;
	[sflag:s18] =	ssyncadd.s32 $0xFFFFFF80  }
0x64: {  	[tilespmem:s20], [sflag:$0x2] =	stream.linear.gather [hbm4b:s25+s3], $0x80, $0x38;
	[tilespmem:$0x12100] =	vst v63  }
0x65: {  	_ =	swait.ge [sflag:s18], $0x80  }
0x66: {  	[sflag:s18] =	ssyncset.done $0x0  }
0x67: {  	[sflag:s18] =	ssyncadd.s32 $0xFFFFFF80  }
0x68: {  	[tilespmem:s17], [sflag:$0x1] =	stream.indirect.gather [hbm4b:s4+s21], $0x60, s19, s21, $0xb8;
	[tilespmem:$0x12100] =	vst v63  }
0x69: {  	_ =	swait.ge [sflag:s22], $0x3000  }
.Ltmp4:
0x6a: {  	[sflag:s22] =	ssyncset.done $0x0;
	(pc) =	sbr.rel @!p1 .LBB2_5-.Ltmp4, $4  }
0x6b: {  	[sflag:s22] =	ssyncadd.s32 $0xFFFFD000  }
0x6c: {  	[spmem:s2] =	stream.indirect.scatter.add.f32 [tilespmem:s17], [sflag:$0x2], $0x60, s20, s21, $0xb8;
	[tilespmem:$0x12100] =	vst v63  }
0x6d: {  	_ =	swait.ge [sflag:s18], $0x3000  }
0x6e: {  	s25 =	smov.u32 s29;
	[sflag:s18] =	ssyncset.done $0x0  }
0x6f: {  	s25 =	sadd.s32 s24, s16;
	[sflag:s18] =	ssyncadd.s32 $0xFFFFD000  }
0x70: {  	[tilespmem:s19], [sflag:$0x2] =	stream.linear.gather [hbm4b:s25+s3], $0x80, $0x38;
	[tilespmem:$0x12100] =	vst v63  }
0x71: {  	_ =	swait.ge [sflag:s18], $0x80  }
0x72: {  	[sflag:s18] =	ssyncset.done $0x0  }
0x73: {  	s31 =	sadd.s32 s24, s15;
	[sflag:s18] =	ssyncadd.s32 $0xFFFFFF80  }
0x74: {  	[tilespmem:s20], [sflag:$0x2] =	stream.linear.gather [hbm4b:s31+s3], $0x80, $0x38;
	[tilespmem:$0x12100] =	vst v63  }
0x75: {  	_ =	swait.ge [sflag:s18], $0x80  }
0x76: {  	[sflag:s18] =	ssyncset.done $0x0  }
0x77: {  	[sflag:s18] =	ssyncadd.s32 $0xFFFFFF80  }
0x78: {  	[tilespmem:s17], [sflag:$0x1] =	stream.indirect.gather [hbm4b:s4+s21], $0x60, s19, s21, $0xb8;
	[tilespmem:$0x12100] =	vst v63  }
0x79: {  	_ =	swait.ge [sflag:s22], $0x3000  }
0x7a: {  	[sflag:s22] =	ssyncset.done $0x0  }
.Ltmp5:
0x7b: {  	[sflag:s22] =	ssyncadd.s32 $0xFFFFD000;
	(pc) =	sbr.rel .LBB2_10-.Ltmp5, $4  }
0x7c: {  	[spmem:s2] =	stream.indirect.scatter.add.f32 [tilespmem:s17], [sflag:$0x2], $0x60, s20, s21, $0xb8;
	[tilespmem:$0x12100] =	vst v63  }
0x7d: {  	_ =	swait.ge [sflag:s18], $0x3000  }
0x7e: {  	[sflag:s18] =	ssyncset.done $0x0  }
0x7f: {  	s24 =	smov.u32 s6;
	[sflag:s18] =	ssyncadd.s32 $0xFFFFD000  }
.LBB2_7:
0x80: {  	[tilespmem:s19], [sflag:$0x2] =	stream.linear.gather [hbm4b:s24+s3], $0x80, $0x38;
	[tilespmem:$0x12100] =	vst v63  }
0x81: {  	_ =	swait.ge [sflag:s18], $0x80  }
0x82: {  	[sflag:s18] =	ssyncset.done $0x0  }
0x83: {  	s31 =	sadd.s32 $0x0, s15;
	[sflag:s18] =	ssyncadd.s32 $0xFFFFFF80  }
0x84: {  	[tilespmem:s20], [sflag:$0x2] =	stream.linear.gather [hbm4b:s31+s3], $0x80, $0x38;
	[tilespmem:$0x12100] =	vst v63  }
0x85: {  	_ =	swait.ge [sflag:s18], $0x80  }
0x86: {  	[sflag:s18] =	ssyncset.done $0x0  }
0x87: {  	[sflag:s18] =	ssyncadd.s32 $0xFFFFFF80  }
0x88: {  	[tilespmem:s17], [sflag:$0x1] =	stream.indirect.gather [hbm4b:s5+s21], $0x60, s19, s21, $0xb8;
	[tilespmem:$0x12100] =	vst v63  }
0x89: {  	_ =	swait.ge [sflag:s22], $0x3000  }
0x8a: {  	[sflag:s22] =	ssyncset.done $0x0  }
0x8b: {  	[sflag:s22] =	ssyncadd.s32 $0xFFFFD000  }
0x8c: {  	[spmem:s2] =	stream.indirect.scatter.add.f32 [tilespmem:s17], [sflag:$0x2], $0x60, s20, s21, $0xb8;
	[tilespmem:$0x12100] =	vst v63  }
0x8d: {  	_ =	swait.ge [sflag:s18], $0x3000  }
0x8e: {  	s24 =	simm.s32 $0x10;
	s25 =	simm.s32 $0x20;
	[sflag:s18] =	ssyncset.done $0x0  }
.LBB2_8:
0x8f: {  	s26 =	sadd.s32 s24, s16  }
0x90: {  	[sflag:s18] =	ssyncadd.s32 $0xFFFFD000;
	s28 =	smov.u32 s25;
	s29 =	sadd.s32 $0x10, s25  }
0x91: {  	[tilespmem:s19], [sflag:$0x2] =	stream.linear.gather [hbm4b:s26+s3], $0x80, $0x38;
	[tilespmem:$0x12100] =	vst v63  }
0x92: {  	p1 =	sne.s32 s25, $0x9D0;
	_ =	swait.ge [sflag:s18], $0x80  }
0x93: {  	[sflag:s18] =	ssyncset.done $0x0  }
0x94: {  	s25 =	sadd.s32 s24, s15;
	s24 =	smov.u32 s28;
	[sflag:s18] =	ssyncadd.s32 $0xFFFFFF80  }
0x95: {  	[tilespmem:s20], [sflag:$0x2] =	stream.linear.gather [hbm4b:s25+s3], $0x80, $0x38;
	[tilespmem:$0x12100] =	vst v63  }
0x96: {  	_ =	swait.ge [sflag:s18], $0x80  }
0x97: {  	[sflag:s18] =	ssyncset.done $0x0  }
0x98: {  	[sflag:s18] =	ssyncadd.s32 $0xFFFFFF80  }
0x99: {  	[tilespmem:s17], [sflag:$0x1] =	stream.indirect.gather [hbm4b:s5+s21], $0x60, s19, s21, $0xb8;
	[tilespmem:$0x12100] =	vst v63  }
0x9a: {  	_ =	swait.ge [sflag:s22], $0x3000  }
.Ltmp6:
0x9b: {  	[sflag:s22] =	ssyncset.done $0x0;
	(pc) =	sbr.rel @p1 .LBB2_8-.Ltmp6, $4  }
0x9c: {  	[sflag:s22] =	ssyncadd.s32 $0xFFFFD000  }
0x9d: {  	[spmem:s2] =	stream.indirect.scatter.add.f32 [tilespmem:s17], [sflag:$0x2], $0x60, s20, s21, $0xb8;
	[tilespmem:$0x12100] =	vst v63  }
0x9e: {  	_ =	swait.ge [sflag:s18], $0x3000  }
0x9f: {  	s25 =	smov.u32 s29;
	[sflag:s18] =	ssyncset.done $0x0  }
.Ltmp7:
0xa0: {  	_ = 	snop;
	(pc) =	sbr.rel .LBB2_9-.Ltmp7, $1  }
0xa1: {  	_ =	sdelay $0x3  }
.LBB2_11:
0xa2: {  	_ =	sfence.sel $0x180000  }
0xa3: {  	[bflag:$0x0] =	sbarrier.arrive $0xFFFF  }
0xa4: {  	p0 =	sne.s32 s1, $0x0;
	_ =	strace $0x90000059  }
0xa5: {  	s0 =	sadd.s32 @!p0 $0x100000, s0;
	[bflag:$0x2] =	sbarrier.arrive $0xFFFF  }
0xa6: {  	[sflag:s0] =	ssyncadd.tile.s32 @!p0 $0x1;
	_ =	shalt  }
.Lfunc_end2:
_tile_overlayer_lowered:
.L_overlay_start_2:
0xa7: {  	(tag) =	ssettag $0x2  }
0xa8: {  	s0 =	rddreg [dreg:$0x0];
	s2 =	stileid.u32  }
0xa9: {  	s1 =	rddreg [dreg:$0x1];
	p0 =	sne.s32 s2, $0x0  }
0xaa: {  	s3 =	rddreg [dreg:$0x2];
	[bflag:$0x3] =	sbarrier.arrive $0xFFFF;
	s2 =	simm.s32 @!p0 $0x1C02  }
0xab: {  	[timem:s3], [sflag:s2] =	dma.local @!p0 [hbm:s0], s1  }
0xac: {  	s0 =	simm.s32 @!p0 $0x2  }
0xad: {  	_ =	swait.ge @!p0 [sflag:s0], s1  }
0xae: {  	s1 =	ssub.s32 @!p0 $0x0, s1;
	[sflag:s0] =	ssyncset.done @!p0 $0x0  }
0xaf: {  	[sflag:s0] =	ssyncadd.s32 @!p0 s1  }
0xb0: {  	[bflag:$0x3] =	sbarrier.arrive $0xFFFF  }
0xb1: {  	_ =	shalt  }

</sc_bundles>
